<compile_context>
chip_gen: v7x
topology: tpu7x:2x2x1
jax: 0.10.2.dev20260603
libtpu: 0.0.44.dev20260713+nightly
codegen_flags: <defaults>
</compile_context>

<pallas_src>
import jax
import jax.numpy as jnp
from jax import lax
from jax.experimental import pallas as pl
from jax.experimental.pallas import tpu as pltpu
from jax.experimental.pallas import tpu_sc as plsc

_B, _G = 4, 96
_A, _KB = 8, 16
_ZB, _YB = 28, 20
_NW = 32
_ITEMS = _B * (_G // _A) * (_G // _KB)
_IPW = _ITEMS // _NW


def _fold_theta(theta):
    t = theta.reshape(_B, 3, 4).astype(jnp.float32)
    tb = t.astype(jnp.bfloat16).astype(jnp.float32)
    coefs = jnp.concatenate(
        [tb.reshape(_B, 12), jnp.zeros((_B, 4), jnp.float32)], axis=1)
    lat = jnp.linspace(-1.0, 1.0, _G).astype(jnp.float32)
    lat = lat.astype(jnp.bfloat16).astype(jnp.float32)
    lat = jnp.concatenate([lat, jnp.zeros((16,), jnp.float32)])

    sc = jnp.float32(_G) / jnp.float32(_G - 1)
    al = sc * t[:, :, 0]
    ga = sc * t[:, :, 1]
    be = sc * t[:, :, 2]
    de = 0.5 * _G * (t[:, :, 3] - t[:, :, 0] - t[:, :, 1] - t[:, :, 2]) + 0.5 * _G

    g = jnp.arange(_ITEMS, dtype=jnp.int32)
    nb_a, nb_k = _G // _A, _G // _KB
    b = g // (nb_a * nb_k)
    a0 = ((g // nb_k) % nb_a) * _A
    k0 = (g % nb_k) * _KB
    a0f, k0f = a0.astype(jnp.float32), k0.astype(jnp.float32)

    def lo(u, width):
        alu, beu, gau, deu = al[b, u], be[b, u], ga[b, u], de[b, u]
        mn = (deu + jnp.minimum(0.0, (_G - 1.0) * alu)
              + jnp.minimum(beu * k0f, beu * (k0f + _KB - 1))
              + jnp.minimum(gau * a0f, gau * (a0f + _A - 1)))
        return jnp.clip(jnp.floor(mn - 0.8), 0, _G - width).astype(jnp.int32)

    z = jnp.zeros_like(g)
    params = jnp.stack(
        [b, a0, k0, lo(2, _ZB), lo(1, _YB), b * _G + a0,
         z, z, z, z, z, z, z, z, z, z], axis=-1)
    return coefs, params.reshape(_NW, _IPW, 16), lat


_mesh = plsc.VectorSubcoreMesh(core_axis_name="c", subcore_axis_name="s")

_SCRATCH = [
    pltpu.VMEM((_IPW, 16), jnp.int32),
    pltpu.VMEM((16,), jnp.float32),
    pltpu.VMEM((18, 16), jnp.float32),
    pltpu.VMEM((112,), jnp.float32),
    pltpu.VMEM((_ZB * _YB, 2, _G), jnp.float32),
    pltpu.VMEM((_G, 2, _KB), jnp.float32),
    pltpu.SemaphoreType.DMA,
]


def _stn_body(x1, coefs, params, lath, out,
              params_v, coef_v, jb, lat_v, band, ob, sem):
    wid = lax.axis_index("s") * 2 + lax.axis_index("c")
    pltpu.sync_copy(params.at[wid], params_v)
    pltpu.sync_copy(lath, lat_v)
    iotai = lax.iota(jnp.int32, 16)
    c0v = jnp.zeros((16,), jnp.int32)
    c1v = jnp.full((16,), 1, jnp.int32)
    jvecs = [iotai + jnp.int32(16 * jv) for jv in range(6)]

    def item_body(it, carry):
        prow = params_v[it]
        b = prow[0]
        a0 = prow[1]
        k0 = pl.multiple_of(prow[2], _KB)
        zb0 = prow[3]
        yb0 = prow[4]
        srow = prow[5]
        pltpu.sync_copy(coefs.at[b], coef_v)
        handles = [
            pltpu.async_copy(x1.at[b, zb0 + iz, pl.ds(yb0, _YB), :, :],
                             band.at[pl.ds(iz * _YB, _YB), :, :], sem)
            for iz in range(_ZB)
        ]
        cv = coef_v[:]
        tx0, tx1, tx2, tx3 = cv[0], cv[1], cv[2], cv[3]
        ty0, ty1, ty2, ty3 = cv[4], cv[5], cv[6], cv[7]
        tz0, tz1, tz2, tz3 = cv[8], cv[9], cv[10], cv[11]
        for jv in range(6):
            lj = lat_v[pl.ds(16 * jv, 16)]
            jb[3 * jv + 0] = lj * jnp.full((16,), tx0, jnp.float32)
            jb[3 * jv + 1] = lj * jnp.full((16,), ty0, jnp.float32)
            jb[3 * jv + 2] = lj * jnp.full((16,), tz0, jnp.float32)
        s3x = jnp.full((16,), tx3, jnp.float32)
        s3y = jnp.full((16,), ty3, jnp.float32)
        s3z = jnp.full((16,), tz3, jnp.float32)
        zb0v = jnp.full((16,), zb0, jnp.int32)
        yb0v = jnp.full((16,), yb0, jnp.int32)
        for h in handles:
            h.wait()

        def a_body(ia, carry_a):
            la = lat_v[pl.ds(a0 + ia, 16)][0]
            sax = jnp.full((16,), tx1 * la, jnp.float32)
            say = jnp.full((16,), ty1 * la, jnp.float32)
            saz = jnp.full((16,), tz1 * la, jnp.float32)

            def k_body(ik, carry_k):
                lk = lat_v[pl.ds(k0 + ik, 16)][0]
                skx = jnp.full((16,), tx2 * lk, jnp.float32)
                sky = jnp.full((16,), ty2 * lk, jnp.float32)
                skz = jnp.full((16,), tz2 * lk, jnp.float32)
                kv = jnp.full((16,), ik, jnp.int32)
                for jv in range(6):
                    xs = ((jb[3 * jv + 0] + sax) + skx) + s3x
                    ys = ((jb[3 * jv + 1] + say) + sky) + s3y
                    zs = ((jb[3 * jv + 2] + saz) + skz) + s3z
                    xp = ((xs + 1.0) * 0.5) * jnp.float32(_G)
                    yp = ((ys + 1.0) * 0.5) * jnp.float32(_G)
                    zp = ((zs + 1.0) * 0.5) * jnp.float32(_G)
                    xr = xp.astype(jnp.int32)
                    yr = yp.astype(jnp.int32)
                    zr = zp.astype(jnp.int32)
                    x0i = xr - (xr.astype(jnp.float32) > xp).astype(jnp.int32)
                    y0i = yr - (yr.astype(jnp.float32) > yp).astype(jnp.int32)
                    z0i = zr - (zr.astype(jnp.float32) > zp).astype(jnp.int32)
                    x0c = jnp.minimum(jnp.maximum(x0i, 0), _G - 1)
                    x1c = jnp.minimum(jnp.maximum(x0i + 1, 0), _G - 1)
                    y0c = jnp.minimum(jnp.maximum(y0i, 0), _G - 1)
                    y1c = jnp.minimum(jnp.maximum(y0i + 1, 0), _G - 1)
                    z0c = jnp.minimum(jnp.maximum(z0i, 0), _G - 1)
                    z1c = jnp.minimum(jnp.maximum(z0i + 1, 0), _G - 1)
                    dx0 = xp - x0c.astype(jnp.float32)
                    dx1 = x1c.astype(jnp.float32) - xp
                    dy0 = yp - y0c.astype(jnp.float32)
                    dy1 = y1c.astype(jnp.float32) - yp
                    dzn = (z1c - z0c).astype(jnp.float32)
                    dz1 = z1c.astype(jnp.float32) - zp
                    p11 = dy1 * dz1
                    p01 = dy0 * dz1
                    p10 = dy1 * dzn
                    p00 = dy0 * dzn
                    z0l = (z0c - zb0v) * _YB
                    z1l = (z1c - zb0v) * _YB
                    y0l = y0c - yb0v
                    y1l = y1c - yb0v
                    i_a = z0l + y0l
                    i_b = z0l + y1l
                    i_e = z1l + y0l
                    i_f = z1l + y1l
                    wa = dx1 * p11
                    wb = dx1 * p01
                    wc = dx0 * p11
                    wd = dx0 * p01
                    we = dx1 * p10
                    wf = dx1 * p00
                    wg = dx0 * p10
                    wh = dx0 * p00
                    acc0 = wa * plsc.load_gather(band, [i_a, c0v, x0c])
                    acc0 = acc0 + wb * plsc.load_gather(band, [i_b, c0v, x0c])
                    acc0 = acc0 + wc * plsc.load_gather(band, [i_a, c0v, x1c])
                    acc0 = acc0 + wd * plsc.load_gather(band, [i_b, c0v, x1c])
                    acc0 = acc0 + we * plsc.load_gather(band, [i_e, c0v, x0c])
                    acc0 = acc0 + wf * plsc.load_gather(band, [i_f, c0v, x0c])
                    acc0 = acc0 + wg * plsc.load_gather(band, [i_e, c0v, x1c])
                    acc0 = acc0 + wh * plsc.load_gather(band, [i_f, c0v, x1c])
                    acc1 = wa * plsc.load_gather(band, [i_a, c1v, x0c])
                    acc1 = acc1 + wb * plsc.load_gather(band, [i_b, c1v, x0c])
                    acc1 = acc1 + wc * plsc.load_gather(band, [i_a, c1v, x1c])
                    acc1 = acc1 + wd * plsc.load_gather(band, [i_b, c1v, x1c])
                    acc1 = acc1 + we * plsc.load_gather(band, [i_e, c1v, x0c])
                    acc1 = acc1 + wf * plsc.load_gather(band, [i_f, c1v, x0c])
                    acc1 = acc1 + wg * plsc.load_gather(band, [i_e, c1v, x1c])
                    acc1 = acc1 + wh * plsc.load_gather(band, [i_f, c1v, x1c])
                    plsc.store_scatter(ob, [jvecs[jv], c0v, kv], acc0)
                    plsc.store_scatter(ob, [jvecs[jv], c1v, kv], acc1)
                return carry_k

            lax.fori_loop(0, _KB, k_body, 0)
            pltpu.sync_copy(
                ob, out.at[pl.ds((srow + ia) * _G, _G), :, pl.ds(k0, _KB)])
            return carry_a

        lax.fori_loop(0, _A, a_body, 0)
        return carry

    lax.fori_loop(0, _IPW, item_body, 0)


_stn_kernel = pl.kernel(
    _stn_body,
    mesh=_mesh,
    compiler_params=pltpu.CompilerParams(
        use_tc_tiling_on_sc=False, needs_layout_passes=False),
    out_type=jax.ShapeDtypeStruct((_B * _G * _G, 2, _G), jnp.float32),
    scratch_types=_SCRATCH,
)


def kernel(x, theta):
    coefs, params, lat = _fold_theta(theta)
    x1 = x.astype(jnp.float32).transpose(0, 1, 2, 4, 3)
    y = _stn_kernel(x1, coefs, params, lat)
    y = y.reshape(_B, _G, _G, 2, _G).transpose(0, 1, 2, 4, 3)
    return y

# --- scband reference (transcript-rebuilt; emitter-appended) ---
"""Pipeline reference for scband-spatial-transformer-11098195492928 (READ-ONLY COPY).

The authoritative reference and input builder live on the scoring server;
editing this copy changes nothing except your own understanding.
"""

import jax, jax.numpy as jnp
import numpy as np

B, H, W, D, C = 4, 96, 96, 96, 2
OUT = (96, 96, 96)


def setup_inputs(seed: int = 0) -> dict:
    key = jax.random.key(seed)
    k1, k2 = jax.random.split(key)
    x = jax.random.normal(k1, (B, H, W, D, C), dtype=jnp.float32)
    # near-identity affine theta so sampled coords mostly land inside the volume
    ident = jnp.array([[1.0, 0.0, 0.0, 0.0],
                       [0.0, 1.0, 0.0, 0.0],
                       [0.0, 0.0, 1.0, 0.0]], dtype=jnp.float32)
    theta = ident[None] + 0.1 * (jax.random.uniform(k2, (B, 3, 4), dtype=jnp.float32) - 0.5)
    return {"x": x, "theta": theta}


def _meshgrid(out):
    xl = jnp.linspace(-1.0, 1.0, out[1])
    yl = jnp.linspace(-1.0, 1.0, out[0])
    zl = jnp.linspace(-1.0, 1.0, out[2])
    xc, yc, zc = jnp.meshgrid(xl, yl, zl)  # default indexing='xy', matches tf.meshgrid
    xc = xc.reshape(-1)
    yc = yc.reshape(-1)
    zc = zc.reshape(-1)
    ones = jnp.ones_like(xc)
    return jnp.concatenate([xc, yc, zc, ones], axis=0)


def _interpolate(image, xs, ys, zs, out):
    height, width, depth = H, W, D
    hf = jnp.float32(height)
    wf = jnp.float32(width)
    df = jnp.float32(depth)
    xp = 0.5 * (xs + 1.0) * wf
    yp = 0.5 * (ys + 1.0) * hf
    zp = 0.5 * (zs + 1.0) * df
    x0 = jnp.floor(xp).astype(jnp.int32)
    x1 = x0 + 1
    y0 = jnp.floor(yp).astype(jnp.int32)
    y1 = y0 + 1
    z0 = jnp.floor(zp).astype(jnp.int32)
    z1 = z0 + 1
    x0 = jnp.clip(x0, 0, width - 1)
    x1 = jnp.clip(x1, 0, width - 1)
    y0 = jnp.clip(y0, 0, height - 1)
    y1 = jnp.clip(y1, 0, height - 1)
    z0 = jnp.clip(z0, 0, depth - 1)
    z1 = jnp.clip(z1, 0, depth - 1)
    flat_image_dims = width * height * depth
    N = out[0] * out[1] * out[2]
    pixels_batch = jnp.arange(B, dtype=jnp.int32) * flat_image_dims
    base = jnp.repeat(pixels_batch, N)
    base_y0z0 = base + y0 * width + z0 * width * height
    base_y1z0 = base + y1 * width + z0 * width * height
    base_y0z1 = base + y0 * width + z1 * width * height
    base_y1z1 = base + y1 * width + z1 * width * height
    ix_a = base_y0z0 + x0
    ix_b = base_y1z0 + x0
    ix_c = base_y0z0 + x1
    ix_d = base_y1z0 + x1
    ix_e = base_y0z1 + x0
    ix_f = base_y1z1 + x0
    ix_g = base_y0z1 + x1
    ix_h = base_y1z1 + x1
    flat_image = image.reshape(-1, C).astype(jnp.float32)
    pa = jnp.take(flat_image, ix_a, axis=0)
    pb = jnp.take(flat_image, ix_b, axis=0)
    pc = jnp.take(flat_image, ix_c, axis=0)
    pd = jnp.take(flat_image, ix_d, axis=0)
    pe = jnp.take(flat_image, ix_e, axis=0)
    pf = jnp.take(flat_image, ix_f, axis=0)
    pg = jnp.take(flat_image, ix_g, axis=0)
    ph = jnp.take(flat_image, ix_h, axis=0)
    x0f = x0.astype(jnp.float32)
    x1f = x1.astype(jnp.float32)
    y0f = y0.astype(jnp.float32)
    y1f = y1.astype(jnp.float32)
    z0f = z0.astype(jnp.float32)
    z1f = z1.astype(jnp.float32)
    area_a = ((x1f - xp) * (y1f - yp) * (z1f - zp))[:, None]
    area_b = ((x1f - xp) * (yp - y0f) * (z1f - zp))[:, None]
    area_c = ((xp - x0f) * (y1f - yp) * (z1f - zp))[:, None]
    area_d = ((xp - x0f) * (yp - y0f) * (z1f - zp))[:, None]
    area_e = ((x1f - xp) * (y1f - yp) * (z1f - z0f))[:, None]
    area_f = ((x1f - xp) * (yp - y0f) * (z1f - z0f))[:, None]
    area_g = ((xp - x0f) * (y1f - yp) * (z1f - z0f))[:, None]
    area_h = ((xp - x0f) * (yp - y0f) * (z1f - z0f))[:, None]
    output = (area_a * pa + area_b * pb + area_c * pc + area_d * pd +
              area_e * pe + area_f * pf + area_g * pg + area_h * ph)
    return output


def reference(x, theta):
    out = OUT
    grid = _meshgrid(out)
    grid = jnp.tile(grid.reshape(-1), (B,))
    grid = grid.reshape(B, 4, -1)
    t = theta.reshape(B, 3, 4).astype(jnp.float32)
    transformed_grid = jnp.matmul(t, grid)
    xs = transformed_grid[:, 0, :].reshape(-1)
    ys = transformed_grid[:, 1, :].reshape(-1)
    zs = transformed_grid[:, 2, :].reshape(-1)
    transformed_image = _interpolate(x, xs, ys, zs, out)
    return transformed_image.reshape(B, out[0], out[1], out[2], C)

if __name__ == "__main__":
    import jax
    _d = setup_inputs()
    print(jax.jit(kernel)(*tuple(_d.values())))

</pallas_src>

<mosaic_0001>
#map = affine_map<(d0, d1) -> (0, 0, 0, 0, 0)>
#map1 = affine_map<(d0, d1) -> (0, 0)>
#map2 = affine_map<(d0, d1) -> (0, 0, 0)>
#map3 = affine_map<(d0, d1) -> (0)>
module attributes {stable_mosaic.version = 14 : i64} {
  func.func @_stn_body(%arg0: i32, %arg1: i32, %arg2: memref<4x96x96x2x96xf32, #tpu.memory_space<hbm>>, %arg3: memref<4x16xf32, #tpu.memory_space<hbm>>, %arg4: memref<32x9x16xi32, #tpu.memory_space<hbm>>, %arg5: memref<112xf32, #tpu.memory_space<hbm>>, %arg6: memref<36864x2x96xf32, #tpu.memory_space<hbm>>, %arg7: memref<9x16xi32, #tpu.memory_space<vmem>>, %arg8: memref<16xf32, #tpu.memory_space<vmem>>, %arg9: memref<18x16xf32, #tpu.memory_space<vmem>>, %arg10: memref<112xf32, #tpu.memory_space<vmem>>, %arg11: memref<560x2x96xf32, #tpu.memory_space<vmem>>, %arg12: memref<96x2x16xf32, #tpu.memory_space<vmem>>, %arg13: memref<!tpu.dma_semaphore, #tpu.memory_space<semaphore_mem>>) attributes {dimension_semantics = [#tpu.dimension_semantics<core_parallel>, #tpu.dimension_semantics<subcore_parallel>], iteration_bounds = array<i64: 2, 16>, scalar_prefetch = 0 : i64, scratch_operands = 7 : i64, tpu.core_type = #tpu.core_type<sc_vector_subcore>, window_params = [{transform_indices = #map}, {transform_indices = #map1}, {transform_indices = #map2}, {transform_indices = #map3}, {transform_indices = #map2}]} {
    %mul3A = arith.constant 2 : i32
    %mul3A_0 = arith.muli %arg1, %mul3A : i32
    %add3A = arith.addi %mul3A_0, %arg0 : i32
    "tpu.region"() ({
      %run_scoped3A = tpu.sem_alloc : memref<!tpu.dma_semaphore, #tpu.memory_space<semaphore_mem>>
      %dma_start3A = arith.constant 0 : i32
      %dma_start3A_27 = arith.constant 0 : i32
      %dma_start3A_28 = tpu.memref_slice %arg4[%add3A, %dma_start3A, %dma_start3A_27] : memref<32x9x16xi32, #tpu.memory_space<hbm>> -> memref<1x9x16xi32, #tpu.memory_space<hbm>>
      %dma_start3A_29 = tpu.memref_squeeze %dma_start3A_28 : memref<1x9x16xi32, #tpu.memory_space<hbm>> -> memref<9x16xi32, #tpu.memory_space<hbm>>
      %dma_start3A_30 = arith.constant 0 : i32
      %dma_start3A_31 = arith.constant 0 : i32
      %dma_start3A_32 = tpu.memref_slice %arg4[%add3A, %dma_start3A_30, %dma_start3A_31] : memref<32x9x16xi32, #tpu.memory_space<hbm>> -> memref<1x9x16xi32, #tpu.memory_space<hbm>>
      %dma_start3A_33 = tpu.memref_squeeze %dma_start3A_32 : memref<1x9x16xi32, #tpu.memory_space<hbm>> -> memref<9x16xi32, #tpu.memory_space<hbm>>
      tpu.enqueue_dma source(%dma_start3A_33 : memref<9x16xi32, #tpu.memory_space<hbm>>) target(%arg7 : memref<9x16xi32, #tpu.memory_space<vmem>>) target_semaphore(%run_scoped3A : memref<!tpu.dma_semaphore, #tpu.memory_space<semaphore_mem>>)
      %dma_wait3A = arith.constant 0 : i32
      %dma_wait3A_34 = arith.constant 0 : i32
      %dma_wait3A_35 = tpu.memref_slice %arg4[%add3A, %dma_wait3A, %dma_wait3A_34] : memref<32x9x16xi32, #tpu.memory_space<hbm>> -> memref<1x9x16xi32, #tpu.memory_space<hbm>>
      %dma_wait3A_36 = tpu.memref_squeeze %dma_wait3A_35 : memref<1x9x16xi32, #tpu.memory_space<hbm>> -> memref<9x16xi32, #tpu.memory_space<hbm>>
      %dma_wait3A_37 = arith.constant 0 : i32
      %dma_wait3A_38 = arith.constant 0 : i32
      %dma_wait3A_39 = tpu.memref_slice %arg4[%add3A, %dma_wait3A_37, %dma_wait3A_38] : memref<32x9x16xi32, #tpu.memory_space<hbm>> -> memref<1x9x16xi32, #tpu.memory_space<hbm>>
      %dma_wait3A_40 = tpu.memref_squeeze %dma_wait3A_39 : memref<1x9x16xi32, #tpu.memory_space<hbm>> -> memref<9x16xi32, #tpu.memory_space<hbm>>
      tpu.wait_dma2 semaphore(%run_scoped3A : memref<!tpu.dma_semaphore, #tpu.memory_space<semaphore_mem>>) src(%dma_wait3A_40 : memref<9x16xi32, #tpu.memory_space<hbm>>) dst(%arg7 : memref<9x16xi32, #tpu.memory_space<vmem>>)
      tpu.yield
    }) : () -> ()
    "tpu.region"() ({
      %run_scoped3A = tpu.sem_alloc : memref<!tpu.dma_semaphore, #tpu.memory_space<semaphore_mem>>
      tpu.enqueue_dma source(%arg5 : memref<112xf32, #tpu.memory_space<hbm>>) target(%arg10 : memref<112xf32, #tpu.memory_space<vmem>>) target_semaphore(%run_scoped3A : memref<!tpu.dma_semaphore, #tpu.memory_space<semaphore_mem>>)
      tpu.wait_dma2 semaphore(%run_scoped3A : memref<!tpu.dma_semaphore, #tpu.memory_space<semaphore_mem>>) src(%arg5 : memref<112xf32, #tpu.memory_space<hbm>>) dst(%arg10 : memref<112xf32, #tpu.memory_space<vmem>>)
      tpu.yield
    }) : () -> ()
    %iota3A = tpu.iota {dimensions = array<i32: 0>} : vector<16xi32>
    %broadcast_in_dim3A = arith.constant 0 : i32
    %broadcast_in_dim3A_1 = vector.broadcast %broadcast_in_dim3A : i32 to vector<16xi32>
    %broadcast_in_dim3A_2 = arith.constant 1 : i32
    %broadcast_in_dim3A_3 = vector.broadcast %broadcast_in_dim3A_2 : i32 to vector<16xi32>
    %add3A_4 = arith.constant 0 : i32
    %add3A_5 = vector.broadcast %add3A_4 : i32 to vector<16xi32>
    %add3A_6 = arith.addi %iota3A, %add3A_5 : vector<16xi32>
    %add3A_7 = arith.constant 16 : i32
    %add3A_8 = vector.broadcast %add3A_7 : i32 to vector<16xi32>
    %add3A_9 = arith.addi %iota3A, %add3A_8 : vector<16xi32>
    %add3A_10 = arith.constant 32 : i32
    %add3A_11 = vector.broadcast %add3A_10 : i32 to vector<16xi32>
    %add3A_12 = arith.addi %iota3A, %add3A_11 : vector<16xi32>
    %add3A_13 = arith.constant 48 : i32
    %add3A_14 = vector.broadcast %add3A_13 : i32 to vector<16xi32>
    %add3A_15 = arith.addi %iota3A, %add3A_14 : vector<16xi32>
    %add3A_16 = arith.constant 64 : i32
    %add3A_17 = vector.broadcast %add3A_16 : i32 to vector<16xi32>
    %add3A_18 = arith.addi %iota3A, %add3A_17 : vector<16xi32>
    %add3A_19 = arith.constant 80 : i32
    %add3A_20 = vector.broadcast %add3A_19 : i32 to vector<16xi32>
    %add3A_21 = arith.addi %iota3A, %add3A_20 : vector<16xi32>
    %scan3A = arith.constant 0 : i32
    %scan3A_22 = arith.constant 0 : i32
    %scan3A_23 = arith.constant 9 : i32
    %scan3A_24 = arith.addi %scan3A_22, %scan3A_23 : i32
    %scan3A_25 = arith.constant 1 : i32
    scf.for %scan3A_27 = %scan3A_22 to %scan3A_24 step %scan3A_25  : i32 {
      %get3A = arith.index_cast %scan3A_27 : i32 to index
      %get3A_28 = arith.constant 0 : index
      %get3A_29 = tpu.vector_load %arg7[%get3A, %get3A_28] {strides = array<i32>} : memref<9x16xi32, #tpu.memory_space<vmem>>, vector<16xi32>,
      %slice3A = vector.extract_strided_slice %get3A_29 {offsets = [0], sizes = [1], strides = [1]} : vector<16xi32> to vector<1xi32>
      %squeeze3A = vector.extract %slice3A[0] : i32 from vector<1xi32>
      %slice3A_30 = vector.extract_strided_slice %get3A_29 {offsets = [1], sizes = [1], strides = [1]} : vector<16xi32> to vector<1xi32>
      %squeeze3A_31 = vector.extract %slice3A_30[0] : i32 from vector<1xi32>
      %slice3A_32 = vector.extract_strided_slice %get3A_29 {offsets = [2], sizes = [1], strides = [1]} : vector<16xi32> to vector<1xi32>
      %squeeze3A_33 = vector.extract %slice3A_32[0] : i32 from vector<1xi32>
      %multiple_of3A = tpu.assume_multiple %squeeze3A_33, 16 : i32
      %slice3A_34 = vector.extract_strided_slice %get3A_29 {offsets = [3], sizes = [1], strides = [1]} : vector<16xi32> to vector<1xi32>
      %squeeze3A_35 = vector.extract %slice3A_34[0] : i32 from vector<1xi32>
      %slice3A_36 = vector.extract_strided_slice %get3A_29 {offsets = [4], sizes = [1], strides = [1]} : vector<16xi32> to vector<1xi32>
      %squeeze3A_37 = vector.extract %slice3A_36[0] : i32 from vector<1xi32>
      %slice3A_38 = vector.extract_strided_slice %get3A_29 {offsets = [5], sizes = [1], strides = [1]} : vector<16xi32> to vector<1xi32>
      %squeeze3A_39 = vector.extract %slice3A_38[0] : i32 from vector<1xi32>
      "tpu.region"() ({
        %run_scoped3A = tpu.sem_alloc : memref<!tpu.dma_semaphore, #tpu.memory_space<semaphore_mem>>
        %dma_start3A_1146 = arith.constant 0 : i32
        %dma_start3A_1147 = tpu.memref_slice %arg3[%squeeze3A, %dma_start3A_1146] : memref<4x16xf32, #tpu.memory_space<hbm>> -> memref<1x16xf32, #tpu.memory_space<hbm>>
        %dma_start3A_1148 = tpu.memref_squeeze %dma_start3A_1147 : memref<1x16xf32, #tpu.memory_space<hbm>> -> memref<16xf32, #tpu.memory_space<hbm>>
        %dma_start3A_1149 = arith.constant 0 : i32
        %dma_start3A_1150 = tpu.memref_slice %arg3[%squeeze3A, %dma_start3A_1149] : memref<4x16xf32, #tpu.memory_space<hbm>> -> memref<1x16xf32, #tpu.memory_space<hbm>>
        %dma_start3A_1151 = tpu.memref_squeeze %dma_start3A_1150 : memref<1x16xf32, #tpu.memory_space<hbm>> -> memref<16xf32, #tpu.memory_space<hbm>>
        tpu.enqueue_dma source(%dma_start3A_1151 : memref<16xf32, #tpu.memory_space<hbm>>) target(%arg8 : memref<16xf32, #tpu.memory_space<vmem>>) target_semaphore(%run_scoped3A : memref<!tpu.dma_semaphore, #tpu.memory_space<semaphore_mem>>)
        %dma_wait3A_1152 = arith.constant 0 : i32
        %dma_wait3A_1153 = tpu.memref_slice %arg3[%squeeze3A, %dma_wait3A_1152] : memref<4x16xf32, #tpu.memory_space<hbm>> -> memref<1x16xf32, #tpu.memory_space<hbm>>
        %dma_wait3A_1154 = tpu.memref_squeeze %dma_wait3A_1153 : memref<1x16xf32, #tpu.memory_space<hbm>> -> memref<16xf32, #tpu.memory_space<hbm>>
        %dma_wait3A_1155 = arith.constant 0 : i32
        %dma_wait3A_1156 = tpu.memref_slice %arg3[%squeeze3A, %dma_wait3A_1155] : memref<4x16xf32, #tpu.memory_space<hbm>> -> memref<1x16xf32, #tpu.memory_space<hbm>>
        %dma_wait3A_1157 = tpu.memref_squeeze %dma_wait3A_1156 : memref<1x16xf32, #tpu.memory_space<hbm>> -> memref<16xf32, #tpu.memory_space<hbm>>
        tpu.wait_dma2 semaphore(%run_scoped3A : memref<!tpu.dma_semaphore, #tpu.memory_space<semaphore_mem>>) src(%dma_wait3A_1157 : memref<16xf32, #tpu.memory_space<hbm>>) dst(%arg8 : memref<16xf32, #tpu.memory_space<vmem>>)
        tpu.yield
      }) : () -> ()
      %add3A_40 = arith.constant 0 : i32
      %add3A_41 = arith.addi %squeeze3A_35, %add3A_40 : i32
      %dma_start3A = arith.constant 0 : i32
      %dma_start3A_42 = arith.constant 0 : i32
      %dma_start3A_43 = arith.constant 0 : i32
      %dma_start3A_44 = tpu.memref_slice %arg11[%dma_start3A, %dma_start3A_42, %dma_start3A_43] : memref<560x2x96xf32, #tpu.memory_space<vmem>> -> memref<20x2x96xf32, #tpu.memory_space<vmem>>
      %dma_start3A_45 = arith.constant 0 : i32
      %dma_start3A_46 = arith.constant 0 : i32
      %dma_start3A_47 = tpu.memref_slice %arg2[%squeeze3A, %add3A_41, %squeeze3A_37, %dma_start3A_45, %dma_start3A_46] : memref<4x96x96x2x96xf32, #tpu.memory_space<hbm>> -> memref<1x1x20x2x96xf32, #tpu.memory_space<hbm>>
      %dma_start3A_48 = tpu.memref_squeeze %dma_start3A_47 : memref<1x1x20x2x96xf32, #tpu.memory_space<hbm>> -> memref<20x2x96xf32, #tpu.memory_space<hbm>>
      %dma_start3A_49 = arith.constant 0 : i32
      %dma_start3A_50 = arith.constant 0 : i32
      %dma_start3A_51 = arith.constant 0 : i32
      %dma_start3A_52 = tpu.memref_slice %arg11[%dma_start3A_49, %dma_start3A_50, %dma_start3A_51] : memref<560x2x96xf32, #tpu.memory_space<vmem>> -> memref<20x2x96xf32, #tpu.memory_space<vmem>>
      %dma_start3A_53 = arith.constant 0 : i32
      %dma_start3A_54 = arith.constant 0 : i32
      %dma_start3A_55 = tpu.memref_slice %arg2[%squeeze3A, %add3A_41, %squeeze3A_37, %dma_start3A_53, %dma_start3A_54] : memref<4x96x96x2x96xf32, #tpu.memory_space<hbm>> -> memref<1x1x20x2x96xf32, #tpu.memory_space<hbm>>
      %dma_start3A_56 = tpu.memref_squeeze %dma_start3A_55 : memref<1x1x20x2x96xf32, #tpu.memory_space<hbm>> -> memref<20x2x96xf32, #tpu.memory_space<hbm>>
      tpu.enqueue_dma source(%dma_start3A_56 : memref<20x2x96xf32, #tpu.memory_space<hbm>>) target(%dma_start3A_52 : memref<20x2x96xf32, #tpu.memory_space<vmem>>) target_semaphore(%arg13 : memref<!tpu.dma_semaphore, #tpu.memory_space<semaphore_mem>>)
      %add3A_57 = arith.constant 1 : i32
      %add3A_58 = arith.addi %squeeze3A_35, %add3A_57 : i32
      %dma_start3A_59 = arith.constant 20 : i32
      %dma_start3A_60 = arith.constant 0 : i32
      %dma_start3A_61 = arith.constant 0 : i32
      %dma_start3A_62 = tpu.memref_slice %arg11[%dma_start3A_59, %dma_start3A_60, %dma_start3A_61] : memref<560x2x96xf32, #tpu.memory_space<vmem>> -> memref<20x2x96xf32, #tpu.memory_space<vmem>>
      %dma_start3A_63 = arith.constant 0 : i32
      %dma_start3A_64 = arith.constant 0 : i32
      %dma_start3A_65 = tpu.memref_slice %arg2[%squeeze3A, %add3A_58, %squeeze3A_37, %dma_start3A_63, %dma_start3A_64] : memref<4x96x96x2x96xf32, #tpu.memory_space<hbm>> -> memref<1x1x20x2x96xf32, #tpu.memory_space<hbm>>
      %dma_start3A_66 = tpu.memref_squeeze %dma_start3A_65 : memref<1x1x20x2x96xf32, #tpu.memory_space<hbm>> -> memref<20x2x96xf32, #tpu.memory_space<hbm>>
      %dma_start3A_67 = arith.constant 20 : i32
      %dma_start3A_68 = arith.constant 0 : i32
      %dma_start3A_69 = arith.constant 0 : i32
      %dma_start3A_70 = tpu.memref_slice %arg11[%dma_start3A_67, %dma_start3A_68, %dma_start3A_69] : memref<560x2x96xf32, #tpu.memory_space<vmem>> -> memref<20x2x96xf32, #tpu.memory_space<vmem>>
      %dma_start3A_71 = arith.constant 0 : i32
      %dma_start3A_72 = arith.constant 0 : i32
      %dma_start3A_73 = tpu.memref_slice %arg2[%squeeze3A, %add3A_58, %squeeze3A_37, %dma_start3A_71, %dma_start3A_72] : memref<4x96x96x2x96xf32, #tpu.memory_space<hbm>> -> memref<1x1x20x2x96xf32, #tpu.memory_space<hbm>>
      %dma_start3A_74 = tpu.memref_squeeze %dma_start3A_73 : memref<1x1x20x2x96xf32, #tpu.memory_space<hbm>> -> memref<20x2x96xf32, #tpu.memory_space<hbm>>
      tpu.enqueue_dma source(%dma_start3A_74 : memref<20x2x96xf32, #tpu.memory_space<hbm>>) target(%dma_start3A_70 : memref<20x2x96xf32, #tpu.memory_space<vmem>>) target_semaphore(%arg13 : memref<!tpu.dma_semaphore, #tpu.memory_space<semaphore_mem>>)
      %add3A_75 = arith.constant 2 : i32
      %add3A_76 = arith.addi %squeeze3A_35, %add3A_75 : i32
      %dma_start3A_77 = arith.constant 40 : i32
      %dma_start3A_78 = arith.constant 0 : i32
      %dma_start3A_79 = arith.constant 0 : i32
      %dma_start3A_80 = tpu.memref_slice %arg11[%dma_start3A_77, %dma_start3A_78, %dma_start3A_79] : memref<560x2x96xf32, #tpu.memory_space<vmem>> -> memref<20x2x96xf32, #tpu.memory_space<vmem>>
      %dma_start3A_81 = arith.constant 0 : i32
      %dma_start3A_82 = arith.constant 0 : i32
      %dma_start3A_83 = tpu.memref_slice %arg2[%squeeze3A, %add3A_76, %squeeze3A_37, %dma_start3A_81, %dma_start3A_82] : memref<4x96x96x2x96xf32, #tpu.memory_space<hbm>> -> memref<1x1x20x2x96xf32, #tpu.memory_space<hbm>>
      %dma_start3A_84 = tpu.memref_squeeze %dma_start3A_83 : memref<1x1x20x2x96xf32, #tpu.memory_space<hbm>> -> memref<20x2x96xf32, #tpu.memory_space<hbm>>
      %dma_start3A_85 = arith.constant 40 : i32
      %dma_start3A_86 = arith.constant 0 : i32
      %dma_start3A_87 = arith.constant 0 : i32
      %dma_start3A_88 = tpu.memref_slice %arg11[%dma_start3A_85, %dma_start3A_86, %dma_start3A_87] : memref<560x2x96xf32, #tpu.memory_space<vmem>> -> memref<20x2x96xf32, #tpu.memory_space<vmem>>
      %dma_start3A_89 = arith.constant 0 : i32
      %dma_start3A_90 = arith.constant 0 : i32
      %dma_start3A_91 = tpu.memref_slice %arg2[%squeeze3A, %add3A_76, %squeeze3A_37, %dma_start3A_89, %dma_start3A_90] : memref<4x96x96x2x96xf32, #tpu.memory_space<hbm>> -> memref<1x1x20x2x96xf32, #tpu.memory_space<hbm>>
      %dma_start3A_92 = tpu.memref_squeeze %dma_start3A_91 : memref<1x1x20x2x96xf32, #tpu.memory_space<hbm>> -> memref<20x2x96xf32, #tpu.memory_space<hbm>>
      tpu.enqueue_dma source(%dma_start3A_92 : memref<20x2x96xf32, #tpu.memory_space<hbm>>) target(%dma_start3A_88 : memref<20x2x96xf32, #tpu.memory_space<vmem>>) target_semaphore(%arg13 : memref<!tpu.dma_semaphore, #tpu.memory_space<semaphore_mem>>)
      %add3A_93 = arith.constant 3 : i32
      %add3A_94 = arith.addi %squeeze3A_35, %add3A_93 : i32
      %dma_start3A_95 = arith.constant 60 : i32
      %dma_start3A_96 = arith.constant 0 : i32
      %dma_start3A_97 = arith.constant 0 : i32
      %dma_start3A_98 = tpu.memref_slice %arg11[%dma_start3A_95, %dma_start3A_96, %dma_start3A_97] : memref<560x2x96xf32, #tpu.memory_space<vmem>> -> memref<20x2x96xf32, #tpu.memory_space<vmem>>
      %dma_start3A_99 = arith.constant 0 : i32
      %dma_start3A_100 = arith.constant 0 : i32
      %dma_start3A_101 = tpu.memref_slice %arg2[%squeeze3A, %add3A_94, %squeeze3A_37, %dma_start3A_99, %dma_start3A_100] : memref<4x96x96x2x96xf32, #tpu.memory_space<hbm>> -> memref<1x1x20x2x96xf32, #tpu.memory_space<hbm>>
      %dma_start3A_102 = tpu.memref_squeeze %dma_start3A_101 : memref<1x1x20x2x96xf32, #tpu.memory_space<hbm>> -> memref<20x2x96xf32, #tpu.memory_space<hbm>>
      %dma_start3A_103 = arith.constant 60 : i32
      %dma_start3A_104 = arith.constant 0 : i32
      %dma_start3A_105 = arith.constant 0 : i32
      %dma_start3A_106 = tpu.memref_slice %arg11[%dma_start3A_103, %dma_start3A_104, %dma_start3A_105] : memref<560x2x96xf32, #tpu.memory_space<vmem>> -> memref<20x2x96xf32, #tpu.memory_space<vmem>>
      %dma_start3A_107 = arith.constant 0 : i32
      %dma_start3A_108 = arith.constant 0 : i32
      %dma_start3A_109 = tpu.memref_slice %arg2[%squeeze3A, %add3A_94, %squeeze3A_37, %dma_start3A_107, %dma_start3A_108] : memref<4x96x96x2x96xf32, #tpu.memory_space<hbm>> -> memref<1x1x20x2x96xf32, #tpu.memory_space<hbm>>
      %dma_start3A_110 = tpu.memref_squeeze %dma_start3A_109 : memref<1x1x20x2x96xf32, #tpu.memory_space<hbm>> -> memref<20x2x96xf32, #tpu.memory_space<hbm>>
      tpu.enqueue_dma source(%dma_start3A_110 : memref<20x2x96xf32, #tpu.memory_space<hbm>>) target(%dma_start3A_106 : memref<20x2x96xf32, #tpu.memory_space<vmem>>) target_semaphore(%arg13 : memref<!tpu.dma_semaphore, #tpu.memory_space<semaphore_mem>>)
      %add3A_111 = arith.constant 4 : i32
      %add3A_112 = arith.addi %squeeze3A_35, %add3A_111 : i32
      %dma_start3A_113 = arith.constant 80 : i32
      %dma_start3A_114 = arith.constant 0 : i32
      %dma_start3A_115 = arith.constant 0 : i32
      %dma_start3A_116 = tpu.memref_slice %arg11[%dma_start3A_113, %dma_start3A_114, %dma_start3A_115] : memref<560x2x96xf32, #tpu.memory_space<vmem>> -> memref<20x2x96xf32, #tpu.memory_space<vmem>>
      %dma_start3A_117 = arith.constant 0 : i32
      %dma_start3A_118 = arith.constant 0 : i32
      %dma_start3A_119 = tpu.memref_slice %arg2[%squeeze3A, %add3A_112, %squeeze3A_37, %dma_start3A_117, %dma_start3A_118] : memref<4x96x96x2x96xf32, #tpu.memory_space<hbm>> -> memref<1x1x20x2x96xf32, #tpu.memory_space<hbm>>
      %dma_start3A_120 = tpu.memref_squeeze %dma_start3A_119 : memref<1x1x20x2x96xf32, #tpu.memory_space<hbm>> -> memref<20x2x96xf32, #tpu.memory_space<hbm>>
      %dma_start3A_121 = arith.constant 80 : i32
      %dma_start3A_122 = arith.constant 0 : i32
      %dma_start3A_123 = arith.constant 0 : i32
      %dma_start3A_124 = tpu.memref_slice %arg11[%dma_start3A_121, %dma_start3A_122, %dma_start3A_123] : memref<560x2x96xf32, #tpu.memory_space<vmem>> -> memref<20x2x96xf32, #tpu.memory_space<vmem>>
      %dma_start3A_125 = arith.constant 0 : i32
      %dma_start3A_126 = arith.constant 0 : i32
      %dma_start3A_127 = tpu.memref_slice %arg2[%squeeze3A, %add3A_112, %squeeze3A_37, %dma_start3A_125, %dma_start3A_126] : memref<4x96x96x2x96xf32, #tpu.memory_space<hbm>> -> memref<1x1x20x2x96xf32, #tpu.memory_space<hbm>>
      %dma_start3A_128 = tpu.memref_squeeze %dma_start3A_127 : memref<1x1x20x2x96xf32, #tpu.memory_space<hbm>> -> memref<20x2x96xf32, #tpu.memory_space<hbm>>
      tpu.enqueue_dma source(%dma_start3A_128 : memref<20x2x96xf32, #tpu.memory_space<hbm>>) target(%dma_start3A_124 : memref<20x2x96xf32, #tpu.memory_space<vmem>>) target_semaphore(%arg13 : memref<!tpu.dma_semaphore, #tpu.memory_space<semaphore_mem>>)
      %add3A_129 = arith.constant 5 : i32
      %add3A_130 = arith.addi %squeeze3A_35, %add3A_129 : i32
      %dma_start3A_131 = arith.constant 100 : i32
      %dma_start3A_132 = arith.constant 0 : i32
      %dma_start3A_133 = arith.constant 0 : i32
      %dma_start3A_134 = tpu.memref_slice %arg11[%dma_start3A_131, %dma_start3A_132, %dma_start3A_133] : memref<560x2x96xf32, #tpu.memory_space<vmem>> -> memref<20x2x96xf32, #tpu.memory_space<vmem>>
      %dma_start3A_135 = arith.constant 0 : i32
      %dma_start3A_136 = arith.constant 0 : i32
      %dma_start3A_137 = tpu.memref_slice %arg2[%squeeze3A, %add3A_130, %squeeze3A_37, %dma_start3A_135, %dma_start3A_136] : memref<4x96x96x2x96xf32, #tpu.memory_space<hbm>> -> memref<1x1x20x2x96xf32, #tpu.memory_space<hbm>>
      %dma_start3A_138 = tpu.memref_squeeze %dma_start3A_137 : memref<1x1x20x2x96xf32, #tpu.memory_space<hbm>> -> memref<20x2x96xf32, #tpu.memory_space<hbm>>
      %dma_start3A_139 = arith.constant 100 : i32
      %dma_start3A_140 = arith.constant 0 : i32
      %dma_start3A_141 = arith.constant 0 : i32
      %dma_start3A_142 = tpu.memref_slice %arg11[%dma_start3A_139, %dma_start3A_140, %dma_start3A_141] : memref<560x2x96xf32, #tpu.memory_space<vmem>> -> memref<20x2x96xf32, #tpu.memory_space<vmem>>
      %dma_start3A_143 = arith.constant 0 : i32
      %dma_start3A_144 = arith.constant 0 : i32
      %dma_start3A_145 = tpu.memref_slice %arg2[%squeeze3A, %add3A_130, %squeeze3A_37, %dma_start3A_143, %dma_start3A_144] : memref<4x96x96x2x96xf32, #tpu.memory_space<hbm>> -> memref<1x1x20x2x96xf32, #tpu.memory_space<hbm>>
      %dma_start3A_146 = tpu.memref_squeeze %dma_start3A_145 : memref<1x1x20x2x96xf32, #tpu.memory_space<hbm>> -> memref<20x2x96xf32, #tpu.memory_space<hbm>>
      tpu.enqueue_dma source(%dma_start3A_146 : memref<20x2x96xf32, #tpu.memory_space<hbm>>) target(%dma_start3A_142 : memref<20x2x96xf32, #tpu.memory_space<vmem>>) target_semaphore(%arg13 : memref<!tpu.dma_semaphore, #tpu.memory_space<semaphore_mem>>)
      %add3A_147 = arith.constant 6 : i32
      %add3A_148 = arith.addi %squeeze3A_35, %add3A_147 : i32
      %dma_start3A_149 = arith.constant 120 : i32
      %dma_start3A_150 = arith.constant 0 : i32
      %dma_start3A_151 = arith.constant 0 : i32
      %dma_start3A_152 = tpu.memref_slice %arg11[%dma_start3A_149, %dma_start3A_150, %dma_start3A_151] : memref<560x2x96xf32, #tpu.memory_space<vmem>> -> memref<20x2x96xf32, #tpu.memory_space<vmem>>
      %dma_start3A_153 = arith.constant 0 : i32
      %dma_start3A_154 = arith.constant 0 : i32
      %dma_start3A_155 = tpu.memref_slice %arg2[%squeeze3A, %add3A_148, %squeeze3A_37, %dma_start3A_153, %dma_start3A_154] : memref<4x96x96x2x96xf32, #tpu.memory_space<hbm>> -> memref<1x1x20x2x96xf32, #tpu.memory_space<hbm>>
      %dma_start3A_156 = tpu.memref_squeeze %dma_start3A_155 : memref<1x1x20x2x96xf32, #tpu.memory_space<hbm>> -> memref<20x2x96xf32, #tpu.memory_space<hbm>>
      %dma_start3A_157 = arith.constant 120 : i32
      %dma_start3A_158 = arith.constant 0 : i32
      %dma_start3A_159 = arith.constant 0 : i32
      %dma_start3A_160 = tpu.memref_slice %arg11[%dma_start3A_157, %dma_start3A_158, %dma_start3A_159] : memref<560x2x96xf32, #tpu.memory_space<vmem>> -> memref<20x2x96xf32, #tpu.memory_space<vmem>>
      %dma_start3A_161 = arith.constant 0 : i32
      %dma_start3A_162 = arith.constant 0 : i32
      %dma_start3A_163 = tpu.memref_slice %arg2[%squeeze3A, %add3A_148, %squeeze3A_37, %dma_start3A_161, %dma_start3A_162] : memref<4x96x96x2x96xf32, #tpu.memory_space<hbm>> -> memref<1x1x20x2x96xf32, #tpu.memory_space<hbm>>
      %dma_start3A_164 = tpu.memref_squeeze %dma_start3A_163 : memref<1x1x20x2x96xf32, #tpu.memory_space<hbm>> -> memref<20x2x96xf32, #tpu.memory_space<hbm>>
      tpu.enqueue_dma source(%dma_start3A_164 : memref<20x2x96xf32, #tpu.memory_space<hbm>>) target(%dma_start3A_160 : memref<20x2x96xf32, #tpu.memory_space<vmem>>) target_semaphore(%arg13 : memref<!tpu.dma_semaphore, #tpu.memory_space<semaphore_mem>>)
      %add3A_165 = arith.constant 7 : i32
      %add3A_166 = arith.addi %squeeze3A_35, %add3A_165 : i32
      %dma_start3A_167 = arith.constant 140 : i32
      %dma_start3A_168 = arith.constant 0 : i32
      %dma_start3A_169 = arith.constant 0 : i32
      %dma_start3A_170 = tpu.memref_slice %arg11[%dma_start3A_167, %dma_start3A_168, %dma_start3A_169] : memref<560x2x96xf32, #tpu.memory_space<vmem>> -> memref<20x2x96xf32, #tpu.memory_space<vmem>>
      %dma_start3A_171 = arith.constant 0 : i32
      %dma_start3A_172 = arith.constant 0 : i32
      %dma_start3A_173 = tpu.memref_slice %arg2[%squeeze3A, %add3A_166, %squeeze3A_37, %dma_start3A_171, %dma_start3A_172] : memref<4x96x96x2x96xf32, #tpu.memory_space<hbm>> -> memref<1x1x20x2x96xf32, #tpu.memory_space<hbm>>
      %dma_start3A_174 = tpu.memref_squeeze %dma_start3A_173 : memref<1x1x20x2x96xf32, #tpu.memory_space<hbm>> -> memref<20x2x96xf32, #tpu.memory_space<hbm>>
      %dma_start3A_175 = arith.constant 140 : i32
      %dma_start3A_176 = arith.constant 0 : i32
      %dma_start3A_177 = arith.constant 0 : i32
      %dma_start3A_178 = tpu.memref_slice %arg11[%dma_start3A_175, %dma_start3A_176, %dma_start3A_177] : memref<560x2x96xf32, #tpu.memory_space<vmem>> -> memref<20x2x96xf32, #tpu.memory_space<vmem>>
      %dma_start3A_179 = arith.constant 0 : i32
      %dma_start3A_180 = arith.constant 0 : i32
      %dma_start3A_181 = tpu.memref_slice %arg2[%squeeze3A, %add3A_166, %squeeze3A_37, %dma_start3A_179, %dma_start3A_180] : memref<4x96x96x2x96xf32, #tpu.memory_space<hbm>> -> memref<1x1x20x2x96xf32, #tpu.memory_space<hbm>>
      %dma_start3A_182 = tpu.memref_squeeze %dma_start3A_181 : memref<1x1x20x2x96xf32, #tpu.memory_space<hbm>> -> memref<20x2x96xf32, #tpu.memory_space<hbm>>
      tpu.enqueue_dma source(%dma_start3A_182 : memref<20x2x96xf32, #tpu.memory_space<hbm>>) target(%dma_start3A_178 : memref<20x2x96xf32, #tpu.memory_space<vmem>>) target_semaphore(%arg13 : memref<!tpu.dma_semaphore, #tpu.memory_space<semaphore_mem>>)
      %add3A_183 = arith.constant 8 : i32
      %add3A_184 = arith.addi %squeeze3A_35, %add3A_183 : i32
      %dma_start3A_185 = arith.constant 160 : i32
      %dma_start3A_186 = arith.constant 0 : i32
      %dma_start3A_187 = arith.constant 0 : i32
      %dma_start3A_188 = tpu.memref_slice %arg11[%dma_start3A_185, %dma_start3A_186, %dma_start3A_187] : memref<560x2x96xf32, #tpu.memory_space<vmem>> -> memref<20x2x96xf32, #tpu.memory_space<vmem>>
      %dma_start3A_189 = arith.constant 0 : i32
      %dma_start3A_190 = arith.constant 0 : i32
      %dma_start3A_191 = tpu.memref_slice %arg2[%squeeze3A, %add3A_184, %squeeze3A_37, %dma_start3A_189, %dma_start3A_190] : memref<4x96x96x2x96xf32, #tpu.memory_space<hbm>> -> memref<1x1x20x2x96xf32, #tpu.memory_space<hbm>>
      %dma_start3A_192 = tpu.memref_squeeze %dma_start3A_191 : memref<1x1x20x2x96xf32, #tpu.memory_space<hbm>> -> memref<20x2x96xf32, #tpu.memory_space<hbm>>
      %dma_start3A_193 = arith.constant 160 : i32
      %dma_start3A_194 = arith.constant 0 : i32
      %dma_start3A_195 = arith.constant 0 : i32
      %dma_start3A_196 = tpu.memref_slice %arg11[%dma_start3A_193, %dma_start3A_194, %dma_start3A_195] : memref<560x2x96xf32, #tpu.memory_space<vmem>> -> memref<20x2x96xf32, #tpu.memory_space<vmem>>
      %dma_start3A_197 = arith.constant 0 : i32
      %dma_start3A_198 = arith.constant 0 : i32
      %dma_start3A_199 = tpu.memref_slice %arg2[%squeeze3A, %add3A_184, %squeeze3A_37, %dma_start3A_197, %dma_start3A_198] : memref<4x96x96x2x96xf32, #tpu.memory_space<hbm>> -> memref<1x1x20x2x96xf32, #tpu.memory_space<hbm>>
      %dma_start3A_200 = tpu.memref_squeeze %dma_start3A_199 : memref<1x1x20x2x96xf32, #tpu.memory_space<hbm>> -> memref<20x2x96xf32, #tpu.memory_space<hbm>>
      tpu.enqueue_dma source(%dma_start3A_200 : memref<20x2x96xf32, #tpu.memory_space<hbm>>) target(%dma_start3A_196 : memref<20x2x96xf32, #tpu.memory_space<vmem>>) target_semaphore(%arg13 : memref<!tpu.dma_semaphore, #tpu.memory_space<semaphore_mem>>)
      %add3A_201 = arith.constant 9 : i32
      %add3A_202 = arith.addi %squeeze3A_35, %add3A_201 : i32
      %dma_start3A_203 = arith.constant 180 : i32
      %dma_start3A_204 = arith.constant 0 : i32
      %dma_start3A_205 = arith.constant 0 : i32
      %dma_start3A_206 = tpu.memref_slice %arg11[%dma_start3A_203, %dma_start3A_204, %dma_start3A_205] : memref<560x2x96xf32, #tpu.memory_space<vmem>> -> memref<20x2x96xf32, #tpu.memory_space<vmem>>
      %dma_start3A_207 = arith.constant 0 : i32
      %dma_start3A_208 = arith.constant 0 : i32
      %dma_start3A_209 = tpu.memref_slice %arg2[%squeeze3A, %add3A_202, %squeeze3A_37, %dma_start3A_207, %dma_start3A_208] : memref<4x96x96x2x96xf32, #tpu.memory_space<hbm>> -> memref<1x1x20x2x96xf32, #tpu.memory_space<hbm>>
      %dma_start3A_210 = tpu.memref_squeeze %dma_start3A_209 : memref<1x1x20x2x96xf32, #tpu.memory_space<hbm>> -> memref<20x2x96xf32, #tpu.memory_space<hbm>>
      %dma_start3A_211 = arith.constant 180 : i32
      %dma_start3A_212 = arith.constant 0 : i32
      %dma_start3A_213 = arith.constant 0 : i32
      %dma_start3A_214 = tpu.memref_slice %arg11[%dma_start3A_211, %dma_start3A_212, %dma_start3A_213] : memref<560x2x96xf32, #tpu.memory_space<vmem>> -> memref<20x2x96xf32, #tpu.memory_space<vmem>>
      %dma_start3A_215 = arith.constant 0 : i32
      %dma_start3A_216 = arith.constant 0 : i32
      %dma_start3A_217 = tpu.memref_slice %arg2[%squeeze3A, %add3A_202, %squeeze3A_37, %dma_start3A_215, %dma_start3A_216] : memref<4x96x96x2x96xf32, #tpu.memory_space<hbm>> -> memref<1x1x20x2x96xf32, #tpu.memory_space<hbm>>
      %dma_start3A_218 = tpu.memref_squeeze %dma_start3A_217 : memref<1x1x20x2x96xf32, #tpu.memory_space<hbm>> -> memref<20x2x96xf32, #tpu.memory_space<hbm>>
      tpu.enqueue_dma source(%dma_start3A_218 : memref<20x2x96xf32, #tpu.memory_space<hbm>>) target(%dma_start3A_214 : memref<20x2x96xf32, #tpu.memory_space<vmem>>) target_semaphore(%arg13 : memref<!tpu.dma_semaphore, #tpu.memory_space<semaphore_mem>>)
      %add3A_219 = arith.constant 10 : i32
      %add3A_220 = arith.addi %squeeze3A_35, %add3A_219 : i32
      %dma_start3A_221 = arith.constant 200 : i32
      %dma_start3A_222 = arith.constant 0 : i32
      %dma_start3A_223 = arith.constant 0 : i32
      %dma_start3A_224 = tpu.memref_slice %arg11[%dma_start3A_221, %dma_start3A_222, %dma_start3A_223] : memref<560x2x96xf32, #tpu.memory_space<vmem>> -> memref<20x2x96xf32, #tpu.memory_space<vmem>>
      %dma_start3A_225 = arith.constant 0 : i32
      %dma_start3A_226 = arith.constant 0 : i32
      %dma_start3A_227 = tpu.memref_slice %arg2[%squeeze3A, %add3A_220, %squeeze3A_37, %dma_start3A_225, %dma_start3A_226] : memref<4x96x96x2x96xf32, #tpu.memory_space<hbm>> -> memref<1x1x20x2x96xf32, #tpu.memory_space<hbm>>
      %dma_start3A_228 = tpu.memref_squeeze %dma_start3A_227 : memref<1x1x20x2x96xf32, #tpu.memory_space<hbm>> -> memref<20x2x96xf32, #tpu.memory_space<hbm>>
      %dma_start3A_229 = arith.constant 200 : i32
      %dma_start3A_230 = arith.constant 0 : i32
      %dma_start3A_231 = arith.constant 0 : i32
      %dma_start3A_232 = tpu.memref_slice %arg11[%dma_start3A_229, %dma_start3A_230, %dma_start3A_231] : memref<560x2x96xf32, #tpu.memory_space<vmem>> -> memref<20x2x96xf32, #tpu.memory_space<vmem>>
      %dma_start3A_233 = arith.constant 0 : i32
      %dma_start3A_234 = arith.constant 0 : i32
      %dma_start3A_235 = tpu.memref_slice %arg2[%squeeze3A, %add3A_220, %squeeze3A_37, %dma_start3A_233, %dma_start3A_234] : memref<4x96x96x2x96xf32, #tpu.memory_space<hbm>> -> memref<1x1x20x2x96xf32, #tpu.memory_space<hbm>>
      %dma_start3A_236 = tpu.memref_squeeze %dma_start3A_235 : memref<1x1x20x2x96xf32, #tpu.memory_space<hbm>> -> memref<20x2x96xf32, #tpu.memory_space<hbm>>
      tpu.enqueue_dma source(%dma_start3A_236 : memref<20x2x96xf32, #tpu.memory_space<hbm>>) target(%dma_start3A_232 : memref<20x2x96xf32, #tpu.memory_space<vmem>>) target_semaphore(%arg13 : memref<!tpu.dma_semaphore, #tpu.memory_space<semaphore_mem>>)
      %add3A_237 = arith.constant 11 : i32
      %add3A_238 = arith.addi %squeeze3A_35, %add3A_237 : i32
      %dma_start3A_239 = arith.constant 220 : i32
      %dma_start3A_240 = arith.constant 0 : i32
      %dma_start3A_241 = arith.constant 0 : i32
      %dma_start3A_242 = tpu.memref_slice %arg11[%dma_start3A_239, %dma_start3A_240, %dma_start3A_241] : memref<560x2x96xf32, #tpu.memory_space<vmem>> -> memref<20x2x96xf32, #tpu.memory_space<vmem>>
      %dma_start3A_243 = arith.constant 0 : i32
      %dma_start3A_244 = arith.constant 0 : i32
      %dma_start3A_245 = tpu.memref_slice %arg2[%squeeze3A, %add3A_238, %squeeze3A_37, %dma_start3A_243, %dma_start3A_244] : memref<4x96x96x2x96xf32, #tpu.memory_space<hbm>> -> memref<1x1x20x2x96xf32, #tpu.memory_space<hbm>>
      %dma_start3A_246 = tpu.memref_squeeze %dma_start3A_245 : memref<1x1x20x2x96xf32, #tpu.memory_space<hbm>> -> memref<20x2x96xf32, #tpu.memory_space<hbm>>
      %dma_start3A_247 = arith.constant 220 : i32
      %dma_start3A_248 = arith.constant 0 : i32
      %dma_start3A_249 = arith.constant 0 : i32
      %dma_start3A_250 = tpu.memref_slice %arg11[%dma_start3A_247, %dma_start3A_248, %dma_start3A_249] : memref<560x2x96xf32, #tpu.memory_space<vmem>> -> memref<20x2x96xf32, #tpu.memory_space<vmem>>
      %dma_start3A_251 = arith.constant 0 : i32
      %dma_start3A_252 = arith.constant 0 : i32
      %dma_start3A_253 = tpu.memref_slice %arg2[%squeeze3A, %add3A_238, %squeeze3A_37, %dma_start3A_251, %dma_start3A_252] : memref<4x96x96x2x96xf32, #tpu.memory_space<hbm>> -> memref<1x1x20x2x96xf32, #tpu.memory_space<hbm>>
      %dma_start3A_254 = tpu.memref_squeeze %dma_start3A_253 : memref<1x1x20x2x96xf32, #tpu.memory_space<hbm>> -> memref<20x2x96xf32, #tpu.memory_space<hbm>>
      tpu.enqueue_dma source(%dma_start3A_254 : memref<20x2x96xf32, #tpu.memory_space<hbm>>) target(%dma_start3A_250 : memref<20x2x96xf32, #tpu.memory_space<vmem>>) target_semaphore(%arg13 : memref<!tpu.dma_semaphore, #tpu.memory_space<semaphore_mem>>)
      %add3A_255 = arith.constant 12 : i32
      %add3A_256 = arith.addi %squeeze3A_35, %add3A_255 : i32
      %dma_start3A_257 = arith.constant 240 : i32
      %dma_start3A_258 = arith.constant 0 : i32
      %dma_start3A_259 = arith.constant 0 : i32
      %dma_start3A_260 = tpu.memref_slice %arg11[%dma_start3A_257, %dma_start3A_258, %dma_start3A_259] : memref<560x2x96xf32, #tpu.memory_space<vmem>> -> memref<20x2x96xf32, #tpu.memory_space<vmem>>
      %dma_start3A_261 = arith.constant 0 : i32
      %dma_start3A_262 = arith.constant 0 : i32
      %dma_start3A_263 = tpu.memref_slice %arg2[%squeeze3A, %add3A_256, %squeeze3A_37, %dma_start3A_261, %dma_start3A_262] : memref<4x96x96x2x96xf32, #tpu.memory_space<hbm>> -> memref<1x1x20x2x96xf32, #tpu.memory_space<hbm>>
      %dma_start3A_264 = tpu.memref_squeeze %dma_start3A_263 : memref<1x1x20x2x96xf32, #tpu.memory_space<hbm>> -> memref<20x2x96xf32, #tpu.memory_space<hbm>>
      %dma_start3A_265 = arith.constant 240 : i32
      %dma_start3A_266 = arith.constant 0 : i32
      %dma_start3A_267 = arith.constant 0 : i32
      %dma_start3A_268 = tpu.memref_slice %arg11[%dma_start3A_265, %dma_start3A_266, %dma_start3A_267] : memref<560x2x96xf32, #tpu.memory_space<vmem>> -> memref<20x2x96xf32, #tpu.memory_space<vmem>>
      %dma_start3A_269 = arith.constant 0 : i32
      %dma_start3A_270 = arith.constant 0 : i32
      %dma_start3A_271 = tpu.memref_slice %arg2[%squeeze3A, %add3A_256, %squeeze3A_37, %dma_start3A_269, %dma_start3A_270] : memref<4x96x96x2x96xf32, #tpu.memory_space<hbm>> -> memref<1x1x20x2x96xf32, #tpu.memory_space<hbm>>
      %dma_start3A_272 = tpu.memref_squeeze %dma_start3A_271 : memref<1x1x20x2x96xf32, #tpu.memory_space<hbm>> -> memref<20x2x96xf32, #tpu.memory_space<hbm>>
      tpu.enqueue_dma source(%dma_start3A_272 : memref<20x2x96xf32, #tpu.memory_space<hbm>>) target(%dma_start3A_268 : memref<20x2x96xf32, #tpu.memory_space<vmem>>) target_semaphore(%arg13 : memref<!tpu.dma_semaphore, #tpu.memory_space<semaphore_mem>>)
      %add3A_273 = arith.constant 13 : i32
      %add3A_274 = arith.addi %squeeze3A_35, %add3A_273 : i32
      %dma_start3A_275 = arith.constant 260 : i32
      %dma_start3A_276 = arith.constant 0 : i32
      %dma_start3A_277 = arith.constant 0 : i32
      %dma_start3A_278 = tpu.memref_slice %arg11[%dma_start3A_275, %dma_start3A_276, %dma_start3A_277] : memref<560x2x96xf32, #tpu.memory_space<vmem>> -> memref<20x2x96xf32, #tpu.memory_space<vmem>>
      %dma_start3A_279 = arith.constant 0 : i32
      %dma_start3A_280 = arith.constant 0 : i32
      %dma_start3A_281 = tpu.memref_slice %arg2[%squeeze3A, %add3A_274, %squeeze3A_37, %dma_start3A_279, %dma_start3A_280] : memref<4x96x96x2x96xf32, #tpu.memory_space<hbm>> -> memref<1x1x20x2x96xf32, #tpu.memory_space<hbm>>
      %dma_start3A_282 = tpu.memref_squeeze %dma_start3A_281 : memref<1x1x20x2x96xf32, #tpu.memory_space<hbm>> -> memref<20x2x96xf32, #tpu.memory_space<hbm>>
      %dma_start3A_283 = arith.constant 260 : i32
      %dma_start3A_284 = arith.constant 0 : i32
      %dma_start3A_285 = arith.constant 0 : i32
      %dma_start3A_286 = tpu.memref_slice %arg11[%dma_start3A_283, %dma_start3A_284, %dma_start3A_285] : memref<560x2x96xf32, #tpu.memory_space<vmem>> -> memref<20x2x96xf32, #tpu.memory_space<vmem>>
      %dma_start3A_287 = arith.constant 0 : i32
      %dma_start3A_288 = arith.constant 0 : i32
      %dma_start3A_289 = tpu.memref_slice %arg2[%squeeze3A, %add3A_274, %squeeze3A_37, %dma_start3A_287, %dma_start3A_288] : memref<4x96x96x2x96xf32, #tpu.memory_space<hbm>> -> memref<1x1x20x2x96xf32, #tpu.memory_space<hbm>>
      %dma_start3A_290 = tpu.memref_squeeze %dma_start3A_289 : memref<1x1x20x2x96xf32, #tpu.memory_space<hbm>> -> memref<20x2x96xf32, #tpu.memory_space<hbm>>
      tpu.enqueue_dma source(%dma_start3A_290 : memref<20x2x96xf32, #tpu.memory_space<hbm>>) target(%dma_start3A_286 : memref<20x2x96xf32, #tpu.memory_space<vmem>>) target_semaphore(%arg13 : memref<!tpu.dma_semaphore, #tpu.memory_space<semaphore_mem>>)
      %add3A_291 = arith.constant 14 : i32
      %add3A_292 = arith.addi %squeeze3A_35, %add3A_291 : i32
      %dma_start3A_293 = arith.constant 280 : i32
      %dma_start3A_294 = arith.constant 0 : i32
      %dma_start3A_295 = arith.constant 0 : i32
      %dma_start3A_296 = tpu.memref_slice %arg11[%dma_start3A_293, %dma_start3A_294, %dma_start3A_295] : memref<560x2x96xf32, #tpu.memory_space<vmem>> -> memref<20x2x96xf32, #tpu.memory_space<vmem>>
      %dma_start3A_297 = arith.constant 0 : i32
      %dma_start3A_298 = arith.constant 0 : i32
      %dma_start3A_299 = tpu.memref_slice %arg2[%squeeze3A, %add3A_292, %squeeze3A_37, %dma_start3A_297, %dma_start3A_298] : memref<4x96x96x2x96xf32, #tpu.memory_space<hbm>> -> memref<1x1x20x2x96xf32, #tpu.memory_space<hbm>>
      %dma_start3A_300 = tpu.memref_squeeze %dma_start3A_299 : memref<1x1x20x2x96xf32, #tpu.memory_space<hbm>> -> memref<20x2x96xf32, #tpu.memory_space<hbm>>
      %dma_start3A_301 = arith.constant 280 : i32
      %dma_start3A_302 = arith.constant 0 : i32
      %dma_start3A_303 = arith.constant 0 : i32
      %dma_start3A_304 = tpu.memref_slice %arg11[%dma_start3A_301, %dma_start3A_302, %dma_start3A_303] : memref<560x2x96xf32, #tpu.memory_space<vmem>> -> memref<20x2x96xf32, #tpu.memory_space<vmem>>
      %dma_start3A_305 = arith.constant 0 : i32
      %dma_start3A_306 = arith.constant 0 : i32
      %dma_start3A_307 = tpu.memref_slice %arg2[%squeeze3A, %add3A_292, %squeeze3A_37, %dma_start3A_305, %dma_start3A_306] : memref<4x96x96x2x96xf32, #tpu.memory_space<hbm>> -> memref<1x1x20x2x96xf32, #tpu.memory_space<hbm>>
      %dma_start3A_308 = tpu.memref_squeeze %dma_start3A_307 : memref<1x1x20x2x96xf32, #tpu.memory_space<hbm>> -> memref<20x2x96xf32, #tpu.memory_space<hbm>>
      tpu.enqueue_dma source(%dma_start3A_308 : memref<20x2x96xf32, #tpu.memory_space<hbm>>) target(%dma_start3A_304 : memref<20x2x96xf32, #tpu.memory_space<vmem>>) target_semaphore(%arg13 : memref<!tpu.dma_semaphore, #tpu.memory_space<semaphore_mem>>)
      %add3A_309 = arith.constant 15 : i32
      %add3A_310 = arith.addi %squeeze3A_35, %add3A_309 : i32
      %dma_start3A_311 = arith.constant 300 : i32
      %dma_start3A_312 = arith.constant 0 : i32
      %dma_start3A_313 = arith.constant 0 : i32
      %dma_start3A_314 = tpu.memref_slice %arg11[%dma_start3A_311, %dma_start3A_312, %dma_start3A_313] : memref<560x2x96xf32, #tpu.memory_space<vmem>> -> memref<20x2x96xf32, #tpu.memory_space<vmem>>
      %dma_start3A_315 = arith.constant 0 : i32
      %dma_start3A_316 = arith.constant 0 : i32
      %dma_start3A_317 = tpu.memref_slice %arg2[%squeeze3A, %add3A_310, %squeeze3A_37, %dma_start3A_315, %dma_start3A_316] : memref<4x96x96x2x96xf32, #tpu.memory_space<hbm>> -> memref<1x1x20x2x96xf32, #tpu.memory_space<hbm>>
      %dma_start3A_318 = tpu.memref_squeeze %dma_start3A_317 : memref<1x1x20x2x96xf32, #tpu.memory_space<hbm>> -> memref<20x2x96xf32, #tpu.memory_space<hbm>>
      %dma_start3A_319 = arith.constant 300 : i32
      %dma_start3A_320 = arith.constant 0 : i32
      %dma_start3A_321 = arith.constant 0 : i32
      %dma_start3A_322 = tpu.memref_slice %arg11[%dma_start3A_319, %dma_start3A_320, %dma_start3A_321] : memref<560x2x96xf32, #tpu.memory_space<vmem>> -> memref<20x2x96xf32, #tpu.memory_space<vmem>>
      %dma_start3A_323 = arith.constant 0 : i32
      %dma_start3A_324 = arith.constant 0 : i32
      %dma_start3A_325 = tpu.memref_slice %arg2[%squeeze3A, %add3A_310, %squeeze3A_37, %dma_start3A_323, %dma_start3A_324] : memref<4x96x96x2x96xf32, #tpu.memory_space<hbm>> -> memref<1x1x20x2x96xf32, #tpu.memory_space<hbm>>
      %dma_start3A_326 = tpu.memref_squeeze %dma_start3A_325 : memref<1x1x20x2x96xf32, #tpu.memory_space<hbm>> -> memref<20x2x96xf32, #tpu.memory_space<hbm>>
      tpu.enqueue_dma source(%dma_start3A_326 : memref<20x2x96xf32, #tpu.memory_space<hbm>>) target(%dma_start3A_322 : memref<20x2x96xf32, #tpu.memory_space<vmem>>) target_semaphore(%arg13 : memref<!tpu.dma_semaphore, #tpu.memory_space<semaphore_mem>>)
      %add3A_327 = arith.constant 16 : i32
      %add3A_328 = arith.addi %squeeze3A_35, %add3A_327 : i32
      %dma_start3A_329 = arith.constant 320 : i32
      %dma_start3A_330 = arith.constant 0 : i32
      %dma_start3A_331 = arith.constant 0 : i32
      %dma_start3A_332 = tpu.memref_slice %arg11[%dma_start3A_329, %dma_start3A_330, %dma_start3A_331] : memref<560x2x96xf32, #tpu.memory_space<vmem>> -> memref<20x2x96xf32, #tpu.memory_space<vmem>>
      %dma_start3A_333 = arith.constant 0 : i32
      %dma_start3A_334 = arith.constant 0 : i32
      %dma_start3A_335 = tpu.memref_slice %arg2[%squeeze3A, %add3A_328, %squeeze3A_37, %dma_start3A_333, %dma_start3A_334] : memref<4x96x96x2x96xf32, #tpu.memory_space<hbm>> -> memref<1x1x20x2x96xf32, #tpu.memory_space<hbm>>
      %dma_start3A_336 = tpu.memref_squeeze %dma_start3A_335 : memref<1x1x20x2x96xf32, #tpu.memory_space<hbm>> -> memref<20x2x96xf32, #tpu.memory_space<hbm>>
      %dma_start3A_337 = arith.constant 320 : i32
      %dma_start3A_338 = arith.constant 0 : i32
      %dma_start3A_339 = arith.constant 0 : i32
      %dma_start3A_340 = tpu.memref_slice %arg11[%dma_start3A_337, %dma_start3A_338, %dma_start3A_339] : memref<560x2x96xf32, #tpu.memory_space<vmem>> -> memref<20x2x96xf32, #tpu.memory_space<vmem>>
      %dma_start3A_341 = arith.constant 0 : i32
      %dma_start3A_342 = arith.constant 0 : i32
      %dma_start3A_343 = tpu.memref_slice %arg2[%squeeze3A, %add3A_328, %squeeze3A_37, %dma_start3A_341, %dma_start3A_342] : memref<4x96x96x2x96xf32, #tpu.memory_space<hbm>> -> memref<1x1x20x2x96xf32, #tpu.memory_space<hbm>>
      %dma_start3A_344 = tpu.memref_squeeze %dma_start3A_343 : memref<1x1x20x2x96xf32, #tpu.memory_space<hbm>> -> memref<20x2x96xf32, #tpu.memory_space<hbm>>
      tpu.enqueue_dma source(%dma_start3A_344 : memref<20x2x96xf32, #tpu.memory_space<hbm>>) target(%dma_start3A_340 : memref<20x2x96xf32, #tpu.memory_space<vmem>>) target_semaphore(%arg13 : memref<!tpu.dma_semaphore, #tpu.memory_space<semaphore_mem>>)
      %add3A_345 = arith.constant 17 : i32
      %add3A_346 = arith.addi %squeeze3A_35, %add3A_345 : i32
      %dma_start3A_347 = arith.constant 340 : i32
      %dma_start3A_348 = arith.constant 0 : i32
      %dma_start3A_349 = arith.constant 0 : i32
      %dma_start3A_350 = tpu.memref_slice %arg11[%dma_start3A_347, %dma_start3A_348, %dma_start3A_349] : memref<560x2x96xf32, #tpu.memory_space<vmem>> -> memref<20x2x96xf32, #tpu.memory_space<vmem>>
      %dma_start3A_351 = arith.constant 0 : i32
      %dma_start3A_352 = arith.constant 0 : i32
      %dma_start3A_353 = tpu.memref_slice %arg2[%squeeze3A, %add3A_346, %squeeze3A_37, %dma_start3A_351, %dma_start3A_352] : memref<4x96x96x2x96xf32, #tpu.memory_space<hbm>> -> memref<1x1x20x2x96xf32, #tpu.memory_space<hbm>>
      %dma_start3A_354 = tpu.memref_squeeze %dma_start3A_353 : memref<1x1x20x2x96xf32, #tpu.memory_space<hbm>> -> memref<20x2x96xf32, #tpu.memory_space<hbm>>
      %dma_start3A_355 = arith.constant 340 : i32
      %dma_start3A_356 = arith.constant 0 : i32
      %dma_start3A_357 = arith.constant 0 : i32
      %dma_start3A_358 = tpu.memref_slice %arg11[%dma_start3A_355, %dma_start3A_356, %dma_start3A_357] : memref<560x2x96xf32, #tpu.memory_space<vmem>> -> memref<20x2x96xf32, #tpu.memory_space<vmem>>
      %dma_start3A_359 = arith.constant 0 : i32
      %dma_start3A_360 = arith.constant 0 : i32
      %dma_start3A_361 = tpu.memref_slice %arg2[%squeeze3A, %add3A_346, %squeeze3A_37, %dma_start3A_359, %dma_start3A_360] : memref<4x96x96x2x96xf32, #tpu.memory_space<hbm>> -> memref<1x1x20x2x96xf32, #tpu.memory_space<hbm>>
      %dma_start3A_362 = tpu.memref_squeeze %dma_start3A_361 : memref<1x1x20x2x96xf32, #tpu.memory_space<hbm>> -> memref<20x2x96xf32, #tpu.memory_space<hbm>>
      tpu.enqueue_dma source(%dma_start3A_362 : memref<20x2x96xf32, #tpu.memory_space<hbm>>) target(%dma_start3A_358 : memref<20x2x96xf32, #tpu.memory_space<vmem>>) target_semaphore(%arg13 : memref<!tpu.dma_semaphore, #tpu.memory_space<semaphore_mem>>)
      %add3A_363 = arith.constant 18 : i32
      %add3A_364 = arith.addi %squeeze3A_35, %add3A_363 : i32
      %dma_start3A_365 = arith.constant 360 : i32
      %dma_start3A_366 = arith.constant 0 : i32
      %dma_start3A_367 = arith.constant 0 : i32
      %dma_start3A_368 = tpu.memref_slice %arg11[%dma_start3A_365, %dma_start3A_366, %dma_start3A_367] : memref<560x2x96xf32, #tpu.memory_space<vmem>> -> memref<20x2x96xf32, #tpu.memory_space<vmem>>
      %dma_start3A_369 = arith.constant 0 : i32
      %dma_start3A_370 = arith.constant 0 : i32
      %dma_start3A_371 = tpu.memref_slice %arg2[%squeeze3A, %add3A_364, %squeeze3A_37, %dma_start3A_369, %dma_start3A_370] : memref<4x96x96x2x96xf32, #tpu.memory_space<hbm>> -> memref<1x1x20x2x96xf32, #tpu.memory_space<hbm>>
      %dma_start3A_372 = tpu.memref_squeeze %dma_start3A_371 : memref<1x1x20x2x96xf32, #tpu.memory_space<hbm>> -> memref<20x2x96xf32, #tpu.memory_space<hbm>>
      %dma_start3A_373 = arith.constant 360 : i32
      %dma_start3A_374 = arith.constant 0 : i32
      %dma_start3A_375 = arith.constant 0 : i32
      %dma_start3A_376 = tpu.memref_slice %arg11[%dma_start3A_373, %dma_start3A_374, %dma_start3A_375] : memref<560x2x96xf32, #tpu.memory_space<vmem>> -> memref<20x2x96xf32, #tpu.memory_space<vmem>>
      %dma_start3A_377 = arith.constant 0 : i32
      %dma_start3A_378 = arith.constant 0 : i32
      %dma_start3A_379 = tpu.memref_slice %arg2[%squeeze3A, %add3A_364, %squeeze3A_37, %dma_start3A_377, %dma_start3A_378] : memref<4x96x96x2x96xf32, #tpu.memory_space<hbm>> -> memref<1x1x20x2x96xf32, #tpu.memory_space<hbm>>
      %dma_start3A_380 = tpu.memref_squeeze %dma_start3A_379 : memref<1x1x20x2x96xf32, #tpu.memory_space<hbm>> -> memref<20x2x96xf32, #tpu.memory_space<hbm>>
      tpu.enqueue_dma source(%dma_start3A_380 : memref<20x2x96xf32, #tpu.memory_space<hbm>>) target(%dma_start3A_376 : memref<20x2x96xf32, #tpu.memory_space<vmem>>) target_semaphore(%arg13 : memref<!tpu.dma_semaphore, #tpu.memory_space<semaphore_mem>>)
      %add3A_381 = arith.constant 19 : i32
      %add3A_382 = arith.addi %squeeze3A_35, %add3A_381 : i32
      %dma_start3A_383 = arith.constant 380 : i32
      %dma_start3A_384 = arith.constant 0 : i32
      %dma_start3A_385 = arith.constant 0 : i32
      %dma_start3A_386 = tpu.memref_slice %arg11[%dma_start3A_383, %dma_start3A_384, %dma_start3A_385] : memref<560x2x96xf32, #tpu.memory_space<vmem>> -> memref<20x2x96xf32, #tpu.memory_space<vmem>>
      %dma_start3A_387 = arith.constant 0 : i32
      %dma_start3A_388 = arith.constant 0 : i32
      %dma_start3A_389 = tpu.memref_slice %arg2[%squeeze3A, %add3A_382, %squeeze3A_37, %dma_start3A_387, %dma_start3A_388] : memref<4x96x96x2x96xf32, #tpu.memory_space<hbm>> -> memref<1x1x20x2x96xf32, #tpu.memory_space<hbm>>
      %dma_start3A_390 = tpu.memref_squeeze %dma_start3A_389 : memref<1x1x20x2x96xf32, #tpu.memory_space<hbm>> -> memref<20x2x96xf32, #tpu.memory_space<hbm>>
      %dma_start3A_391 = arith.constant 380 : i32
      %dma_start3A_392 = arith.constant 0 : i32
      %dma_start3A_393 = arith.constant 0 : i32
      %dma_start3A_394 = tpu.memref_slice %arg11[%dma_start3A_391, %dma_start3A_392, %dma_start3A_393] : memref<560x2x96xf32, #tpu.memory_space<vmem>> -> memref<20x2x96xf32, #tpu.memory_space<vmem>>
      %dma_start3A_395 = arith.constant 0 : i32
      %dma_start3A_396 = arith.constant 0 : i32
      %dma_start3A_397 = tpu.memref_slice %arg2[%squeeze3A, %add3A_382, %squeeze3A_37, %dma_start3A_395, %dma_start3A_396] : memref<4x96x96x2x96xf32, #tpu.memory_space<hbm>> -> memref<1x1x20x2x96xf32, #tpu.memory_space<hbm>>
      %dma_start3A_398 = tpu.memref_squeeze %dma_start3A_397 : memref<1x1x20x2x96xf32, #tpu.memory_space<hbm>> -> memref<20x2x96xf32, #tpu.memory_space<hbm>>
      tpu.enqueue_dma source(%dma_start3A_398 : memref<20x2x96xf32, #tpu.memory_space<hbm>>) target(%dma_start3A_394 : memref<20x2x96xf32, #tpu.memory_space<vmem>>) target_semaphore(%arg13 : memref<!tpu.dma_semaphore, #tpu.memory_space<semaphore_mem>>)
      %add3A_399 = arith.constant 20 : i32
      %add3A_400 = arith.addi %squeeze3A_35, %add3A_399 : i32
      %dma_start3A_401 = arith.constant 400 : i32
      %dma_start3A_402 = arith.constant 0 : i32
      %dma_start3A_403 = arith.constant 0 : i32
      %dma_start3A_404 = tpu.memref_slice %arg11[%dma_start3A_401, %dma_start3A_402, %dma_start3A_403] : memref<560x2x96xf32, #tpu.memory_space<vmem>> -> memref<20x2x96xf32, #tpu.memory_space<vmem>>
      %dma_start3A_405 = arith.constant 0 : i32
      %dma_start3A_406 = arith.constant 0 : i32
      %dma_start3A_407 = tpu.memref_slice %arg2[%squeeze3A, %add3A_400, %squeeze3A_37, %dma_start3A_405, %dma_start3A_406] : memref<4x96x96x2x96xf32, #tpu.memory_space<hbm>> -> memref<1x1x20x2x96xf32, #tpu.memory_space<hbm>>
      %dma_start3A_408 = tpu.memref_squeeze %dma_start3A_407 : memref<1x1x20x2x96xf32, #tpu.memory_space<hbm>> -> memref<20x2x96xf32, #tpu.memory_space<hbm>>
      %dma_start3A_409 = arith.constant 400 : i32
      %dma_start3A_410 = arith.constant 0 : i32
      %dma_start3A_411 = arith.constant 0 : i32
      %dma_start3A_412 = tpu.memref_slice %arg11[%dma_start3A_409, %dma_start3A_410, %dma_start3A_411] : memref<560x2x96xf32, #tpu.memory_space<vmem>> -> memref<20x2x96xf32, #tpu.memory_space<vmem>>
      %dma_start3A_413 = arith.constant 0 : i32
      %dma_start3A_414 = arith.constant 0 : i32
      %dma_start3A_415 = tpu.memref_slice %arg2[%squeeze3A, %add3A_400, %squeeze3A_37, %dma_start3A_413, %dma_start3A_414] : memref<4x96x96x2x96xf32, #tpu.memory_space<hbm>> -> memref<1x1x20x2x96xf32, #tpu.memory_space<hbm>>
      %dma_start3A_416 = tpu.memref_squeeze %dma_start3A_415 : memref<1x1x20x2x96xf32, #tpu.memory_space<hbm>> -> memref<20x2x96xf32, #tpu.memory_space<hbm>>
      tpu.enqueue_dma source(%dma_start3A_416 : memref<20x2x96xf32, #tpu.memory_space<hbm>>) target(%dma_start3A_412 : memref<20x2x96xf32, #tpu.memory_space<vmem>>) target_semaphore(%arg13 : memref<!tpu.dma_semaphore, #tpu.memory_space<semaphore_mem>>)
      %add3A_417 = arith.constant 21 : i32
      %add3A_418 = arith.addi %squeeze3A_35, %add3A_417 : i32
      %dma_start3A_419 = arith.constant 420 : i32
      %dma_start3A_420 = arith.constant 0 : i32
      %dma_start3A_421 = arith.constant 0 : i32
      %dma_start3A_422 = tpu.memref_slice %arg11[%dma_start3A_419, %dma_start3A_420, %dma_start3A_421] : memref<560x2x96xf32, #tpu.memory_space<vmem>> -> memref<20x2x96xf32, #tpu.memory_space<vmem>>
      %dma_start3A_423 = arith.constant 0 : i32
      %dma_start3A_424 = arith.constant 0 : i32
      %dma_start3A_425 = tpu.memref_slice %arg2[%squeeze3A, %add3A_418, %squeeze3A_37, %dma_start3A_423, %dma_start3A_424] : memref<4x96x96x2x96xf32, #tpu.memory_space<hbm>> -> memref<1x1x20x2x96xf32, #tpu.memory_space<hbm>>
      %dma_start3A_426 = tpu.memref_squeeze %dma_start3A_425 : memref<1x1x20x2x96xf32, #tpu.memory_space<hbm>> -> memref<20x2x96xf32, #tpu.memory_space<hbm>>
      %dma_start3A_427 = arith.constant 420 : i32
      %dma_start3A_428 = arith.constant 0 : i32
      %dma_start3A_429 = arith.constant 0 : i32
      %dma_start3A_430 = tpu.memref_slice %arg11[%dma_start3A_427, %dma_start3A_428, %dma_start3A_429] : memref<560x2x96xf32, #tpu.memory_space<vmem>> -> memref<20x2x96xf32, #tpu.memory_space<vmem>>
      %dma_start3A_431 = arith.constant 0 : i32
      %dma_start3A_432 = arith.constant 0 : i32
      %dma_start3A_433 = tpu.memref_slice %arg2[%squeeze3A, %add3A_418, %squeeze3A_37, %dma_start3A_431, %dma_start3A_432] : memref<4x96x96x2x96xf32, #tpu.memory_space<hbm>> -> memref<1x1x20x2x96xf32, #tpu.memory_space<hbm>>
      %dma_start3A_434 = tpu.memref_squeeze %dma_start3A_433 : memref<1x1x20x2x96xf32, #tpu.memory_space<hbm>> -> memref<20x2x96xf32, #tpu.memory_space<hbm>>
      tpu.enqueue_dma source(%dma_start3A_434 : memref<20x2x96xf32, #tpu.memory_space<hbm>>) target(%dma_start3A_430 : memref<20x2x96xf32, #tpu.memory_space<vmem>>) target_semaphore(%arg13 : memref<!tpu.dma_semaphore, #tpu.memory_space<semaphore_mem>>)
      %add3A_435 = arith.constant 22 : i32
      %add3A_436 = arith.addi %squeeze3A_35, %add3A_435 : i32
      %dma_start3A_437 = arith.constant 440 : i32
      %dma_start3A_438 = arith.constant 0 : i32
      %dma_start3A_439 = arith.constant 0 : i32
      %dma_start3A_440 = tpu.memref_slice %arg11[%dma_start3A_437, %dma_start3A_438, %dma_start3A_439] : memref<560x2x96xf32, #tpu.memory_space<vmem>> -> memref<20x2x96xf32, #tpu.memory_space<vmem>>
      %dma_start3A_441 = arith.constant 0 : i32
      %dma_start3A_442 = arith.constant 0 : i32
      %dma_start3A_443 = tpu.memref_slice %arg2[%squeeze3A, %add3A_436, %squeeze3A_37, %dma_start3A_441, %dma_start3A_442] : memref<4x96x96x2x96xf32, #tpu.memory_space<hbm>> -> memref<1x1x20x2x96xf32, #tpu.memory_space<hbm>>
      %dma_start3A_444 = tpu.memref_squeeze %dma_start3A_443 : memref<1x1x20x2x96xf32, #tpu.memory_space<hbm>> -> memref<20x2x96xf32, #tpu.memory_space<hbm>>
      %dma_start3A_445 = arith.constant 440 : i32
      %dma_start3A_446 = arith.constant 0 : i32
      %dma_start3A_447 = arith.constant 0 : i32
      %dma_start3A_448 = tpu.memref_slice %arg11[%dma_start3A_445, %dma_start3A_446, %dma_start3A_447] : memref<560x2x96xf32, #tpu.memory_space<vmem>> -> memref<20x2x96xf32, #tpu.memory_space<vmem>>
      %dma_start3A_449 = arith.constant 0 : i32
      %dma_start3A_450 = arith.constant 0 : i32
      %dma_start3A_451 = tpu.memref_slice %arg2[%squeeze3A, %add3A_436, %squeeze3A_37, %dma_start3A_449, %dma_start3A_450] : memref<4x96x96x2x96xf32, #tpu.memory_space<hbm>> -> memref<1x1x20x2x96xf32, #tpu.memory_space<hbm>>
      %dma_start3A_452 = tpu.memref_squeeze %dma_start3A_451 : memref<1x1x20x2x96xf32, #tpu.memory_space<hbm>> -> memref<20x2x96xf32, #tpu.memory_space<hbm>>
      tpu.enqueue_dma source(%dma_start3A_452 : memref<20x2x96xf32, #tpu.memory_space<hbm>>) target(%dma_start3A_448 : memref<20x2x96xf32, #tpu.memory_space<vmem>>) target_semaphore(%arg13 : memref<!tpu.dma_semaphore, #tpu.memory_space<semaphore_mem>>)
      %add3A_453 = arith.constant 23 : i32
      %add3A_454 = arith.addi %squeeze3A_35, %add3A_453 : i32
      %dma_start3A_455 = arith.constant 460 : i32
      %dma_start3A_456 = arith.constant 0 : i32
      %dma_start3A_457 = arith.constant 0 : i32
      %dma_start3A_458 = tpu.memref_slice %arg11[%dma_start3A_455, %dma_start3A_456, %dma_start3A_457] : memref<560x2x96xf32, #tpu.memory_space<vmem>> -> memref<20x2x96xf32, #tpu.memory_space<vmem>>
      %dma_start3A_459 = arith.constant 0 : i32
      %dma_start3A_460 = arith.constant 0 : i32
      %dma_start3A_461 = tpu.memref_slice %arg2[%squeeze3A, %add3A_454, %squeeze3A_37, %dma_start3A_459, %dma_start3A_460] : memref<4x96x96x2x96xf32, #tpu.memory_space<hbm>> -> memref<1x1x20x2x96xf32, #tpu.memory_space<hbm>>
      %dma_start3A_462 = tpu.memref_squeeze %dma_start3A_461 : memref<1x1x20x2x96xf32, #tpu.memory_space<hbm>> -> memref<20x2x96xf32, #tpu.memory_space<hbm>>
      %dma_start3A_463 = arith.constant 460 : i32
      %dma_start3A_464 = arith.constant 0 : i32
      %dma_start3A_465 = arith.constant 0 : i32
      %dma_start3A_466 = tpu.memref_slice %arg11[%dma_start3A_463, %dma_start3A_464, %dma_start3A_465] : memref<560x2x96xf32, #tpu.memory_space<vmem>> -> memref<20x2x96xf32, #tpu.memory_space<vmem>>
      %dma_start3A_467 = arith.constant 0 : i32
      %dma_start3A_468 = arith.constant 0 : i32
      %dma_start3A_469 = tpu.memref_slice %arg2[%squeeze3A, %add3A_454, %squeeze3A_37, %dma_start3A_467, %dma_start3A_468] : memref<4x96x96x2x96xf32, #tpu.memory_space<hbm>> -> memref<1x1x20x2x96xf32, #tpu.memory_space<hbm>>
      %dma_start3A_470 = tpu.memref_squeeze %dma_start3A_469 : memref<1x1x20x2x96xf32, #tpu.memory_space<hbm>> -> memref<20x2x96xf32, #tpu.memory_space<hbm>>
      tpu.enqueue_dma source(%dma_start3A_470 : memref<20x2x96xf32, #tpu.memory_space<hbm>>) target(%dma_start3A_466 : memref<20x2x96xf32, #tpu.memory_space<vmem>>) target_semaphore(%arg13 : memref<!tpu.dma_semaphore, #tpu.memory_space<semaphore_mem>>)
      %add3A_471 = arith.constant 24 : i32
      %add3A_472 = arith.addi %squeeze3A_35, %add3A_471 : i32
      %dma_start3A_473 = arith.constant 480 : i32
      %dma_start3A_474 = arith.constant 0 : i32
      %dma_start3A_475 = arith.constant 0 : i32
      %dma_start3A_476 = tpu.memref_slice %arg11[%dma_start3A_473, %dma_start3A_474, %dma_start3A_475] : memref<560x2x96xf32, #tpu.memory_space<vmem>> -> memref<20x2x96xf32, #tpu.memory_space<vmem>>
      %dma_start3A_477 = arith.constant 0 : i32
      %dma_start3A_478 = arith.constant 0 : i32
      %dma_start3A_479 = tpu.memref_slice %arg2[%squeeze3A, %add3A_472, %squeeze3A_37, %dma_start3A_477, %dma_start3A_478] : memref<4x96x96x2x96xf32, #tpu.memory_space<hbm>> -> memref<1x1x20x2x96xf32, #tpu.memory_space<hbm>>
      %dma_start3A_480 = tpu.memref_squeeze %dma_start3A_479 : memref<1x1x20x2x96xf32, #tpu.memory_space<hbm>> -> memref<20x2x96xf32, #tpu.memory_space<hbm>>
      %dma_start3A_481 = arith.constant 480 : i32
      %dma_start3A_482 = arith.constant 0 : i32
      %dma_start3A_483 = arith.constant 0 : i32
      %dma_start3A_484 = tpu.memref_slice %arg11[%dma_start3A_481, %dma_start3A_482, %dma_start3A_483] : memref<560x2x96xf32, #tpu.memory_space<vmem>> -> memref<20x2x96xf32, #tpu.memory_space<vmem>>
      %dma_start3A_485 = arith.constant 0 : i32
      %dma_start3A_486 = arith.constant 0 : i32
      %dma_start3A_487 = tpu.memref_slice %arg2[%squeeze3A, %add3A_472, %squeeze3A_37, %dma_start3A_485, %dma_start3A_486] : memref<4x96x96x2x96xf32, #tpu.memory_space<hbm>> -> memref<1x1x20x2x96xf32, #tpu.memory_space<hbm>>
      %dma_start3A_488 = tpu.memref_squeeze %dma_start3A_487 : memref<1x1x20x2x96xf32, #tpu.memory_space<hbm>> -> memref<20x2x96xf32, #tpu.memory_space<hbm>>
      tpu.enqueue_dma source(%dma_start3A_488 : memref<20x2x96xf32, #tpu.memory_space<hbm>>) target(%dma_start3A_484 : memref<20x2x96xf32, #tpu.memory_space<vmem>>) target_semaphore(%arg13 : memref<!tpu.dma_semaphore, #tpu.memory_space<semaphore_mem>>)
      %add3A_489 = arith.constant 25 : i32
      %add3A_490 = arith.addi %squeeze3A_35, %add3A_489 : i32
      %dma_start3A_491 = arith.constant 500 : i32
      %dma_start3A_492 = arith.constant 0 : i32
      %dma_start3A_493 = arith.constant 0 : i32
      %dma_start3A_494 = tpu.memref_slice %arg11[%dma_start3A_491, %dma_start3A_492, %dma_start3A_493] : memref<560x2x96xf32, #tpu.memory_space<vmem>> -> memref<20x2x96xf32, #tpu.memory_space<vmem>>
      %dma_start3A_495 = arith.constant 0 : i32
      %dma_start3A_496 = arith.constant 0 : i32
      %dma_start3A_497 = tpu.memref_slice %arg2[%squeeze3A, %add3A_490, %squeeze3A_37, %dma_start3A_495, %dma_start3A_496] : memref<4x96x96x2x96xf32, #tpu.memory_space<hbm>> -> memref<1x1x20x2x96xf32, #tpu.memory_space<hbm>>
      %dma_start3A_498 = tpu.memref_squeeze %dma_start3A_497 : memref<1x1x20x2x96xf32, #tpu.memory_space<hbm>> -> memref<20x2x96xf32, #tpu.memory_space<hbm>>
      %dma_start3A_499 = arith.constant 500 : i32
      %dma_start3A_500 = arith.constant 0 : i32
      %dma_start3A_501 = arith.constant 0 : i32
      %dma_start3A_502 = tpu.memref_slice %arg11[%dma_start3A_499, %dma_start3A_500, %dma_start3A_501] : memref<560x2x96xf32, #tpu.memory_space<vmem>> -> memref<20x2x96xf32, #tpu.memory_space<vmem>>
      %dma_start3A_503 = arith.constant 0 : i32
      %dma_start3A_504 = arith.constant 0 : i32
      %dma_start3A_505 = tpu.memref_slice %arg2[%squeeze3A, %add3A_490, %squeeze3A_37, %dma_start3A_503, %dma_start3A_504] : memref<4x96x96x2x96xf32, #tpu.memory_space<hbm>> -> memref<1x1x20x2x96xf32, #tpu.memory_space<hbm>>
      %dma_start3A_506 = tpu.memref_squeeze %dma_start3A_505 : memref<1x1x20x2x96xf32, #tpu.memory_space<hbm>> -> memref<20x2x96xf32, #tpu.memory_space<hbm>>
      tpu.enqueue_dma source(%dma_start3A_506 : memref<20x2x96xf32, #tpu.memory_space<hbm>>) target(%dma_start3A_502 : memref<20x2x96xf32, #tpu.memory_space<vmem>>) target_semaphore(%arg13 : memref<!tpu.dma_semaphore, #tpu.memory_space<semaphore_mem>>)
      %add3A_507 = arith.constant 26 : i32
      %add3A_508 = arith.addi %squeeze3A_35, %add3A_507 : i32
      %dma_start3A_509 = arith.constant 520 : i32
      %dma_start3A_510 = arith.constant 0 : i32
      %dma_start3A_511 = arith.constant 0 : i32
      %dma_start3A_512 = tpu.memref_slice %arg11[%dma_start3A_509, %dma_start3A_510, %dma_start3A_511] : memref<560x2x96xf32, #tpu.memory_space<vmem>> -> memref<20x2x96xf32, #tpu.memory_space<vmem>>
      %dma_start3A_513 = arith.constant 0 : i32
      %dma_start3A_514 = arith.constant 0 : i32
      %dma_start3A_515 = tpu.memref_slice %arg2[%squeeze3A, %add3A_508, %squeeze3A_37, %dma_start3A_513, %dma_start3A_514] : memref<4x96x96x2x96xf32, #tpu.memory_space<hbm>> -> memref<1x1x20x2x96xf32, #tpu.memory_space<hbm>>
      %dma_start3A_516 = tpu.memref_squeeze %dma_start3A_515 : memref<1x1x20x2x96xf32, #tpu.memory_space<hbm>> -> memref<20x2x96xf32, #tpu.memory_space<hbm>>
      %dma_start3A_517 = arith.constant 520 : i32
      %dma_start3A_518 = arith.constant 0 : i32
      %dma_start3A_519 = arith.constant 0 : i32
      %dma_start3A_520 = tpu.memref_slice %arg11[%dma_start3A_517, %dma_start3A_518, %dma_start3A_519] : memref<560x2x96xf32, #tpu.memory_space<vmem>> -> memref<20x2x96xf32, #tpu.memory_space<vmem>>
      %dma_start3A_521 = arith.constant 0 : i32
      %dma_start3A_522 = arith.constant 0 : i32
      %dma_start3A_523 = tpu.memref_slice %arg2[%squeeze3A, %add3A_508, %squeeze3A_37, %dma_start3A_521, %dma_start3A_522] : memref<4x96x96x2x96xf32, #tpu.memory_space<hbm>> -> memref<1x1x20x2x96xf32, #tpu.memory_space<hbm>>
      %dma_start3A_524 = tpu.memref_squeeze %dma_start3A_523 : memref<1x1x20x2x96xf32, #tpu.memory_space<hbm>> -> memref<20x2x96xf32, #tpu.memory_space<hbm>>
      tpu.enqueue_dma source(%dma_start3A_524 : memref<20x2x96xf32, #tpu.memory_space<hbm>>) target(%dma_start3A_520 : memref<20x2x96xf32, #tpu.memory_space<vmem>>) target_semaphore(%arg13 : memref<!tpu.dma_semaphore, #tpu.memory_space<semaphore_mem>>)
      %add3A_525 = arith.constant 27 : i32
      %add3A_526 = arith.addi %squeeze3A_35, %add3A_525 : i32
      %dma_start3A_527 = arith.constant 540 : i32
      %dma_start3A_528 = arith.constant 0 : i32
      %dma_start3A_529 = arith.constant 0 : i32
      %dma_start3A_530 = tpu.memref_slice %arg11[%dma_start3A_527, %dma_start3A_528, %dma_start3A_529] : memref<560x2x96xf32, #tpu.memory_space<vmem>> -> memref<20x2x96xf32, #tpu.memory_space<vmem>>
      %dma_start3A_531 = arith.constant 0 : i32
      %dma_start3A_532 = arith.constant 0 : i32
      %dma_start3A_533 = tpu.memref_slice %arg2[%squeeze3A, %add3A_526, %squeeze3A_37, %dma_start3A_531, %dma_start3A_532] : memref<4x96x96x2x96xf32, #tpu.memory_space<hbm>> -> memref<1x1x20x2x96xf32, #tpu.memory_space<hbm>>
      %dma_start3A_534 = tpu.memref_squeeze %dma_start3A_533 : memref<1x1x20x2x96xf32, #tpu.memory_space<hbm>> -> memref<20x2x96xf32, #tpu.memory_space<hbm>>
      %dma_start3A_535 = arith.constant 540 : i32
      %dma_start3A_536 = arith.constant 0 : i32
      %dma_start3A_537 = arith.constant 0 : i32
      %dma_start3A_538 = tpu.memref_slice %arg11[%dma_start3A_535, %dma_start3A_536, %dma_start3A_537] : memref<560x2x96xf32, #tpu.memory_space<vmem>> -> memref<20x2x96xf32, #tpu.memory_space<vmem>>
      %dma_start3A_539 = arith.constant 0 : i32
      %dma_start3A_540 = arith.constant 0 : i32
      %dma_start3A_541 = tpu.memref_slice %arg2[%squeeze3A, %add3A_526, %squeeze3A_37, %dma_start3A_539, %dma_start3A_540] : memref<4x96x96x2x96xf32, #tpu.memory_space<hbm>> -> memref<1x1x20x2x96xf32, #tpu.memory_space<hbm>>
      %dma_start3A_542 = tpu.memref_squeeze %dma_start3A_541 : memref<1x1x20x2x96xf32, #tpu.memory_space<hbm>> -> memref<20x2x96xf32, #tpu.memory_space<hbm>>
      tpu.enqueue_dma source(%dma_start3A_542 : memref<20x2x96xf32, #tpu.memory_space<hbm>>) target(%dma_start3A_538 : memref<20x2x96xf32, #tpu.memory_space<vmem>>) target_semaphore(%arg13 : memref<!tpu.dma_semaphore, #tpu.memory_space<semaphore_mem>>)
      %get3A_543 = arith.constant 0 : index
      %get3A_544 = tpu.vector_load %arg8[%get3A_543] {strides = array<i32>} : memref<16xf32, #tpu.memory_space<vmem>>, vector<16xf32>,
      %slice3A_545 = vector.extract_strided_slice %get3A_544 {offsets = [0], sizes = [1], strides = [1]} : vector<16xf32> to vector<1xf32>
      %squeeze3A_546 = vector.extract %slice3A_545[0] : f32 from vector<1xf32>
      %slice3A_547 = vector.extract_strided_slice %get3A_544 {offsets = [1], sizes = [1], strides = [1]} : vector<16xf32> to vector<1xf32>
      %squeeze3A_548 = vector.extract %slice3A_547[0] : f32 from vector<1xf32>
      %slice3A_549 = vector.extract_strided_slice %get3A_544 {offsets = [2], sizes = [1], strides = [1]} : vector<16xf32> to vector<1xf32>
      %squeeze3A_550 = vector.extract %slice3A_549[0] : f32 from vector<1xf32>
      %slice3A_551 = vector.extract_strided_slice %get3A_544 {offsets = [3], sizes = [1], strides = [1]} : vector<16xf32> to vector<1xf32>
      %squeeze3A_552 = vector.extract %slice3A_551[0] : f32 from vector<1xf32>
      %slice3A_553 = vector.extract_strided_slice %get3A_544 {offsets = [4], sizes = [1], strides = [1]} : vector<16xf32> to vector<1xf32>
      %squeeze3A_554 = vector.extract %slice3A_553[0] : f32 from vector<1xf32>
      %slice3A_555 = vector.extract_strided_slice %get3A_544 {offsets = [5], sizes = [1], strides = [1]} : vector<16xf32> to vector<1xf32>
      %squeeze3A_556 = vector.extract %slice3A_555[0] : f32 from vector<1xf32>
      %slice3A_557 = vector.extract_strided_slice %get3A_544 {offsets = [6], sizes = [1], strides = [1]} : vector<16xf32> to vector<1xf32>
      %squeeze3A_558 = vector.extract %slice3A_557[0] : f32 from vector<1xf32>
      %slice3A_559 = vector.extract_strided_slice %get3A_544 {offsets = [7], sizes = [1], strides = [1]} : vector<16xf32> to vector<1xf32>
      %squeeze3A_560 = vector.extract %slice3A_559[0] : f32 from vector<1xf32>
      %slice3A_561 = vector.extract_strided_slice %get3A_544 {offsets = [8], sizes = [1], strides = [1]} : vector<16xf32> to vector<1xf32>
      %squeeze3A_562 = vector.extract %slice3A_561[0] : f32 from vector<1xf32>
      %slice3A_563 = vector.extract_strided_slice %get3A_544 {offsets = [9], sizes = [1], strides = [1]} : vector<16xf32> to vector<1xf32>
      %squeeze3A_564 = vector.extract %slice3A_563[0] : f32 from vector<1xf32>
      %slice3A_565 = vector.extract_strided_slice %get3A_544 {offsets = [10], sizes = [1], strides = [1]} : vector<16xf32> to vector<1xf32>
      %squeeze3A_566 = vector.extract %slice3A_565[0] : f32 from vector<1xf32>
      %slice3A_567 = vector.extract_strided_slice %get3A_544 {offsets = [11], sizes = [1], strides = [1]} : vector<16xf32> to vector<1xf32>
      %squeeze3A_568 = vector.extract %slice3A_567[0] : f32 from vector<1xf32>
      %get3A_569 = arith.constant 0 : index
      %get3A_570 = tpu.vector_load %arg10[%get3A_569] {strides = array<i32>} : memref<112xf32, #tpu.memory_space<vmem>>, vector<16xf32>,
      %broadcast_in_dim3A_571 = vector.broadcast %squeeze3A_546 : f32 to vector<16xf32>
      %mul3A_572 = arith.mulf %get3A_570, %broadcast_in_dim3A_571 : vector<16xf32>
      %swap3A = arith.constant 0 : i32
      %swap3A_573 = arith.index_cast %swap3A : i32 to index
      %swap3A_574 = arith.constant 0 : index
      %swap3A_575 = tpu.vector_load %arg9[%swap3A_573, %swap3A_574] {strides = array<i32>} : memref<18x16xf32, #tpu.memory_space<vmem>>, vector<16xf32>,
      tpu.vector_store %arg9[%swap3A_573, %swap3A_574], %mul3A_572 {strides = array<i32>} : memref<18x16xf32, #tpu.memory_space<vmem>>, vector<16xf32>,
      %broadcast_in_dim3A_576 = vector.broadcast %squeeze3A_554 : f32 to vector<16xf32>
      %mul3A_577 = arith.mulf %get3A_570, %broadcast_in_dim3A_576 : vector<16xf32>
      %swap3A_578 = arith.constant 1 : i32
      %swap3A_579 = arith.index_cast %swap3A_578 : i32 to index
      %swap3A_580 = arith.constant 0 : index
      %swap3A_581 = tpu.vector_load %arg9[%swap3A_579, %swap3A_580] {strides = array<i32>} : memref<18x16xf32, #tpu.memory_space<vmem>>, vector<16xf32>,
      tpu.vector_store %arg9[%swap3A_579, %swap3A_580], %mul3A_577 {strides = array<i32>} : memref<18x16xf32, #tpu.memory_space<vmem>>, vector<16xf32>,
      %broadcast_in_dim3A_582 = vector.broadcast %squeeze3A_562 : f32 to vector<16xf32>
      %mul3A_583 = arith.mulf %get3A_570, %broadcast_in_dim3A_582 : vector<16xf32>
      %swap3A_584 = arith.constant 2 : i32
      %swap3A_585 = arith.index_cast %swap3A_584 : i32 to index
      %swap3A_586 = arith.constant 0 : index
      %swap3A_587 = tpu.vector_load %arg9[%swap3A_585, %swap3A_586] {strides = array<i32>} : memref<18x16xf32, #tpu.memory_space<vmem>>, vector<16xf32>,
      tpu.vector_store %arg9[%swap3A_585, %swap3A_586], %mul3A_583 {strides = array<i32>} : memref<18x16xf32, #tpu.memory_space<vmem>>, vector<16xf32>,
      %get3A_588 = arith.constant 16 : index
      %get3A_589 = tpu.vector_load %arg10[%get3A_588] {strides = array<i32>} : memref<112xf32, #tpu.memory_space<vmem>>, vector<16xf32>,
      %broadcast_in_dim3A_590 = vector.broadcast %squeeze3A_546 : f32 to vector<16xf32>
      %mul3A_591 = arith.mulf %get3A_589, %broadcast_in_dim3A_590 : vector<16xf32>
      %swap3A_592 = arith.constant 3 : i32
      %swap3A_593 = arith.index_cast %swap3A_592 : i32 to index
      %swap3A_594 = arith.constant 0 : index
      %swap3A_595 = tpu.vector_load %arg9[%swap3A_593, %swap3A_594] {strides = array<i32>} : memref<18x16xf32, #tpu.memory_space<vmem>>, vector<16xf32>,
      tpu.vector_store %arg9[%swap3A_593, %swap3A_594], %mul3A_591 {strides = array<i32>} : memref<18x16xf32, #tpu.memory_space<vmem>>, vector<16xf32>,
      %broadcast_in_dim3A_596 = vector.broadcast %squeeze3A_554 : f32 to vector<16xf32>
      %mul3A_597 = arith.mulf %get3A_589, %broadcast_in_dim3A_596 : vector<16xf32>
      %swap3A_598 = arith.constant 4 : i32
      %swap3A_599 = arith.index_cast %swap3A_598 : i32 to index
      %swap3A_600 = arith.constant 0 : index
      %swap3A_601 = tpu.vector_load %arg9[%swap3A_599, %swap3A_600] {strides = array<i32>} : memref<18x16xf32, #tpu.memory_space<vmem>>, vector<16xf32>,
      tpu.vector_store %arg9[%swap3A_599, %swap3A_600], %mul3A_597 {strides = array<i32>} : memref<18x16xf32, #tpu.memory_space<vmem>>, vector<16xf32>,
      %broadcast_in_dim3A_602 = vector.broadcast %squeeze3A_562 : f32 to vector<16xf32>
      %mul3A_603 = arith.mulf %get3A_589, %broadcast_in_dim3A_602 : vector<16xf32>
      %swap3A_604 = arith.constant 5 : i32
      %swap3A_605 = arith.index_cast %swap3A_604 : i32 to index
      %swap3A_606 = arith.constant 0 : index
      %swap3A_607 = tpu.vector_load %arg9[%swap3A_605, %swap3A_606] {strides = array<i32>} : memref<18x16xf32, #tpu.memory_space<vmem>>, vector<16xf32>,
      tpu.vector_store %arg9[%swap3A_605, %swap3A_606], %mul3A_603 {strides = array<i32>} : memref<18x16xf32, #tpu.memory_space<vmem>>, vector<16xf32>,
      %get3A_608 = arith.constant 32 : index
      %get3A_609 = tpu.vector_load %arg10[%get3A_608] {strides = array<i32>} : memref<112xf32, #tpu.memory_space<vmem>>, vector<16xf32>,
      %broadcast_in_dim3A_610 = vector.broadcast %squeeze3A_546 : f32 to vector<16xf32>
      %mul3A_611 = arith.mulf %get3A_609, %broadcast_in_dim3A_610 : vector<16xf32>
      %swap3A_612 = arith.constant 6 : i32
      %swap3A_613 = arith.index_cast %swap3A_612 : i32 to index
      %swap3A_614 = arith.constant 0 : index
      %swap3A_615 = tpu.vector_load %arg9[%swap3A_613, %swap3A_614] {strides = array<i32>} : memref<18x16xf32, #tpu.memory_space<vmem>>, vector<16xf32>,
      tpu.vector_store %arg9[%swap3A_613, %swap3A_614], %mul3A_611 {strides = array<i32>} : memref<18x16xf32, #tpu.memory_space<vmem>>, vector<16xf32>,
      %broadcast_in_dim3A_616 = vector.broadcast %squeeze3A_554 : f32 to vector<16xf32>
      %mul3A_617 = arith.mulf %get3A_609, %broadcast_in_dim3A_616 : vector<16xf32>
      %swap3A_618 = arith.constant 7 : i32
      %swap3A_619 = arith.index_cast %swap3A_618 : i32 to index
      %swap3A_620 = arith.constant 0 : index
      %swap3A_621 = tpu.vector_load %arg9[%swap3A_619, %swap3A_620] {strides = array<i32>} : memref<18x16xf32, #tpu.memory_space<vmem>>, vector<16xf32>,
      tpu.vector_store %arg9[%swap3A_619, %swap3A_620], %mul3A_617 {strides = array<i32>} : memref<18x16xf32, #tpu.memory_space<vmem>>, vector<16xf32>,
      %broadcast_in_dim3A_622 = vector.broadcast %squeeze3A_562 : f32 to vector<16xf32>
      %mul3A_623 = arith.mulf %get3A_609, %broadcast_in_dim3A_622 : vector<16xf32>
      %swap3A_624 = arith.constant 8 : i32
      %swap3A_625 = arith.index_cast %swap3A_624 : i32 to index
      %swap3A_626 = arith.constant 0 : index
      %swap3A_627 = tpu.vector_load %arg9[%swap3A_625, %swap3A_626] {strides = array<i32>} : memref<18x16xf32, #tpu.memory_space<vmem>>, vector<16xf32>,
      tpu.vector_store %arg9[%swap3A_625, %swap3A_626], %mul3A_623 {strides = array<i32>} : memref<18x16xf32, #tpu.memory_space<vmem>>, vector<16xf32>,
      %get3A_628 = arith.constant 48 : index
      %get3A_629 = tpu.vector_load %arg10[%get3A_628] {strides = array<i32>} : memref<112xf32, #tpu.memory_space<vmem>>, vector<16xf32>,
      %broadcast_in_dim3A_630 = vector.broadcast %squeeze3A_546 : f32 to vector<16xf32>
      %mul3A_631 = arith.mulf %get3A_629, %broadcast_in_dim3A_630 : vector<16xf32>
      %swap3A_632 = arith.constant 9 : i32
      %swap3A_633 = arith.index_cast %swap3A_632 : i32 to index
      %swap3A_634 = arith.constant 0 : index
      %swap3A_635 = tpu.vector_load %arg9[%swap3A_633, %swap3A_634] {strides = array<i32>} : memref<18x16xf32, #tpu.memory_space<vmem>>, vector<16xf32>,
      tpu.vector_store %arg9[%swap3A_633, %swap3A_634], %mul3A_631 {strides = array<i32>} : memref<18x16xf32, #tpu.memory_space<vmem>>, vector<16xf32>,
      %broadcast_in_dim3A_636 = vector.broadcast %squeeze3A_554 : f32 to vector<16xf32>
      %mul3A_637 = arith.mulf %get3A_629, %broadcast_in_dim3A_636 : vector<16xf32>
      %swap3A_638 = arith.constant 10 : i32
      %swap3A_639 = arith.index_cast %swap3A_638 : i32 to index
      %swap3A_640 = arith.constant 0 : index
      %swap3A_641 = tpu.vector_load %arg9[%swap3A_639, %swap3A_640] {strides = array<i32>} : memref<18x16xf32, #tpu.memory_space<vmem>>, vector<16xf32>,
      tpu.vector_store %arg9[%swap3A_639, %swap3A_640], %mul3A_637 {strides = array<i32>} : memref<18x16xf32, #tpu.memory_space<vmem>>, vector<16xf32>,
      %broadcast_in_dim3A_642 = vector.broadcast %squeeze3A_562 : f32 to vector<16xf32>
      %mul3A_643 = arith.mulf %get3A_629, %broadcast_in_dim3A_642 : vector<16xf32>
      %swap3A_644 = arith.constant 11 : i32
      %swap3A_645 = arith.index_cast %swap3A_644 : i32 to index
      %swap3A_646 = arith.constant 0 : index
      %swap3A_647 = tpu.vector_load %arg9[%swap3A_645, %swap3A_646] {strides = array<i32>} : memref<18x16xf32, #tpu.memory_space<vmem>>, vector<16xf32>,
      tpu.vector_store %arg9[%swap3A_645, %swap3A_646], %mul3A_643 {strides = array<i32>} : memref<18x16xf32, #tpu.memory_space<vmem>>, vector<16xf32>,
      %get3A_648 = arith.constant 64 : index
      %get3A_649 = tpu.vector_load %arg10[%get3A_648] {strides = array<i32>} : memref<112xf32, #tpu.memory_space<vmem>>, vector<16xf32>,
      %broadcast_in_dim3A_650 = vector.broadcast %squeeze3A_546 : f32 to vector<16xf32>
      %mul3A_651 = arith.mulf %get3A_649, %broadcast_in_dim3A_650 : vector<16xf32>
      %swap3A_652 = arith.constant 12 : i32
      %swap3A_653 = arith.index_cast %swap3A_652 : i32 to index
      %swap3A_654 = arith.constant 0 : index
      %swap3A_655 = tpu.vector_load %arg9[%swap3A_653, %swap3A_654] {strides = array<i32>} : memref<18x16xf32, #tpu.memory_space<vmem>>, vector<16xf32>,
      tpu.vector_store %arg9[%swap3A_653, %swap3A_654], %mul3A_651 {strides = array<i32>} : memref<18x16xf32, #tpu.memory_space<vmem>>, vector<16xf32>,
      %broadcast_in_dim3A_656 = vector.broadcast %squeeze3A_554 : f32 to vector<16xf32>
      %mul3A_657 = arith.mulf %get3A_649, %broadcast_in_dim3A_656 : vector<16xf32>
      %swap3A_658 = arith.constant 13 : i32
      %swap3A_659 = arith.index_cast %swap3A_658 : i32 to index
      %swap3A_660 = arith.constant 0 : index
      %swap3A_661 = tpu.vector_load %arg9[%swap3A_659, %swap3A_660] {strides = array<i32>} : memref<18x16xf32, #tpu.memory_space<vmem>>, vector<16xf32>,
      tpu.vector_store %arg9[%swap3A_659, %swap3A_660], %mul3A_657 {strides = array<i32>} : memref<18x16xf32, #tpu.memory_space<vmem>>, vector<16xf32>,
      %broadcast_in_dim3A_662 = vector.broadcast %squeeze3A_562 : f32 to vector<16xf32>
      %mul3A_663 = arith.mulf %get3A_649, %broadcast_in_dim3A_662 : vector<16xf32>
      %swap3A_664 = arith.constant 14 : i32
      %swap3A_665 = arith.index_cast %swap3A_664 : i32 to index
      %swap3A_666 = arith.constant 0 : index
      %swap3A_667 = tpu.vector_load %arg9[%swap3A_665, %swap3A_666] {strides = array<i32>} : memref<18x16xf32, #tpu.memory_space<vmem>>, vector<16xf32>,
      tpu.vector_store %arg9[%swap3A_665, %swap3A_666], %mul3A_663 {strides = array<i32>} : memref<18x16xf32, #tpu.memory_space<vmem>>, vector<16xf32>,
      %get3A_668 = arith.constant 80 : index
      %get3A_669 = tpu.vector_load %arg10[%get3A_668] {strides = array<i32>} : memref<112xf32, #tpu.memory_space<vmem>>, vector<16xf32>,
      %broadcast_in_dim3A_670 = vector.broadcast %squeeze3A_546 : f32 to vector<16xf32>
      %mul3A_671 = arith.mulf %get3A_669, %broadcast_in_dim3A_670 : vector<16xf32>
      %swap3A_672 = arith.constant 15 : i32
      %swap3A_673 = arith.index_cast %swap3A_672 : i32 to index
      %swap3A_674 = arith.constant 0 : index
      %swap3A_675 = tpu.vector_load %arg9[%swap3A_673, %swap3A_674] {strides = array<i32>} : memref<18x16xf32, #tpu.memory_space<vmem>>, vector<16xf32>,
      tpu.vector_store %arg9[%swap3A_673, %swap3A_674], %mul3A_671 {strides = array<i32>} : memref<18x16xf32, #tpu.memory_space<vmem>>, vector<16xf32>,
      %broadcast_in_dim3A_676 = vector.broadcast %squeeze3A_554 : f32 to vector<16xf32>
      %mul3A_677 = arith.mulf %get3A_669, %broadcast_in_dim3A_676 : vector<16xf32>
      %swap3A_678 = arith.constant 16 : i32
      %swap3A_679 = arith.index_cast %swap3A_678 : i32 to index
      %swap3A_680 = arith.constant 0 : index
      %swap3A_681 = tpu.vector_load %arg9[%swap3A_679, %swap3A_680] {strides = array<i32>} : memref<18x16xf32, #tpu.memory_space<vmem>>, vector<16xf32>,
      tpu.vector_store %arg9[%swap3A_679, %swap3A_680], %mul3A_677 {strides = array<i32>} : memref<18x16xf32, #tpu.memory_space<vmem>>, vector<16xf32>,
      %broadcast_in_dim3A_682 = vector.broadcast %squeeze3A_562 : f32 to vector<16xf32>
      %mul3A_683 = arith.mulf %get3A_669, %broadcast_in_dim3A_682 : vector<16xf32>
      %swap3A_684 = arith.constant 17 : i32
      %swap3A_685 = arith.index_cast %swap3A_684 : i32 to index
      %swap3A_686 = arith.constant 0 : index
      %swap3A_687 = tpu.vector_load %arg9[%swap3A_685, %swap3A_686] {strides = array<i32>} : memref<18x16xf32, #tpu.memory_space<vmem>>, vector<16xf32>,
      tpu.vector_store %arg9[%swap3A_685, %swap3A_686], %mul3A_683 {strides = array<i32>} : memref<18x16xf32, #tpu.memory_space<vmem>>, vector<16xf32>,
      %broadcast_in_dim3A_688 = vector.broadcast %squeeze3A_552 : f32 to vector<16xf32>
      %broadcast_in_dim3A_689 = vector.broadcast %squeeze3A_560 : f32 to vector<16xf32>
      %broadcast_in_dim3A_690 = vector.broadcast %squeeze3A_568 : f32 to vector<16xf32>
      %broadcast_in_dim3A_691 = vector.broadcast %squeeze3A_35 : i32 to vector<16xi32>
      %broadcast_in_dim3A_692 = vector.broadcast %squeeze3A_37 : i32 to vector<16xi32>
      %dma_wait3A = arith.constant 0 : i32
      %dma_wait3A_693 = arith.constant 0 : i32
      %dma_wait3A_694 = arith.constant 0 : i32
      %dma_wait3A_695 = tpu.memref_slice %arg11[%dma_wait3A, %dma_wait3A_693, %dma_wait3A_694] : memref<560x2x96xf32, #tpu.memory_space<vmem>> -> memref<20x2x96xf32, #tpu.memory_space<vmem>>
      %dma_wait3A_696 = arith.constant 0 : i32
      %dma_wait3A_697 = arith.constant 0 : i32
      %dma_wait3A_698 = tpu.memref_slice %arg2[%squeeze3A, %add3A_41, %squeeze3A_37, %dma_wait3A_696, %dma_wait3A_697] : memref<4x96x96x2x96xf32, #tpu.memory_space<hbm>> -> memref<1x1x20x2x96xf32, #tpu.memory_space<hbm>>
      %dma_wait3A_699 = tpu.memref_squeeze %dma_wait3A_698 : memref<1x1x20x2x96xf32, #tpu.memory_space<hbm>> -> memref<20x2x96xf32, #tpu.memory_space<hbm>>
      %dma_wait3A_700 = arith.constant 0 : i32
      %dma_wait3A_701 = arith.constant 0 : i32
      %dma_wait3A_702 = arith.constant 0 : i32
      %dma_wait3A_703 = tpu.memref_slice %arg11[%dma_wait3A_700, %dma_wait3A_701, %dma_wait3A_702] : memref<560x2x96xf32, #tpu.memory_space<vmem>> -> memref<20x2x96xf32, #tpu.memory_space<vmem>>
      %dma_wait3A_704 = arith.constant 0 : i32
      %dma_wait3A_705 = arith.constant 0 : i32
      %dma_wait3A_706 = tpu.memref_slice %arg2[%squeeze3A, %add3A_41, %squeeze3A_37, %dma_wait3A_704, %dma_wait3A_705] : memref<4x96x96x2x96xf32, #tpu.memory_space<hbm>> -> memref<1x1x20x2x96xf32, #tpu.memory_space<hbm>>
      %dma_wait3A_707 = tpu.memref_squeeze %dma_wait3A_706 : memref<1x1x20x2x96xf32, #tpu.memory_space<hbm>> -> memref<20x2x96xf32, #tpu.memory_space<hbm>>
      tpu.wait_dma2 semaphore(%arg13 : memref<!tpu.dma_semaphore, #tpu.memory_space<semaphore_mem>>) src(%dma_wait3A_707 : memref<20x2x96xf32, #tpu.memory_space<hbm>>) dst(%dma_wait3A_703 : memref<20x2x96xf32, #tpu.memory_space<vmem>>)
      %dma_wait3A_708 = arith.constant 20 : i32
      %dma_wait3A_709 = arith.constant 0 : i32
      %dma_wait3A_710 = arith.constant 0 : i32
      %dma_wait3A_711 = tpu.memref_slice %arg11[%dma_wait3A_708, %dma_wait3A_709, %dma_wait3A_710] : memref<560x2x96xf32, #tpu.memory_space<vmem>> -> memref<20x2x96xf32, #tpu.memory_space<vmem>>
      %dma_wait3A_712 = arith.constant 0 : i32
      %dma_wait3A_713 = arith.constant 0 : i32
      %dma_wait3A_714 = tpu.memref_slice %arg2[%squeeze3A, %add3A_58, %squeeze3A_37, %dma_wait3A_712, %dma_wait3A_713] : memref<4x96x96x2x96xf32, #tpu.memory_space<hbm>> -> memref<1x1x20x2x96xf32, #tpu.memory_space<hbm>>
      %dma_wait3A_715 = tpu.memref_squeeze %dma_wait3A_714 : memref<1x1x20x2x96xf32, #tpu.memory_space<hbm>> -> memref<20x2x96xf32, #tpu.memory_space<hbm>>
      %dma_wait3A_716 = arith.constant 20 : i32
      %dma_wait3A_717 = arith.constant 0 : i32
      %dma_wait3A_718 = arith.constant 0 : i32
      %dma_wait3A_719 = tpu.memref_slice %arg11[%dma_wait3A_716, %dma_wait3A_717, %dma_wait3A_718] : memref<560x2x96xf32, #tpu.memory_space<vmem>> -> memref<20x2x96xf32, #tpu.memory_space<vmem>>
      %dma_wait3A_720 = arith.constant 0 : i32
      %dma_wait3A_721 = arith.constant 0 : i32
      %dma_wait3A_722 = tpu.memref_slice %arg2[%squeeze3A, %add3A_58, %squeeze3A_37, %dma_wait3A_720, %dma_wait3A_721] : memref<4x96x96x2x96xf32, #tpu.memory_space<hbm>> -> memref<1x1x20x2x96xf32, #tpu.memory_space<hbm>>
      %dma_wait3A_723 = tpu.memref_squeeze %dma_wait3A_722 : memref<1x1x20x2x96xf32, #tpu.memory_space<hbm>> -> memref<20x2x96xf32, #tpu.memory_space<hbm>>
      tpu.wait_dma2 semaphore(%arg13 : memref<!tpu.dma_semaphore, #tpu.memory_space<semaphore_mem>>) src(%dma_wait3A_723 : memref<20x2x96xf32, #tpu.memory_space<hbm>>) dst(%dma_wait3A_719 : memref<20x2x96xf32, #tpu.memory_space<vmem>>)
      %dma_wait3A_724 = arith.constant 40 : i32
      %dma_wait3A_725 = arith.constant 0 : i32
      %dma_wait3A_726 = arith.constant 0 : i32
      %dma_wait3A_727 = tpu.memref_slice %arg11[%dma_wait3A_724, %dma_wait3A_725, %dma_wait3A_726] : memref<560x2x96xf32, #tpu.memory_space<vmem>> -> memref<20x2x96xf32, #tpu.memory_space<vmem>>
      %dma_wait3A_728 = arith.constant 0 : i32
      %dma_wait3A_729 = arith.constant 0 : i32
      %dma_wait3A_730 = tpu.memref_slice %arg2[%squeeze3A, %add3A_76, %squeeze3A_37, %dma_wait3A_728, %dma_wait3A_729] : memref<4x96x96x2x96xf32, #tpu.memory_space<hbm>> -> memref<1x1x20x2x96xf32, #tpu.memory_space<hbm>>
      %dma_wait3A_731 = tpu.memref_squeeze %dma_wait3A_730 : memref<1x1x20x2x96xf32, #tpu.memory_space<hbm>> -> memref<20x2x96xf32, #tpu.memory_space<hbm>>
      %dma_wait3A_732 = arith.constant 40 : i32
      %dma_wait3A_733 = arith.constant 0 : i32
      %dma_wait3A_734 = arith.constant 0 : i32
      %dma_wait3A_735 = tpu.memref_slice %arg11[%dma_wait3A_732, %dma_wait3A_733, %dma_wait3A_734] : memref<560x2x96xf32, #tpu.memory_space<vmem>> -> memref<20x2x96xf32, #tpu.memory_space<vmem>>
      %dma_wait3A_736 = arith.constant 0 : i32
      %dma_wait3A_737 = arith.constant 0 : i32
      %dma_wait3A_738 = tpu.memref_slice %arg2[%squeeze3A, %add3A_76, %squeeze3A_37, %dma_wait3A_736, %dma_wait3A_737] : memref<4x96x96x2x96xf32, #tpu.memory_space<hbm>> -> memref<1x1x20x2x96xf32, #tpu.memory_space<hbm>>
      %dma_wait3A_739 = tpu.memref_squeeze %dma_wait3A_738 : memref<1x1x20x2x96xf32, #tpu.memory_space<hbm>> -> memref<20x2x96xf32, #tpu.memory_space<hbm>>
      tpu.wait_dma2 semaphore(%arg13 : memref<!tpu.dma_semaphore, #tpu.memory_space<semaphore_mem>>) src(%dma_wait3A_739 : memref<20x2x96xf32, #tpu.memory_space<hbm>>) dst(%dma_wait3A_735 : memref<20x2x96xf32, #tpu.memory_space<vmem>>)
      %dma_wait3A_740 = arith.constant 60 : i32
      %dma_wait3A_741 = arith.constant 0 : i32
      %dma_wait3A_742 = arith.constant 0 : i32
      %dma_wait3A_743 = tpu.memref_slice %arg11[%dma_wait3A_740, %dma_wait3A_741, %dma_wait3A_742] : memref<560x2x96xf32, #tpu.memory_space<vmem>> -> memref<20x2x96xf32, #tpu.memory_space<vmem>>
      %dma_wait3A_744 = arith.constant 0 : i32
      %dma_wait3A_745 = arith.constant 0 : i32
      %dma_wait3A_746 = tpu.memref_slice %arg2[%squeeze3A, %add3A_94, %squeeze3A_37, %dma_wait3A_744, %dma_wait3A_745] : memref<4x96x96x2x96xf32, #tpu.memory_space<hbm>> -> memref<1x1x20x2x96xf32, #tpu.memory_space<hbm>>
      %dma_wait3A_747 = tpu.memref_squeeze %dma_wait3A_746 : memref<1x1x20x2x96xf32, #tpu.memory_space<hbm>> -> memref<20x2x96xf32, #tpu.memory_space<hbm>>
      %dma_wait3A_748 = arith.constant 60 : i32
      %dma_wait3A_749 = arith.constant 0 : i32
      %dma_wait3A_750 = arith.constant 0 : i32
      %dma_wait3A_751 = tpu.memref_slice %arg11[%dma_wait3A_748, %dma_wait3A_749, %dma_wait3A_750] : memref<560x2x96xf32, #tpu.memory_space<vmem>> -> memref<20x2x96xf32, #tpu.memory_space<vmem>>
      %dma_wait3A_752 = arith.constant 0 : i32
      %dma_wait3A_753 = arith.constant 0 : i32
      %dma_wait3A_754 = tpu.memref_slice %arg2[%squeeze3A, %add3A_94, %squeeze3A_37, %dma_wait3A_752, %dma_wait3A_753] : memref<4x96x96x2x96xf32, #tpu.memory_space<hbm>> -> memref<1x1x20x2x96xf32, #tpu.memory_space<hbm>>
      %dma_wait3A_755 = tpu.memref_squeeze %dma_wait3A_754 : memref<1x1x20x2x96xf32, #tpu.memory_space<hbm>> -> memref<20x2x96xf32, #tpu.memory_space<hbm>>
      tpu.wait_dma2 semaphore(%arg13 : memref<!tpu.dma_semaphore, #tpu.memory_space<semaphore_mem>>) src(%dma_wait3A_755 : memref<20x2x96xf32, #tpu.memory_space<hbm>>) dst(%dma_wait3A_751 : memref<20x2x96xf32, #tpu.memory_space<vmem>>)
      %dma_wait3A_756 = arith.constant 80 : i32
      %dma_wait3A_757 = arith.constant 0 : i32
      %dma_wait3A_758 = arith.constant 0 : i32
      %dma_wait3A_759 = tpu.memref_slice %arg11[%dma_wait3A_756, %dma_wait3A_757, %dma_wait3A_758] : memref<560x2x96xf32, #tpu.memory_space<vmem>> -> memref<20x2x96xf32, #tpu.memory_space<vmem>>
      %dma_wait3A_760 = arith.constant 0 : i32
      %dma_wait3A_761 = arith.constant 0 : i32
      %dma_wait3A_762 = tpu.memref_slice %arg2[%squeeze3A, %add3A_112, %squeeze3A_37, %dma_wait3A_760, %dma_wait3A_761] : memref<4x96x96x2x96xf32, #tpu.memory_space<hbm>> -> memref<1x1x20x2x96xf32, #tpu.memory_space<hbm>>
      %dma_wait3A_763 = tpu.memref_squeeze %dma_wait3A_762 : memref<1x1x20x2x96xf32, #tpu.memory_space<hbm>> -> memref<20x2x96xf32, #tpu.memory_space<hbm>>
      %dma_wait3A_764 = arith.constant 80 : i32
      %dma_wait3A_765 = arith.constant 0 : i32
      %dma_wait3A_766 = arith.constant 0 : i32
      %dma_wait3A_767 = tpu.memref_slice %arg11[%dma_wait3A_764, %dma_wait3A_765, %dma_wait3A_766] : memref<560x2x96xf32, #tpu.memory_space<vmem>> -> memref<20x2x96xf32, #tpu.memory_space<vmem>>
      %dma_wait3A_768 = arith.constant 0 : i32
      %dma_wait3A_769 = arith.constant 0 : i32
      %dma_wait3A_770 = tpu.memref_slice %arg2[%squeeze3A, %add3A_112, %squeeze3A_37, %dma_wait3A_768, %dma_wait3A_769] : memref<4x96x96x2x96xf32, #tpu.memory_space<hbm>> -> memref<1x1x20x2x96xf32, #tpu.memory_space<hbm>>
      %dma_wait3A_771 = tpu.memref_squeeze %dma_wait3A_770 : memref<1x1x20x2x96xf32, #tpu.memory_space<hbm>> -> memref<20x2x96xf32, #tpu.memory_space<hbm>>
      tpu.wait_dma2 semaphore(%arg13 : memref<!tpu.dma_semaphore, #tpu.memory_space<semaphore_mem>>) src(%dma_wait3A_771 : memref<20x2x96xf32, #tpu.memory_space<hbm>>) dst(%dma_wait3A_767 : memref<20x2x96xf32, #tpu.memory_space<vmem>>)
      %dma_wait3A_772 = arith.constant 100 : i32
      %dma_wait3A_773 = arith.constant 0 : i32
      %dma_wait3A_774 = arith.constant 0 : i32
      %dma_wait3A_775 = tpu.memref_slice %arg11[%dma_wait3A_772, %dma_wait3A_773, %dma_wait3A_774] : memref<560x2x96xf32, #tpu.memory_space<vmem>> -> memref<20x2x96xf32, #tpu.memory_space<vmem>>
      %dma_wait3A_776 = arith.constant 0 : i32
      %dma_wait3A_777 = arith.constant 0 : i32
      %dma_wait3A_778 = tpu.memref_slice %arg2[%squeeze3A, %add3A_130, %squeeze3A_37, %dma_wait3A_776, %dma_wait3A_777] : memref<4x96x96x2x96xf32, #tpu.memory_space<hbm>> -> memref<1x1x20x2x96xf32, #tpu.memory_space<hbm>>
      %dma_wait3A_779 = tpu.memref_squeeze %dma_wait3A_778 : memref<1x1x20x2x96xf32, #tpu.memory_space<hbm>> -> memref<20x2x96xf32, #tpu.memory_space<hbm>>
      %dma_wait3A_780 = arith.constant 100 : i32
      %dma_wait3A_781 = arith.constant 0 : i32
      %dma_wait3A_782 = arith.constant 0 : i32
      %dma_wait3A_783 = tpu.memref_slice %arg11[%dma_wait3A_780, %dma_wait3A_781, %dma_wait3A_782] : memref<560x2x96xf32, #tpu.memory_space<vmem>> -> memref<20x2x96xf32, #tpu.memory_space<vmem>>
      %dma_wait3A_784 = arith.constant 0 : i32
      %dma_wait3A_785 = arith.constant 0 : i32
      %dma_wait3A_786 = tpu.memref_slice %arg2[%squeeze3A, %add3A_130, %squeeze3A_37, %dma_wait3A_784, %dma_wait3A_785] : memref<4x96x96x2x96xf32, #tpu.memory_space<hbm>> -> memref<1x1x20x2x96xf32, #tpu.memory_space<hbm>>
      %dma_wait3A_787 = tpu.memref_squeeze %dma_wait3A_786 : memref<1x1x20x2x96xf32, #tpu.memory_space<hbm>> -> memref<20x2x96xf32, #tpu.memory_space<hbm>>
      tpu.wait_dma2 semaphore(%arg13 : memref<!tpu.dma_semaphore, #tpu.memory_space<semaphore_mem>>) src(%dma_wait3A_787 : memref<20x2x96xf32, #tpu.memory_space<hbm>>) dst(%dma_wait3A_783 : memref<20x2x96xf32, #tpu.memory_space<vmem>>)
      %dma_wait3A_788 = arith.constant 120 : i32
      %dma_wait3A_789 = arith.constant 0 : i32
      %dma_wait3A_790 = arith.constant 0 : i32
      %dma_wait3A_791 = tpu.memref_slice %arg11[%dma_wait3A_788, %dma_wait3A_789, %dma_wait3A_790] : memref<560x2x96xf32, #tpu.memory_space<vmem>> -> memref<20x2x96xf32, #tpu.memory_space<vmem>>
      %dma_wait3A_792 = arith.constant 0 : i32
      %dma_wait3A_793 = arith.constant 0 : i32
      %dma_wait3A_794 = tpu.memref_slice %arg2[%squeeze3A, %add3A_148, %squeeze3A_37, %dma_wait3A_792, %dma_wait3A_793] : memref<4x96x96x2x96xf32, #tpu.memory_space<hbm>> -> memref<1x1x20x2x96xf32, #tpu.memory_space<hbm>>
      %dma_wait3A_795 = tpu.memref_squeeze %dma_wait3A_794 : memref<1x1x20x2x96xf32, #tpu.memory_space<hbm>> -> memref<20x2x96xf32, #tpu.memory_space<hbm>>
      %dma_wait3A_796 = arith.constant 120 : i32
      %dma_wait3A_797 = arith.constant 0 : i32
      %dma_wait3A_798 = arith.constant 0 : i32
      %dma_wait3A_799 = tpu.memref_slice %arg11[%dma_wait3A_796, %dma_wait3A_797, %dma_wait3A_798] : memref<560x2x96xf32, #tpu.memory_space<vmem>> -> memref<20x2x96xf32, #tpu.memory_space<vmem>>
      %dma_wait3A_800 = arith.constant 0 : i32
      %dma_wait3A_801 = arith.constant 0 : i32
      %dma_wait3A_802 = tpu.memref_slice %arg2[%squeeze3A, %add3A_148, %squeeze3A_37, %dma_wait3A_800, %dma_wait3A_801] : memref<4x96x96x2x96xf32, #tpu.memory_space<hbm>> -> memref<1x1x20x2x96xf32, #tpu.memory_space<hbm>>
      %dma_wait3A_803 = tpu.memref_squeeze %dma_wait3A_802 : memref<1x1x20x2x96xf32, #tpu.memory_space<hbm>> -> memref<20x2x96xf32, #tpu.memory_space<hbm>>
      tpu.wait_dma2 semaphore(%arg13 : memref<!tpu.dma_semaphore, #tpu.memory_space<semaphore_mem>>) src(%dma_wait3A_803 : memref<20x2x96xf32, #tpu.memory_space<hbm>>) dst(%dma_wait3A_799 : memref<20x2x96xf32, #tpu.memory_space<vmem>>)
      %dma_wait3A_804 = arith.constant 140 : i32
      %dma_wait3A_805 = arith.constant 0 : i32
      %dma_wait3A_806 = arith.constant 0 : i32
      %dma_wait3A_807 = tpu.memref_slice %arg11[%dma_wait3A_804, %dma_wait3A_805, %dma_wait3A_806] : memref<560x2x96xf32, #tpu.memory_space<vmem>> -> memref<20x2x96xf32, #tpu.memory_space<vmem>>
      %dma_wait3A_808 = arith.constant 0 : i32
      %dma_wait3A_809 = arith.constant 0 : i32
      %dma_wait3A_810 = tpu.memref_slice %arg2[%squeeze3A, %add3A_166, %squeeze3A_37, %dma_wait3A_808, %dma_wait3A_809] : memref<4x96x96x2x96xf32, #tpu.memory_space<hbm>> -> memref<1x1x20x2x96xf32, #tpu.memory_space<hbm>>
      %dma_wait3A_811 = tpu.memref_squeeze %dma_wait3A_810 : memref<1x1x20x2x96xf32, #tpu.memory_space<hbm>> -> memref<20x2x96xf32, #tpu.memory_space<hbm>>
      %dma_wait3A_812 = arith.constant 140 : i32
      %dma_wait3A_813 = arith.constant 0 : i32
      %dma_wait3A_814 = arith.constant 0 : i32
      %dma_wait3A_815 = tpu.memref_slice %arg11[%dma_wait3A_812, %dma_wait3A_813, %dma_wait3A_814] : memref<560x2x96xf32, #tpu.memory_space<vmem>> -> memref<20x2x96xf32, #tpu.memory_space<vmem>>
      %dma_wait3A_816 = arith.constant 0 : i32
      %dma_wait3A_817 = arith.constant 0 : i32
      %dma_wait3A_818 = tpu.memref_slice %arg2[%squeeze3A, %add3A_166, %squeeze3A_37, %dma_wait3A_816, %dma_wait3A_817] : memref<4x96x96x2x96xf32, #tpu.memory_space<hbm>> -> memref<1x1x20x2x96xf32, #tpu.memory_space<hbm>>
      %dma_wait3A_819 = tpu.memref_squeeze %dma_wait3A_818 : memref<1x1x20x2x96xf32, #tpu.memory_space<hbm>> -> memref<20x2x96xf32, #tpu.memory_space<hbm>>
      tpu.wait_dma2 semaphore(%arg13 : memref<!tpu.dma_semaphore, #tpu.memory_space<semaphore_mem>>) src(%dma_wait3A_819 : memref<20x2x96xf32, #tpu.memory_space<hbm>>) dst(%dma_wait3A_815 : memref<20x2x96xf32, #tpu.memory_space<vmem>>)
      %dma_wait3A_820 = arith.constant 160 : i32
      %dma_wait3A_821 = arith.constant 0 : i32
      %dma_wait3A_822 = arith.constant 0 : i32
      %dma_wait3A_823 = tpu.memref_slice %arg11[%dma_wait3A_820, %dma_wait3A_821, %dma_wait3A_822] : memref<560x2x96xf32, #tpu.memory_space<vmem>> -> memref<20x2x96xf32, #tpu.memory_space<vmem>>
      %dma_wait3A_824 = arith.constant 0 : i32
      %dma_wait3A_825 = arith.constant 0 : i32
      %dma_wait3A_826 = tpu.memref_slice %arg2[%squeeze3A, %add3A_184, %squeeze3A_37, %dma_wait3A_824, %dma_wait3A_825] : memref<4x96x96x2x96xf32, #tpu.memory_space<hbm>> -> memref<1x1x20x2x96xf32, #tpu.memory_space<hbm>>
      %dma_wait3A_827 = tpu.memref_squeeze %dma_wait3A_826 : memref<1x1x20x2x96xf32, #tpu.memory_space<hbm>> -> memref<20x2x96xf32, #tpu.memory_space<hbm>>
      %dma_wait3A_828 = arith.constant 160 : i32
      %dma_wait3A_829 = arith.constant 0 : i32
      %dma_wait3A_830 = arith.constant 0 : i32
      %dma_wait3A_831 = tpu.memref_slice %arg11[%dma_wait3A_828, %dma_wait3A_829, %dma_wait3A_830] : memref<560x2x96xf32, #tpu.memory_space<vmem>> -> memref<20x2x96xf32, #tpu.memory_space<vmem>>
      %dma_wait3A_832 = arith.constant 0 : i32
      %dma_wait3A_833 = arith.constant 0 : i32
      %dma_wait3A_834 = tpu.memref_slice %arg2[%squeeze3A, %add3A_184, %squeeze3A_37, %dma_wait3A_832, %dma_wait3A_833] : memref<4x96x96x2x96xf32, #tpu.memory_space<hbm>> -> memref<1x1x20x2x96xf32, #tpu.memory_space<hbm>>
      %dma_wait3A_835 = tpu.memref_squeeze %dma_wait3A_834 : memref<1x1x20x2x96xf32, #tpu.memory_space<hbm>> -> memref<20x2x96xf32, #tpu.memory_space<hbm>>
      tpu.wait_dma2 semaphore(%arg13 : memref<!tpu.dma_semaphore, #tpu.memory_space<semaphore_mem>>) src(%dma_wait3A_835 : memref<20x2x96xf32, #tpu.memory_space<hbm>>) dst(%dma_wait3A_831 : memref<20x2x96xf32, #tpu.memory_space<vmem>>)
      %dma_wait3A_836 = arith.constant 180 : i32
      %dma_wait3A_837 = arith.constant 0 : i32
      %dma_wait3A_838 = arith.constant 0 : i32
      %dma_wait3A_839 = tpu.memref_slice %arg11[%dma_wait3A_836, %dma_wait3A_837, %dma_wait3A_838] : memref<560x2x96xf32, #tpu.memory_space<vmem>> -> memref<20x2x96xf32, #tpu.memory_space<vmem>>
      %dma_wait3A_840 = arith.constant 0 : i32
      %dma_wait3A_841 = arith.constant 0 : i32
      %dma_wait3A_842 = tpu.memref_slice %arg2[%squeeze3A, %add3A_202, %squeeze3A_37, %dma_wait3A_840, %dma_wait3A_841] : memref<4x96x96x2x96xf32, #tpu.memory_space<hbm>> -> memref<1x1x20x2x96xf32, #tpu.memory_space<hbm>>
      %dma_wait3A_843 = tpu.memref_squeeze %dma_wait3A_842 : memref<1x1x20x2x96xf32, #tpu.memory_space<hbm>> -> memref<20x2x96xf32, #tpu.memory_space<hbm>>
      %dma_wait3A_844 = arith.constant 180 : i32
      %dma_wait3A_845 = arith.constant 0 : i32
      %dma_wait3A_846 = arith.constant 0 : i32
      %dma_wait3A_847 = tpu.memref_slice %arg11[%dma_wait3A_844, %dma_wait3A_845, %dma_wait3A_846] : memref<560x2x96xf32, #tpu.memory_space<vmem>> -> memref<20x2x96xf32, #tpu.memory_space<vmem>>
      %dma_wait3A_848 = arith.constant 0 : i32
      %dma_wait3A_849 = arith.constant 0 : i32
      %dma_wait3A_850 = tpu.memref_slice %arg2[%squeeze3A, %add3A_202, %squeeze3A_37, %dma_wait3A_848, %dma_wait3A_849] : memref<4x96x96x2x96xf32, #tpu.memory_space<hbm>> -> memref<1x1x20x2x96xf32, #tpu.memory_space<hbm>>
      %dma_wait3A_851 = tpu.memref_squeeze %dma_wait3A_850 : memref<1x1x20x2x96xf32, #tpu.memory_space<hbm>> -> memref<20x2x96xf32, #tpu.memory_space<hbm>>
      tpu.wait_dma2 semaphore(%arg13 : memref<!tpu.dma_semaphore, #tpu.memory_space<semaphore_mem>>) src(%dma_wait3A_851 : memref<20x2x96xf32, #tpu.memory_space<hbm>>) dst(%dma_wait3A_847 : memref<20x2x96xf32, #tpu.memory_space<vmem>>)
      %dma_wait3A_852 = arith.constant 200 : i32
      %dma_wait3A_853 = arith.constant 0 : i32
      %dma_wait3A_854 = arith.constant 0 : i32
      %dma_wait3A_855 = tpu.memref_slice %arg11[%dma_wait3A_852, %dma_wait3A_853, %dma_wait3A_854] : memref<560x2x96xf32, #tpu.memory_space<vmem>> -> memref<20x2x96xf32, #tpu.memory_space<vmem>>
      %dma_wait3A_856 = arith.constant 0 : i32
      %dma_wait3A_857 = arith.constant 0 : i32
      %dma_wait3A_858 = tpu.memref_slice %arg2[%squeeze3A, %add3A_220, %squeeze3A_37, %dma_wait3A_856, %dma_wait3A_857] : memref<4x96x96x2x96xf32, #tpu.memory_space<hbm>> -> memref<1x1x20x2x96xf32, #tpu.memory_space<hbm>>
      %dma_wait3A_859 = tpu.memref_squeeze %dma_wait3A_858 : memref<1x1x20x2x96xf32, #tpu.memory_space<hbm>> -> memref<20x2x96xf32, #tpu.memory_space<hbm>>
      %dma_wait3A_860 = arith.constant 200 : i32
      %dma_wait3A_861 = arith.constant 0 : i32
      %dma_wait3A_862 = arith.constant 0 : i32
      %dma_wait3A_863 = tpu.memref_slice %arg11[%dma_wait3A_860, %dma_wait3A_861, %dma_wait3A_862] : memref<560x2x96xf32, #tpu.memory_space<vmem>> -> memref<20x2x96xf32, #tpu.memory_space<vmem>>
      %dma_wait3A_864 = arith.constant 0 : i32
      %dma_wait3A_865 = arith.constant 0 : i32
      %dma_wait3A_866 = tpu.memref_slice %arg2[%squeeze3A, %add3A_220, %squeeze3A_37, %dma_wait3A_864, %dma_wait3A_865] : memref<4x96x96x2x96xf32, #tpu.memory_space<hbm>> -> memref<1x1x20x2x96xf32, #tpu.memory_space<hbm>>
      %dma_wait3A_867 = tpu.memref_squeeze %dma_wait3A_866 : memref<1x1x20x2x96xf32, #tpu.memory_space<hbm>> -> memref<20x2x96xf32, #tpu.memory_space<hbm>>
      tpu.wait_dma2 semaphore(%arg13 : memref<!tpu.dma_semaphore, #tpu.memory_space<semaphore_mem>>) src(%dma_wait3A_867 : memref<20x2x96xf32, #tpu.memory_space<hbm>>) dst(%dma_wait3A_863 : memref<20x2x96xf32, #tpu.memory_space<vmem>>)
      %dma_wait3A_868 = arith.constant 220 : i32
      %dma_wait3A_869 = arith.constant 0 : i32
      %dma_wait3A_870 = arith.constant 0 : i32
      %dma_wait3A_871 = tpu.memref_slice %arg11[%dma_wait3A_868, %dma_wait3A_869, %dma_wait3A_870] : memref<560x2x96xf32, #tpu.memory_space<vmem>> -> memref<20x2x96xf32, #tpu.memory_space<vmem>>
      %dma_wait3A_872 = arith.constant 0 : i32
      %dma_wait3A_873 = arith.constant 0 : i32
      %dma_wait3A_874 = tpu.memref_slice %arg2[%squeeze3A, %add3A_238, %squeeze3A_37, %dma_wait3A_872, %dma_wait3A_873] : memref<4x96x96x2x96xf32, #tpu.memory_space<hbm>> -> memref<1x1x20x2x96xf32, #tpu.memory_space<hbm>>
      %dma_wait3A_875 = tpu.memref_squeeze %dma_wait3A_874 : memref<1x1x20x2x96xf32, #tpu.memory_space<hbm>> -> memref<20x2x96xf32, #tpu.memory_space<hbm>>
      %dma_wait3A_876 = arith.constant 220 : i32
      %dma_wait3A_877 = arith.constant 0 : i32
      %dma_wait3A_878 = arith.constant 0 : i32
      %dma_wait3A_879 = tpu.memref_slice %arg11[%dma_wait3A_876, %dma_wait3A_877, %dma_wait3A_878] : memref<560x2x96xf32, #tpu.memory_space<vmem>> -> memref<20x2x96xf32, #tpu.memory_space<vmem>>
      %dma_wait3A_880 = arith.constant 0 : i32
      %dma_wait3A_881 = arith.constant 0 : i32
      %dma_wait3A_882 = tpu.memref_slice %arg2[%squeeze3A, %add3A_238, %squeeze3A_37, %dma_wait3A_880, %dma_wait3A_881] : memref<4x96x96x2x96xf32, #tpu.memory_space<hbm>> -> memref<1x1x20x2x96xf32, #tpu.memory_space<hbm>>
      %dma_wait3A_883 = tpu.memref_squeeze %dma_wait3A_882 : memref<1x1x20x2x96xf32, #tpu.memory_space<hbm>> -> memref<20x2x96xf32, #tpu.memory_space<hbm>>
      tpu.wait_dma2 semaphore(%arg13 : memref<!tpu.dma_semaphore, #tpu.memory_space<semaphore_mem>>) src(%dma_wait3A_883 : memref<20x2x96xf32, #tpu.memory_space<hbm>>) dst(%dma_wait3A_879 : memref<20x2x96xf32, #tpu.memory_space<vmem>>)
      %dma_wait3A_884 = arith.constant 240 : i32
      %dma_wait3A_885 = arith.constant 0 : i32
      %dma_wait3A_886 = arith.constant 0 : i32
      %dma_wait3A_887 = tpu.memref_slice %arg11[%dma_wait3A_884, %dma_wait3A_885, %dma_wait3A_886] : memref<560x2x96xf32, #tpu.memory_space<vmem>> -> memref<20x2x96xf32, #tpu.memory_space<vmem>>
      %dma_wait3A_888 = arith.constant 0 : i32
      %dma_wait3A_889 = arith.constant 0 : i32
      %dma_wait3A_890 = tpu.memref_slice %arg2[%squeeze3A, %add3A_256, %squeeze3A_37, %dma_wait3A_888, %dma_wait3A_889] : memref<4x96x96x2x96xf32, #tpu.memory_space<hbm>> -> memref<1x1x20x2x96xf32, #tpu.memory_space<hbm>>
      %dma_wait3A_891 = tpu.memref_squeeze %dma_wait3A_890 : memref<1x1x20x2x96xf32, #tpu.memory_space<hbm>> -> memref<20x2x96xf32, #tpu.memory_space<hbm>>
      %dma_wait3A_892 = arith.constant 240 : i32
      %dma_wait3A_893 = arith.constant 0 : i32
      %dma_wait3A_894 = arith.constant 0 : i32
      %dma_wait3A_895 = tpu.memref_slice %arg11[%dma_wait3A_892, %dma_wait3A_893, %dma_wait3A_894] : memref<560x2x96xf32, #tpu.memory_space<vmem>> -> memref<20x2x96xf32, #tpu.memory_space<vmem>>
      %dma_wait3A_896 = arith.constant 0 : i32
      %dma_wait3A_897 = arith.constant 0 : i32
      %dma_wait3A_898 = tpu.memref_slice %arg2[%squeeze3A, %add3A_256, %squeeze3A_37, %dma_wait3A_896, %dma_wait3A_897] : memref<4x96x96x2x96xf32, #tpu.memory_space<hbm>> -> memref<1x1x20x2x96xf32, #tpu.memory_space<hbm>>
      %dma_wait3A_899 = tpu.memref_squeeze %dma_wait3A_898 : memref<1x1x20x2x96xf32, #tpu.memory_space<hbm>> -> memref<20x2x96xf32, #tpu.memory_space<hbm>>
      tpu.wait_dma2 semaphore(%arg13 : memref<!tpu.dma_semaphore, #tpu.memory_space<semaphore_mem>>) src(%dma_wait3A_899 : memref<20x2x96xf32, #tpu.memory_space<hbm>>) dst(%dma_wait3A_895 : memref<20x2x96xf32, #tpu.memory_space<vmem>>)
      %dma_wait3A_900 = arith.constant 260 : i32
      %dma_wait3A_901 = arith.constant 0 : i32
      %dma_wait3A_902 = arith.constant 0 : i32
      %dma_wait3A_903 = tpu.memref_slice %arg11[%dma_wait3A_900, %dma_wait3A_901, %dma_wait3A_902] : memref<560x2x96xf32, #tpu.memory_space<vmem>> -> memref<20x2x96xf32, #tpu.memory_space<vmem>>
      %dma_wait3A_904 = arith.constant 0 : i32
      %dma_wait3A_905 = arith.constant 0 : i32
      %dma_wait3A_906 = tpu.memref_slice %arg2[%squeeze3A, %add3A_274, %squeeze3A_37, %dma_wait3A_904, %dma_wait3A_905] : memref<4x96x96x2x96xf32, #tpu.memory_space<hbm>> -> memref<1x1x20x2x96xf32, #tpu.memory_space<hbm>>
      %dma_wait3A_907 = tpu.memref_squeeze %dma_wait3A_906 : memref<1x1x20x2x96xf32, #tpu.memory_space<hbm>> -> memref<20x2x96xf32, #tpu.memory_space<hbm>>
      %dma_wait3A_908 = arith.constant 260 : i32
      %dma_wait3A_909 = arith.constant 0 : i32
      %dma_wait3A_910 = arith.constant 0 : i32
      %dma_wait3A_911 = tpu.memref_slice %arg11[%dma_wait3A_908, %dma_wait3A_909, %dma_wait3A_910] : memref<560x2x96xf32, #tpu.memory_space<vmem>> -> memref<20x2x96xf32, #tpu.memory_space<vmem>>
      %dma_wait3A_912 = arith.constant 0 : i32
      %dma_wait3A_913 = arith.constant 0 : i32
      %dma_wait3A_914 = tpu.memref_slice %arg2[%squeeze3A, %add3A_274, %squeeze3A_37, %dma_wait3A_912, %dma_wait3A_913] : memref<4x96x96x2x96xf32, #tpu.memory_space<hbm>> -> memref<1x1x20x2x96xf32, #tpu.memory_space<hbm>>
      %dma_wait3A_915 = tpu.memref_squeeze %dma_wait3A_914 : memref<1x1x20x2x96xf32, #tpu.memory_space<hbm>> -> memref<20x2x96xf32, #tpu.memory_space<hbm>>
      tpu.wait_dma2 semaphore(%arg13 : memref<!tpu.dma_semaphore, #tpu.memory_space<semaphore_mem>>) src(%dma_wait3A_915 : memref<20x2x96xf32, #tpu.memory_space<hbm>>) dst(%dma_wait3A_911 : memref<20x2x96xf32, #tpu.memory_space<vmem>>)
      %dma_wait3A_916 = arith.constant 280 : i32
      %dma_wait3A_917 = arith.constant 0 : i32
      %dma_wait3A_918 = arith.constant 0 : i32
      %dma_wait3A_919 = tpu.memref_slice %arg11[%dma_wait3A_916, %dma_wait3A_917, %dma_wait3A_918] : memref<560x2x96xf32, #tpu.memory_space<vmem>> -> memref<20x2x96xf32, #tpu.memory_space<vmem>>
      %dma_wait3A_920 = arith.constant 0 : i32
      %dma_wait3A_921 = arith.constant 0 : i32
      %dma_wait3A_922 = tpu.memref_slice %arg2[%squeeze3A, %add3A_292, %squeeze3A_37, %dma_wait3A_920, %dma_wait3A_921] : memref<4x96x96x2x96xf32, #tpu.memory_space<hbm>> -> memref<1x1x20x2x96xf32, #tpu.memory_space<hbm>>
      %dma_wait3A_923 = tpu.memref_squeeze %dma_wait3A_922 : memref<1x1x20x2x96xf32, #tpu.memory_space<hbm>> -> memref<20x2x96xf32, #tpu.memory_space<hbm>>
      %dma_wait3A_924 = arith.constant 280 : i32
      %dma_wait3A_925 = arith.constant 0 : i32
      %dma_wait3A_926 = arith.constant 0 : i32
      %dma_wait3A_927 = tpu.memref_slice %arg11[%dma_wait3A_924, %dma_wait3A_925, %dma_wait3A_926] : memref<560x2x96xf32, #tpu.memory_space<vmem>> -> memref<20x2x96xf32, #tpu.memory_space<vmem>>
      %dma_wait3A_928 = arith.constant 0 : i32
      %dma_wait3A_929 = arith.constant 0 : i32
      %dma_wait3A_930 = tpu.memref_slice %arg2[%squeeze3A, %add3A_292, %squeeze3A_37, %dma_wait3A_928, %dma_wait3A_929] : memref<4x96x96x2x96xf32, #tpu.memory_space<hbm>> -> memref<1x1x20x2x96xf32, #tpu.memory_space<hbm>>
      %dma_wait3A_931 = tpu.memref_squeeze %dma_wait3A_930 : memref<1x1x20x2x96xf32, #tpu.memory_space<hbm>> -> memref<20x2x96xf32, #tpu.memory_space<hbm>>
      tpu.wait_dma2 semaphore(%arg13 : memref<!tpu.dma_semaphore, #tpu.memory_space<semaphore_mem>>) src(%dma_wait3A_931 : memref<20x2x96xf32, #tpu.memory_space<hbm>>) dst(%dma_wait3A_927 : memref<20x2x96xf32, #tpu.memory_space<vmem>>)
      %dma_wait3A_932 = arith.constant 300 : i32
      %dma_wait3A_933 = arith.constant 0 : i32
      %dma_wait3A_934 = arith.constant 0 : i32
      %dma_wait3A_935 = tpu.memref_slice %arg11[%dma_wait3A_932, %dma_wait3A_933, %dma_wait3A_934] : memref<560x2x96xf32, #tpu.memory_space<vmem>> -> memref<20x2x96xf32, #tpu.memory_space<vmem>>
      %dma_wait3A_936 = arith.constant 0 : i32
      %dma_wait3A_937 = arith.constant 0 : i32
      %dma_wait3A_938 = tpu.memref_slice %arg2[%squeeze3A, %add3A_310, %squeeze3A_37, %dma_wait3A_936, %dma_wait3A_937] : memref<4x96x96x2x96xf32, #tpu.memory_space<hbm>> -> memref<1x1x20x2x96xf32, #tpu.memory_space<hbm>>
      %dma_wait3A_939 = tpu.memref_squeeze %dma_wait3A_938 : memref<1x1x20x2x96xf32, #tpu.memory_space<hbm>> -> memref<20x2x96xf32, #tpu.memory_space<hbm>>
      %dma_wait3A_940 = arith.constant 300 : i32
      %dma_wait3A_941 = arith.constant 0 : i32
      %dma_wait3A_942 = arith.constant 0 : i32
      %dma_wait3A_943 = tpu.memref_slice %arg11[%dma_wait3A_940, %dma_wait3A_941, %dma_wait3A_942] : memref<560x2x96xf32, #tpu.memory_space<vmem>> -> memref<20x2x96xf32, #tpu.memory_space<vmem>>
      %dma_wait3A_944 = arith.constant 0 : i32
      %dma_wait3A_945 = arith.constant 0 : i32
      %dma_wait3A_946 = tpu.memref_slice %arg2[%squeeze3A, %add3A_310, %squeeze3A_37, %dma_wait3A_944, %dma_wait3A_945] : memref<4x96x96x2x96xf32, #tpu.memory_space<hbm>> -> memref<1x1x20x2x96xf32, #tpu.memory_space<hbm>>
      %dma_wait3A_947 = tpu.memref_squeeze %dma_wait3A_946 : memref<1x1x20x2x96xf32, #tpu.memory_space<hbm>> -> memref<20x2x96xf32, #tpu.memory_space<hbm>>
      tpu.wait_dma2 semaphore(%arg13 : memref<!tpu.dma_semaphore, #tpu.memory_space<semaphore_mem>>) src(%dma_wait3A_947 : memref<20x2x96xf32, #tpu.memory_space<hbm>>) dst(%dma_wait3A_943 : memref<20x2x96xf32, #tpu.memory_space<vmem>>)
      %dma_wait3A_948 = arith.constant 320 : i32
      %dma_wait3A_949 = arith.constant 0 : i32
      %dma_wait3A_950 = arith.constant 0 : i32
      %dma_wait3A_951 = tpu.memref_slice %arg11[%dma_wait3A_948, %dma_wait3A_949, %dma_wait3A_950] : memref<560x2x96xf32, #tpu.memory_space<vmem>> -> memref<20x2x96xf32, #tpu.memory_space<vmem>>
      %dma_wait3A_952 = arith.constant 0 : i32
      %dma_wait3A_953 = arith.constant 0 : i32
      %dma_wait3A_954 = tpu.memref_slice %arg2[%squeeze3A, %add3A_328, %squeeze3A_37, %dma_wait3A_952, %dma_wait3A_953] : memref<4x96x96x2x96xf32, #tpu.memory_space<hbm>> -> memref<1x1x20x2x96xf32, #tpu.memory_space<hbm>>
      %dma_wait3A_955 = tpu.memref_squeeze %dma_wait3A_954 : memref<1x1x20x2x96xf32, #tpu.memory_space<hbm>> -> memref<20x2x96xf32, #tpu.memory_space<hbm>>
      %dma_wait3A_956 = arith.constant 320 : i32
      %dma_wait3A_957 = arith.constant 0 : i32
      %dma_wait3A_958 = arith.constant 0 : i32
      %dma_wait3A_959 = tpu.memref_slice %arg11[%dma_wait3A_956, %dma_wait3A_957, %dma_wait3A_958] : memref<560x2x96xf32, #tpu.memory_space<vmem>> -> memref<20x2x96xf32, #tpu.memory_space<vmem>>
      %dma_wait3A_960 = arith.constant 0 : i32
      %dma_wait3A_961 = arith.constant 0 : i32
      %dma_wait3A_962 = tpu.memref_slice %arg2[%squeeze3A, %add3A_328, %squeeze3A_37, %dma_wait3A_960, %dma_wait3A_961] : memref<4x96x96x2x96xf32, #tpu.memory_space<hbm>> -> memref<1x1x20x2x96xf32, #tpu.memory_space<hbm>>
      %dma_wait3A_963 = tpu.memref_squeeze %dma_wait3A_962 : memref<1x1x20x2x96xf32, #tpu.memory_space<hbm>> -> memref<20x2x96xf32, #tpu.memory_space<hbm>>
      tpu.wait_dma2 semaphore(%arg13 : memref<!tpu.dma_semaphore, #tpu.memory_space<semaphore_mem>>) src(%dma_wait3A_963 : memref<20x2x96xf32, #tpu.memory_space<hbm>>) dst(%dma_wait3A_959 : memref<20x2x96xf32, #tpu.memory_space<vmem>>)
      %dma_wait3A_964 = arith.constant 340 : i32
      %dma_wait3A_965 = arith.constant 0 : i32
      %dma_wait3A_966 = arith.constant 0 : i32
      %dma_wait3A_967 = tpu.memref_slice %arg11[%dma_wait3A_964, %dma_wait3A_965, %dma_wait3A_966] : memref<560x2x96xf32, #tpu.memory_space<vmem>> -> memref<20x2x96xf32, #tpu.memory_space<vmem>>
      %dma_wait3A_968 = arith.constant 0 : i32
      %dma_wait3A_969 = arith.constant 0 : i32
      %dma_wait3A_970 = tpu.memref_slice %arg2[%squeeze3A, %add3A_346, %squeeze3A_37, %dma_wait3A_968, %dma_wait3A_969] : memref<4x96x96x2x96xf32, #tpu.memory_space<hbm>> -> memref<1x1x20x2x96xf32, #tpu.memory_space<hbm>>
      %dma_wait3A_971 = tpu.memref_squeeze %dma_wait3A_970 : memref<1x1x20x2x96xf32, #tpu.memory_space<hbm>> -> memref<20x2x96xf32, #tpu.memory_space<hbm>>
      %dma_wait3A_972 = arith.constant 340 : i32
      %dma_wait3A_973 = arith.constant 0 : i32
      %dma_wait3A_974 = arith.constant 0 : i32
      %dma_wait3A_975 = tpu.memref_slice %arg11[%dma_wait3A_972, %dma_wait3A_973, %dma_wait3A_974] : memref<560x2x96xf32, #tpu.memory_space<vmem>> -> memref<20x2x96xf32, #tpu.memory_space<vmem>>
      %dma_wait3A_976 = arith.constant 0 : i32
      %dma_wait3A_977 = arith.constant 0 : i32
      %dma_wait3A_978 = tpu.memref_slice %arg2[%squeeze3A, %add3A_346, %squeeze3A_37, %dma_wait3A_976, %dma_wait3A_977] : memref<4x96x96x2x96xf32, #tpu.memory_space<hbm>> -> memref<1x1x20x2x96xf32, #tpu.memory_space<hbm>>
      %dma_wait3A_979 = tpu.memref_squeeze %dma_wait3A_978 : memref<1x1x20x2x96xf32, #tpu.memory_space<hbm>> -> memref<20x2x96xf32, #tpu.memory_space<hbm>>
      tpu.wait_dma2 semaphore(%arg13 : memref<!tpu.dma_semaphore, #tpu.memory_space<semaphore_mem>>) src(%dma_wait3A_979 : memref<20x2x96xf32, #tpu.memory_space<hbm>>) dst(%dma_wait3A_975 : memref<20x2x96xf32, #tpu.memory_space<vmem>>)
      %dma_wait3A_980 = arith.constant 360 : i32
      %dma_wait3A_981 = arith.constant 0 : i32
      %dma_wait3A_982 = arith.constant 0 : i32
      %dma_wait3A_983 = tpu.memref_slice %arg11[%dma_wait3A_980, %dma_wait3A_981, %dma_wait3A_982] : memref<560x2x96xf32, #tpu.memory_space<vmem>> -> memref<20x2x96xf32, #tpu.memory_space<vmem>>
      %dma_wait3A_984 = arith.constant 0 : i32
      %dma_wait3A_985 = arith.constant 0 : i32
      %dma_wait3A_986 = tpu.memref_slice %arg2[%squeeze3A, %add3A_364, %squeeze3A_37, %dma_wait3A_984, %dma_wait3A_985] : memref<4x96x96x2x96xf32, #tpu.memory_space<hbm>> -> memref<1x1x20x2x96xf32, #tpu.memory_space<hbm>>
      %dma_wait3A_987 = tpu.memref_squeeze %dma_wait3A_986 : memref<1x1x20x2x96xf32, #tpu.memory_space<hbm>> -> memref<20x2x96xf32, #tpu.memory_space<hbm>>
      %dma_wait3A_988 = arith.constant 360 : i32
      %dma_wait3A_989 = arith.constant 0 : i32
      %dma_wait3A_990 = arith.constant 0 : i32
      %dma_wait3A_991 = tpu.memref_slice %arg11[%dma_wait3A_988, %dma_wait3A_989, %dma_wait3A_990] : memref<560x2x96xf32, #tpu.memory_space<vmem>> -> memref<20x2x96xf32, #tpu.memory_space<vmem>>
      %dma_wait3A_992 = arith.constant 0 : i32
      %dma_wait3A_993 = arith.constant 0 : i32
      %dma_wait3A_994 = tpu.memref_slice %arg2[%squeeze3A, %add3A_364, %squeeze3A_37, %dma_wait3A_992, %dma_wait3A_993] : memref<4x96x96x2x96xf32, #tpu.memory_space<hbm>> -> memref<1x1x20x2x96xf32, #tpu.memory_space<hbm>>
      %dma_wait3A_995 = tpu.memref_squeeze %dma_wait3A_994 : memref<1x1x20x2x96xf32, #tpu.memory_space<hbm>> -> memref<20x2x96xf32, #tpu.memory_space<hbm>>
      tpu.wait_dma2 semaphore(%arg13 : memref<!tpu.dma_semaphore, #tpu.memory_space<semaphore_mem>>) src(%dma_wait3A_995 : memref<20x2x96xf32, #tpu.memory_space<hbm>>) dst(%dma_wait3A_991 : memref<20x2x96xf32, #tpu.memory_space<vmem>>)
      %dma_wait3A_996 = arith.constant 380 : i32
      %dma_wait3A_997 = arith.constant 0 : i32
      %dma_wait3A_998 = arith.constant 0 : i32
      %dma_wait3A_999 = tpu.memref_slice %arg11[%dma_wait3A_996, %dma_wait3A_997, %dma_wait3A_998] : memref<560x2x96xf32, #tpu.memory_space<vmem>> -> memref<20x2x96xf32, #tpu.memory_space<vmem>>
      %dma_wait3A_1000 = arith.constant 0 : i32
      %dma_wait3A_1001 = arith.constant 0 : i32
      %dma_wait3A_1002 = tpu.memref_slice %arg2[%squeeze3A, %add3A_382, %squeeze3A_37, %dma_wait3A_1000, %dma_wait3A_1001] : memref<4x96x96x2x96xf32, #tpu.memory_space<hbm>> -> memref<1x1x20x2x96xf32, #tpu.memory_space<hbm>>
      %dma_wait3A_1003 = tpu.memref_squeeze %dma_wait3A_1002 : memref<1x1x20x2x96xf32, #tpu.memory_space<hbm>> -> memref<20x2x96xf32, #tpu.memory_space<hbm>>
      %dma_wait3A_1004 = arith.constant 380 : i32
      %dma_wait3A_1005 = arith.constant 0 : i32
      %dma_wait3A_1006 = arith.constant 0 : i32
      %dma_wait3A_1007 = tpu.memref_slice %arg11[%dma_wait3A_1004, %dma_wait3A_1005, %dma_wait3A_1006] : memref<560x2x96xf32, #tpu.memory_space<vmem>> -> memref<20x2x96xf32, #tpu.memory_space<vmem>>
      %dma_wait3A_1008 = arith.constant 0 : i32
      %dma_wait3A_1009 = arith.constant 0 : i32
      %dma_wait3A_1010 = tpu.memref_slice %arg2[%squeeze3A, %add3A_382, %squeeze3A_37, %dma_wait3A_1008, %dma_wait3A_1009] : memref<4x96x96x2x96xf32, #tpu.memory_space<hbm>> -> memref<1x1x20x2x96xf32, #tpu.memory_space<hbm>>
      %dma_wait3A_1011 = tpu.memref_squeeze %dma_wait3A_1010 : memref<1x1x20x2x96xf32, #tpu.memory_space<hbm>> -> memref<20x2x96xf32, #tpu.memory_space<hbm>>
      tpu.wait_dma2 semaphore(%arg13 : memref<!tpu.dma_semaphore, #tpu.memory_space<semaphore_mem>>) src(%dma_wait3A_1011 : memref<20x2x96xf32, #tpu.memory_space<hbm>>) dst(%dma_wait3A_1007 : memref<20x2x96xf32, #tpu.memory_space<vmem>>)
      %dma_wait3A_1012 = arith.constant 400 : i32
      %dma_wait3A_1013 = arith.constant 0 : i32
      %dma_wait3A_1014 = arith.constant 0 : i32
      %dma_wait3A_1015 = tpu.memref_slice %arg11[%dma_wait3A_1012, %dma_wait3A_1013, %dma_wait3A_1014] : memref<560x2x96xf32, #tpu.memory_space<vmem>> -> memref<20x2x96xf32, #tpu.memory_space<vmem>>
      %dma_wait3A_1016 = arith.constant 0 : i32
      %dma_wait3A_1017 = arith.constant 0 : i32
      %dma_wait3A_1018 = tpu.memref_slice %arg2[%squeeze3A, %add3A_400, %squeeze3A_37, %dma_wait3A_1016, %dma_wait3A_1017] : memref<4x96x96x2x96xf32, #tpu.memory_space<hbm>> -> memref<1x1x20x2x96xf32, #tpu.memory_space<hbm>>
      %dma_wait3A_1019 = tpu.memref_squeeze %dma_wait3A_1018 : memref<1x1x20x2x96xf32, #tpu.memory_space<hbm>> -> memref<20x2x96xf32, #tpu.memory_space<hbm>>
      %dma_wait3A_1020 = arith.constant 400 : i32
      %dma_wait3A_1021 = arith.constant 0 : i32
      %dma_wait3A_1022 = arith.constant 0 : i32
      %dma_wait3A_1023 = tpu.memref_slice %arg11[%dma_wait3A_1020, %dma_wait3A_1021, %dma_wait3A_1022] : memref<560x2x96xf32, #tpu.memory_space<vmem>> -> memref<20x2x96xf32, #tpu.memory_space<vmem>>
      %dma_wait3A_1024 = arith.constant 0 : i32
      %dma_wait3A_1025 = arith.constant 0 : i32
      %dma_wait3A_1026 = tpu.memref_slice %arg2[%squeeze3A, %add3A_400, %squeeze3A_37, %dma_wait3A_1024, %dma_wait3A_1025] : memref<4x96x96x2x96xf32, #tpu.memory_space<hbm>> -> memref<1x1x20x2x96xf32, #tpu.memory_space<hbm>>
      %dma_wait3A_1027 = tpu.memref_squeeze %dma_wait3A_1026 : memref<1x1x20x2x96xf32, #tpu.memory_space<hbm>> -> memref<20x2x96xf32, #tpu.memory_space<hbm>>
      tpu.wait_dma2 semaphore(%arg13 : memref<!tpu.dma_semaphore, #tpu.memory_space<semaphore_mem>>) src(%dma_wait3A_1027 : memref<20x2x96xf32, #tpu.memory_space<hbm>>) dst(%dma_wait3A_1023 : memref<20x2x96xf32, #tpu.memory_space<vmem>>)
      %dma_wait3A_1028 = arith.constant 420 : i32
      %dma_wait3A_1029 = arith.constant 0 : i32
      %dma_wait3A_1030 = arith.constant 0 : i32
      %dma_wait3A_1031 = tpu.memref_slice %arg11[%dma_wait3A_1028, %dma_wait3A_1029, %dma_wait3A_1030] : memref<560x2x96xf32, #tpu.memory_space<vmem>> -> memref<20x2x96xf32, #tpu.memory_space<vmem>>
      %dma_wait3A_1032 = arith.constant 0 : i32
      %dma_wait3A_1033 = arith.constant 0 : i32
      %dma_wait3A_1034 = tpu.memref_slice %arg2[%squeeze3A, %add3A_418, %squeeze3A_37, %dma_wait3A_1032, %dma_wait3A_1033] : memref<4x96x96x2x96xf32, #tpu.memory_space<hbm>> -> memref<1x1x20x2x96xf32, #tpu.memory_space<hbm>>
      %dma_wait3A_1035 = tpu.memref_squeeze %dma_wait3A_1034 : memref<1x1x20x2x96xf32, #tpu.memory_space<hbm>> -> memref<20x2x96xf32, #tpu.memory_space<hbm>>
      %dma_wait3A_1036 = arith.constant 420 : i32
      %dma_wait3A_1037 = arith.constant 0 : i32
      %dma_wait3A_1038 = arith.constant 0 : i32
      %dma_wait3A_1039 = tpu.memref_slice %arg11[%dma_wait3A_1036, %dma_wait3A_1037, %dma_wait3A_1038] : memref<560x2x96xf32, #tpu.memory_space<vmem>> -> memref<20x2x96xf32, #tpu.memory_space<vmem>>
      %dma_wait3A_1040 = arith.constant 0 : i32
      %dma_wait3A_1041 = arith.constant 0 : i32
      %dma_wait3A_1042 = tpu.memref_slice %arg2[%squeeze3A, %add3A_418, %squeeze3A_37, %dma_wait3A_1040, %dma_wait3A_1041] : memref<4x96x96x2x96xf32, #tpu.memory_space<hbm>> -> memref<1x1x20x2x96xf32, #tpu.memory_space<hbm>>
      %dma_wait3A_1043 = tpu.memref_squeeze %dma_wait3A_1042 : memref<1x1x20x2x96xf32, #tpu.memory_space<hbm>> -> memref<20x2x96xf32, #tpu.memory_space<hbm>>
      tpu.wait_dma2 semaphore(%arg13 : memref<!tpu.dma_semaphore, #tpu.memory_space<semaphore_mem>>) src(%dma_wait3A_1043 : memref<20x2x96xf32, #tpu.memory_space<hbm>>) dst(%dma_wait3A_1039 : memref<20x2x96xf32, #tpu.memory_space<vmem>>)
      %dma_wait3A_1044 = arith.constant 440 : i32
      %dma_wait3A_1045 = arith.constant 0 : i32
      %dma_wait3A_1046 = arith.constant 0 : i32
      %dma_wait3A_1047 = tpu.memref_slice %arg11[%dma_wait3A_1044, %dma_wait3A_1045, %dma_wait3A_1046] : memref<560x2x96xf32, #tpu.memory_space<vmem>> -> memref<20x2x96xf32, #tpu.memory_space<vmem>>
      %dma_wait3A_1048 = arith.constant 0 : i32
      %dma_wait3A_1049 = arith.constant 0 : i32
      %dma_wait3A_1050 = tpu.memref_slice %arg2[%squeeze3A, %add3A_436, %squeeze3A_37, %dma_wait3A_1048, %dma_wait3A_1049] : memref<4x96x96x2x96xf32, #tpu.memory_space<hbm>> -> memref<1x1x20x2x96xf32, #tpu.memory_space<hbm>>
      %dma_wait3A_1051 = tpu.memref_squeeze %dma_wait3A_1050 : memref<1x1x20x2x96xf32, #tpu.memory_space<hbm>> -> memref<20x2x96xf32, #tpu.memory_space<hbm>>
      %dma_wait3A_1052 = arith.constant 440 : i32
      %dma_wait3A_1053 = arith.constant 0 : i32
      %dma_wait3A_1054 = arith.constant 0 : i32
      %dma_wait3A_1055 = tpu.memref_slice %arg11[%dma_wait3A_1052, %dma_wait3A_1053, %dma_wait3A_1054] : memref<560x2x96xf32, #tpu.memory_space<vmem>> -> memref<20x2x96xf32, #tpu.memory_space<vmem>>
      %dma_wait3A_1056 = arith.constant 0 : i32
      %dma_wait3A_1057 = arith.constant 0 : i32
      %dma_wait3A_1058 = tpu.memref_slice %arg2[%squeeze3A, %add3A_436, %squeeze3A_37, %dma_wait3A_1056, %dma_wait3A_1057] : memref<4x96x96x2x96xf32, #tpu.memory_space<hbm>> -> memref<1x1x20x2x96xf32, #tpu.memory_space<hbm>>
      %dma_wait3A_1059 = tpu.memref_squeeze %dma_wait3A_1058 : memref<1x1x20x2x96xf32, #tpu.memory_space<hbm>> -> memref<20x2x96xf32, #tpu.memory_space<hbm>>
      tpu.wait_dma2 semaphore(%arg13 : memref<!tpu.dma_semaphore, #tpu.memory_space<semaphore_mem>>) src(%dma_wait3A_1059 : memref<20x2x96xf32, #tpu.memory_space<hbm>>) dst(%dma_wait3A_1055 : memref<20x2x96xf32, #tpu.memory_space<vmem>>)
      %dma_wait3A_1060 = arith.constant 460 : i32
      %dma_wait3A_1061 = arith.constant 0 : i32
      %dma_wait3A_1062 = arith.constant 0 : i32
      %dma_wait3A_1063 = tpu.memref_slice %arg11[%dma_wait3A_1060, %dma_wait3A_1061, %dma_wait3A_1062] : memref<560x2x96xf32, #tpu.memory_space<vmem>> -> memref<20x2x96xf32, #tpu.memory_space<vmem>>
      %dma_wait3A_1064 = arith.constant 0 : i32
      %dma_wait3A_1065 = arith.constant 0 : i32
      %dma_wait3A_1066 = tpu.memref_slice %arg2[%squeeze3A, %add3A_454, %squeeze3A_37, %dma_wait3A_1064, %dma_wait3A_1065] : memref<4x96x96x2x96xf32, #tpu.memory_space<hbm>> -> memref<1x1x20x2x96xf32, #tpu.memory_space<hbm>>
      %dma_wait3A_1067 = tpu.memref_squeeze %dma_wait3A_1066 : memref<1x1x20x2x96xf32, #tpu.memory_space<hbm>> -> memref<20x2x96xf32, #tpu.memory_space<hbm>>
      %dma_wait3A_1068 = arith.constant 460 : i32
      %dma_wait3A_1069 = arith.constant 0 : i32
      %dma_wait3A_1070 = arith.constant 0 : i32
      %dma_wait3A_1071 = tpu.memref_slice %arg11[%dma_wait3A_1068, %dma_wait3A_1069, %dma_wait3A_1070] : memref<560x2x96xf32, #tpu.memory_space<vmem>> -> memref<20x2x96xf32, #tpu.memory_space<vmem>>
      %dma_wait3A_1072 = arith.constant 0 : i32
      %dma_wait3A_1073 = arith.constant 0 : i32
      %dma_wait3A_1074 = tpu.memref_slice %arg2[%squeeze3A, %add3A_454, %squeeze3A_37, %dma_wait3A_1072, %dma_wait3A_1073] : memref<4x96x96x2x96xf32, #tpu.memory_space<hbm>> -> memref<1x1x20x2x96xf32, #tpu.memory_space<hbm>>
      %dma_wait3A_1075 = tpu.memref_squeeze %dma_wait3A_1074 : memref<1x1x20x2x96xf32, #tpu.memory_space<hbm>> -> memref<20x2x96xf32, #tpu.memory_space<hbm>>
      tpu.wait_dma2 semaphore(%arg13 : memref<!tpu.dma_semaphore, #tpu.memory_space<semaphore_mem>>) src(%dma_wait3A_1075 : memref<20x2x96xf32, #tpu.memory_space<hbm>>) dst(%dma_wait3A_1071 : memref<20x2x96xf32, #tpu.memory_space<vmem>>)
      %dma_wait3A_1076 = arith.constant 480 : i32
      %dma_wait3A_1077 = arith.constant 0 : i32
      %dma_wait3A_1078 = arith.constant 0 : i32
      %dma_wait3A_1079 = tpu.memref_slice %arg11[%dma_wait3A_1076, %dma_wait3A_1077, %dma_wait3A_1078] : memref<560x2x96xf32, #tpu.memory_space<vmem>> -> memref<20x2x96xf32, #tpu.memory_space<vmem>>
      %dma_wait3A_1080 = arith.constant 0 : i32
      %dma_wait3A_1081 = arith.constant 0 : i32
      %dma_wait3A_1082 = tpu.memref_slice %arg2[%squeeze3A, %add3A_472, %squeeze3A_37, %dma_wait3A_1080, %dma_wait3A_1081] : memref<4x96x96x2x96xf32, #tpu.memory_space<hbm>> -> memref<1x1x20x2x96xf32, #tpu.memory_space<hbm>>
      %dma_wait3A_1083 = tpu.memref_squeeze %dma_wait3A_1082 : memref<1x1x20x2x96xf32, #tpu.memory_space<hbm>> -> memref<20x2x96xf32, #tpu.memory_space<hbm>>
      %dma_wait3A_1084 = arith.constant 480 : i32
      %dma_wait3A_1085 = arith.constant 0 : i32
      %dma_wait3A_1086 = arith.constant 0 : i32
      %dma_wait3A_1087 = tpu.memref_slice %arg11[%dma_wait3A_1084, %dma_wait3A_1085, %dma_wait3A_1086] : memref<560x2x96xf32, #tpu.memory_space<vmem>> -> memref<20x2x96xf32, #tpu.memory_space<vmem>>
      %dma_wait3A_1088 = arith.constant 0 : i32
      %dma_wait3A_1089 = arith.constant 0 : i32
      %dma_wait3A_1090 = tpu.memref_slice %arg2[%squeeze3A, %add3A_472, %squeeze3A_37, %dma_wait3A_1088, %dma_wait3A_1089] : memref<4x96x96x2x96xf32, #tpu.memory_space<hbm>> -> memref<1x1x20x2x96xf32, #tpu.memory_space<hbm>>
      %dma_wait3A_1091 = tpu.memref_squeeze %dma_wait3A_1090 : memref<1x1x20x2x96xf32, #tpu.memory_space<hbm>> -> memref<20x2x96xf32, #tpu.memory_space<hbm>>
      tpu.wait_dma2 semaphore(%arg13 : memref<!tpu.dma_semaphore, #tpu.memory_space<semaphore_mem>>) src(%dma_wait3A_1091 : memref<20x2x96xf32, #tpu.memory_space<hbm>>) dst(%dma_wait3A_1087 : memref<20x2x96xf32, #tpu.memory_space<vmem>>)
      %dma_wait3A_1092 = arith.constant 500 : i32
      %dma_wait3A_1093 = arith.constant 0 : i32
      %dma_wait3A_1094 = arith.constant 0 : i32
      %dma_wait3A_1095 = tpu.memref_slice %arg11[%dma_wait3A_1092, %dma_wait3A_1093, %dma_wait3A_1094] : memref<560x2x96xf32, #tpu.memory_space<vmem>> -> memref<20x2x96xf32, #tpu.memory_space<vmem>>
      %dma_wait3A_1096 = arith.constant 0 : i32
      %dma_wait3A_1097 = arith.constant 0 : i32
      %dma_wait3A_1098 = tpu.memref_slice %arg2[%squeeze3A, %add3A_490, %squeeze3A_37, %dma_wait3A_1096, %dma_wait3A_1097] : memref<4x96x96x2x96xf32, #tpu.memory_space<hbm>> -> memref<1x1x20x2x96xf32, #tpu.memory_space<hbm>>
      %dma_wait3A_1099 = tpu.memref_squeeze %dma_wait3A_1098 : memref<1x1x20x2x96xf32, #tpu.memory_space<hbm>> -> memref<20x2x96xf32, #tpu.memory_space<hbm>>
      %dma_wait3A_1100 = arith.constant 500 : i32
      %dma_wait3A_1101 = arith.constant 0 : i32
      %dma_wait3A_1102 = arith.constant 0 : i32
      %dma_wait3A_1103 = tpu.memref_slice %arg11[%dma_wait3A_1100, %dma_wait3A_1101, %dma_wait3A_1102] : memref<560x2x96xf32, #tpu.memory_space<vmem>> -> memref<20x2x96xf32, #tpu.memory_space<vmem>>
      %dma_wait3A_1104 = arith.constant 0 : i32
      %dma_wait3A_1105 = arith.constant 0 : i32
      %dma_wait3A_1106 = tpu.memref_slice %arg2[%squeeze3A, %add3A_490, %squeeze3A_37, %dma_wait3A_1104, %dma_wait3A_1105] : memref<4x96x96x2x96xf32, #tpu.memory_space<hbm>> -> memref<1x1x20x2x96xf32, #tpu.memory_space<hbm>>
      %dma_wait3A_1107 = tpu.memref_squeeze %dma_wait3A_1106 : memref<1x1x20x2x96xf32, #tpu.memory_space<hbm>> -> memref<20x2x96xf32, #tpu.memory_space<hbm>>
      tpu.wait_dma2 semaphore(%arg13 : memref<!tpu.dma_semaphore, #tpu.memory_space<semaphore_mem>>) src(%dma_wait3A_1107 : memref<20x2x96xf32, #tpu.memory_space<hbm>>) dst(%dma_wait3A_1103 : memref<20x2x96xf32, #tpu.memory_space<vmem>>)
      %dma_wait3A_1108 = arith.constant 520 : i32
      %dma_wait3A_1109 = arith.constant 0 : i32
      %dma_wait3A_1110 = arith.constant 0 : i32
      %dma_wait3A_1111 = tpu.memref_slice %arg11[%dma_wait3A_1108, %dma_wait3A_1109, %dma_wait3A_1110] : memref<560x2x96xf32, #tpu.memory_space<vmem>> -> memref<20x2x96xf32, #tpu.memory_space<vmem>>
      %dma_wait3A_1112 = arith.constant 0 : i32
      %dma_wait3A_1113 = arith.constant 0 : i32
      %dma_wait3A_1114 = tpu.memref_slice %arg2[%squeeze3A, %add3A_508, %squeeze3A_37, %dma_wait3A_1112, %dma_wait3A_1113] : memref<4x96x96x2x96xf32, #tpu.memory_space<hbm>> -> memref<1x1x20x2x96xf32, #tpu.memory_space<hbm>>
      %dma_wait3A_1115 = tpu.memref_squeeze %dma_wait3A_1114 : memref<1x1x20x2x96xf32, #tpu.memory_space<hbm>> -> memref<20x2x96xf32, #tpu.memory_space<hbm>>
      %dma_wait3A_1116 = arith.constant 520 : i32
      %dma_wait3A_1117 = arith.constant 0 : i32
      %dma_wait3A_1118 = arith.constant 0 : i32
      %dma_wait3A_1119 = tpu.memref_slice %arg11[%dma_wait3A_1116, %dma_wait3A_1117, %dma_wait3A_1118] : memref<560x2x96xf32, #tpu.memory_space<vmem>> -> memref<20x2x96xf32, #tpu.memory_space<vmem>>
      %dma_wait3A_1120 = arith.constant 0 : i32
      %dma_wait3A_1121 = arith.constant 0 : i32
      %dma_wait3A_1122 = tpu.memref_slice %arg2[%squeeze3A, %add3A_508, %squeeze3A_37, %dma_wait3A_1120, %dma_wait3A_1121] : memref<4x96x96x2x96xf32, #tpu.memory_space<hbm>> -> memref<1x1x20x2x96xf32, #tpu.memory_space<hbm>>
      %dma_wait3A_1123 = tpu.memref_squeeze %dma_wait3A_1122 : memref<1x1x20x2x96xf32, #tpu.memory_space<hbm>> -> memref<20x2x96xf32, #tpu.memory_space<hbm>>
      tpu.wait_dma2 semaphore(%arg13 : memref<!tpu.dma_semaphore, #tpu.memory_space<semaphore_mem>>) src(%dma_wait3A_1123 : memref<20x2x96xf32, #tpu.memory_space<hbm>>) dst(%dma_wait3A_1119 : memref<20x2x96xf32, #tpu.memory_space<vmem>>)
      %dma_wait3A_1124 = arith.constant 540 : i32
      %dma_wait3A_1125 = arith.constant 0 : i32
      %dma_wait3A_1126 = arith.constant 0 : i32
      %dma_wait3A_1127 = tpu.memref_slice %arg11[%dma_wait3A_1124, %dma_wait3A_1125, %dma_wait3A_1126] : memref<560x2x96xf32, #tpu.memory_space<vmem>> -> memref<20x2x96xf32, #tpu.memory_space<vmem>>
      %dma_wait3A_1128 = arith.constant 0 : i32
      %dma_wait3A_1129 = arith.constant 0 : i32
      %dma_wait3A_1130 = tpu.memref_slice %arg2[%squeeze3A, %add3A_526, %squeeze3A_37, %dma_wait3A_1128, %dma_wait3A_1129] : memref<4x96x96x2x96xf32, #tpu.memory_space<hbm>> -> memref<1x1x20x2x96xf32, #tpu.memory_space<hbm>>
      %dma_wait3A_1131 = tpu.memref_squeeze %dma_wait3A_1130 : memref<1x1x20x2x96xf32, #tpu.memory_space<hbm>> -> memref<20x2x96xf32, #tpu.memory_space<hbm>>
      %dma_wait3A_1132 = arith.constant 540 : i32
      %dma_wait3A_1133 = arith.constant 0 : i32
      %dma_wait3A_1134 = arith.constant 0 : i32
      %dma_wait3A_1135 = tpu.memref_slice %arg11[%dma_wait3A_1132, %dma_wait3A_1133, %dma_wait3A_1134] : memref<560x2x96xf32, #tpu.memory_space<vmem>> -> memref<20x2x96xf32, #tpu.memory_space<vmem>>
      %dma_wait3A_1136 = arith.constant 0 : i32
      %dma_wait3A_1137 = arith.constant 0 : i32
      %dma_wait3A_1138 = tpu.memref_slice %arg2[%squeeze3A, %add3A_526, %squeeze3A_37, %dma_wait3A_1136, %dma_wait3A_1137] : memref<4x96x96x2x96xf32, #tpu.memory_space<hbm>> -> memref<1x1x20x2x96xf32, #tpu.memory_space<hbm>>
      %dma_wait3A_1139 = tpu.memref_squeeze %dma_wait3A_1138 : memref<1x1x20x2x96xf32, #tpu.memory_space<hbm>> -> memref<20x2x96xf32, #tpu.memory_space<hbm>>
      tpu.wait_dma2 semaphore(%arg13 : memref<!tpu.dma_semaphore, #tpu.memory_space<semaphore_mem>>) src(%dma_wait3A_1139 : memref<20x2x96xf32, #tpu.memory_space<hbm>>) dst(%dma_wait3A_1135 : memref<20x2x96xf32, #tpu.memory_space<vmem>>)
      %scan3A_1140 = arith.constant 0 : i32
      %scan3A_1141 = arith.constant 0 : i32
      %scan3A_1142 = arith.constant 8 : i32
      %scan3A_1143 = arith.addi %scan3A_1141, %scan3A_1142 : i32
      %scan3A_1144 = arith.constant 1 : i32
      scf.for %scan3A_1146 = %scan3A_1141 to %scan3A_1143 step %scan3A_1144  : i32 {
        %add3A_1147 = arith.addi %squeeze3A_31, %scan3A_1146 : i32
        %get3A_1148 = arith.index_cast %add3A_1147 : i32 to index
        %get3A_1149 = tpu.vector_load %arg10[%get3A_1148] {strides = array<i32>} : memref<112xf32, #tpu.memory_space<vmem>>, vector<16xf32>,
        %slice3A_1150 = vector.extract_strided_slice %get3A_1149 {offsets = [0], sizes = [1], strides = [1]} : vector<16xf32> to vector<1xf32>
        %squeeze3A_1151 = vector.extract %slice3A_1150[0] : f32 from vector<1xf32>
        %mul3A_1152 = arith.mulf %squeeze3A_548, %squeeze3A_1151 : f32
        %broadcast_in_dim3A_1153 = vector.broadcast %mul3A_1152 : f32 to vector<16xf32>
        %mul3A_1154 = arith.mulf %squeeze3A_556, %squeeze3A_1151 : f32
        %broadcast_in_dim3A_1155 = vector.broadcast %mul3A_1154 : f32 to vector<16xf32>
        %mul3A_1156 = arith.mulf %squeeze3A_564, %squeeze3A_1151 : f32
        %broadcast_in_dim3A_1157 = vector.broadcast %mul3A_1156 : f32 to vector<16xf32>
        %scan3A_1158 = arith.constant 0 : i32
        %scan3A_1159 = arith.constant 0 : i32
        %scan3A_1160 = arith.constant 16 : i32
        %scan3A_1161 = arith.addi %scan3A_1159, %scan3A_1160 : i32
        %scan3A_1162 = arith.constant 1 : i32
        scf.for %scan3A_1167 = %scan3A_1159 to %scan3A_1161 step %scan3A_1162  : i32 {
          %add3A_1168 = arith.addi %multiple_of3A, %scan3A_1167 : i32
          %get3A_1169 = arith.index_cast %add3A_1168 : i32 to index
          %get3A_1170 = tpu.vector_load %arg10[%get3A_1169] {strides = array<i32>} : memref<112xf32, #tpu.memory_space<vmem>>, vector<16xf32>,
          %slice3A_1171 = vector.extract_strided_slice %get3A_1170 {offsets = [0], sizes = [1], strides = [1]} : vector<16xf32> to vector<1xf32>
          %squeeze3A_1172 = vector.extract %slice3A_1171[0] : f32 from vector<1xf32>
          %mul3A_1173 = arith.mulf %squeeze3A_550, %squeeze3A_1172 : f32
          %broadcast_in_dim3A_1174 = vector.broadcast %mul3A_1173 : f32 to vector<16xf32>
          %mul3A_1175 = arith.mulf %squeeze3A_558, %squeeze3A_1172 : f32
          %broadcast_in_dim3A_1176 = vector.broadcast %mul3A_1175 : f32 to vector<16xf32>
          %mul3A_1177 = arith.mulf %squeeze3A_566, %squeeze3A_1172 : f32
          %broadcast_in_dim3A_1178 = vector.broadcast %mul3A_1177 : f32 to vector<16xf32>
          %broadcast_in_dim3A_1179 = vector.broadcast %scan3A_1167 : i32 to vector<16xi32>
          %get3A_1180 = arith.constant 0 : i32
          %get3A_1181 = arith.index_cast %get3A_1180 : i32 to index
          %get3A_1182 = arith.constant 0 : index
          %get3A_1183 = tpu.vector_load %arg9[%get3A_1181, %get3A_1182] {strides = array<i32>} : memref<18x16xf32, #tpu.memory_space<vmem>>, vector<16xf32>,
          %add3A_1184 = arith.addf %get3A_1183, %broadcast_in_dim3A_1153 : vector<16xf32>
          %add3A_1185 = arith.addf %add3A_1184, %broadcast_in_dim3A_1174 : vector<16xf32>
          %add3A_1186 = arith.addf %add3A_1185, %broadcast_in_dim3A_688 : vector<16xf32>
          %get3A_1187 = arith.constant 1 : i32
          %get3A_1188 = arith.index_cast %get3A_1187 : i32 to index
          %get3A_1189 = arith.constant 0 : index
          %get3A_1190 = tpu.vector_load %arg9[%get3A_1188, %get3A_1189] {strides = array<i32>} : memref<18x16xf32, #tpu.memory_space<vmem>>, vector<16xf32>,
          %add3A_1191 = arith.addf %get3A_1190, %broadcast_in_dim3A_1155 : vector<16xf32>
          %add3A_1192 = arith.addf %add3A_1191, %broadcast_in_dim3A_1176 : vector<16xf32>
          %add3A_1193 = arith.addf %add3A_1192, %broadcast_in_dim3A_689 : vector<16xf32>
          %get3A_1194 = arith.constant 2 : i32
          %get3A_1195 = arith.index_cast %get3A_1194 : i32 to index
          %get3A_1196 = arith.constant 0 : index
          %get3A_1197 = tpu.vector_load %arg9[%get3A_1195, %get3A_1196] {strides = array<i32>} : memref<18x16xf32, #tpu.memory_space<vmem>>, vector<16xf32>,
          %add3A_1198 = arith.addf %get3A_1197, %broadcast_in_dim3A_1157 : vector<16xf32>
          %add3A_1199 = arith.addf %add3A_1198, %broadcast_in_dim3A_1178 : vector<16xf32>
          %add3A_1200 = arith.addf %add3A_1199, %broadcast_in_dim3A_690 : vector<16xf32>
          %add3A_1201 = arith.constant 1.000000e+00 : f32
          %add3A_1202 = vector.broadcast %add3A_1201 : f32 to vector<16xf32>
          %add3A_1203 = arith.addf %add3A_1186, %add3A_1202 : vector<16xf32>
          %mul3A_1204 = arith.constant 5.000000e-01 : f32
          %mul3A_1205 = vector.broadcast %mul3A_1204 : f32 to vector<16xf32>
          %mul3A_1206 = arith.mulf %add3A_1203, %mul3A_1205 : vector<16xf32>
          %mul3A_1207 = arith.constant 9.600000e+01 : f32
          %mul3A_1208 = vector.broadcast %mul3A_1207 : f32 to vector<16xf32>
          %mul3A_1209 = arith.mulf %mul3A_1206, %mul3A_1208 : vector<16xf32>
          %add3A_1210 = arith.constant 1.000000e+00 : f32
          %add3A_1211 = vector.broadcast %add3A_1210 : f32 to vector<16xf32>
          %add3A_1212 = arith.addf %add3A_1193, %add3A_1211 : vector<16xf32>
          %mul3A_1213 = arith.constant 5.000000e-01 : f32
          %mul3A_1214 = vector.broadcast %mul3A_1213 : f32 to vector<16xf32>
          %mul3A_1215 = arith.mulf %add3A_1212, %mul3A_1214 : vector<16xf32>
          %mul3A_1216 = arith.constant 9.600000e+01 : f32
          %mul3A_1217 = vector.broadcast %mul3A_1216 : f32 to vector<16xf32>
          %mul3A_1218 = arith.mulf %mul3A_1215, %mul3A_1217 : vector<16xf32>
          %add3A_1219 = arith.constant 1.000000e+00 : f32
          %add3A_1220 = vector.broadcast %add3A_1219 : f32 to vector<16xf32>
          %add3A_1221 = arith.addf %add3A_1200, %add3A_1220 : vector<16xf32>
          %mul3A_1222 = arith.constant 5.000000e-01 : f32
          %mul3A_1223 = vector.broadcast %mul3A_1222 : f32 to vector<16xf32>
          %mul3A_1224 = arith.mulf %add3A_1221, %mul3A_1223 : vector<16xf32>
          %mul3A_1225 = arith.constant 9.600000e+01 : f32
          %mul3A_1226 = vector.broadcast %mul3A_1225 : f32 to vector<16xf32>
          %mul3A_1227 = arith.mulf %mul3A_1224, %mul3A_1226 : vector<16xf32>
          %convert_element_type3A = arith.fptosi %mul3A_1209 : vector<16xf32> to vector<16xi32>
          %convert_element_type3A_1228 = arith.fptosi %mul3A_1218 : vector<16xf32> to vector<16xi32>
          %convert_element_type3A_1229 = arith.fptosi %mul3A_1227 : vector<16xf32> to vector<16xi32>
          %convert_element_type3A_1230 = arith.sitofp %convert_element_type3A : vector<16xi32> to vector<16xf32>
          %gt3A = arith.cmpf ogt, %convert_element_type3A_1230, %mul3A_1209 : vector<16xf32>
          %convert_element_type3A_1231 = arith.extui %gt3A : vector<16xi1> to vector<16xi32>
          %sub3A = arith.subi %convert_element_type3A, %convert_element_type3A_1231 : vector<16xi32>
          %convert_element_type3A_1232 = arith.sitofp %convert_element_type3A_1228 : vector<16xi32> to vector<16xf32>
          %gt3A_1233 = arith.cmpf ogt, %convert_element_type3A_1232, %mul3A_1218 : vector<16xf32>
          %convert_element_type3A_1234 = arith.extui %gt3A_1233 : vector<16xi1> to vector<16xi32>
          %sub3A_1235 = arith.subi %convert_element_type3A_1228, %convert_element_type3A_1234 : vector<16xi32>
          %convert_element_type3A_1236 = arith.sitofp %convert_element_type3A_1229 : vector<16xi32> to vector<16xf32>
          %gt3A_1237 = arith.cmpf ogt, %convert_element_type3A_1236, %mul3A_1227 : vector<16xf32>
          %convert_element_type3A_1238 = arith.extui %gt3A_1237 : vector<16xi1> to vector<16xi32>
          %sub3A_1239 = arith.subi %convert_element_type3A_1229, %convert_element_type3A_1238 : vector<16xi32>
          %max3A = arith.constant 0 : i32
          %max3A_1240 = vector.broadcast %max3A : i32 to vector<16xi32>
          %max3A_1241 = arith.maxsi %sub3A, %max3A_1240 : vector<16xi32>
          %min3A = arith.constant 95 : i32
          %min3A_1242 = vector.broadcast %min3A : i32 to vector<16xi32>
          %min3A_1243 = arith.minsi %max3A_1241, %min3A_1242 : vector<16xi32>
          %add3A_1244 = arith.constant 1 : i32
          %add3A_1245 = vector.broadcast %add3A_1244 : i32 to vector<16xi32>
          %add3A_1246 = arith.addi %sub3A, %add3A_1245 : vector<16xi32>
          %max3A_1247 = arith.constant 0 : i32
          %max3A_1248 = vector.broadcast %max3A_1247 : i32 to vector<16xi32>
          %max3A_1249 = arith.maxsi %add3A_1246, %max3A_1248 : vector<16xi32>
          %min3A_1250 = arith.constant 95 : i32
          %min3A_1251 = vector.broadcast %min3A_1250 : i32 to vector<16xi32>
          %min3A_1252 = arith.minsi %max3A_1249, %min3A_1251 : vector<16xi32>
          %max3A_1253 = arith.constant 0 : i32
          %max3A_1254 = vector.broadcast %max3A_1253 : i32 to vector<16xi32>
          %max3A_1255 = arith.maxsi %sub3A_1235, %max3A_1254 : vector<16xi32>
          %min3A_1256 = arith.constant 95 : i32
          %min3A_1257 = vector.broadcast %min3A_1256 : i32 to vector<16xi32>
          %min3A_1258 = arith.minsi %max3A_1255, %min3A_1257 : vector<16xi32>
          %add3A_1259 = arith.constant 1 : i32
          %add3A_1260 = vector.broadcast %add3A_1259 : i32 to vector<16xi32>
          %add3A_1261 = arith.addi %sub3A_1235, %add3A_1260 : vector<16xi32>
          %max3A_1262 = arith.constant 0 : i32
          %max3A_1263 = vector.broadcast %max3A_1262 : i32 to vector<16xi32>
          %max3A_1264 = arith.maxsi %add3A_1261, %max3A_1263 : vector<16xi32>
          %min3A_1265 = arith.constant 95 : i32
          %min3A_1266 = vector.broadcast %min3A_1265 : i32 to vector<16xi32>
          %min3A_1267 = arith.minsi %max3A_1264, %min3A_1266 : vector<16xi32>
          %max3A_1268 = arith.constant 0 : i32
          %max3A_1269 = vector.broadcast %max3A_1268 : i32 to vector<16xi32>
          %max3A_1270 = arith.maxsi %sub3A_1239, %max3A_1269 : vector<16xi32>
          %min3A_1271 = arith.constant 95 : i32
          %min3A_1272 = vector.broadcast %min3A_1271 : i32 to vector<16xi32>
          %min3A_1273 = arith.minsi %max3A_1270, %min3A_1272 : vector<16xi32>
          %add3A_1274 = arith.constant 1 : i32
          %add3A_1275 = vector.broadcast %add3A_1274 : i32 to vector<16xi32>
          %add3A_1276 = arith.addi %sub3A_1239, %add3A_1275 : vector<16xi32>
          %max3A_1277 = arith.constant 0 : i32
          %max3A_1278 = vector.broadcast %max3A_1277 : i32 to vector<16xi32>
          %max3A_1279 = arith.maxsi %add3A_1276, %max3A_1278 : vector<16xi32>
          %min3A_1280 = arith.constant 95 : i32
          %min3A_1281 = vector.broadcast %min3A_1280 : i32 to vector<16xi32>
          %min3A_1282 = arith.minsi %max3A_1279, %min3A_1281 : vector<16xi32>
          %convert_element_type3A_1283 = arith.sitofp %min3A_1243 : vector<16xi32> to vector<16xf32>
          %sub3A_1284 = arith.subf %mul3A_1209, %convert_element_type3A_1283 : vector<16xf32>
          %convert_element_type3A_1285 = arith.sitofp %min3A_1252 : vector<16xi32> to vector<16xf32>
          %sub3A_1286 = arith.subf %convert_element_type3A_1285, %mul3A_1209 : vector<16xf32>
          %convert_element_type3A_1287 = arith.sitofp %min3A_1258 : vector<16xi32> to vector<16xf32>
          %sub3A_1288 = arith.subf %mul3A_1218, %convert_element_type3A_1287 : vector<16xf32>
          %convert_element_type3A_1289 = arith.sitofp %min3A_1267 : vector<16xi32> to vector<16xf32>
          %sub3A_1290 = arith.subf %convert_element_type3A_1289, %mul3A_1218 : vector<16xf32>
          %sub3A_1291 = arith.subi %min3A_1282, %min3A_1273 : vector<16xi32>
          %convert_element_type3A_1292 = arith.sitofp %sub3A_1291 : vector<16xi32> to vector<16xf32>
          %convert_element_type3A_1293 = arith.sitofp %min3A_1282 : vector<16xi32> to vector<16xf32>
          %sub3A_1294 = arith.subf %convert_element_type3A_1293, %mul3A_1227 : vector<16xf32>
          %mul3A_1295 = arith.mulf %sub3A_1290, %sub3A_1294 : vector<16xf32>
          %mul3A_1296 = arith.mulf %sub3A_1288, %sub3A_1294 : vector<16xf32>
          %mul3A_1297 = arith.mulf %sub3A_1290, %convert_element_type3A_1292 : vector<16xf32>
          %mul3A_1298 = arith.mulf %sub3A_1288, %convert_element_type3A_1292 : vector<16xf32>
          %sub3A_1299 = arith.subi %min3A_1273, %broadcast_in_dim3A_691 : vector<16xi32>
          %mul3A_1300 = arith.constant 20 : i32
          %mul3A_1301 = vector.broadcast %mul3A_1300 : i32 to vector<16xi32>
          %mul3A_1302 = arith.muli %sub3A_1299, %mul3A_1301 : vector<16xi32>
          %sub3A_1303 = arith.subi %min3A_1282, %broadcast_in_dim3A_691 : vector<16xi32>
          %mul3A_1304 = arith.constant 20 : i32
          %mul3A_1305 = vector.broadcast %mul3A_1304 : i32 to vector<16xi32>
          %mul3A_1306 = arith.muli %sub3A_1303, %mul3A_1305 : vector<16xi32>
          %sub3A_1307 = arith.subi %min3A_1258, %broadcast_in_dim3A_692 : vector<16xi32>
          %sub3A_1308 = arith.subi %min3A_1267, %broadcast_in_dim3A_692 : vector<16xi32>
          %add3A_1309 = arith.addi %mul3A_1302, %sub3A_1307 : vector<16xi32>
          %add3A_1310 = arith.addi %mul3A_1302, %sub3A_1308 : vector<16xi32>
          %add3A_1311 = arith.addi %mul3A_1306, %sub3A_1307 : vector<16xi32>
          %add3A_1312 = arith.addi %mul3A_1306, %sub3A_1308 : vector<16xi32>
          %mul3A_1313 = arith.mulf %sub3A_1286, %mul3A_1295 : vector<16xf32>
          %mul3A_1314 = arith.mulf %sub3A_1286, %mul3A_1296 : vector<16xf32>
          %mul3A_1315 = arith.mulf %sub3A_1284, %mul3A_1295 : vector<16xf32>
          %mul3A_1316 = arith.mulf %sub3A_1284, %mul3A_1296 : vector<16xf32>
          %mul3A_1317 = arith.mulf %sub3A_1286, %mul3A_1297 : vector<16xf32>
          %mul3A_1318 = arith.mulf %sub3A_1286, %mul3A_1298 : vector<16xf32>
          %mul3A_1319 = arith.mulf %sub3A_1284, %mul3A_1297 : vector<16xf32>
          %mul3A_1320 = arith.mulf %sub3A_1284, %mul3A_1298 : vector<16xf32>
          %gather3A = tpu.vector_load_idx %arg11[%add3A_1309, %broadcast_in_dim3A_1, %min3A_1243] : memref<560x2x96xf32, #tpu.memory_space<vmem>>[vector<16xi32>, vector<16xi32>, vector<16xi32>], vector<16xf32>,
          %mul3A_1321 = arith.mulf %mul3A_1313, %gather3A : vector<16xf32>
          %gather3A_1322 = tpu.vector_load_idx %arg11[%add3A_1310, %broadcast_in_dim3A_1, %min3A_1243] : memref<560x2x96xf32, #tpu.memory_space<vmem>>[vector<16xi32>, vector<16xi32>, vector<16xi32>], vector<16xf32>,
          %mul3A_1323 = arith.mulf %mul3A_1314, %gather3A_1322 : vector<16xf32>
          %add3A_1324 = arith.addf %mul3A_1321, %mul3A_1323 : vector<16xf32>
          %gather3A_1325 = tpu.vector_load_idx %arg11[%add3A_1309, %broadcast_in_dim3A_1, %min3A_1252] : memref<560x2x96xf32, #tpu.memory_space<vmem>>[vector<16xi32>, vector<16xi32>, vector<16xi32>], vector<16xf32>,
          %mul3A_1326 = arith.mulf %mul3A_1315, %gather3A_1325 : vector<16xf32>
          %add3A_1327 = arith.addf %add3A_1324, %mul3A_1326 : vector<16xf32>
          %gather3A_1328 = tpu.vector_load_idx %arg11[%add3A_1310, %broadcast_in_dim3A_1, %min3A_1252] : memref<560x2x96xf32, #tpu.memory_space<vmem>>[vector<16xi32>, vector<16xi32>, vector<16xi32>], vector<16xf32>,
          %mul3A_1329 = arith.mulf %mul3A_1316, %gather3A_1328 : vector<16xf32>
          %add3A_1330 = arith.addf %add3A_1327, %mul3A_1329 : vector<16xf32>
          %gather3A_1331 = tpu.vector_load_idx %arg11[%add3A_1311, %broadcast_in_dim3A_1, %min3A_1243] : memref<560x2x96xf32, #tpu.memory_space<vmem>>[vector<16xi32>, vector<16xi32>, vector<16xi32>], vector<16xf32>,
          %mul3A_1332 = arith.mulf %mul3A_1317, %gather3A_1331 : vector<16xf32>
          %add3A_1333 = arith.addf %add3A_1330, %mul3A_1332 : vector<16xf32>
          %gather3A_1334 = tpu.vector_load_idx %arg11[%add3A_1312, %broadcast_in_dim3A_1, %min3A_1243] : memref<560x2x96xf32, #tpu.memory_space<vmem>>[vector<16xi32>, vector<16xi32>, vector<16xi32>], vector<16xf32>,
          %mul3A_1335 = arith.mulf %mul3A_1318, %gather3A_1334 : vector<16xf32>
          %add3A_1336 = arith.addf %add3A_1333, %mul3A_1335 : vector<16xf32>
          %gather3A_1337 = tpu.vector_load_idx %arg11[%add3A_1311, %broadcast_in_dim3A_1, %min3A_1252] : memref<560x2x96xf32, #tpu.memory_space<vmem>>[vector<16xi32>, vector<16xi32>, vector<16xi32>], vector<16xf32>,
          %mul3A_1338 = arith.mulf %mul3A_1319, %gather3A_1337 : vector<16xf32>
          %add3A_1339 = arith.addf %add3A_1336, %mul3A_1338 : vector<16xf32>
          %gather3A_1340 = tpu.vector_load_idx %arg11[%add3A_1312, %broadcast_in_dim3A_1, %min3A_1252] : memref<560x2x96xf32, #tpu.memory_space<vmem>>[vector<16xi32>, vector<16xi32>, vector<16xi32>], vector<16xf32>,
          %mul3A_1341 = arith.mulf %mul3A_1320, %gather3A_1340 : vector<16xf32>
          %add3A_1342 = arith.addf %add3A_1339, %mul3A_1341 : vector<16xf32>
          %gather3A_1343 = tpu.vector_load_idx %arg11[%add3A_1309, %broadcast_in_dim3A_3, %min3A_1243] : memref<560x2x96xf32, #tpu.memory_space<vmem>>[vector<16xi32>, vector<16xi32>, vector<16xi32>], vector<16xf32>,
          %mul3A_1344 = arith.mulf %mul3A_1313, %gather3A_1343 : vector<16xf32>
          %gather3A_1345 = tpu.vector_load_idx %arg11[%add3A_1310, %broadcast_in_dim3A_3, %min3A_1243] : memref<560x2x96xf32, #tpu.memory_space<vmem>>[vector<16xi32>, vector<16xi32>, vector<16xi32>], vector<16xf32>,
          %mul3A_1346 = arith.mulf %mul3A_1314, %gather3A_1345 : vector<16xf32>
          %add3A_1347 = arith.addf %mul3A_1344, %mul3A_1346 : vector<16xf32>
          %gather3A_1348 = tpu.vector_load_idx %arg11[%add3A_1309, %broadcast_in_dim3A_3, %min3A_1252] : memref<560x2x96xf32, #tpu.memory_space<vmem>>[vector<16xi32>, vector<16xi32>, vector<16xi32>], vector<16xf32>,
          %mul3A_1349 = arith.mulf %mul3A_1315, %gather3A_1348 : vector<16xf32>
          %add3A_1350 = arith.addf %add3A_1347, %mul3A_1349 : vector<16xf32>
          %gather3A_1351 = tpu.vector_load_idx %arg11[%add3A_1310, %broadcast_in_dim3A_3, %min3A_1252] : memref<560x2x96xf32, #tpu.memory_space<vmem>>[vector<16xi32>, vector<16xi32>, vector<16xi32>], vector<16xf32>,
          %mul3A_1352 = arith.mulf %mul3A_1316, %gather3A_1351 : vector<16xf32>
          %add3A_1353 = arith.addf %add3A_1350, %mul3A_1352 : vector<16xf32>
          %gather3A_1354 = tpu.vector_load_idx %arg11[%add3A_1311, %broadcast_in_dim3A_3, %min3A_1243] : memref<560x2x96xf32, #tpu.memory_space<vmem>>[vector<16xi32>, vector<16xi32>, vector<16xi32>], vector<16xf32>,
          %mul3A_1355 = arith.mulf %mul3A_1317, %gather3A_1354 : vector<16xf32>
          %add3A_1356 = arith.addf %add3A_1353, %mul3A_1355 : vector<16xf32>
          %gather3A_1357 = tpu.vector_load_idx %arg11[%add3A_1312, %broadcast_in_dim3A_3, %min3A_1243] : memref<560x2x96xf32, #tpu.memory_space<vmem>>[vector<16xi32>, vector<16xi32>, vector<16xi32>], vector<16xf32>,
          %mul3A_1358 = arith.mulf %mul3A_1318, %gather3A_1357 : vector<16xf32>
          %add3A_1359 = arith.addf %add3A_1356, %mul3A_1358 : vector<16xf32>
          %gather3A_1360 = tpu.vector_load_idx %arg11[%add3A_1311, %broadcast_in_dim3A_3, %min3A_1252] : memref<560x2x96xf32, #tpu.memory_space<vmem>>[vector<16xi32>, vector<16xi32>, vector<16xi32>], vector<16xf32>,
          %mul3A_1361 = arith.mulf %mul3A_1319, %gather3A_1360 : vector<16xf32>
          %add3A_1362 = arith.addf %add3A_1359, %mul3A_1361 : vector<16xf32>
          %gather3A_1363 = tpu.vector_load_idx %arg11[%add3A_1312, %broadcast_in_dim3A_3, %min3A_1252] : memref<560x2x96xf32, #tpu.memory_space<vmem>>[vector<16xi32>, vector<16xi32>, vector<16xi32>], vector<16xf32>,
          %mul3A_1364 = arith.mulf %mul3A_1320, %gather3A_1363 : vector<16xf32>
          %add3A_1365 = arith.addf %add3A_1362, %mul3A_1364 : vector<16xf32>
          tpu.vector_store_idx %arg12[%add3A_6, %broadcast_in_dim3A_1, %broadcast_in_dim3A_1179], %add3A_1342 : memref<96x2x16xf32, #tpu.memory_space<vmem>>[vector<16xi32>, vector<16xi32>, vector<16xi32>], vector<16xf32>,
          tpu.vector_store_idx %arg12[%add3A_6, %broadcast_in_dim3A_3, %broadcast_in_dim3A_1179], %add3A_1365 : memref<96x2x16xf32, #tpu.memory_space<vmem>>[vector<16xi32>, vector<16xi32>, vector<16xi32>], vector<16xf32>,
          %get3A_1366 = arith.constant 3 : i32
          %get3A_1367 = arith.index_cast %get3A_1366 : i32 to index
          %get3A_1368 = arith.constant 0 : index
          %get3A_1369 = tpu.vector_load %arg9[%get3A_1367, %get3A_1368] {strides = array<i32>} : memref<18x16xf32, #tpu.memory_space<vmem>>, vector<16xf32>,
          %add3A_1370 = arith.addf %get3A_1369, %broadcast_in_dim3A_1153 : vector<16xf32>
          %add3A_1371 = arith.addf %add3A_1370, %broadcast_in_dim3A_1174 : vector<16xf32>
          %add3A_1372 = arith.addf %add3A_1371, %broadcast_in_dim3A_688 : vector<16xf32>
          %get3A_1373 = arith.constant 4 : i32
          %get3A_1374 = arith.index_cast %get3A_1373 : i32 to index
          %get3A_1375 = arith.constant 0 : index
          %get3A_1376 = tpu.vector_load %arg9[%get3A_1374, %get3A_1375] {strides = array<i32>} : memref<18x16xf32, #tpu.memory_space<vmem>>, vector<16xf32>,
          %add3A_1377 = arith.addf %get3A_1376, %broadcast_in_dim3A_1155 : vector<16xf32>
          %add3A_1378 = arith.addf %add3A_1377, %broadcast_in_dim3A_1176 : vector<16xf32>
          %add3A_1379 = arith.addf %add3A_1378, %broadcast_in_dim3A_689 : vector<16xf32>
          %get3A_1380 = arith.constant 5 : i32
          %get3A_1381 = arith.index_cast %get3A_1380 : i32 to index
          %get3A_1382 = arith.constant 0 : index
          %get3A_1383 = tpu.vector_load %arg9[%get3A_1381, %get3A_1382] {strides = array<i32>} : memref<18x16xf32, #tpu.memory_space<vmem>>, vector<16xf32>,
          %add3A_1384 = arith.addf %get3A_1383, %broadcast_in_dim3A_1157 : vector<16xf32>
          %add3A_1385 = arith.addf %add3A_1384, %broadcast_in_dim3A_1178 : vector<16xf32>
          %add3A_1386 = arith.addf %add3A_1385, %broadcast_in_dim3A_690 : vector<16xf32>
          %add3A_1387 = arith.constant 1.000000e+00 : f32
          %add3A_1388 = vector.broadcast %add3A_1387 : f32 to vector<16xf32>
          %add3A_1389 = arith.addf %add3A_1372, %add3A_1388 : vector<16xf32>
          %mul3A_1390 = arith.constant 5.000000e-01 : f32
          %mul3A_1391 = vector.broadcast %mul3A_1390 : f32 to vector<16xf32>
          %mul3A_1392 = arith.mulf %add3A_1389, %mul3A_1391 : vector<16xf32>
          %mul3A_1393 = arith.constant 9.600000e+01 : f32
          %mul3A_1394 = vector.broadcast %mul3A_1393 : f32 to vector<16xf32>
          %mul3A_1395 = arith.mulf %mul3A_1392, %mul3A_1394 : vector<16xf32>
          %add3A_1396 = arith.constant 1.000000e+00 : f32
          %add3A_1397 = vector.broadcast %add3A_1396 : f32 to vector<16xf32>
          %add3A_1398 = arith.addf %add3A_1379, %add3A_1397 : vector<16xf32>
          %mul3A_1399 = arith.constant 5.000000e-01 : f32
          %mul3A_1400 = vector.broadcast %mul3A_1399 : f32 to vector<16xf32>
          %mul3A_1401 = arith.mulf %add3A_1398, %mul3A_1400 : vector<16xf32>
          %mul3A_1402 = arith.constant 9.600000e+01 : f32
          %mul3A_1403 = vector.broadcast %mul3A_1402 : f32 to vector<16xf32>
          %mul3A_1404 = arith.mulf %mul3A_1401, %mul3A_1403 : vector<16xf32>
          %add3A_1405 = arith.constant 1.000000e+00 : f32
          %add3A_1406 = vector.broadcast %add3A_1405 : f32 to vector<16xf32>
          %add3A_1407 = arith.addf %add3A_1386, %add3A_1406 : vector<16xf32>
          %mul3A_1408 = arith.constant 5.000000e-01 : f32
          %mul3A_1409 = vector.broadcast %mul3A_1408 : f32 to vector<16xf32>
          %mul3A_1410 = arith.mulf %add3A_1407, %mul3A_1409 : vector<16xf32>
          %mul3A_1411 = arith.constant 9.600000e+01 : f32
          %mul3A_1412 = vector.broadcast %mul3A_1411 : f32 to vector<16xf32>
          %mul3A_1413 = arith.mulf %mul3A_1410, %mul3A_1412 : vector<16xf32>
          %convert_element_type3A_1414 = arith.fptosi %mul3A_1395 : vector<16xf32> to vector<16xi32>
          %convert_element_type3A_1415 = arith.fptosi %mul3A_1404 : vector<16xf32> to vector<16xi32>
          %convert_element_type3A_1416 = arith.fptosi %mul3A_1413 : vector<16xf32> to vector<16xi32>
          %convert_element_type3A_1417 = arith.sitofp %convert_element_type3A_1414 : vector<16xi32> to vector<16xf32>
          %gt3A_1418 = arith.cmpf ogt, %convert_element_type3A_1417, %mul3A_1395 : vector<16xf32>
          %convert_element_type3A_1419 = arith.extui %gt3A_1418 : vector<16xi1> to vector<16xi32>
          %sub3A_1420 = arith.subi %convert_element_type3A_1414, %convert_element_type3A_1419 : vector<16xi32>
          %convert_element_type3A_1421 = arith.sitofp %convert_element_type3A_1415 : vector<16xi32> to vector<16xf32>
          %gt3A_1422 = arith.cmpf ogt, %convert_element_type3A_1421, %mul3A_1404 : vector<16xf32>
          %convert_element_type3A_1423 = arith.extui %gt3A_1422 : vector<16xi1> to vector<16xi32>
          %sub3A_1424 = arith.subi %convert_element_type3A_1415, %convert_element_type3A_1423 : vector<16xi32>
          %convert_element_type3A_1425 = arith.sitofp %convert_element_type3A_1416 : vector<16xi32> to vector<16xf32>
          %gt3A_1426 = arith.cmpf ogt, %convert_element_type3A_1425, %mul3A_1413 : vector<16xf32>
          %convert_element_type3A_1427 = arith.extui %gt3A_1426 : vector<16xi1> to vector<16xi32>
          %sub3A_1428 = arith.subi %convert_element_type3A_1416, %convert_element_type3A_1427 : vector<16xi32>
          %max3A_1429 = arith.constant 0 : i32
          %max3A_1430 = vector.broadcast %max3A_1429 : i32 to vector<16xi32>
          %max3A_1431 = arith.maxsi %sub3A_1420, %max3A_1430 : vector<16xi32>
          %min3A_1432 = arith.constant 95 : i32
          %min3A_1433 = vector.broadcast %min3A_1432 : i32 to vector<16xi32>
          %min3A_1434 = arith.minsi %max3A_1431, %min3A_1433 : vector<16xi32>
          %add3A_1435 = arith.constant 1 : i32
          %add3A_1436 = vector.broadcast %add3A_1435 : i32 to vector<16xi32>
          %add3A_1437 = arith.addi %sub3A_1420, %add3A_1436 : vector<16xi32>
          %max3A_1438 = arith.constant 0 : i32
          %max3A_1439 = vector.broadcast %max3A_1438 : i32 to vector<16xi32>
          %max3A_1440 = arith.maxsi %add3A_1437, %max3A_1439 : vector<16xi32>
          %min3A_1441 = arith.constant 95 : i32
          %min3A_1442 = vector.broadcast %min3A_1441 : i32 to vector<16xi32>
          %min3A_1443 = arith.minsi %max3A_1440, %min3A_1442 : vector<16xi32>
          %max3A_1444 = arith.constant 0 : i32
          %max3A_1445 = vector.broadcast %max3A_1444 : i32 to vector<16xi32>
          %max3A_1446 = arith.maxsi %sub3A_1424, %max3A_1445 : vector<16xi32>
          %min3A_1447 = arith.constant 95 : i32
          %min3A_1448 = vector.broadcast %min3A_1447 : i32 to vector<16xi32>
          %min3A_1449 = arith.minsi %max3A_1446, %min3A_1448 : vector<16xi32>
          %add3A_1450 = arith.constant 1 : i32
          %add3A_1451 = vector.broadcast %add3A_1450 : i32 to vector<16xi32>
          %add3A_1452 = arith.addi %sub3A_1424, %add3A_1451 : vector<16xi32>
          %max3A_1453 = arith.constant 0 : i32
          %max3A_1454 = vector.broadcast %max3A_1453 : i32 to vector<16xi32>
          %max3A_1455 = arith.maxsi %add3A_1452, %max3A_1454 : vector<16xi32>
          %min3A_1456 = arith.constant 95 : i32
          %min3A_1457 = vector.broadcast %min3A_1456 : i32 to vector<16xi32>
          %min3A_1458 = arith.minsi %max3A_1455, %min3A_1457 : vector<16xi32>
          %max3A_1459 = arith.constant 0 : i32
          %max3A_1460 = vector.broadcast %max3A_1459 : i32 to vector<16xi32>
          %max3A_1461 = arith.maxsi %sub3A_1428, %max3A_1460 : vector<16xi32>
          %min3A_1462 = arith.constant 95 : i32
          %min3A_1463 = vector.broadcast %min3A_1462 : i32 to vector<16xi32>
          %min3A_1464 = arith.minsi %max3A_1461, %min3A_1463 : vector<16xi32>
          %add3A_1465 = arith.constant 1 : i32
          %add3A_1466 = vector.broadcast %add3A_1465 : i32 to vector<16xi32>
          %add3A_1467 = arith.addi %sub3A_1428, %add3A_1466 : vector<16xi32>
          %max3A_1468 = arith.constant 0 : i32
          %max3A_1469 = vector.broadcast %max3A_1468 : i32 to vector<16xi32>
          %max3A_1470 = arith.maxsi %add3A_1467, %max3A_1469 : vector<16xi32>
          %min3A_1471 = arith.constant 95 : i32
          %min3A_1472 = vector.broadcast %min3A_1471 : i32 to vector<16xi32>
          %min3A_1473 = arith.minsi %max3A_1470, %min3A_1472 : vector<16xi32>
          %convert_element_type3A_1474 = arith.sitofp %min3A_1434 : vector<16xi32> to vector<16xf32>
          %sub3A_1475 = arith.subf %mul3A_1395, %convert_element_type3A_1474 : vector<16xf32>
          %convert_element_type3A_1476 = arith.sitofp %min3A_1443 : vector<16xi32> to vector<16xf32>
          %sub3A_1477 = arith.subf %convert_element_type3A_1476, %mul3A_1395 : vector<16xf32>
          %convert_element_type3A_1478 = arith.sitofp %min3A_1449 : vector<16xi32> to vector<16xf32>
          %sub3A_1479 = arith.subf %mul3A_1404, %convert_element_type3A_1478 : vector<16xf32>
          %convert_element_type3A_1480 = arith.sitofp %min3A_1458 : vector<16xi32> to vector<16xf32>
          %sub3A_1481 = arith.subf %convert_element_type3A_1480, %mul3A_1404 : vector<16xf32>
          %sub3A_1482 = arith.subi %min3A_1473, %min3A_1464 : vector<16xi32>
          %convert_element_type3A_1483 = arith.sitofp %sub3A_1482 : vector<16xi32> to vector<16xf32>
          %convert_element_type3A_1484 = arith.sitofp %min3A_1473 : vector<16xi32> to vector<16xf32>
          %sub3A_1485 = arith.subf %convert_element_type3A_1484, %mul3A_1413 : vector<16xf32>
          %mul3A_1486 = arith.mulf %sub3A_1481, %sub3A_1485 : vector<16xf32>
          %mul3A_1487 = arith.mulf %sub3A_1479, %sub3A_1485 : vector<16xf32>
          %mul3A_1488 = arith.mulf %sub3A_1481, %convert_element_type3A_1483 : vector<16xf32>
          %mul3A_1489 = arith.mulf %sub3A_1479, %convert_element_type3A_1483 : vector<16xf32>
          %sub3A_1490 = arith.subi %min3A_1464, %broadcast_in_dim3A_691 : vector<16xi32>
          %mul3A_1491 = arith.constant 20 : i32
          %mul3A_1492 = vector.broadcast %mul3A_1491 : i32 to vector<16xi32>
          %mul3A_1493 = arith.muli %sub3A_1490, %mul3A_1492 : vector<16xi32>
          %sub3A_1494 = arith.subi %min3A_1473, %broadcast_in_dim3A_691 : vector<16xi32>
          %mul3A_1495 = arith.constant 20 : i32
          %mul3A_1496 = vector.broadcast %mul3A_1495 : i32 to vector<16xi32>
          %mul3A_1497 = arith.muli %sub3A_1494, %mul3A_1496 : vector<16xi32>
          %sub3A_1498 = arith.subi %min3A_1449, %broadcast_in_dim3A_692 : vector<16xi32>
          %sub3A_1499 = arith.subi %min3A_1458, %broadcast_in_dim3A_692 : vector<16xi32>
          %add3A_1500 = arith.addi %mul3A_1493, %sub3A_1498 : vector<16xi32>
          %add3A_1501 = arith.addi %mul3A_1493, %sub3A_1499 : vector<16xi32>
          %add3A_1502 = arith.addi %mul3A_1497, %sub3A_1498 : vector<16xi32>
          %add3A_1503 = arith.addi %mul3A_1497, %sub3A_1499 : vector<16xi32>
          %mul3A_1504 = arith.mulf %sub3A_1477, %mul3A_1486 : vector<16xf32>
          %mul3A_1505 = arith.mulf %sub3A_1477, %mul3A_1487 : vector<16xf32>
          %mul3A_1506 = arith.mulf %sub3A_1475, %mul3A_1486 : vector<16xf32>
          %mul3A_1507 = arith.mulf %sub3A_1475, %mul3A_1487 : vector<16xf32>
          %mul3A_1508 = arith.mulf %sub3A_1477, %mul3A_1488 : vector<16xf32>
          %mul3A_1509 = arith.mulf %sub3A_1477, %mul3A_1489 : vector<16xf32>
          %mul3A_1510 = arith.mulf %sub3A_1475, %mul3A_1488 : vector<16xf32>
          %mul3A_1511 = arith.mulf %sub3A_1475, %mul3A_1489 : vector<16xf32>
          %gather3A_1512 = tpu.vector_load_idx %arg11[%add3A_1500, %broadcast_in_dim3A_1, %min3A_1434] : memref<560x2x96xf32, #tpu.memory_space<vmem>>[vector<16xi32>, vector<16xi32>, vector<16xi32>], vector<16xf32>,
          %mul3A_1513 = arith.mulf %mul3A_1504, %gather3A_1512 : vector<16xf32>
          %gather3A_1514 = tpu.vector_load_idx %arg11[%add3A_1501, %broadcast_in_dim3A_1, %min3A_1434] : memref<560x2x96xf32, #tpu.memory_space<vmem>>[vector<16xi32>, vector<16xi32>, vector<16xi32>], vector<16xf32>,
          %mul3A_1515 = arith.mulf %mul3A_1505, %gather3A_1514 : vector<16xf32>
          %add3A_1516 = arith.addf %mul3A_1513, %mul3A_1515 : vector<16xf32>
          %gather3A_1517 = tpu.vector_load_idx %arg11[%add3A_1500, %broadcast_in_dim3A_1, %min3A_1443] : memref<560x2x96xf32, #tpu.memory_space<vmem>>[vector<16xi32>, vector<16xi32>, vector<16xi32>], vector<16xf32>,
          %mul3A_1518 = arith.mulf %mul3A_1506, %gather3A_1517 : vector<16xf32>
          %add3A_1519 = arith.addf %add3A_1516, %mul3A_1518 : vector<16xf32>
          %gather3A_1520 = tpu.vector_load_idx %arg11[%add3A_1501, %broadcast_in_dim3A_1, %min3A_1443] : memref<560x2x96xf32, #tpu.memory_space<vmem>>[vector<16xi32>, vector<16xi32>, vector<16xi32>], vector<16xf32>,
          %mul3A_1521 = arith.mulf %mul3A_1507, %gather3A_1520 : vector<16xf32>
          %add3A_1522 = arith.addf %add3A_1519, %mul3A_1521 : vector<16xf32>
          %gather3A_1523 = tpu.vector_load_idx %arg11[%add3A_1502, %broadcast_in_dim3A_1, %min3A_1434] : memref<560x2x96xf32, #tpu.memory_space<vmem>>[vector<16xi32>, vector<16xi32>, vector<16xi32>], vector<16xf32>,
          %mul3A_1524 = arith.mulf %mul3A_1508, %gather3A_1523 : vector<16xf32>
          %add3A_1525 = arith.addf %add3A_1522, %mul3A_1524 : vector<16xf32>
          %gather3A_1526 = tpu.vector_load_idx %arg11[%add3A_1503, %broadcast_in_dim3A_1, %min3A_1434] : memref<560x2x96xf32, #tpu.memory_space<vmem>>[vector<16xi32>, vector<16xi32>, vector<16xi32>], vector<16xf32>,
          %mul3A_1527 = arith.mulf %mul3A_1509, %gather3A_1526 : vector<16xf32>
          %add3A_1528 = arith.addf %add3A_1525, %mul3A_1527 : vector<16xf32>
          %gather3A_1529 = tpu.vector_load_idx %arg11[%add3A_1502, %broadcast_in_dim3A_1, %min3A_1443] : memref<560x2x96xf32, #tpu.memory_space<vmem>>[vector<16xi32>, vector<16xi32>, vector<16xi32>], vector<16xf32>,
          %mul3A_1530 = arith.mulf %mul3A_1510, %gather3A_1529 : vector<16xf32>
          %add3A_1531 = arith.addf %add3A_1528, %mul3A_1530 : vector<16xf32>
          %gather3A_1532 = tpu.vector_load_idx %arg11[%add3A_1503, %broadcast_in_dim3A_1, %min3A_1443] : memref<560x2x96xf32, #tpu.memory_space<vmem>>[vector<16xi32>, vector<16xi32>, vector<16xi32>], vector<16xf32>,
          %mul3A_1533 = arith.mulf %mul3A_1511, %gather3A_1532 : vector<16xf32>
          %add3A_1534 = arith.addf %add3A_1531, %mul3A_1533 : vector<16xf32>
          %gather3A_1535 = tpu.vector_load_idx %arg11[%add3A_1500, %broadcast_in_dim3A_3, %min3A_1434] : memref<560x2x96xf32, #tpu.memory_space<vmem>>[vector<16xi32>, vector<16xi32>, vector<16xi32>], vector<16xf32>,
          %mul3A_1536 = arith.mulf %mul3A_1504, %gather3A_1535 : vector<16xf32>
          %gather3A_1537 = tpu.vector_load_idx %arg11[%add3A_1501, %broadcast_in_dim3A_3, %min3A_1434] : memref<560x2x96xf32, #tpu.memory_space<vmem>>[vector<16xi32>, vector<16xi32>, vector<16xi32>], vector<16xf32>,
          %mul3A_1538 = arith.mulf %mul3A_1505, %gather3A_1537 : vector<16xf32>
          %add3A_1539 = arith.addf %mul3A_1536, %mul3A_1538 : vector<16xf32>
          %gather3A_1540 = tpu.vector_load_idx %arg11[%add3A_1500, %broadcast_in_dim3A_3, %min3A_1443] : memref<560x2x96xf32, #tpu.memory_space<vmem>>[vector<16xi32>, vector<16xi32>, vector<16xi32>], vector<16xf32>,
          %mul3A_1541 = arith.mulf %mul3A_1506, %gather3A_1540 : vector<16xf32>
          %add3A_1542 = arith.addf %add3A_1539, %mul3A_1541 : vector<16xf32>
          %gather3A_1543 = tpu.vector_load_idx %arg11[%add3A_1501, %broadcast_in_dim3A_3, %min3A_1443] : memref<560x2x96xf32, #tpu.memory_space<vmem>>[vector<16xi32>, vector<16xi32>, vector<16xi32>], vector<16xf32>,
          %mul3A_1544 = arith.mulf %mul3A_1507, %gather3A_1543 : vector<16xf32>
          %add3A_1545 = arith.addf %add3A_1542, %mul3A_1544 : vector<16xf32>
          %gather3A_1546 = tpu.vector_load_idx %arg11[%add3A_1502, %broadcast_in_dim3A_3, %min3A_1434] : memref<560x2x96xf32, #tpu.memory_space<vmem>>[vector<16xi32>, vector<16xi32>, vector<16xi32>], vector<16xf32>,
          %mul3A_1547 = arith.mulf %mul3A_1508, %gather3A_1546 : vector<16xf32>
          %add3A_1548 = arith.addf %add3A_1545, %mul3A_1547 : vector<16xf32>
          %gather3A_1549 = tpu.vector_load_idx %arg11[%add3A_1503, %broadcast_in_dim3A_3, %min3A_1434] : memref<560x2x96xf32, #tpu.memory_space<vmem>>[vector<16xi32>, vector<16xi32>, vector<16xi32>], vector<16xf32>,
          %mul3A_1550 = arith.mulf %mul3A_1509, %gather3A_1549 : vector<16xf32>
          %add3A_1551 = arith.addf %add3A_1548, %mul3A_1550 : vector<16xf32>
          %gather3A_1552 = tpu.vector_load_idx %arg11[%add3A_1502, %broadcast_in_dim3A_3, %min3A_1443] : memref<560x2x96xf32, #tpu.memory_space<vmem>>[vector<16xi32>, vector<16xi32>, vector<16xi32>], vector<16xf32>,
          %mul3A_1553 = arith.mulf %mul3A_1510, %gather3A_1552 : vector<16xf32>
          %add3A_1554 = arith.addf %add3A_1551, %mul3A_1553 : vector<16xf32>
          %gather3A_1555 = tpu.vector_load_idx %arg11[%add3A_1503, %broadcast_in_dim3A_3, %min3A_1443] : memref<560x2x96xf32, #tpu.memory_space<vmem>>[vector<16xi32>, vector<16xi32>, vector<16xi32>], vector<16xf32>,
          %mul3A_1556 = arith.mulf %mul3A_1511, %gather3A_1555 : vector<16xf32>
          %add3A_1557 = arith.addf %add3A_1554, %mul3A_1556 : vector<16xf32>
          tpu.vector_store_idx %arg12[%add3A_9, %broadcast_in_dim3A_1, %broadcast_in_dim3A_1179], %add3A_1534 : memref<96x2x16xf32, #tpu.memory_space<vmem>>[vector<16xi32>, vector<16xi32>, vector<16xi32>], vector<16xf32>,
          tpu.vector_store_idx %arg12[%add3A_9, %broadcast_in_dim3A_3, %broadcast_in_dim3A_1179], %add3A_1557 : memref<96x2x16xf32, #tpu.memory_space<vmem>>[vector<16xi32>, vector<16xi32>, vector<16xi32>], vector<16xf32>,
          %get3A_1558 = arith.constant 6 : i32
          %get3A_1559 = arith.index_cast %get3A_1558 : i32 to index
          %get3A_1560 = arith.constant 0 : index
          %get3A_1561 = tpu.vector_load %arg9[%get3A_1559, %get3A_1560] {strides = array<i32>} : memref<18x16xf32, #tpu.memory_space<vmem>>, vector<16xf32>,
          %add3A_1562 = arith.addf %get3A_1561, %broadcast_in_dim3A_1153 : vector<16xf32>
          %add3A_1563 = arith.addf %add3A_1562, %broadcast_in_dim3A_1174 : vector<16xf32>
          %add3A_1564 = arith.addf %add3A_1563, %broadcast_in_dim3A_688 : vector<16xf32>
          %get3A_1565 = arith.constant 7 : i32
          %get3A_1566 = arith.index_cast %get3A_1565 : i32 to index
          %get3A_1567 = arith.constant 0 : index
          %get3A_1568 = tpu.vector_load %arg9[%get3A_1566, %get3A_1567] {strides = array<i32>} : memref<18x16xf32, #tpu.memory_space<vmem>>, vector<16xf32>,
          %add3A_1569 = arith.addf %get3A_1568, %broadcast_in_dim3A_1155 : vector<16xf32>
          %add3A_1570 = arith.addf %add3A_1569, %broadcast_in_dim3A_1176 : vector<16xf32>
          %add3A_1571 = arith.addf %add3A_1570, %broadcast_in_dim3A_689 : vector<16xf32>
          %get3A_1572 = arith.constant 8 : i32
          %get3A_1573 = arith.index_cast %get3A_1572 : i32 to index
          %get3A_1574 = arith.constant 0 : index
          %get3A_1575 = tpu.vector_load %arg9[%get3A_1573, %get3A_1574] {strides = array<i32>} : memref<18x16xf32, #tpu.memory_space<vmem>>, vector<16xf32>,
          %add3A_1576 = arith.addf %get3A_1575, %broadcast_in_dim3A_1157 : vector<16xf32>
          %add3A_1577 = arith.addf %add3A_1576, %broadcast_in_dim3A_1178 : vector<16xf32>
          %add3A_1578 = arith.addf %add3A_1577, %broadcast_in_dim3A_690 : vector<16xf32>
          %add3A_1579 = arith.constant 1.000000e+00 : f32
          %add3A_1580 = vector.broadcast %add3A_1579 : f32 to vector<16xf32>
          %add3A_1581 = arith.addf %add3A_1564, %add3A_1580 : vector<16xf32>
          %mul3A_1582 = arith.constant 5.000000e-01 : f32
          %mul3A_1583 = vector.broadcast %mul3A_1582 : f32 to vector<16xf32>
          %mul3A_1584 = arith.mulf %add3A_1581, %mul3A_1583 : vector<16xf32>
          %mul3A_1585 = arith.constant 9.600000e+01 : f32
          %mul3A_1586 = vector.broadcast %mul3A_1585 : f32 to vector<16xf32>
          %mul3A_1587 = arith.mulf %mul3A_1584, %mul3A_1586 : vector<16xf32>
          %add3A_1588 = arith.constant 1.000000e+00 : f32
          %add3A_1589 = vector.broadcast %add3A_1588 : f32 to vector<16xf32>
          %add3A_1590 = arith.addf %add3A_1571, %add3A_1589 : vector<16xf32>
          %mul3A_1591 = arith.constant 5.000000e-01 : f32
          %mul3A_1592 = vector.broadcast %mul3A_1591 : f32 to vector<16xf32>
          %mul3A_1593 = arith.mulf %add3A_1590, %mul3A_1592 : vector<16xf32>
          %mul3A_1594 = arith.constant 9.600000e+01 : f32
          %mul3A_1595 = vector.broadcast %mul3A_1594 : f32 to vector<16xf32>
          %mul3A_1596 = arith.mulf %mul3A_1593, %mul3A_1595 : vector<16xf32>
          %add3A_1597 = arith.constant 1.000000e+00 : f32
          %add3A_1598 = vector.broadcast %add3A_1597 : f32 to vector<16xf32>
          %add3A_1599 = arith.addf %add3A_1578, %add3A_1598 : vector<16xf32>
          %mul3A_1600 = arith.constant 5.000000e-01 : f32
          %mul3A_1601 = vector.broadcast %mul3A_1600 : f32 to vector<16xf32>
          %mul3A_1602 = arith.mulf %add3A_1599, %mul3A_1601 : vector<16xf32>
          %mul3A_1603 = arith.constant 9.600000e+01 : f32
          %mul3A_1604 = vector.broadcast %mul3A_1603 : f32 to vector<16xf32>
          %mul3A_1605 = arith.mulf %mul3A_1602, %mul3A_1604 : vector<16xf32>
          %convert_element_type3A_1606 = arith.fptosi %mul3A_1587 : vector<16xf32> to vector<16xi32>
          %convert_element_type3A_1607 = arith.fptosi %mul3A_1596 : vector<16xf32> to vector<16xi32>
          %convert_element_type3A_1608 = arith.fptosi %mul3A_1605 : vector<16xf32> to vector<16xi32>
          %convert_element_type3A_1609 = arith.sitofp %convert_element_type3A_1606 : vector<16xi32> to vector<16xf32>
          %gt3A_1610 = arith.cmpf ogt, %convert_element_type3A_1609, %mul3A_1587 : vector<16xf32>
          %convert_element_type3A_1611 = arith.extui %gt3A_1610 : vector<16xi1> to vector<16xi32>
          %sub3A_1612 = arith.subi %convert_element_type3A_1606, %convert_element_type3A_1611 : vector<16xi32>
          %convert_element_type3A_1613 = arith.sitofp %convert_element_type3A_1607 : vector<16xi32> to vector<16xf32>
          %gt3A_1614 = arith.cmpf ogt, %convert_element_type3A_1613, %mul3A_1596 : vector<16xf32>
          %convert_element_type3A_1615 = arith.extui %gt3A_1614 : vector<16xi1> to vector<16xi32>
          %sub3A_1616 = arith.subi %convert_element_type3A_1607, %convert_element_type3A_1615 : vector<16xi32>
          %convert_element_type3A_1617 = arith.sitofp %convert_element_type3A_1608 : vector<16xi32> to vector<16xf32>
          %gt3A_1618 = arith.cmpf ogt, %convert_element_type3A_1617, %mul3A_1605 : vector<16xf32>
          %convert_element_type3A_1619 = arith.extui %gt3A_1618 : vector<16xi1> to vector<16xi32>
          %sub3A_1620 = arith.subi %convert_element_type3A_1608, %convert_element_type3A_1619 : vector<16xi32>
          %max3A_1621 = arith.constant 0 : i32
          %max3A_1622 = vector.broadcast %max3A_1621 : i32 to vector<16xi32>
          %max3A_1623 = arith.maxsi %sub3A_1612, %max3A_1622 : vector<16xi32>
          %min3A_1624 = arith.constant 95 : i32
          %min3A_1625 = vector.broadcast %min3A_1624 : i32 to vector<16xi32>
          %min3A_1626 = arith.minsi %max3A_1623, %min3A_1625 : vector<16xi32>
          %add3A_1627 = arith.constant 1 : i32
          %add3A_1628 = vector.broadcast %add3A_1627 : i32 to vector<16xi32>
          %add3A_1629 = arith.addi %sub3A_1612, %add3A_1628 : vector<16xi32>
          %max3A_1630 = arith.constant 0 : i32
          %max3A_1631 = vector.broadcast %max3A_1630 : i32 to vector<16xi32>
          %max3A_1632 = arith.maxsi %add3A_1629, %max3A_1631 : vector<16xi32>
          %min3A_1633 = arith.constant 95 : i32
          %min3A_1634 = vector.broadcast %min3A_1633 : i32 to vector<16xi32>
          %min3A_1635 = arith.minsi %max3A_1632, %min3A_1634 : vector<16xi32>
          %max3A_1636 = arith.constant 0 : i32
          %max3A_1637 = vector.broadcast %max3A_1636 : i32 to vector<16xi32>
          %max3A_1638 = arith.maxsi %sub3A_1616, %max3A_1637 : vector<16xi32>
          %min3A_1639 = arith.constant 95 : i32
          %min3A_1640 = vector.broadcast %min3A_1639 : i32 to vector<16xi32>
          %min3A_1641 = arith.minsi %max3A_1638, %min3A_1640 : vector<16xi32>
          %add3A_1642 = arith.constant 1 : i32
          %add3A_1643 = vector.broadcast %add3A_1642 : i32 to vector<16xi32>
          %add3A_1644 = arith.addi %sub3A_1616, %add3A_1643 : vector<16xi32>
          %max3A_1645 = arith.constant 0 : i32
          %max3A_1646 = vector.broadcast %max3A_1645 : i32 to vector<16xi32>
          %max3A_1647 = arith.maxsi %add3A_1644, %max3A_1646 : vector<16xi32>
          %min3A_1648 = arith.constant 95 : i32
          %min3A_1649 = vector.broadcast %min3A_1648 : i32 to vector<16xi32>
          %min3A_1650 = arith.minsi %max3A_1647, %min3A_1649 : vector<16xi32>
          %max3A_1651 = arith.constant 0 : i32
          %max3A_1652 = vector.broadcast %max3A_1651 : i32 to vector<16xi32>
          %max3A_1653 = arith.maxsi %sub3A_1620, %max3A_1652 : vector<16xi32>
          %min3A_1654 = arith.constant 95 : i32
          %min3A_1655 = vector.broadcast %min3A_1654 : i32 to vector<16xi32>
          %min3A_1656 = arith.minsi %max3A_1653, %min3A_1655 : vector<16xi32>
          %add3A_1657 = arith.constant 1 : i32
          %add3A_1658 = vector.broadcast %add3A_1657 : i32 to vector<16xi32>
          %add3A_1659 = arith.addi %sub3A_1620, %add3A_1658 : vector<16xi32>
          %max3A_1660 = arith.constant 0 : i32
          %max3A_1661 = vector.broadcast %max3A_1660 : i32 to vector<16xi32>
          %max3A_1662 = arith.maxsi %add3A_1659, %max3A_1661 : vector<16xi32>
          %min3A_1663 = arith.constant 95 : i32
          %min3A_1664 = vector.broadcast %min3A_1663 : i32 to vector<16xi32>
          %min3A_1665 = arith.minsi %max3A_1662, %min3A_1664 : vector<16xi32>
          %convert_element_type3A_1666 = arith.sitofp %min3A_1626 : vector<16xi32> to vector<16xf32>
          %sub3A_1667 = arith.subf %mul3A_1587, %convert_element_type3A_1666 : vector<16xf32>
          %convert_element_type3A_1668 = arith.sitofp %min3A_1635 : vector<16xi32> to vector<16xf32>
          %sub3A_1669 = arith.subf %convert_element_type3A_1668, %mul3A_1587 : vector<16xf32>
          %convert_element_type3A_1670 = arith.sitofp %min3A_1641 : vector<16xi32> to vector<16xf32>
          %sub3A_1671 = arith.subf %mul3A_1596, %convert_element_type3A_1670 : vector<16xf32>
          %convert_element_type3A_1672 = arith.sitofp %min3A_1650 : vector<16xi32> to vector<16xf32>
          %sub3A_1673 = arith.subf %convert_element_type3A_1672, %mul3A_1596 : vector<16xf32>
          %sub3A_1674 = arith.subi %min3A_1665, %min3A_1656 : vector<16xi32>
          %convert_element_type3A_1675 = arith.sitofp %sub3A_1674 : vector<16xi32> to vector<16xf32>
          %convert_element_type3A_1676 = arith.sitofp %min3A_1665 : vector<16xi32> to vector<16xf32>
          %sub3A_1677 = arith.subf %convert_element_type3A_1676, %mul3A_1605 : vector<16xf32>
          %mul3A_1678 = arith.mulf %sub3A_1673, %sub3A_1677 : vector<16xf32>
          %mul3A_1679 = arith.mulf %sub3A_1671, %sub3A_1677 : vector<16xf32>
          %mul3A_1680 = arith.mulf %sub3A_1673, %convert_element_type3A_1675 : vector<16xf32>
          %mul3A_1681 = arith.mulf %sub3A_1671, %convert_element_type3A_1675 : vector<16xf32>
          %sub3A_1682 = arith.subi %min3A_1656, %broadcast_in_dim3A_691 : vector<16xi32>
          %mul3A_1683 = arith.constant 20 : i32
          %mul3A_1684 = vector.broadcast %mul3A_1683 : i32 to vector<16xi32>
          %mul3A_1685 = arith.muli %sub3A_1682, %mul3A_1684 : vector<16xi32>
          %sub3A_1686 = arith.subi %min3A_1665, %broadcast_in_dim3A_691 : vector<16xi32>
          %mul3A_1687 = arith.constant 20 : i32
          %mul3A_1688 = vector.broadcast %mul3A_1687 : i32 to vector<16xi32>
          %mul3A_1689 = arith.muli %sub3A_1686, %mul3A_1688 : vector<16xi32>
          %sub3A_1690 = arith.subi %min3A_1641, %broadcast_in_dim3A_692 : vector<16xi32>
          %sub3A_1691 = arith.subi %min3A_1650, %broadcast_in_dim3A_692 : vector<16xi32>
          %add3A_1692 = arith.addi %mul3A_1685, %sub3A_1690 : vector<16xi32>
          %add3A_1693 = arith.addi %mul3A_1685, %sub3A_1691 : vector<16xi32>
          %add3A_1694 = arith.addi %mul3A_1689, %sub3A_1690 : vector<16xi32>
          %add3A_1695 = arith.addi %mul3A_1689, %sub3A_1691 : vector<16xi32>
          %mul3A_1696 = arith.mulf %sub3A_1669, %mul3A_1678 : vector<16xf32>
          %mul3A_1697 = arith.mulf %sub3A_1669, %mul3A_1679 : vector<16xf32>
          %mul3A_1698 = arith.mulf %sub3A_1667, %mul3A_1678 : vector<16xf32>
          %mul3A_1699 = arith.mulf %sub3A_1667, %mul3A_1679 : vector<16xf32>
          %mul3A_1700 = arith.mulf %sub3A_1669, %mul3A_1680 : vector<16xf32>
          %mul3A_1701 = arith.mulf %sub3A_1669, %mul3A_1681 : vector<16xf32>
          %mul3A_1702 = arith.mulf %sub3A_1667, %mul3A_1680 : vector<16xf32>
          %mul3A_1703 = arith.mulf %sub3A_1667, %mul3A_1681 : vector<16xf32>
          %gather3A_1704 = tpu.vector_load_idx %arg11[%add3A_1692, %broadcast_in_dim3A_1, %min3A_1626] : memref<560x2x96xf32, #tpu.memory_space<vmem>>[vector<16xi32>, vector<16xi32>, vector<16xi32>], vector<16xf32>,
          %mul3A_1705 = arith.mulf %mul3A_1696, %gather3A_1704 : vector<16xf32>
          %gather3A_1706 = tpu.vector_load_idx %arg11[%add3A_1693, %broadcast_in_dim3A_1, %min3A_1626] : memref<560x2x96xf32, #tpu.memory_space<vmem>>[vector<16xi32>, vector<16xi32>, vector<16xi32>], vector<16xf32>,
          %mul3A_1707 = arith.mulf %mul3A_1697, %gather3A_1706 : vector<16xf32>
          %add3A_1708 = arith.addf %mul3A_1705, %mul3A_1707 : vector<16xf32>
          %gather3A_1709 = tpu.vector_load_idx %arg11[%add3A_1692, %broadcast_in_dim3A_1, %min3A_1635] : memref<560x2x96xf32, #tpu.memory_space<vmem>>[vector<16xi32>, vector<16xi32>, vector<16xi32>], vector<16xf32>,
          %mul3A_1710 = arith.mulf %mul3A_1698, %gather3A_1709 : vector<16xf32>
          %add3A_1711 = arith.addf %add3A_1708, %mul3A_1710 : vector<16xf32>
          %gather3A_1712 = tpu.vector_load_idx %arg11[%add3A_1693, %broadcast_in_dim3A_1, %min3A_1635] : memref<560x2x96xf32, #tpu.memory_space<vmem>>[vector<16xi32>, vector<16xi32>, vector<16xi32>], vector<16xf32>,
          %mul3A_1713 = arith.mulf %mul3A_1699, %gather3A_1712 : vector<16xf32>
          %add3A_1714 = arith.addf %add3A_1711, %mul3A_1713 : vector<16xf32>
          %gather3A_1715 = tpu.vector_load_idx %arg11[%add3A_1694, %broadcast_in_dim3A_1, %min3A_1626] : memref<560x2x96xf32, #tpu.memory_space<vmem>>[vector<16xi32>, vector<16xi32>, vector<16xi32>], vector<16xf32>,
          %mul3A_1716 = arith.mulf %mul3A_1700, %gather3A_1715 : vector<16xf32>
          %add3A_1717 = arith.addf %add3A_1714, %mul3A_1716 : vector<16xf32>
          %gather3A_1718 = tpu.vector_load_idx %arg11[%add3A_1695, %broadcast_in_dim3A_1, %min3A_1626] : memref<560x2x96xf32, #tpu.memory_space<vmem>>[vector<16xi32>, vector<16xi32>, vector<16xi32>], vector<16xf32>,
          %mul3A_1719 = arith.mulf %mul3A_1701, %gather3A_1718 : vector<16xf32>
          %add3A_1720 = arith.addf %add3A_1717, %mul3A_1719 : vector<16xf32>
          %gather3A_1721 = tpu.vector_load_idx %arg11[%add3A_1694, %broadcast_in_dim3A_1, %min3A_1635] : memref<560x2x96xf32, #tpu.memory_space<vmem>>[vector<16xi32>, vector<16xi32>, vector<16xi32>], vector<16xf32>,
          %mul3A_1722 = arith.mulf %mul3A_1702, %gather3A_1721 : vector<16xf32>
          %add3A_1723 = arith.addf %add3A_1720, %mul3A_1722 : vector<16xf32>
          %gather3A_1724 = tpu.vector_load_idx %arg11[%add3A_1695, %broadcast_in_dim3A_1, %min3A_1635] : memref<560x2x96xf32, #tpu.memory_space<vmem>>[vector<16xi32>, vector<16xi32>, vector<16xi32>], vector<16xf32>,
          %mul3A_1725 = arith.mulf %mul3A_1703, %gather3A_1724 : vector<16xf32>
          %add3A_1726 = arith.addf %add3A_1723, %mul3A_1725 : vector<16xf32>
          %gather3A_1727 = tpu.vector_load_idx %arg11[%add3A_1692, %broadcast_in_dim3A_3, %min3A_1626] : memref<560x2x96xf32, #tpu.memory_space<vmem>>[vector<16xi32>, vector<16xi32>, vector<16xi32>], vector<16xf32>,
          %mul3A_1728 = arith.mulf %mul3A_1696, %gather3A_1727 : vector<16xf32>
          %gather3A_1729 = tpu.vector_load_idx %arg11[%add3A_1693, %broadcast_in_dim3A_3, %min3A_1626] : memref<560x2x96xf32, #tpu.memory_space<vmem>>[vector<16xi32>, vector<16xi32>, vector<16xi32>], vector<16xf32>,
          %mul3A_1730 = arith.mulf %mul3A_1697, %gather3A_1729 : vector<16xf32>
          %add3A_1731 = arith.addf %mul3A_1728, %mul3A_1730 : vector<16xf32>
          %gather3A_1732 = tpu.vector_load_idx %arg11[%add3A_1692, %broadcast_in_dim3A_3, %min3A_1635] : memref<560x2x96xf32, #tpu.memory_space<vmem>>[vector<16xi32>, vector<16xi32>, vector<16xi32>], vector<16xf32>,
          %mul3A_1733 = arith.mulf %mul3A_1698, %gather3A_1732 : vector<16xf32>
          %add3A_1734 = arith.addf %add3A_1731, %mul3A_1733 : vector<16xf32>
          %gather3A_1735 = tpu.vector_load_idx %arg11[%add3A_1693, %broadcast_in_dim3A_3, %min3A_1635] : memref<560x2x96xf32, #tpu.memory_space<vmem>>[vector<16xi32>, vector<16xi32>, vector<16xi32>], vector<16xf32>,
          %mul3A_1736 = arith.mulf %mul3A_1699, %gather3A_1735 : vector<16xf32>
          %add3A_1737 = arith.addf %add3A_1734, %mul3A_1736 : vector<16xf32>
          %gather3A_1738 = tpu.vector_load_idx %arg11[%add3A_1694, %broadcast_in_dim3A_3, %min3A_1626] : memref<560x2x96xf32, #tpu.memory_space<vmem>>[vector<16xi32>, vector<16xi32>, vector<16xi32>], vector<16xf32>,
          %mul3A_1739 = arith.mulf %mul3A_1700, %gather3A_1738 : vector<16xf32>
          %add3A_1740 = arith.addf %add3A_1737, %mul3A_1739 : vector<16xf32>
          %gather3A_1741 = tpu.vector_load_idx %arg11[%add3A_1695, %broadcast_in_dim3A_3, %min3A_1626] : memref<560x2x96xf32, #tpu.memory_space<vmem>>[vector<16xi32>, vector<16xi32>, vector<16xi32>], vector<16xf32>,
          %mul3A_1742 = arith.mulf %mul3A_1701, %gather3A_1741 : vector<16xf32>
          %add3A_1743 = arith.addf %add3A_1740, %mul3A_1742 : vector<16xf32>
          %gather3A_1744 = tpu.vector_load_idx %arg11[%add3A_1694, %broadcast_in_dim3A_3, %min3A_1635] : memref<560x2x96xf32, #tpu.memory_space<vmem>>[vector<16xi32>, vector<16xi32>, vector<16xi32>], vector<16xf32>,
          %mul3A_1745 = arith.mulf %mul3A_1702, %gather3A_1744 : vector<16xf32>
          %add3A_1746 = arith.addf %add3A_1743, %mul3A_1745 : vector<16xf32>
          %gather3A_1747 = tpu.vector_load_idx %arg11[%add3A_1695, %broadcast_in_dim3A_3, %min3A_1635] : memref<560x2x96xf32, #tpu.memory_space<vmem>>[vector<16xi32>, vector<16xi32>, vector<16xi32>], vector<16xf32>,
          %mul3A_1748 = arith.mulf %mul3A_1703, %gather3A_1747 : vector<16xf32>
          %add3A_1749 = arith.addf %add3A_1746, %mul3A_1748 : vector<16xf32>
          tpu.vector_store_idx %arg12[%add3A_12, %broadcast_in_dim3A_1, %broadcast_in_dim3A_1179], %add3A_1726 : memref<96x2x16xf32, #tpu.memory_space<vmem>>[vector<16xi32>, vector<16xi32>, vector<16xi32>], vector<16xf32>,
          tpu.vector_store_idx %arg12[%add3A_12, %broadcast_in_dim3A_3, %broadcast_in_dim3A_1179], %add3A_1749 : memref<96x2x16xf32, #tpu.memory_space<vmem>>[vector<16xi32>, vector<16xi32>, vector<16xi32>], vector<16xf32>,
          %get3A_1750 = arith.constant 9 : i32
          %get3A_1751 = arith.index_cast %get3A_1750 : i32 to index
          %get3A_1752 = arith.constant 0 : index
          %get3A_1753 = tpu.vector_load %arg9[%get3A_1751, %get3A_1752] {strides = array<i32>} : memref<18x16xf32, #tpu.memory_space<vmem>>, vector<16xf32>,
          %add3A_1754 = arith.addf %get3A_1753, %broadcast_in_dim3A_1153 : vector<16xf32>
          %add3A_1755 = arith.addf %add3A_1754, %broadcast_in_dim3A_1174 : vector<16xf32>
          %add3A_1756 = arith.addf %add3A_1755, %broadcast_in_dim3A_688 : vector<16xf32>
          %get3A_1757 = arith.constant 10 : i32
          %get3A_1758 = arith.index_cast %get3A_1757 : i32 to index
          %get3A_1759 = arith.constant 0 : index
          %get3A_1760 = tpu.vector_load %arg9[%get3A_1758, %get3A_1759] {strides = array<i32>} : memref<18x16xf32, #tpu.memory_space<vmem>>, vector<16xf32>,
          %add3A_1761 = arith.addf %get3A_1760, %broadcast_in_dim3A_1155 : vector<16xf32>
          %add3A_1762 = arith.addf %add3A_1761, %broadcast_in_dim3A_1176 : vector<16xf32>
          %add3A_1763 = arith.addf %add3A_1762, %broadcast_in_dim3A_689 : vector<16xf32>
          %get3A_1764 = arith.constant 11 : i32
          %get3A_1765 = arith.index_cast %get3A_1764 : i32 to index
          %get3A_1766 = arith.constant 0 : index
          %get3A_1767 = tpu.vector_load %arg9[%get3A_1765, %get3A_1766] {strides = array<i32>} : memref<18x16xf32, #tpu.memory_space<vmem>>, vector<16xf32>,
          %add3A_1768 = arith.addf %get3A_1767, %broadcast_in_dim3A_1157 : vector<16xf32>
          %add3A_1769 = arith.addf %add3A_1768, %broadcast_in_dim3A_1178 : vector<16xf32>
          %add3A_1770 = arith.addf %add3A_1769, %broadcast_in_dim3A_690 : vector<16xf32>
          %add3A_1771 = arith.constant 1.000000e+00 : f32
          %add3A_1772 = vector.broadcast %add3A_1771 : f32 to vector<16xf32>
          %add3A_1773 = arith.addf %add3A_1756, %add3A_1772 : vector<16xf32>
          %mul3A_1774 = arith.constant 5.000000e-01 : f32
          %mul3A_1775 = vector.broadcast %mul3A_1774 : f32 to vector<16xf32>
          %mul3A_1776 = arith.mulf %add3A_1773, %mul3A_1775 : vector<16xf32>
          %mul3A_1777 = arith.constant 9.600000e+01 : f32
          %mul3A_1778 = vector.broadcast %mul3A_1777 : f32 to vector<16xf32>
          %mul3A_1779 = arith.mulf %mul3A_1776, %mul3A_1778 : vector<16xf32>
          %add3A_1780 = arith.constant 1.000000e+00 : f32
          %add3A_1781 = vector.broadcast %add3A_1780 : f32 to vector<16xf32>
          %add3A_1782 = arith.addf %add3A_1763, %add3A_1781 : vector<16xf32>
          %mul3A_1783 = arith.constant 5.000000e-01 : f32
          %mul3A_1784 = vector.broadcast %mul3A_1783 : f32 to vector<16xf32>
          %mul3A_1785 = arith.mulf %add3A_1782, %mul3A_1784 : vector<16xf32>
          %mul3A_1786 = arith.constant 9.600000e+01 : f32
          %mul3A_1787 = vector.broadcast %mul3A_1786 : f32 to vector<16xf32>
          %mul3A_1788 = arith.mulf %mul3A_1785, %mul3A_1787 : vector<16xf32>
          %add3A_1789 = arith.constant 1.000000e+00 : f32
          %add3A_1790 = vector.broadcast %add3A_1789 : f32 to vector<16xf32>
          %add3A_1791 = arith.addf %add3A_1770, %add3A_1790 : vector<16xf32>
          %mul3A_1792 = arith.constant 5.000000e-01 : f32
          %mul3A_1793 = vector.broadcast %mul3A_1792 : f32 to vector<16xf32>
          %mul3A_1794 = arith.mulf %add3A_1791, %mul3A_1793 : vector<16xf32>
          %mul3A_1795 = arith.constant 9.600000e+01 : f32
          %mul3A_1796 = vector.broadcast %mul3A_1795 : f32 to vector<16xf32>
          %mul3A_1797 = arith.mulf %mul3A_1794, %mul3A_1796 : vector<16xf32>
          %convert_element_type3A_1798 = arith.fptosi %mul3A_1779 : vector<16xf32> to vector<16xi32>
          %convert_element_type3A_1799 = arith.fptosi %mul3A_1788 : vector<16xf32> to vector<16xi32>
          %convert_element_type3A_1800 = arith.fptosi %mul3A_1797 : vector<16xf32> to vector<16xi32>
          %convert_element_type3A_1801 = arith.sitofp %convert_element_type3A_1798 : vector<16xi32> to vector<16xf32>
          %gt3A_1802 = arith.cmpf ogt, %convert_element_type3A_1801, %mul3A_1779 : vector<16xf32>
          %convert_element_type3A_1803 = arith.extui %gt3A_1802 : vector<16xi1> to vector<16xi32>
          %sub3A_1804 = arith.subi %convert_element_type3A_1798, %convert_element_type3A_1803 : vector<16xi32>
          %convert_element_type3A_1805 = arith.sitofp %convert_element_type3A_1799 : vector<16xi32> to vector<16xf32>
          %gt3A_1806 = arith.cmpf ogt, %convert_element_type3A_1805, %mul3A_1788 : vector<16xf32>
          %convert_element_type3A_1807 = arith.extui %gt3A_1806 : vector<16xi1> to vector<16xi32>
          %sub3A_1808 = arith.subi %convert_element_type3A_1799, %convert_element_type3A_1807 : vector<16xi32>
          %convert_element_type3A_1809 = arith.sitofp %convert_element_type3A_1800 : vector<16xi32> to vector<16xf32>
          %gt3A_1810 = arith.cmpf ogt, %convert_element_type3A_1809, %mul3A_1797 : vector<16xf32>
          %convert_element_type3A_1811 = arith.extui %gt3A_1810 : vector<16xi1> to vector<16xi32>
          %sub3A_1812 = arith.subi %convert_element_type3A_1800, %convert_element_type3A_1811 : vector<16xi32>
          %max3A_1813 = arith.constant 0 : i32
          %max3A_1814 = vector.broadcast %max3A_1813 : i32 to vector<16xi32>
          %max3A_1815 = arith.maxsi %sub3A_1804, %max3A_1814 : vector<16xi32>
          %min3A_1816 = arith.constant 95 : i32
          %min3A_1817 = vector.broadcast %min3A_1816 : i32 to vector<16xi32>
          %min3A_1818 = arith.minsi %max3A_1815, %min3A_1817 : vector<16xi32>
          %add3A_1819 = arith.constant 1 : i32
          %add3A_1820 = vector.broadcast %add3A_1819 : i32 to vector<16xi32>
          %add3A_1821 = arith.addi %sub3A_1804, %add3A_1820 : vector<16xi32>
          %max3A_1822 = arith.constant 0 : i32
          %max3A_1823 = vector.broadcast %max3A_1822 : i32 to vector<16xi32>
          %max3A_1824 = arith.maxsi %add3A_1821, %max3A_1823 : vector<16xi32>
          %min3A_1825 = arith.constant 95 : i32
          %min3A_1826 = vector.broadcast %min3A_1825 : i32 to vector<16xi32>
          %min3A_1827 = arith.minsi %max3A_1824, %min3A_1826 : vector<16xi32>
          %max3A_1828 = arith.constant 0 : i32
          %max3A_1829 = vector.broadcast %max3A_1828 : i32 to vector<16xi32>
          %max3A_1830 = arith.maxsi %sub3A_1808, %max3A_1829 : vector<16xi32>
          %min3A_1831 = arith.constant 95 : i32
          %min3A_1832 = vector.broadcast %min3A_1831 : i32 to vector<16xi32>
          %min3A_1833 = arith.minsi %max3A_1830, %min3A_1832 : vector<16xi32>
          %add3A_1834 = arith.constant 1 : i32
          %add3A_1835 = vector.broadcast %add3A_1834 : i32 to vector<16xi32>
          %add3A_1836 = arith.addi %sub3A_1808, %add3A_1835 : vector<16xi32>
          %max3A_1837 = arith.constant 0 : i32
          %max3A_1838 = vector.broadcast %max3A_1837 : i32 to vector<16xi32>
          %max3A_1839 = arith.maxsi %add3A_1836, %max3A_1838 : vector<16xi32>
          %min3A_1840 = arith.constant 95 : i32
          %min3A_1841 = vector.broadcast %min3A_1840 : i32 to vector<16xi32>
          %min3A_1842 = arith.minsi %max3A_1839, %min3A_1841 : vector<16xi32>
          %max3A_1843 = arith.constant 0 : i32
          %max3A_1844 = vector.broadcast %max3A_1843 : i32 to vector<16xi32>
          %max3A_1845 = arith.maxsi %sub3A_1812, %max3A_1844 : vector<16xi32>
          %min3A_1846 = arith.constant 95 : i32
          %min3A_1847 = vector.broadcast %min3A_1846 : i32 to vector<16xi32>
          %min3A_1848 = arith.minsi %max3A_1845, %min3A_1847 : vector<16xi32>
          %add3A_1849 = arith.constant 1 : i32
          %add3A_1850 = vector.broadcast %add3A_1849 : i32 to vector<16xi32>
          %add3A_1851 = arith.addi %sub3A_1812, %add3A_1850 : vector<16xi32>
          %max3A_1852 = arith.constant 0 : i32
          %max3A_1853 = vector.broadcast %max3A_1852 : i32 to vector<16xi32>
          %max3A_1854 = arith.maxsi %add3A_1851, %max3A_1853 : vector<16xi32>
          %min3A_1855 = arith.constant 95 : i32
          %min3A_1856 = vector.broadcast %min3A_1855 : i32 to vector<16xi32>
          %min3A_1857 = arith.minsi %max3A_1854, %min3A_1856 : vector<16xi32>
          %convert_element_type3A_1858 = arith.sitofp %min3A_1818 : vector<16xi32> to vector<16xf32>
          %sub3A_1859 = arith.subf %mul3A_1779, %convert_element_type3A_1858 : vector<16xf32>
          %convert_element_type3A_1860 = arith.sitofp %min3A_1827 : vector<16xi32> to vector<16xf32>
          %sub3A_1861 = arith.subf %convert_element_type3A_1860, %mul3A_1779 : vector<16xf32>
          %convert_element_type3A_1862 = arith.sitofp %min3A_1833 : vector<16xi32> to vector<16xf32>
          %sub3A_1863 = arith.subf %mul3A_1788, %convert_element_type3A_1862 : vector<16xf32>
          %convert_element_type3A_1864 = arith.sitofp %min3A_1842 : vector<16xi32> to vector<16xf32>
          %sub3A_1865 = arith.subf %convert_element_type3A_1864, %mul3A_1788 : vector<16xf32>
          %sub3A_1866 = arith.subi %min3A_1857, %min3A_1848 : vector<16xi32>
          %convert_element_type3A_1867 = arith.sitofp %sub3A_1866 : vector<16xi32> to vector<16xf32>
          %convert_element_type3A_1868 = arith.sitofp %min3A_1857 : vector<16xi32> to vector<16xf32>
          %sub3A_1869 = arith.subf %convert_element_type3A_1868, %mul3A_1797 : vector<16xf32>
          %mul3A_1870 = arith.mulf %sub3A_1865, %sub3A_1869 : vector<16xf32>
          %mul3A_1871 = arith.mulf %sub3A_1863, %sub3A_1869 : vector<16xf32>
          %mul3A_1872 = arith.mulf %sub3A_1865, %convert_element_type3A_1867 : vector<16xf32>
          %mul3A_1873 = arith.mulf %sub3A_1863, %convert_element_type3A_1867 : vector<16xf32>
          %sub3A_1874 = arith.subi %min3A_1848, %broadcast_in_dim3A_691 : vector<16xi32>
          %mul3A_1875 = arith.constant 20 : i32
          %mul3A_1876 = vector.broadcast %mul3A_1875 : i32 to vector<16xi32>
          %mul3A_1877 = arith.muli %sub3A_1874, %mul3A_1876 : vector<16xi32>
          %sub3A_1878 = arith.subi %min3A_1857, %broadcast_in_dim3A_691 : vector<16xi32>
          %mul3A_1879 = arith.constant 20 : i32
          %mul3A_1880 = vector.broadcast %mul3A_1879 : i32 to vector<16xi32>
          %mul3A_1881 = arith.muli %sub3A_1878, %mul3A_1880 : vector<16xi32>
          %sub3A_1882 = arith.subi %min3A_1833, %broadcast_in_dim3A_692 : vector<16xi32>
          %sub3A_1883 = arith.subi %min3A_1842, %broadcast_in_dim3A_692 : vector<16xi32>
          %add3A_1884 = arith.addi %mul3A_1877, %sub3A_1882 : vector<16xi32>
          %add3A_1885 = arith.addi %mul3A_1877, %sub3A_1883 : vector<16xi32>
          %add3A_1886 = arith.addi %mul3A_1881, %sub3A_1882 : vector<16xi32>
          %add3A_1887 = arith.addi %mul3A_1881, %sub3A_1883 : vector<16xi32>
          %mul3A_1888 = arith.mulf %sub3A_1861, %mul3A_1870 : vector<16xf32>
          %mul3A_1889 = arith.mulf %sub3A_1861, %mul3A_1871 : vector<16xf32>
          %mul3A_1890 = arith.mulf %sub3A_1859, %mul3A_1870 : vector<16xf32>
          %mul3A_1891 = arith.mulf %sub3A_1859, %mul3A_1871 : vector<16xf32>
          %mul3A_1892 = arith.mulf %sub3A_1861, %mul3A_1872 : vector<16xf32>
          %mul3A_1893 = arith.mulf %sub3A_1861, %mul3A_1873 : vector<16xf32>
          %mul3A_1894 = arith.mulf %sub3A_1859, %mul3A_1872 : vector<16xf32>
          %mul3A_1895 = arith.mulf %sub3A_1859, %mul3A_1873 : vector<16xf32>
          %gather3A_1896 = tpu.vector_load_idx %arg11[%add3A_1884, %broadcast_in_dim3A_1, %min3A_1818] : memref<560x2x96xf32, #tpu.memory_space<vmem>>[vector<16xi32>, vector<16xi32>, vector<16xi32>], vector<16xf32>,
          %mul3A_1897 = arith.mulf %mul3A_1888, %gather3A_1896 : vector<16xf32>
          %gather3A_1898 = tpu.vector_load_idx %arg11[%add3A_1885, %broadcast_in_dim3A_1, %min3A_1818] : memref<560x2x96xf32, #tpu.memory_space<vmem>>[vector<16xi32>, vector<16xi32>, vector<16xi32>], vector<16xf32>,
          %mul3A_1899 = arith.mulf %mul3A_1889, %gather3A_1898 : vector<16xf32>
          %add3A_1900 = arith.addf %mul3A_1897, %mul3A_1899 : vector<16xf32>
          %gather3A_1901 = tpu.vector_load_idx %arg11[%add3A_1884, %broadcast_in_dim3A_1, %min3A_1827] : memref<560x2x96xf32, #tpu.memory_space<vmem>>[vector<16xi32>, vector<16xi32>, vector<16xi32>], vector<16xf32>,
          %mul3A_1902 = arith.mulf %mul3A_1890, %gather3A_1901 : vector<16xf32>
          %add3A_1903 = arith.addf %add3A_1900, %mul3A_1902 : vector<16xf32>
          %gather3A_1904 = tpu.vector_load_idx %arg11[%add3A_1885, %broadcast_in_dim3A_1, %min3A_1827] : memref<560x2x96xf32, #tpu.memory_space<vmem>>[vector<16xi32>, vector<16xi32>, vector<16xi32>], vector<16xf32>,
          %mul3A_1905 = arith.mulf %mul3A_1891, %gather3A_1904 : vector<16xf32>
          %add3A_1906 = arith.addf %add3A_1903, %mul3A_1905 : vector<16xf32>
          %gather3A_1907 = tpu.vector_load_idx %arg11[%add3A_1886, %broadcast_in_dim3A_1, %min3A_1818] : memref<560x2x96xf32, #tpu.memory_space<vmem>>[vector<16xi32>, vector<16xi32>, vector<16xi32>], vector<16xf32>,
          %mul3A_1908 = arith.mulf %mul3A_1892, %gather3A_1907 : vector<16xf32>
          %add3A_1909 = arith.addf %add3A_1906, %mul3A_1908 : vector<16xf32>
          %gather3A_1910 = tpu.vector_load_idx %arg11[%add3A_1887, %broadcast_in_dim3A_1, %min3A_1818] : memref<560x2x96xf32, #tpu.memory_space<vmem>>[vector<16xi32>, vector<16xi32>, vector<16xi32>], vector<16xf32>,
          %mul3A_1911 = arith.mulf %mul3A_1893, %gather3A_1910 : vector<16xf32>
          %add3A_1912 = arith.addf %add3A_1909, %mul3A_1911 : vector<16xf32>
          %gather3A_1913 = tpu.vector_load_idx %arg11[%add3A_1886, %broadcast_in_dim3A_1, %min3A_1827] : memref<560x2x96xf32, #tpu.memory_space<vmem>>[vector<16xi32>, vector<16xi32>, vector<16xi32>], vector<16xf32>,
          %mul3A_1914 = arith.mulf %mul3A_1894, %gather3A_1913 : vector<16xf32>
          %add3A_1915 = arith.addf %add3A_1912, %mul3A_1914 : vector<16xf32>
          %gather3A_1916 = tpu.vector_load_idx %arg11[%add3A_1887, %broadcast_in_dim3A_1, %min3A_1827] : memref<560x2x96xf32, #tpu.memory_space<vmem>>[vector<16xi32>, vector<16xi32>, vector<16xi32>], vector<16xf32>,
          %mul3A_1917 = arith.mulf %mul3A_1895, %gather3A_1916 : vector<16xf32>
          %add3A_1918 = arith.addf %add3A_1915, %mul3A_1917 : vector<16xf32>
          %gather3A_1919 = tpu.vector_load_idx %arg11[%add3A_1884, %broadcast_in_dim3A_3, %min3A_1818] : memref<560x2x96xf32, #tpu.memory_space<vmem>>[vector<16xi32>, vector<16xi32>, vector<16xi32>], vector<16xf32>,
          %mul3A_1920 = arith.mulf %mul3A_1888, %gather3A_1919 : vector<16xf32>
          %gather3A_1921 = tpu.vector_load_idx %arg11[%add3A_1885, %broadcast_in_dim3A_3, %min3A_1818] : memref<560x2x96xf32, #tpu.memory_space<vmem>>[vector<16xi32>, vector<16xi32>, vector<16xi32>], vector<16xf32>,
          %mul3A_1922 = arith.mulf %mul3A_1889, %gather3A_1921 : vector<16xf32>
          %add3A_1923 = arith.addf %mul3A_1920, %mul3A_1922 : vector<16xf32>
          %gather3A_1924 = tpu.vector_load_idx %arg11[%add3A_1884, %broadcast_in_dim3A_3, %min3A_1827] : memref<560x2x96xf32, #tpu.memory_space<vmem>>[vector<16xi32>, vector<16xi32>, vector<16xi32>], vector<16xf32>,
          %mul3A_1925 = arith.mulf %mul3A_1890, %gather3A_1924 : vector<16xf32>
          %add3A_1926 = arith.addf %add3A_1923, %mul3A_1925 : vector<16xf32>
          %gather3A_1927 = tpu.vector_load_idx %arg11[%add3A_1885, %broadcast_in_dim3A_3, %min3A_1827] : memref<560x2x96xf32, #tpu.memory_space<vmem>>[vector<16xi32>, vector<16xi32>, vector<16xi32>], vector<16xf32>,
          %mul3A_1928 = arith.mulf %mul3A_1891, %gather3A_1927 : vector<16xf32>
          %add3A_1929 = arith.addf %add3A_1926, %mul3A_1928 : vector<16xf32>
          %gather3A_1930 = tpu.vector_load_idx %arg11[%add3A_1886, %broadcast_in_dim3A_3, %min3A_1818] : memref<560x2x96xf32, #tpu.memory_space<vmem>>[vector<16xi32>, vector<16xi32>, vector<16xi32>], vector<16xf32>,
          %mul3A_1931 = arith.mulf %mul3A_1892, %gather3A_1930 : vector<16xf32>
          %add3A_1932 = arith.addf %add3A_1929, %mul3A_1931 : vector<16xf32>
          %gather3A_1933 = tpu.vector_load_idx %arg11[%add3A_1887, %broadcast_in_dim3A_3, %min3A_1818] : memref<560x2x96xf32, #tpu.memory_space<vmem>>[vector<16xi32>, vector<16xi32>, vector<16xi32>], vector<16xf32>,
          %mul3A_1934 = arith.mulf %mul3A_1893, %gather3A_1933 : vector<16xf32>
          %add3A_1935 = arith.addf %add3A_1932, %mul3A_1934 : vector<16xf32>
          %gather3A_1936 = tpu.vector_load_idx %arg11[%add3A_1886, %broadcast_in_dim3A_3, %min3A_1827] : memref<560x2x96xf32, #tpu.memory_space<vmem>>[vector<16xi32>, vector<16xi32>, vector<16xi32>], vector<16xf32>,
          %mul3A_1937 = arith.mulf %mul3A_1894, %gather3A_1936 : vector<16xf32>
          %add3A_1938 = arith.addf %add3A_1935, %mul3A_1937 : vector<16xf32>
          %gather3A_1939 = tpu.vector_load_idx %arg11[%add3A_1887, %broadcast_in_dim3A_3, %min3A_1827] : memref<560x2x96xf32, #tpu.memory_space<vmem>>[vector<16xi32>, vector<16xi32>, vector<16xi32>], vector<16xf32>,
          %mul3A_1940 = arith.mulf %mul3A_1895, %gather3A_1939 : vector<16xf32>
          %add3A_1941 = arith.addf %add3A_1938, %mul3A_1940 : vector<16xf32>
          tpu.vector_store_idx %arg12[%add3A_15, %broadcast_in_dim3A_1, %broadcast_in_dim3A_1179], %add3A_1918 : memref<96x2x16xf32, #tpu.memory_space<vmem>>[vector<16xi32>, vector<16xi32>, vector<16xi32>], vector<16xf32>,
          tpu.vector_store_idx %arg12[%add3A_15, %broadcast_in_dim3A_3, %broadcast_in_dim3A_1179], %add3A_1941 : memref<96x2x16xf32, #tpu.memory_space<vmem>>[vector<16xi32>, vector<16xi32>, vector<16xi32>], vector<16xf32>,
          %get3A_1942 = arith.constant 12 : i32
          %get3A_1943 = arith.index_cast %get3A_1942 : i32 to index
          %get3A_1944 = arith.constant 0 : index
          %get3A_1945 = tpu.vector_load %arg9[%get3A_1943, %get3A_1944] {strides = array<i32>} : memref<18x16xf32, #tpu.memory_space<vmem>>, vector<16xf32>,
          %add3A_1946 = arith.addf %get3A_1945, %broadcast_in_dim3A_1153 : vector<16xf32>
          %add3A_1947 = arith.addf %add3A_1946, %broadcast_in_dim3A_1174 : vector<16xf32>
          %add3A_1948 = arith.addf %add3A_1947, %broadcast_in_dim3A_688 : vector<16xf32>
          %get3A_1949 = arith.constant 13 : i32
          %get3A_1950 = arith.index_cast %get3A_1949 : i32 to index
          %get3A_1951 = arith.constant 0 : index
          %get3A_1952 = tpu.vector_load %arg9[%get3A_1950, %get3A_1951] {strides = array<i32>} : memref<18x16xf32, #tpu.memory_space<vmem>>, vector<16xf32>,
          %add3A_1953 = arith.addf %get3A_1952, %broadcast_in_dim3A_1155 : vector<16xf32>
          %add3A_1954 = arith.addf %add3A_1953, %broadcast_in_dim3A_1176 : vector<16xf32>
          %add3A_1955 = arith.addf %add3A_1954, %broadcast_in_dim3A_689 : vector<16xf32>
          %get3A_1956 = arith.constant 14 : i32
          %get3A_1957 = arith.index_cast %get3A_1956 : i32 to index
          %get3A_1958 = arith.constant 0 : index
          %get3A_1959 = tpu.vector_load %arg9[%get3A_1957, %get3A_1958] {strides = array<i32>} : memref<18x16xf32, #tpu.memory_space<vmem>>, vector<16xf32>,
          %add3A_1960 = arith.addf %get3A_1959, %broadcast_in_dim3A_1157 : vector<16xf32>
          %add3A_1961 = arith.addf %add3A_1960, %broadcast_in_dim3A_1178 : vector<16xf32>
          %add3A_1962 = arith.addf %add3A_1961, %broadcast_in_dim3A_690 : vector<16xf32>
          %add3A_1963 = arith.constant 1.000000e+00 : f32
          %add3A_1964 = vector.broadcast %add3A_1963 : f32 to vector<16xf32>
          %add3A_1965 = arith.addf %add3A_1948, %add3A_1964 : vector<16xf32>
          %mul3A_1966 = arith.constant 5.000000e-01 : f32
          %mul3A_1967 = vector.broadcast %mul3A_1966 : f32 to vector<16xf32>
          %mul3A_1968 = arith.mulf %add3A_1965, %mul3A_1967 : vector<16xf32>
          %mul3A_1969 = arith.constant 9.600000e+01 : f32
          %mul3A_1970 = vector.broadcast %mul3A_1969 : f32 to vector<16xf32>
          %mul3A_1971 = arith.mulf %mul3A_1968, %mul3A_1970 : vector<16xf32>
          %add3A_1972 = arith.constant 1.000000e+00 : f32
          %add3A_1973 = vector.broadcast %add3A_1972 : f32 to vector<16xf32>
          %add3A_1974 = arith.addf %add3A_1955, %add3A_1973 : vector<16xf32>
          %mul3A_1975 = arith.constant 5.000000e-01 : f32
          %mul3A_1976 = vector.broadcast %mul3A_1975 : f32 to vector<16xf32>
          %mul3A_1977 = arith.mulf %add3A_1974, %mul3A_1976 : vector<16xf32>
          %mul3A_1978 = arith.constant 9.600000e+01 : f32
          %mul3A_1979 = vector.broadcast %mul3A_1978 : f32 to vector<16xf32>
          %mul3A_1980 = arith.mulf %mul3A_1977, %mul3A_1979 : vector<16xf32>
          %add3A_1981 = arith.constant 1.000000e+00 : f32
          %add3A_1982 = vector.broadcast %add3A_1981 : f32 to vector<16xf32>
          %add3A_1983 = arith.addf %add3A_1962, %add3A_1982 : vector<16xf32>
          %mul3A_1984 = arith.constant 5.000000e-01 : f32
          %mul3A_1985 = vector.broadcast %mul3A_1984 : f32 to vector<16xf32>
          %mul3A_1986 = arith.mulf %add3A_1983, %mul3A_1985 : vector<16xf32>
          %mul3A_1987 = arith.constant 9.600000e+01 : f32
          %mul3A_1988 = vector.broadcast %mul3A_1987 : f32 to vector<16xf32>
          %mul3A_1989 = arith.mulf %mul3A_1986, %mul3A_1988 : vector<16xf32>
          %convert_element_type3A_1990 = arith.fptosi %mul3A_1971 : vector<16xf32> to vector<16xi32>
          %convert_element_type3A_1991 = arith.fptosi %mul3A_1980 : vector<16xf32> to vector<16xi32>
          %convert_element_type3A_1992 = arith.fptosi %mul3A_1989 : vector<16xf32> to vector<16xi32>
          %convert_element_type3A_1993 = arith.sitofp %convert_element_type3A_1990 : vector<16xi32> to vector<16xf32>
          %gt3A_1994 = arith.cmpf ogt, %convert_element_type3A_1993, %mul3A_1971 : vector<16xf32>
          %convert_element_type3A_1995 = arith.extui %gt3A_1994 : vector<16xi1> to vector<16xi32>
          %sub3A_1996 = arith.subi %convert_element_type3A_1990, %convert_element_type3A_1995 : vector<16xi32>
          %convert_element_type3A_1997 = arith.sitofp %convert_element_type3A_1991 : vector<16xi32> to vector<16xf32>
          %gt3A_1998 = arith.cmpf ogt, %convert_element_type3A_1997, %mul3A_1980 : vector<16xf32>
          %convert_element_type3A_1999 = arith.extui %gt3A_1998 : vector<16xi1> to vector<16xi32>
          %sub3A_2000 = arith.subi %convert_element_type3A_1991, %convert_element_type3A_1999 : vector<16xi32>
          %convert_element_type3A_2001 = arith.sitofp %convert_element_type3A_1992 : vector<16xi32> to vector<16xf32>
          %gt3A_2002 = arith.cmpf ogt, %convert_element_type3A_2001, %mul3A_1989 : vector<16xf32>
          %convert_element_type3A_2003 = arith.extui %gt3A_2002 : vector<16xi1> to vector<16xi32>
          %sub3A_2004 = arith.subi %convert_element_type3A_1992, %convert_element_type3A_2003 : vector<16xi32>
          %max3A_2005 = arith.constant 0 : i32
          %max3A_2006 = vector.broadcast %max3A_2005 : i32 to vector<16xi32>
          %max3A_2007 = arith.maxsi %sub3A_1996, %max3A_2006 : vector<16xi32>
          %min3A_2008 = arith.constant 95 : i32
          %min3A_2009 = vector.broadcast %min3A_2008 : i32 to vector<16xi32>
          %min3A_2010 = arith.minsi %max3A_2007, %min3A_2009 : vector<16xi32>
          %add3A_2011 = arith.constant 1 : i32
          %add3A_2012 = vector.broadcast %add3A_2011 : i32 to vector<16xi32>
          %add3A_2013 = arith.addi %sub3A_1996, %add3A_2012 : vector<16xi32>
          %max3A_2014 = arith.constant 0 : i32
          %max3A_2015 = vector.broadcast %max3A_2014 : i32 to vector<16xi32>
          %max3A_2016 = arith.maxsi %add3A_2013, %max3A_2015 : vector<16xi32>
          %min3A_2017 = arith.constant 95 : i32
          %min3A_2018 = vector.broadcast %min3A_2017 : i32 to vector<16xi32>
          %min3A_2019 = arith.minsi %max3A_2016, %min3A_2018 : vector<16xi32>
          %max3A_2020 = arith.constant 0 : i32
          %max3A_2021 = vector.broadcast %max3A_2020 : i32 to vector<16xi32>
          %max3A_2022 = arith.maxsi %sub3A_2000, %max3A_2021 : vector<16xi32>
          %min3A_2023 = arith.constant 95 : i32
          %min3A_2024 = vector.broadcast %min3A_2023 : i32 to vector<16xi32>
          %min3A_2025 = arith.minsi %max3A_2022, %min3A_2024 : vector<16xi32>
          %add3A_2026 = arith.constant 1 : i32
          %add3A_2027 = vector.broadcast %add3A_2026 : i32 to vector<16xi32>
          %add3A_2028 = arith.addi %sub3A_2000, %add3A_2027 : vector<16xi32>
          %max3A_2029 = arith.constant 0 : i32
          %max3A_2030 = vector.broadcast %max3A_2029 : i32 to vector<16xi32>
          %max3A_2031 = arith.maxsi %add3A_2028, %max3A_2030 : vector<16xi32>
          %min3A_2032 = arith.constant 95 : i32
          %min3A_2033 = vector.broadcast %min3A_2032 : i32 to vector<16xi32>
          %min3A_2034 = arith.minsi %max3A_2031, %min3A_2033 : vector<16xi32>
          %max3A_2035 = arith.constant 0 : i32
          %max3A_2036 = vector.broadcast %max3A_2035 : i32 to vector<16xi32>
          %max3A_2037 = arith.maxsi %sub3A_2004, %max3A_2036 : vector<16xi32>
          %min3A_2038 = arith.constant 95 : i32
          %min3A_2039 = vector.broadcast %min3A_2038 : i32 to vector<16xi32>
          %min3A_2040 = arith.minsi %max3A_2037, %min3A_2039 : vector<16xi32>
          %add3A_2041 = arith.constant 1 : i32
          %add3A_2042 = vector.broadcast %add3A_2041 : i32 to vector<16xi32>
          %add3A_2043 = arith.addi %sub3A_2004, %add3A_2042 : vector<16xi32>
          %max3A_2044 = arith.constant 0 : i32
          %max3A_2045 = vector.broadcast %max3A_2044 : i32 to vector<16xi32>
          %max3A_2046 = arith.maxsi %add3A_2043, %max3A_2045 : vector<16xi32>
          %min3A_2047 = arith.constant 95 : i32
          %min3A_2048 = vector.broadcast %min3A_2047 : i32 to vector<16xi32>
          %min3A_2049 = arith.minsi %max3A_2046, %min3A_2048 : vector<16xi32>
          %convert_element_type3A_2050 = arith.sitofp %min3A_2010 : vector<16xi32> to vector<16xf32>
          %sub3A_2051 = arith.subf %mul3A_1971, %convert_element_type3A_2050 : vector<16xf32>
          %convert_element_type3A_2052 = arith.sitofp %min3A_2019 : vector<16xi32> to vector<16xf32>
          %sub3A_2053 = arith.subf %convert_element_type3A_2052, %mul3A_1971 : vector<16xf32>
          %convert_element_type3A_2054 = arith.sitofp %min3A_2025 : vector<16xi32> to vector<16xf32>
          %sub3A_2055 = arith.subf %mul3A_1980, %convert_element_type3A_2054 : vector<16xf32>
          %convert_element_type3A_2056 = arith.sitofp %min3A_2034 : vector<16xi32> to vector<16xf32>
          %sub3A_2057 = arith.subf %convert_element_type3A_2056, %mul3A_1980 : vector<16xf32>
          %sub3A_2058 = arith.subi %min3A_2049, %min3A_2040 : vector<16xi32>
          %convert_element_type3A_2059 = arith.sitofp %sub3A_2058 : vector<16xi32> to vector<16xf32>
          %convert_element_type3A_2060 = arith.sitofp %min3A_2049 : vector<16xi32> to vector<16xf32>
          %sub3A_2061 = arith.subf %convert_element_type3A_2060, %mul3A_1989 : vector<16xf32>
          %mul3A_2062 = arith.mulf %sub3A_2057, %sub3A_2061 : vector<16xf32>
          %mul3A_2063 = arith.mulf %sub3A_2055, %sub3A_2061 : vector<16xf32>
          %mul3A_2064 = arith.mulf %sub3A_2057, %convert_element_type3A_2059 : vector<16xf32>
          %mul3A_2065 = arith.mulf %sub3A_2055, %convert_element_type3A_2059 : vector<16xf32>
          %sub3A_2066 = arith.subi %min3A_2040, %broadcast_in_dim3A_691 : vector<16xi32>
          %mul3A_2067 = arith.constant 20 : i32
          %mul3A_2068 = vector.broadcast %mul3A_2067 : i32 to vector<16xi32>
          %mul3A_2069 = arith.muli %sub3A_2066, %mul3A_2068 : vector<16xi32>
          %sub3A_2070 = arith.subi %min3A_2049, %broadcast_in_dim3A_691 : vector<16xi32>
          %mul3A_2071 = arith.constant 20 : i32
          %mul3A_2072 = vector.broadcast %mul3A_2071 : i32 to vector<16xi32>
          %mul3A_2073 = arith.muli %sub3A_2070, %mul3A_2072 : vector<16xi32>
          %sub3A_2074 = arith.subi %min3A_2025, %broadcast_in_dim3A_692 : vector<16xi32>
          %sub3A_2075 = arith.subi %min3A_2034, %broadcast_in_dim3A_692 : vector<16xi32>
          %add3A_2076 = arith.addi %mul3A_2069, %sub3A_2074 : vector<16xi32>
          %add3A_2077 = arith.addi %mul3A_2069, %sub3A_2075 : vector<16xi32>
          %add3A_2078 = arith.addi %mul3A_2073, %sub3A_2074 : vector<16xi32>
          %add3A_2079 = arith.addi %mul3A_2073, %sub3A_2075 : vector<16xi32>
          %mul3A_2080 = arith.mulf %sub3A_2053, %mul3A_2062 : vector<16xf32>
          %mul3A_2081 = arith.mulf %sub3A_2053, %mul3A_2063 : vector<16xf32>
          %mul3A_2082 = arith.mulf %sub3A_2051, %mul3A_2062 : vector<16xf32>
          %mul3A_2083 = arith.mulf %sub3A_2051, %mul3A_2063 : vector<16xf32>
          %mul3A_2084 = arith.mulf %sub3A_2053, %mul3A_2064 : vector<16xf32>
          %mul3A_2085 = arith.mulf %sub3A_2053, %mul3A_2065 : vector<16xf32>
          %mul3A_2086 = arith.mulf %sub3A_2051, %mul3A_2064 : vector<16xf32>
          %mul3A_2087 = arith.mulf %sub3A_2051, %mul3A_2065 : vector<16xf32>
          %gather3A_2088 = tpu.vector_load_idx %arg11[%add3A_2076, %broadcast_in_dim3A_1, %min3A_2010] : memref<560x2x96xf32, #tpu.memory_space<vmem>>[vector<16xi32>, vector<16xi32>, vector<16xi32>], vector<16xf32>,
          %mul3A_2089 = arith.mulf %mul3A_2080, %gather3A_2088 : vector<16xf32>
          %gather3A_2090 = tpu.vector_load_idx %arg11[%add3A_2077, %broadcast_in_dim3A_1, %min3A_2010] : memref<560x2x96xf32, #tpu.memory_space<vmem>>[vector<16xi32>, vector<16xi32>, vector<16xi32>], vector<16xf32>,
          %mul3A_2091 = arith.mulf %mul3A_2081, %gather3A_2090 : vector<16xf32>
          %add3A_2092 = arith.addf %mul3A_2089, %mul3A_2091 : vector<16xf32>
          %gather3A_2093 = tpu.vector_load_idx %arg11[%add3A_2076, %broadcast_in_dim3A_1, %min3A_2019] : memref<560x2x96xf32, #tpu.memory_space<vmem>>[vector<16xi32>, vector<16xi32>, vector<16xi32>], vector<16xf32>,
          %mul3A_2094 = arith.mulf %mul3A_2082, %gather3A_2093 : vector<16xf32>
          %add3A_2095 = arith.addf %add3A_2092, %mul3A_2094 : vector<16xf32>
          %gather3A_2096 = tpu.vector_load_idx %arg11[%add3A_2077, %broadcast_in_dim3A_1, %min3A_2019] : memref<560x2x96xf32, #tpu.memory_space<vmem>>[vector<16xi32>, vector<16xi32>, vector<16xi32>], vector<16xf32>,
          %mul3A_2097 = arith.mulf %mul3A_2083, %gather3A_2096 : vector<16xf32>
          %add3A_2098 = arith.addf %add3A_2095, %mul3A_2097 : vector<16xf32>
          %gather3A_2099 = tpu.vector_load_idx %arg11[%add3A_2078, %broadcast_in_dim3A_1, %min3A_2010] : memref<560x2x96xf32, #tpu.memory_space<vmem>>[vector<16xi32>, vector<16xi32>, vector<16xi32>], vector<16xf32>,
          %mul3A_2100 = arith.mulf %mul3A_2084, %gather3A_2099 : vector<16xf32>
          %add3A_2101 = arith.addf %add3A_2098, %mul3A_2100 : vector<16xf32>
          %gather3A_2102 = tpu.vector_load_idx %arg11[%add3A_2079, %broadcast_in_dim3A_1, %min3A_2010] : memref<560x2x96xf32, #tpu.memory_space<vmem>>[vector<16xi32>, vector<16xi32>, vector<16xi32>], vector<16xf32>,
          %mul3A_2103 = arith.mulf %mul3A_2085, %gather3A_2102 : vector<16xf32>
          %add3A_2104 = arith.addf %add3A_2101, %mul3A_2103 : vector<16xf32>
          %gather3A_2105 = tpu.vector_load_idx %arg11[%add3A_2078, %broadcast_in_dim3A_1, %min3A_2019] : memref<560x2x96xf32, #tpu.memory_space<vmem>>[vector<16xi32>, vector<16xi32>, vector<16xi32>], vector<16xf32>,
          %mul3A_2106 = arith.mulf %mul3A_2086, %gather3A_2105 : vector<16xf32>
          %add3A_2107 = arith.addf %add3A_2104, %mul3A_2106 : vector<16xf32>
          %gather3A_2108 = tpu.vector_load_idx %arg11[%add3A_2079, %broadcast_in_dim3A_1, %min3A_2019] : memref<560x2x96xf32, #tpu.memory_space<vmem>>[vector<16xi32>, vector<16xi32>, vector<16xi32>], vector<16xf32>,
          %mul3A_2109 = arith.mulf %mul3A_2087, %gather3A_2108 : vector<16xf32>
          %add3A_2110 = arith.addf %add3A_2107, %mul3A_2109 : vector<16xf32>
          %gather3A_2111 = tpu.vector_load_idx %arg11[%add3A_2076, %broadcast_in_dim3A_3, %min3A_2010] : memref<560x2x96xf32, #tpu.memory_space<vmem>>[vector<16xi32>, vector<16xi32>, vector<16xi32>], vector<16xf32>,
          %mul3A_2112 = arith.mulf %mul3A_2080, %gather3A_2111 : vector<16xf32>
          %gather3A_2113 = tpu.vector_load_idx %arg11[%add3A_2077, %broadcast_in_dim3A_3, %min3A_2010] : memref<560x2x96xf32, #tpu.memory_space<vmem>>[vector<16xi32>, vector<16xi32>, vector<16xi32>], vector<16xf32>,
          %mul3A_2114 = arith.mulf %mul3A_2081, %gather3A_2113 : vector<16xf32>
          %add3A_2115 = arith.addf %mul3A_2112, %mul3A_2114 : vector<16xf32>
          %gather3A_2116 = tpu.vector_load_idx %arg11[%add3A_2076, %broadcast_in_dim3A_3, %min3A_2019] : memref<560x2x96xf32, #tpu.memory_space<vmem>>[vector<16xi32>, vector<16xi32>, vector<16xi32>], vector<16xf32>,
          %mul3A_2117 = arith.mulf %mul3A_2082, %gather3A_2116 : vector<16xf32>
          %add3A_2118 = arith.addf %add3A_2115, %mul3A_2117 : vector<16xf32>
          %gather3A_2119 = tpu.vector_load_idx %arg11[%add3A_2077, %broadcast_in_dim3A_3, %min3A_2019] : memref<560x2x96xf32, #tpu.memory_space<vmem>>[vector<16xi32>, vector<16xi32>, vector<16xi32>], vector<16xf32>,
          %mul3A_2120 = arith.mulf %mul3A_2083, %gather3A_2119 : vector<16xf32>
          %add3A_2121 = arith.addf %add3A_2118, %mul3A_2120 : vector<16xf32>
          %gather3A_2122 = tpu.vector_load_idx %arg11[%add3A_2078, %broadcast_in_dim3A_3, %min3A_2010] : memref<560x2x96xf32, #tpu.memory_space<vmem>>[vector<16xi32>, vector<16xi32>, vector<16xi32>], vector<16xf32>,
          %mul3A_2123 = arith.mulf %mul3A_2084, %gather3A_2122 : vector<16xf32>
          %add3A_2124 = arith.addf %add3A_2121, %mul3A_2123 : vector<16xf32>
          %gather3A_2125 = tpu.vector_load_idx %arg11[%add3A_2079, %broadcast_in_dim3A_3, %min3A_2010] : memref<560x2x96xf32, #tpu.memory_space<vmem>>[vector<16xi32>, vector<16xi32>, vector<16xi32>], vector<16xf32>,
          %mul3A_2126 = arith.mulf %mul3A_2085, %gather3A_2125 : vector<16xf32>
          %add3A_2127 = arith.addf %add3A_2124, %mul3A_2126 : vector<16xf32>
          %gather3A_2128 = tpu.vector_load_idx %arg11[%add3A_2078, %broadcast_in_dim3A_3, %min3A_2019] : memref<560x2x96xf32, #tpu.memory_space<vmem>>[vector<16xi32>, vector<16xi32>, vector<16xi32>], vector<16xf32>,
          %mul3A_2129 = arith.mulf %mul3A_2086, %gather3A_2128 : vector<16xf32>
          %add3A_2130 = arith.addf %add3A_2127, %mul3A_2129 : vector<16xf32>
          %gather3A_2131 = tpu.vector_load_idx %arg11[%add3A_2079, %broadcast_in_dim3A_3, %min3A_2019] : memref<560x2x96xf32, #tpu.memory_space<vmem>>[vector<16xi32>, vector<16xi32>, vector<16xi32>], vector<16xf32>,
          %mul3A_2132 = arith.mulf %mul3A_2087, %gather3A_2131 : vector<16xf32>
          %add3A_2133 = arith.addf %add3A_2130, %mul3A_2132 : vector<16xf32>
          tpu.vector_store_idx %arg12[%add3A_18, %broadcast_in_dim3A_1, %broadcast_in_dim3A_1179], %add3A_2110 : memref<96x2x16xf32, #tpu.memory_space<vmem>>[vector<16xi32>, vector<16xi32>, vector<16xi32>], vector<16xf32>,
          tpu.vector_store_idx %arg12[%add3A_18, %broadcast_in_dim3A_3, %broadcast_in_dim3A_1179], %add3A_2133 : memref<96x2x16xf32, #tpu.memory_space<vmem>>[vector<16xi32>, vector<16xi32>, vector<16xi32>], vector<16xf32>,
          %get3A_2134 = arith.constant 15 : i32
          %get3A_2135 = arith.index_cast %get3A_2134 : i32 to index
          %get3A_2136 = arith.constant 0 : index
          %get3A_2137 = tpu.vector_load %arg9[%get3A_2135, %get3A_2136] {strides = array<i32>} : memref<18x16xf32, #tpu.memory_space<vmem>>, vector<16xf32>,
          %add3A_2138 = arith.addf %get3A_2137, %broadcast_in_dim3A_1153 : vector<16xf32>
          %add3A_2139 = arith.addf %add3A_2138, %broadcast_in_dim3A_1174 : vector<16xf32>
          %add3A_2140 = arith.addf %add3A_2139, %broadcast_in_dim3A_688 : vector<16xf32>
          %get3A_2141 = arith.constant 16 : i32
          %get3A_2142 = arith.index_cast %get3A_2141 : i32 to index
          %get3A_2143 = arith.constant 0 : index
          %get3A_2144 = tpu.vector_load %arg9[%get3A_2142, %get3A_2143] {strides = array<i32>} : memref<18x16xf32, #tpu.memory_space<vmem>>, vector<16xf32>,
          %add3A_2145 = arith.addf %get3A_2144, %broadcast_in_dim3A_1155 : vector<16xf32>
          %add3A_2146 = arith.addf %add3A_2145, %broadcast_in_dim3A_1176 : vector<16xf32>
          %add3A_2147 = arith.addf %add3A_2146, %broadcast_in_dim3A_689 : vector<16xf32>
          %get3A_2148 = arith.constant 17 : i32
          %get3A_2149 = arith.index_cast %get3A_2148 : i32 to index
          %get3A_2150 = arith.constant 0 : index
          %get3A_2151 = tpu.vector_load %arg9[%get3A_2149, %get3A_2150] {strides = array<i32>} : memref<18x16xf32, #tpu.memory_space<vmem>>, vector<16xf32>,
          %add3A_2152 = arith.addf %get3A_2151, %broadcast_in_dim3A_1157 : vector<16xf32>
          %add3A_2153 = arith.addf %add3A_2152, %broadcast_in_dim3A_1178 : vector<16xf32>
          %add3A_2154 = arith.addf %add3A_2153, %broadcast_in_dim3A_690 : vector<16xf32>
          %add3A_2155 = arith.constant 1.000000e+00 : f32
          %add3A_2156 = vector.broadcast %add3A_2155 : f32 to vector<16xf32>
          %add3A_2157 = arith.addf %add3A_2140, %add3A_2156 : vector<16xf32>
          %mul3A_2158 = arith.constant 5.000000e-01 : f32
          %mul3A_2159 = vector.broadcast %mul3A_2158 : f32 to vector<16xf32>
          %mul3A_2160 = arith.mulf %add3A_2157, %mul3A_2159 : vector<16xf32>
          %mul3A_2161 = arith.constant 9.600000e+01 : f32
          %mul3A_2162 = vector.broadcast %mul3A_2161 : f32 to vector<16xf32>
          %mul3A_2163 = arith.mulf %mul3A_2160, %mul3A_2162 : vector<16xf32>
          %add3A_2164 = arith.constant 1.000000e+00 : f32
          %add3A_2165 = vector.broadcast %add3A_2164 : f32 to vector<16xf32>
          %add3A_2166 = arith.addf %add3A_2147, %add3A_2165 : vector<16xf32>
          %mul3A_2167 = arith.constant 5.000000e-01 : f32
          %mul3A_2168 = vector.broadcast %mul3A_2167 : f32 to vector<16xf32>
          %mul3A_2169 = arith.mulf %add3A_2166, %mul3A_2168 : vector<16xf32>
          %mul3A_2170 = arith.constant 9.600000e+01 : f32
          %mul3A_2171 = vector.broadcast %mul3A_2170 : f32 to vector<16xf32>
          %mul3A_2172 = arith.mulf %mul3A_2169, %mul3A_2171 : vector<16xf32>
          %add3A_2173 = arith.constant 1.000000e+00 : f32
          %add3A_2174 = vector.broadcast %add3A_2173 : f32 to vector<16xf32>
          %add3A_2175 = arith.addf %add3A_2154, %add3A_2174 : vector<16xf32>
          %mul3A_2176 = arith.constant 5.000000e-01 : f32
          %mul3A_2177 = vector.broadcast %mul3A_2176 : f32 to vector<16xf32>
          %mul3A_2178 = arith.mulf %add3A_2175, %mul3A_2177 : vector<16xf32>
          %mul3A_2179 = arith.constant 9.600000e+01 : f32
          %mul3A_2180 = vector.broadcast %mul3A_2179 : f32 to vector<16xf32>
          %mul3A_2181 = arith.mulf %mul3A_2178, %mul3A_2180 : vector<16xf32>
          %convert_element_type3A_2182 = arith.fptosi %mul3A_2163 : vector<16xf32> to vector<16xi32>
          %convert_element_type3A_2183 = arith.fptosi %mul3A_2172 : vector<16xf32> to vector<16xi32>
          %convert_element_type3A_2184 = arith.fptosi %mul3A_2181 : vector<16xf32> to vector<16xi32>
          %convert_element_type3A_2185 = arith.sitofp %convert_element_type3A_2182 : vector<16xi32> to vector<16xf32>
          %gt3A_2186 = arith.cmpf ogt, %convert_element_type3A_2185, %mul3A_2163 : vector<16xf32>
          %convert_element_type3A_2187 = arith.extui %gt3A_2186 : vector<16xi1> to vector<16xi32>
          %sub3A_2188 = arith.subi %convert_element_type3A_2182, %convert_element_type3A_2187 : vector<16xi32>
          %convert_element_type3A_2189 = arith.sitofp %convert_element_type3A_2183 : vector<16xi32> to vector<16xf32>
          %gt3A_2190 = arith.cmpf ogt, %convert_element_type3A_2189, %mul3A_2172 : vector<16xf32>
          %convert_element_type3A_2191 = arith.extui %gt3A_2190 : vector<16xi1> to vector<16xi32>
          %sub3A_2192 = arith.subi %convert_element_type3A_2183, %convert_element_type3A_2191 : vector<16xi32>
          %convert_element_type3A_2193 = arith.sitofp %convert_element_type3A_2184 : vector<16xi32> to vector<16xf32>
          %gt3A_2194 = arith.cmpf ogt, %convert_element_type3A_2193, %mul3A_2181 : vector<16xf32>
          %convert_element_type3A_2195 = arith.extui %gt3A_2194 : vector<16xi1> to vector<16xi32>
          %sub3A_2196 = arith.subi %convert_element_type3A_2184, %convert_element_type3A_2195 : vector<16xi32>
          %max3A_2197 = arith.constant 0 : i32
          %max3A_2198 = vector.broadcast %max3A_2197 : i32 to vector<16xi32>
          %max3A_2199 = arith.maxsi %sub3A_2188, %max3A_2198 : vector<16xi32>
          %min3A_2200 = arith.constant 95 : i32
          %min3A_2201 = vector.broadcast %min3A_2200 : i32 to vector<16xi32>
          %min3A_2202 = arith.minsi %max3A_2199, %min3A_2201 : vector<16xi32>
          %add3A_2203 = arith.constant 1 : i32
          %add3A_2204 = vector.broadcast %add3A_2203 : i32 to vector<16xi32>
          %add3A_2205 = arith.addi %sub3A_2188, %add3A_2204 : vector<16xi32>
          %max3A_2206 = arith.constant 0 : i32
          %max3A_2207 = vector.broadcast %max3A_2206 : i32 to vector<16xi32>
          %max3A_2208 = arith.maxsi %add3A_2205, %max3A_2207 : vector<16xi32>
          %min3A_2209 = arith.constant 95 : i32
          %min3A_2210 = vector.broadcast %min3A_2209 : i32 to vector<16xi32>
          %min3A_2211 = arith.minsi %max3A_2208, %min3A_2210 : vector<16xi32>
          %max3A_2212 = arith.constant 0 : i32
          %max3A_2213 = vector.broadcast %max3A_2212 : i32 to vector<16xi32>
          %max3A_2214 = arith.maxsi %sub3A_2192, %max3A_2213 : vector<16xi32>
          %min3A_2215 = arith.constant 95 : i32
          %min3A_2216 = vector.broadcast %min3A_2215 : i32 to vector<16xi32>
          %min3A_2217 = arith.minsi %max3A_2214, %min3A_2216 : vector<16xi32>
          %add3A_2218 = arith.constant 1 : i32
          %add3A_2219 = vector.broadcast %add3A_2218 : i32 to vector<16xi32>
          %add3A_2220 = arith.addi %sub3A_2192, %add3A_2219 : vector<16xi32>
          %max3A_2221 = arith.constant 0 : i32
          %max3A_2222 = vector.broadcast %max3A_2221 : i32 to vector<16xi32>
          %max3A_2223 = arith.maxsi %add3A_2220, %max3A_2222 : vector<16xi32>
          %min3A_2224 = arith.constant 95 : i32
          %min3A_2225 = vector.broadcast %min3A_2224 : i32 to vector<16xi32>
          %min3A_2226 = arith.minsi %max3A_2223, %min3A_2225 : vector<16xi32>
          %max3A_2227 = arith.constant 0 : i32
          %max3A_2228 = vector.broadcast %max3A_2227 : i32 to vector<16xi32>
          %max3A_2229 = arith.maxsi %sub3A_2196, %max3A_2228 : vector<16xi32>
          %min3A_2230 = arith.constant 95 : i32
          %min3A_2231 = vector.broadcast %min3A_2230 : i32 to vector<16xi32>
          %min3A_2232 = arith.minsi %max3A_2229, %min3A_2231 : vector<16xi32>
          %add3A_2233 = arith.constant 1 : i32
          %add3A_2234 = vector.broadcast %add3A_2233 : i32 to vector<16xi32>
          %add3A_2235 = arith.addi %sub3A_2196, %add3A_2234 : vector<16xi32>
          %max3A_2236 = arith.constant 0 : i32
          %max3A_2237 = vector.broadcast %max3A_2236 : i32 to vector<16xi32>
          %max3A_2238 = arith.maxsi %add3A_2235, %max3A_2237 : vector<16xi32>
          %min3A_2239 = arith.constant 95 : i32
          %min3A_2240 = vector.broadcast %min3A_2239 : i32 to vector<16xi32>
          %min3A_2241 = arith.minsi %max3A_2238, %min3A_2240 : vector<16xi32>
          %convert_element_type3A_2242 = arith.sitofp %min3A_2202 : vector<16xi32> to vector<16xf32>
          %sub3A_2243 = arith.subf %mul3A_2163, %convert_element_type3A_2242 : vector<16xf32>
          %convert_element_type3A_2244 = arith.sitofp %min3A_2211 : vector<16xi32> to vector<16xf32>
          %sub3A_2245 = arith.subf %convert_element_type3A_2244, %mul3A_2163 : vector<16xf32>
          %convert_element_type3A_2246 = arith.sitofp %min3A_2217 : vector<16xi32> to vector<16xf32>
          %sub3A_2247 = arith.subf %mul3A_2172, %convert_element_type3A_2246 : vector<16xf32>
          %convert_element_type3A_2248 = arith.sitofp %min3A_2226 : vector<16xi32> to vector<16xf32>
          %sub3A_2249 = arith.subf %convert_element_type3A_2248, %mul3A_2172 : vector<16xf32>
          %sub3A_2250 = arith.subi %min3A_2241, %min3A_2232 : vector<16xi32>
          %convert_element_type3A_2251 = arith.sitofp %sub3A_2250 : vector<16xi32> to vector<16xf32>
          %convert_element_type3A_2252 = arith.sitofp %min3A_2241 : vector<16xi32> to vector<16xf32>
          %sub3A_2253 = arith.subf %convert_element_type3A_2252, %mul3A_2181 : vector<16xf32>
          %mul3A_2254 = arith.mulf %sub3A_2249, %sub3A_2253 : vector<16xf32>
          %mul3A_2255 = arith.mulf %sub3A_2247, %sub3A_2253 : vector<16xf32>
          %mul3A_2256 = arith.mulf %sub3A_2249, %convert_element_type3A_2251 : vector<16xf32>
          %mul3A_2257 = arith.mulf %sub3A_2247, %convert_element_type3A_2251 : vector<16xf32>
          %sub3A_2258 = arith.subi %min3A_2232, %broadcast_in_dim3A_691 : vector<16xi32>
          %mul3A_2259 = arith.constant 20 : i32
          %mul3A_2260 = vector.broadcast %mul3A_2259 : i32 to vector<16xi32>
          %mul3A_2261 = arith.muli %sub3A_2258, %mul3A_2260 : vector<16xi32>
          %sub3A_2262 = arith.subi %min3A_2241, %broadcast_in_dim3A_691 : vector<16xi32>
          %mul3A_2263 = arith.constant 20 : i32
          %mul3A_2264 = vector.broadcast %mul3A_2263 : i32 to vector<16xi32>
          %mul3A_2265 = arith.muli %sub3A_2262, %mul3A_2264 : vector<16xi32>
          %sub3A_2266 = arith.subi %min3A_2217, %broadcast_in_dim3A_692 : vector<16xi32>
          %sub3A_2267 = arith.subi %min3A_2226, %broadcast_in_dim3A_692 : vector<16xi32>
          %add3A_2268 = arith.addi %mul3A_2261, %sub3A_2266 : vector<16xi32>
          %add3A_2269 = arith.addi %mul3A_2261, %sub3A_2267 : vector<16xi32>
          %add3A_2270 = arith.addi %mul3A_2265, %sub3A_2266 : vector<16xi32>
          %add3A_2271 = arith.addi %mul3A_2265, %sub3A_2267 : vector<16xi32>
          %mul3A_2272 = arith.mulf %sub3A_2245, %mul3A_2254 : vector<16xf32>
          %mul3A_2273 = arith.mulf %sub3A_2245, %mul3A_2255 : vector<16xf32>
          %mul3A_2274 = arith.mulf %sub3A_2243, %mul3A_2254 : vector<16xf32>
          %mul3A_2275 = arith.mulf %sub3A_2243, %mul3A_2255 : vector<16xf32>
          %mul3A_2276 = arith.mulf %sub3A_2245, %mul3A_2256 : vector<16xf32>
          %mul3A_2277 = arith.mulf %sub3A_2245, %mul3A_2257 : vector<16xf32>
          %mul3A_2278 = arith.mulf %sub3A_2243, %mul3A_2256 : vector<16xf32>
          %mul3A_2279 = arith.mulf %sub3A_2243, %mul3A_2257 : vector<16xf32>
          %gather3A_2280 = tpu.vector_load_idx %arg11[%add3A_2268, %broadcast_in_dim3A_1, %min3A_2202] : memref<560x2x96xf32, #tpu.memory_space<vmem>>[vector<16xi32>, vector<16xi32>, vector<16xi32>], vector<16xf32>,
          %mul3A_2281 = arith.mulf %mul3A_2272, %gather3A_2280 : vector<16xf32>
          %gather3A_2282 = tpu.vector_load_idx %arg11[%add3A_2269, %broadcast_in_dim3A_1, %min3A_2202] : memref<560x2x96xf32, #tpu.memory_space<vmem>>[vector<16xi32>, vector<16xi32>, vector<16xi32>], vector<16xf32>,
          %mul3A_2283 = arith.mulf %mul3A_2273, %gather3A_2282 : vector<16xf32>
          %add3A_2284 = arith.addf %mul3A_2281, %mul3A_2283 : vector<16xf32>
          %gather3A_2285 = tpu.vector_load_idx %arg11[%add3A_2268, %broadcast_in_dim3A_1, %min3A_2211] : memref<560x2x96xf32, #tpu.memory_space<vmem>>[vector<16xi32>, vector<16xi32>, vector<16xi32>], vector<16xf32>,
          %mul3A_2286 = arith.mulf %mul3A_2274, %gather3A_2285 : vector<16xf32>
          %add3A_2287 = arith.addf %add3A_2284, %mul3A_2286 : vector<16xf32>
          %gather3A_2288 = tpu.vector_load_idx %arg11[%add3A_2269, %broadcast_in_dim3A_1, %min3A_2211] : memref<560x2x96xf32, #tpu.memory_space<vmem>>[vector<16xi32>, vector<16xi32>, vector<16xi32>], vector<16xf32>,
          %mul3A_2289 = arith.mulf %mul3A_2275, %gather3A_2288 : vector<16xf32>
          %add3A_2290 = arith.addf %add3A_2287, %mul3A_2289 : vector<16xf32>
          %gather3A_2291 = tpu.vector_load_idx %arg11[%add3A_2270, %broadcast_in_dim3A_1, %min3A_2202] : memref<560x2x96xf32, #tpu.memory_space<vmem>>[vector<16xi32>, vector<16xi32>, vector<16xi32>], vector<16xf32>,
          %mul3A_2292 = arith.mulf %mul3A_2276, %gather3A_2291 : vector<16xf32>
          %add3A_2293 = arith.addf %add3A_2290, %mul3A_2292 : vector<16xf32>
          %gather3A_2294 = tpu.vector_load_idx %arg11[%add3A_2271, %broadcast_in_dim3A_1, %min3A_2202] : memref<560x2x96xf32, #tpu.memory_space<vmem>>[vector<16xi32>, vector<16xi32>, vector<16xi32>], vector<16xf32>,
          %mul3A_2295 = arith.mulf %mul3A_2277, %gather3A_2294 : vector<16xf32>
          %add3A_2296 = arith.addf %add3A_2293, %mul3A_2295 : vector<16xf32>
          %gather3A_2297 = tpu.vector_load_idx %arg11[%add3A_2270, %broadcast_in_dim3A_1, %min3A_2211] : memref<560x2x96xf32, #tpu.memory_space<vmem>>[vector<16xi32>, vector<16xi32>, vector<16xi32>], vector<16xf32>,
          %mul3A_2298 = arith.mulf %mul3A_2278, %gather3A_2297 : vector<16xf32>
          %add3A_2299 = arith.addf %add3A_2296, %mul3A_2298 : vector<16xf32>
          %gather3A_2300 = tpu.vector_load_idx %arg11[%add3A_2271, %broadcast_in_dim3A_1, %min3A_2211] : memref<560x2x96xf32, #tpu.memory_space<vmem>>[vector<16xi32>, vector<16xi32>, vector<16xi32>], vector<16xf32>,
          %mul3A_2301 = arith.mulf %mul3A_2279, %gather3A_2300 : vector<16xf32>
          %add3A_2302 = arith.addf %add3A_2299, %mul3A_2301 : vector<16xf32>
          %gather3A_2303 = tpu.vector_load_idx %arg11[%add3A_2268, %broadcast_in_dim3A_3, %min3A_2202] : memref<560x2x96xf32, #tpu.memory_space<vmem>>[vector<16xi32>, vector<16xi32>, vector<16xi32>], vector<16xf32>,
          %mul3A_2304 = arith.mulf %mul3A_2272, %gather3A_2303 : vector<16xf32>
          %gather3A_2305 = tpu.vector_load_idx %arg11[%add3A_2269, %broadcast_in_dim3A_3, %min3A_2202] : memref<560x2x96xf32, #tpu.memory_space<vmem>>[vector<16xi32>, vector<16xi32>, vector<16xi32>], vector<16xf32>,
          %mul3A_2306 = arith.mulf %mul3A_2273, %gather3A_2305 : vector<16xf32>
          %add3A_2307 = arith.addf %mul3A_2304, %mul3A_2306 : vector<16xf32>
          %gather3A_2308 = tpu.vector_load_idx %arg11[%add3A_2268, %broadcast_in_dim3A_3, %min3A_2211] : memref<560x2x96xf32, #tpu.memory_space<vmem>>[vector<16xi32>, vector<16xi32>, vector<16xi32>], vector<16xf32>,
          %mul3A_2309 = arith.mulf %mul3A_2274, %gather3A_2308 : vector<16xf32>
          %add3A_2310 = arith.addf %add3A_2307, %mul3A_2309 : vector<16xf32>
          %gather3A_2311 = tpu.vector_load_idx %arg11[%add3A_2269, %broadcast_in_dim3A_3, %min3A_2211] : memref<560x2x96xf32, #tpu.memory_space<vmem>>[vector<16xi32>, vector<16xi32>, vector<16xi32>], vector<16xf32>,
          %mul3A_2312 = arith.mulf %mul3A_2275, %gather3A_2311 : vector<16xf32>
          %add3A_2313 = arith.addf %add3A_2310, %mul3A_2312 : vector<16xf32>
          %gather3A_2314 = tpu.vector_load_idx %arg11[%add3A_2270, %broadcast_in_dim3A_3, %min3A_2202] : memref<560x2x96xf32, #tpu.memory_space<vmem>>[vector<16xi32>, vector<16xi32>, vector<16xi32>], vector<16xf32>,
          %mul3A_2315 = arith.mulf %mul3A_2276, %gather3A_2314 : vector<16xf32>
          %add3A_2316 = arith.addf %add3A_2313, %mul3A_2315 : vector<16xf32>
          %gather3A_2317 = tpu.vector_load_idx %arg11[%add3A_2271, %broadcast_in_dim3A_3, %min3A_2202] : memref<560x2x96xf32, #tpu.memory_space<vmem>>[vector<16xi32>, vector<16xi32>, vector<16xi32>], vector<16xf32>,
          %mul3A_2318 = arith.mulf %mul3A_2277, %gather3A_2317 : vector<16xf32>
          %add3A_2319 = arith.addf %add3A_2316, %mul3A_2318 : vector<16xf32>
          %gather3A_2320 = tpu.vector_load_idx %arg11[%add3A_2270, %broadcast_in_dim3A_3, %min3A_2211] : memref<560x2x96xf32, #tpu.memory_space<vmem>>[vector<16xi32>, vector<16xi32>, vector<16xi32>], vector<16xf32>,
          %mul3A_2321 = arith.mulf %mul3A_2278, %gather3A_2320 : vector<16xf32>
          %add3A_2322 = arith.addf %add3A_2319, %mul3A_2321 : vector<16xf32>
          %gather3A_2323 = tpu.vector_load_idx %arg11[%add3A_2271, %broadcast_in_dim3A_3, %min3A_2211] : memref<560x2x96xf32, #tpu.memory_space<vmem>>[vector<16xi32>, vector<16xi32>, vector<16xi32>], vector<16xf32>,
          %mul3A_2324 = arith.mulf %mul3A_2279, %gather3A_2323 : vector<16xf32>
          %add3A_2325 = arith.addf %add3A_2322, %mul3A_2324 : vector<16xf32>
          tpu.vector_store_idx %arg12[%add3A_21, %broadcast_in_dim3A_1, %broadcast_in_dim3A_1179], %add3A_2302 : memref<96x2x16xf32, #tpu.memory_space<vmem>>[vector<16xi32>, vector<16xi32>, vector<16xi32>], vector<16xf32>,
          tpu.vector_store_idx %arg12[%add3A_21, %broadcast_in_dim3A_3, %broadcast_in_dim3A_1179], %add3A_2325 : memref<96x2x16xf32, #tpu.memory_space<vmem>>[vector<16xi32>, vector<16xi32>, vector<16xi32>], vector<16xf32>,
        }
        %scan3A_1163 = arith.constant 16 : i32
        %add3A_1164 = arith.addi %squeeze3A_39, %scan3A_1146 : i32
        %mul3A_1165 = arith.constant 96 : i32
        %mul3A_1166 = arith.muli %add3A_1164, %mul3A_1165 : i32
        "tpu.region"() ({
          %run_scoped3A = tpu.sem_alloc : memref<!tpu.dma_semaphore, #tpu.memory_space<semaphore_mem>>
          %dma_start3A_1167 = arith.constant 0 : i32
          %dma_start3A_1168 = tpu.memref_slice %arg6[%mul3A_1166, %dma_start3A_1167, %multiple_of3A] : memref<36864x2x96xf32, #tpu.memory_space<hbm>> -> memref<96x2x16xf32, #tpu.memory_space<hbm>>
          %dma_start3A_1169 = arith.constant 0 : i32
          %dma_start3A_1170 = tpu.memref_slice %arg6[%mul3A_1166, %dma_start3A_1169, %multiple_of3A] : memref<36864x2x96xf32, #tpu.memory_space<hbm>> -> memref<96x2x16xf32, #tpu.memory_space<hbm>>
          tpu.enqueue_dma source(%arg12 : memref<96x2x16xf32, #tpu.memory_space<vmem>>) target(%dma_start3A_1170 : memref<96x2x16xf32, #tpu.memory_space<hbm>>) target_semaphore(%run_scoped3A : memref<!tpu.dma_semaphore, #tpu.memory_space<semaphore_mem>>)
          %dma_wait3A_1171 = arith.constant 0 : i32
          %dma_wait3A_1172 = tpu.memref_slice %arg6[%mul3A_1166, %dma_wait3A_1171, %multiple_of3A] : memref<36864x2x96xf32, #tpu.memory_space<hbm>> -> memref<96x2x16xf32, #tpu.memory_space<hbm>>
          %dma_wait3A_1173 = arith.constant 0 : i32
          %dma_wait3A_1174 = tpu.memref_slice %arg6[%mul3A_1166, %dma_wait3A_1173, %multiple_of3A] : memref<36864x2x96xf32, #tpu.memory_space<hbm>> -> memref<96x2x16xf32, #tpu.memory_space<hbm>>
          tpu.wait_dma2 semaphore(%run_scoped3A : memref<!tpu.dma_semaphore, #tpu.memory_space<semaphore_mem>>) src(%arg12 : memref<96x2x16xf32, #tpu.memory_space<vmem>>) dst(%dma_wait3A_1174 : memref<96x2x16xf32, #tpu.memory_space<hbm>>)
          tpu.yield
        }) : () -> ()
      }
      %scan3A_1145 = arith.constant 8 : i32
    }
    %scan3A_26 = arith.constant 9 : i32
    return
  }
}

</mosaic_0001>

<sc_bundles>
// kernel: kernel.3.cloned.1.call-start
scs
__scs_entry_jumppad:
0x0: {  	(pc) =	sbr.rel $0x88, $3  }
0x1: {  	(tag) =	ssettag $0x0;
	lr =	simm.s32 $0x1  }
0x2: {  	[smem:$0x3F9F] =	sst lr;
	_ =	strace $0xD0000000  }
0x3: {  	_ = 	snop  }
0x4: {  	_ = 	snop  }
0x5: {  	_ = 	snop  }
0x6: {  	_ = 	snop  }
0x7: {  	_ = 	snop  }
__scs_overlays_trampoline_lowered:
0x8: {  	[smem:$0x3FAE] =	sst s0  }
0x9: {  	[smem:$0x3FAF] =	sst s1  }
0xa: {  	[smem:$0x3FB0] =	sst s2  }
0xb: {  	[smem:$0x3FB1] =	sst s3  }
0xc: {  	[smem:$0x3FB2] =	sst s4  }
0xd: {  	[smem:$0x3FB3] =	sst s5  }
0xe: {  	[smem:$0x3FB4] =	sst s6  }
0xf: {  	[smem:$0x3FB5] =	sst s7  }
0x10: {  	[smem:$0x3FB6] =	sst s8  }
0x11: {  	[smem:$0x3FB7] =	sst s9;
	s0 =	simm.s32 @!p0 $0x0  }
0x12: {  	s1 =	sld [smem:$0x3F9D];
	s0 =	simm.s32 @p0 $0x1  }
0x13: {  	[smem:$0x3FB8] =	sst s0;
	s0 =	simm.s32 @!p1 $0x0  }
0x14: {  	s2 =	sld [smem:$0x3F9C];
	s0 =	simm.s32 @p1 $0x1  }
0x15: {  	[smem:$0x3FB9] =	sst s0;
	s0 =	simm.s32 @!p2 $0x0  }
0x16: {  	s3 =	sld [smem:$0x3FDB];
	s0 =	simm.s32 @p2 $0x1  }
0x17: {  	s4 =	simm.s32 $0x1BF5;
	[smem:$0x3FBB] =	sst s0  }
0x18: {  	s0 =	sld [smem:$0x3F9E];
	_ =	swait.ge [sflag:s4], $0x0  }
0x19: {  	s7 =	sld [smem:$0x3F9F]  }
0x1a: {  	s8 =	sadd.s32 $0xFFFFE003, lr  }
0x1b: {  	s9 =	sadd.s32 $0xFFFFFEF7, lr;
	s5 =	simm.s32 $0xFFFFFFFF;
	p2 =	slt.u32 s8, $0xFFFFF086  }
0x1c: {  	p1 =	slt.u32 s9, $0xF7A;
	s5 =	simm.s32 @!p2 $0x0  }
0x1d: {  	s5 =	simm.s32 @p1 $0x1;
	p0 =	seq.s32 s7, s2  }
0x1e: {  	s7 =	smul.u32 @!p0 $0xF7A, s2;
	p2 =	seq.s32 @!p0 s5, $0x0  }
0x1f: {  	s9 =	smul.u32 $0xF7A, s1;
	s8 =	simm.s32 @!p0 $0x1BF5;
	p2 =	por !p2, p0  }
0x20: {  	[sflag:s8] =	ssyncset.s32 @!p0 $0xFFFFF086;
	s6 =	sadd.s32 @!p0 s3, s7;
	s7 =	simm.s32 @!p0 $0x108  }
0x21: {  	s3 =	sadd.s32 s3, s9;
	s6 =	sadd.s32 @!p0 $0x88, s6;
	s7 =	simm.s32 @p2 $0x1082  }
0x22: {  	[simem:s7], [sflag:s8] =	dma.local @!p0 [hbm:s6], $0xF7A  }
0x23: {  	s9 =	sor.u32 $0xD0000000, s2;
	s6 =	simm.s32 $0x108;
	_ =	swait.ge @!p0 [sflag:s8], $0x0  }
0x24: {  	s3 =	sadd.s32 $0x88, s3;
	s6 =	simm.s32 @!p1 $0x1082;
	[sflag:s4] =	ssyncset.s32 $0xFFFFF086  }
0x25: {  	[simem:s6], [sflag:s4] =	dma.local [hbm:s3], $0xF7A  }
0x26: {  	[smem:$0x3F9F] =	sst s1;
	(tag) =	ssettag s2;
	_ =	strace s9  }
0x27: {  	s1 =	sld [smem:$0x3FAF]  }
0x28: {  	s2 =	sld [smem:$0x3FB0]  }
0x29: {  	s4 =	sld [smem:$0x3FB2]  }
0x2a: {  	p0 =	seq.s32 s5, $0x0;
	s5 =	sld [smem:$0x3FB3]  }
0x2b: {  	s6 =	sld [smem:$0x3FB4]  }
0x2c: {  	s7 =	sld [smem:$0x3FB5]  }
0x2d: {  	s3 =	simm.s32 $0x108;
	s8 =	sld [smem:$0x3FB6]  }
0x2e: {  	s3 =	simm.s32 @!p0 $0x1082;
	s9 =	sld [smem:$0x3FB7]  }
0x2f: {  	lr =	sadd.s32 s0, s3;
	s0 =	sld [smem:$0x3FAE]  }
0x30: {  	s3 =	sld [smem:$0x3FB1]  }
0x31: {  	[smem:$0x3FBA] =	sst s10  }
0x32: {  	s10 =	sld [smem:$0x3FB8];
	_ =	sdelay $0x3  }
0x33: {  	p0 =	seq.s32 s10, $0x1;
	s10 =	sld [smem:$0x3FBA];
	_ =	sdelay $0x3  }
0x34: {  	[smem:$0x3FBA] =	sst s10  }
0x35: {  	s10 =	sld [smem:$0x3FB9];
	_ =	sdelay $0x3  }
0x36: {  	p1 =	seq.s32 s10, $0x1;
	s10 =	sld [smem:$0x3FBA];
	_ =	sdelay $0x3  }
0x37: {  	[smem:$0x3FBA] =	sst s10  }
0x38: {  	s10 =	sld [smem:$0x3FBB]  }
0x39: {  	_ = 	snop;
	(pc) =	sbr.ind lr, $3  }
0x3a: {  	_ = 	snop  }
0x3b: {  	_ = 	snop  }
0x3c: {  	p2 =	seq.s32 s10, $0x1;
	s10 =	sld [smem:$0x3FBA]  }
0x3d: {  	_ =	shalt  }
0x3e: {  	_ =	shalt  }
0x3f: {  	_ =	shalt  }
0x40: {  	_ =	shalt  }
0x41: {  	_ =	shalt  }
0x42: {  	_ =	shalt  }
0x43: {  	_ =	shalt  }
0x44: {  	_ =	shalt  }
0x45: {  	_ =	shalt  }
0x46: {  	_ =	shalt  }
0x47: {  	_ =	shalt  }
0x48: {  	_ =	shalt  }
0x49: {  	_ =	shalt  }
0x4a: {  	_ =	shalt  }
0x4b: {  	_ =	shalt  }
0x4c: {  	_ =	shalt  }
0x4d: {  	_ =	shalt  }
0x4e: {  	_ =	shalt  }
0x4f: {  	_ =	shalt  }
0x50: {  	_ =	shalt  }
0x51: {  	_ =	shalt  }
0x52: {  	_ =	shalt  }
0x53: {  	_ =	shalt  }
0x54: {  	_ =	shalt  }
0x55: {  	_ =	shalt  }
0x56: {  	_ =	shalt  }
0x57: {  	_ =	shalt  }
0x58: {  	_ =	shalt  }
0x59: {  	_ =	shalt  }
0x5a: {  	_ =	shalt  }
0x5b: {  	_ =	shalt  }
0x5c: {  	_ =	shalt  }
0x5d: {  	_ =	shalt  }
0x5e: {  	_ =	shalt  }
0x5f: {  	_ =	shalt  }
0x60: {  	_ =	shalt  }
0x61: {  	_ =	shalt  }
0x62: {  	_ =	shalt  }
0x63: {  	_ =	shalt  }
0x64: {  	_ =	shalt  }
0x65: {  	_ =	shalt  }
0x66: {  	_ =	shalt  }
0x67: {  	_ =	shalt  }
0x68: {  	_ =	shalt  }
0x69: {  	_ =	shalt  }
0x6a: {  	_ =	shalt  }
0x6b: {  	_ =	shalt  }
0x6c: {  	_ =	shalt  }
0x6d: {  	_ =	shalt  }
0x6e: {  	_ =	shalt  }
0x6f: {  	_ =	shalt  }
0x70: {  	_ =	shalt  }
0x71: {  	_ =	shalt  }
0x72: {  	_ =	shalt  }
0x73: {  	_ =	shalt  }
0x74: {  	_ =	shalt  }
0x75: {  	_ =	shalt  }
0x76: {  	_ =	shalt  }
0x77: {  	_ =	shalt  }
0x78: {  	_ =	shalt  }
0x79: {  	_ =	shalt  }
0x7a: {  	_ =	shalt  }
0x7b: {  	_ =	shalt  }
0x7c: {  	_ =	shalt  }
0x7d: {  	_ =	shalt  }
0x7e: {  	_ =	shalt  }
0x7f: {  	_ =	shalt  }
0x80: {  	_ =	shalt  }
0x81: {  	_ =	shalt  }
0x82: {  	_ =	shalt  }
0x83: {  	_ =	shalt  }
0x84: {  	_ =	shalt  }
0x85: {  	_ =	shalt  }
0x86: {  	_ =	shalt  }
0x87: {  	_ =	shalt  }
.Lfunc_end0:
.L_simem_size_0:
called_computation_lowered:
.L_overlay_start_0:
0x88: {  	s2 =	sld [smem:$0x3FD9]  }
0x89: {  	s3 =	sld [smem:$0x3FFE];
	_ =	sdelay $0x1  }
0x8a: {  	s1 =	srdreg.scid  }
0x8b: {  	s0 =	sand.u32 $0x1, s1  }
0x8c: {  	s17 =	sshll.u32 s0, $0xA;
	s2 =	sadd.s32 s3, s2  }
0x8d: {  	s2 =	sadd.s32 s2, s17  }
0x8e: {  	[smem:$0x3FC6] =	sst s2  }
0x8f: {  	_ = 	snop  }
0x90: {  	s2 =	sld [smem:$0x3FD0];
	(tm) =	ssettm $0x1  }
0x91: {  	s18 =	sld [smem:$0x3FFB];
	_ =	sdelay $0x3  }
0x92: {  	_ =	strace s18  }
0x93: {  	s3 =	sld [smem:$0x3FFC];
	_ =	sdelay $0x3  }
0x94: {  	_ =	strace s3  }
0x95: {  	s3 =	sld [smem:$0x3FFD];
	_ =	sdelay $0x3  }
0x96: {  	_ =	strace s3  }
0x97: {  	_ =	strace $0x8FFFFFFF  }
0x98: {  	s19 =	sld [smem:$0x3FDB];
	_ =	sdelay $0x1  }
0x99: {  	s4 =	simm.s32 $_scs_section_size  }
0x9a: {  	s5 =	simm.s32 $_size__tile_overlayer_lowered;
	s6 =	simm.s32 $_tile_overlayer_lowered  }
0x9b: {  	s22 =	simm.s32 $0x1BFF;
	s21 =	sshll.u32 s6, $0x1;
	s3 =	sadd.s32 s4, s19  }
0x9c: {  	s7 =	simm.s32 $0x0;
	s20 =	sshll.u32 s5, $0x1;
	s5 =	sadd.s32 s21, s3  }
0x9d: {  	[timem:s7], [sflag:s22] =	dma.local [hbm:s5], s20  }
0x9e: {  	_ =	swait.ge [sflag:s22], s20  }
0x9f: {  	s4 =	ssub.s32 $0x0, s20;
	[sflag:s22] =	ssyncset.done $0x0  }
0xa0: {  	[sflag:s22] =	ssyncadd.s32 s4;
	_ =	sdelay $0x1  }
0xa1: {  	s23 =	simm.s32 $0x1B8B  }
0xa2: {  	_ =	swait.ge [sflag:s23], $0x1  }
0xa3: {  	[sflag:s23] =	ssyncset.done $0x0  }
0xa4: {  	s25 =	simm.s32 $0x1B8E;
	s24 =	sld [smem:$0x3FFE];
	[sflag:s23] =	ssyncadd.s32 $0xFFFFFFFF  }
0xa5: {  	s26 =	simm.s32 $execute0_lowered;
	[smem:$0x3FD2] =	sst s25  }
0xa6: {  	s5 =	sshll.u32 s26, $0x1;
	_ =	strace $0x80000046;
	[dreg:$0x1] =	wrdreg $0xFFFFFFFF  }
0xa7: {  	s28 =	simm.s32 $_size_execute0_lowered;
	s3 =	sadd.s32 s3, s5;
	[dreg:$0x0] =	wrdreg $0x0  }
0xa8: {  	s5 =	sshll.u32 s28, $0x1;
	[dreg:$0x2] =	wrdreg s3  }
0xa9: {  	[dreg:$0x3] =	wrdreg s5  }
0xaa: {  	[dreg:$0x4] =	wrdreg $0xC0  }
0xab: {  	_ =	task [dreg:s7], $0x5FFFF  }
0xac: {  	[dreg:$0x1] =	wrdreg $0xFFFFFFFF  }
0xad: {  	[dreg:$0x0] =	wrdreg $0x60  }
0xae: {  	[dreg:$0x2] =	wrdreg s2  }
0xaf: {  	[dreg:$0x3] =	wrdreg s24  }
0xb0: {  	[dreg:$0x4] =	wrdreg $0x9  }
0xb1: {  	_ =	task.clear_ibuf [dreg:s7], $0x5FFFF;
	_ =	strace $0x90000046  }
0xb2: {  	s29 =	simm.s32 $0x9;
	_ =	strace $0x80000048  }
0xb3: {  	_ =	swait.ge [sflag:s29], $0x1  }
0xb4: {  	[sflag:s29] =	ssyncadd.s32 $0xFFFFFFFF  }
0xb5: {  	_ =	strace $0x90000048  }
0xb6: {  	_ =	sfence  }
0xb7: {  	s30 =	sld [smem:$0x0];
	_ =	sdelay $0x2  }
0xb8: {  	s31 =	sshll.u32 s1, $0xD;
	s1 =	sshrl.u32 s1, $0x2  }
0xb9: {  	s3 =	sand.u32 $0x4000, s31;
	s1 =	sadd.s32 s1, s30  }
0xba: {  	s0 =	sor.u32 s3, s0;
	s1 =	sshll.u32 s1, $0x11  }
0xbb: {  	s0 =	sor.u32 s1, s0  }
0xbc: {  	s0 =	sadd.s32 $0x8F2B, s0  }
0xbd: {  	[sflag:s0] =	ssyncadd.remote.s32 $0x1  }
0xbe: {  	_ =	sfence.sel $0xFFFF  }
0xbf: {  	[dreg:$0x0] =	wrdreg $0xFFFFFFFF;
	(pc) =	sbr.abs _section_cstart, $3  }
0xc0: {  	[dreg:$0x1] =	wrdreg $0xFFFFFFFF  }
0xc1: {  	_ =	task.clear_ibuf [dreg:s7], $0x2FFFF;
	_ =	strace $0x9FFFFFFF  }
0xc2: {  	(tm) =	ssettm $0x7FFFFFFF  }
0xc3: {  	_ =	shalt  }
tec
execute0_lowered:
.L_overlay_start_1:
0x0: {  	(tag) =	ssettag $0x1  }
0x1: {  	s2 =	rddreg [dreg:$0x0]  }
0x2: {  	s0 =	srdreg.scid;
	s3 =	stileid.u32  }
0x3: {  	s1 =	rddreg [dreg:$0x1];
	s4 =	simm.s32 $0x0;
	s9 =	simm.s32 $0x2  }
0x4: {  	s12 =	simm.s32 $0x230;
	s7 =	simm.s32 $0x16A30;
	s8 =	simm.s32 $0x17930  }
0x5: {  	s11 =	simm.s32 $0x18830;
	s13 =	simm.s32 $0x19730;
	s14 =	simm.s32 $0x1  }
0x6: {  	s15 =	simm.s32 $0x1A630;
	s16 =	simm.s32 $0x10;
	s17 =	simm.s32 $0x60  }
0x7: {  	v0 =	vlaneseq.u32;
	s0 =	sand.u32 $0x1, s0;
	s3 =	sshll.u32 s3, $0x1;
	[smem:$0x7FF] =	sst s4  }
0x8: {  	s4 =	sadd.s32 $0x400, s1;
	v0 =	vmul.u32 $0x20, v0;
	s3 =	sor.u32 s0, s3;
	s0 =	ssub.s32 $0x2, s0  }
0x9: {  	s6 =	sadd.s32 $0xA00, s1;
	s3 =	smul.u32 $0x12, s3;
	s5 =	sshrl.u32 s0, $0x1  }
0xa: {  	v1 =	vimm.s32 $0x0;
	_ =	strace $0x80000047;
	[dreg:$0x3] =	wrdreg s6;
	v2 =	vor.u32 $0x10, v0;
	v3 =	vor.u32 $0x200, v0;
	s0 =	ssub.s32 s0, s5  }
0xb: {  	s6 =	sadd.s32 $0xC00, s1;
	v4 =	vor.u32 $0x210, v0;
	v5 =	vor.u32 $0x400, v0;
	v6 =	vor.u32 $0x410, v0;
	s3 =	sadd.s32 s3, s1;
	s0 =	smax.u32 s0, $0x1  }
0xc: {  	v7 =	vor.u32 $0x600, v0;
	v8 =	vor.u32 $0x610, v0;
	v9 =	vor.u32 $0x800, v0;
	s5 =	simm.s32 $0x15B30;
	s31 =	sadd.s32 $0x600, s3;
	[dreg:$0x5] =	wrdreg s0  }
0xd: {  	v10 =	vor.u32 $0x810, v0;
	v11 =	vor.u32 $0xA00, v0;
	v12 =	vor.u32 $0xA10, v0;
	s1 =	simm.s32 $0x0;
	s3 =	simm.s32 $0x14C30;
	[dreg:$0x4] =	wrdreg s31  }
.LBB2_1:
0xe: {  	[dreg:$0x6] =	wrdreg s1  }
0xf: {  	s0 =	simm.s32 $0x0;
	s30 =	rddreg [dreg:$0x4]  }
0x10: {  	[tilespmem:s0], [sflag:$0x2] =	stream.linear.gather [hbm4b:s30+s0], $0x90, $0x38;
	[tilespmem:$0x1B230] =	vst v63  }
0x11: {  	_ =	swait.ge [sflag:s9], $0x90  }
0x12: {  	[sflag:s9] =	ssyncset.done $0x0  }
0x13: {  	s10 =	simm.s32 $0x1C0;
	s31 =	rddreg [dreg:$0x3];
	[sflag:s9] =	ssyncadd.s32 $0xFFFFFF70  }
0x14: {  	[tilespmem:s10], [sflag:$0x2] =	stream.linear.gather [hbm4b:s31+s0], $0x70, $0x38;
	[tilespmem:$0x1B230] =	vst v63  }
0x15: {  	_ =	swait.ge [sflag:s9], $0x70  }
0x16: {  	[sflag:s9] =	ssyncset.done $0x0  }
0x17: {  	s18 =	simm.s32 $0x0;
	[sflag:s9] =	ssyncadd.s32 $0xFFFFFF90  }
.LBB2_2:
0x18: {  	s0 =	sshll.u32 s18, $0x4  }
0x19: {  	s0 =	sand.u32 $0x3FFFFFF0, s0  }
0x1a: {  	v17 =	vld [tilespmem:s0+$0x0];
	_ =	sdelay $0x4  }
0x1b: {  	(v2sf) =	vpush v17, $0x1  }
0x1c: {  	(v2sf) =	vpush v17, $0x2  }
0x1d: {  	(v2sf) =	vpush v17, $0x3  }
0x1e: {  	(v2sf) =	vpush v17, $0x5  }
0x1f: {  	(v2sf) =	vpush v17, $0x4  }
0x20: {  	(v2sf) =	vpush v17, $0x0;
	_ =	sdelay $0x9  }
0x21: {  	s0 =	spop (v2sf)  }
0x22: {  	s19 =	spop (v2sf)  }
0x23: {  	s1 =	spop (v2sf)  }
0x24: {  	s20 =	spop (v2sf)  }
0x25: {  	s10 =	spop (v2sf)  }
0x26: {  	s1 =	smul.u32 $0x4800, s1;
	s22 =	spop (v2sf)  }
0x27: {  	s21 =	sshll.u32 s22, $0x1;
	s22 =	smul.u32 $0x1B0000, s22  }
0x28: {  	s24 =	simm.s32 $0x90;
	s10 =	smul.u32 $0xC0, s10;
	s21 =	sand.u32 $0x1FFFFFFE, s21  }
0x29: {  	s23 =	sadd.s32 s4, s21;
	s21 =	simm.s32 $0x0;
	s1 =	sadd.s32 s1, s22  }
0x2a: {  	[tilespmem:s24], [sflag:$0x2] =	stream.linear.gather [hbm4b:s23+s21], $0x10, $0x38;
	[tilespmem:$0x1B230] =	vst v63  }
0x2b: {  	s1 =	sadd.s32 s10, s1;
	_ =	swait.ge [sflag:s9], $0x10  }
0x2c: {  	s10 =	sshrl.u32 s1, $0x3;
	[sflag:s9] =	ssyncset.done $0x0  }
0x2d: {  	s25 =	sadd.s32 $0x4800, s1;
	s10 =	sadd.s32 s2, s10;
	[sflag:s9] =	ssyncadd.s32 $0xFFFFFFF0  }
0x2e: {  	[tilespmem:s12], [sflag:$0x1] =	stream.linear.gather [hbm4b:s10+s21], $0xF00, $0x38;
	[tilespmem:$0x1B230] =	vst v63  }
0x2f: {  	s10 =	sshrl.u32 s25, $0x3  }
0x30: {  	s26 =	simm.s32 $0x1130;
	s29 =	sadd.s32 $0x9000, s1;
	s10 =	sadd.s32 s2, s10  }
0x31: {  	[tilespmem:s26], [sflag:$0x1] =	stream.linear.gather [hbm4b:s10+s21], $0xF00, $0x38;
	[tilespmem:$0x1B230] =	vst v63  }
0x32: {  	s10 =	sshrl.u32 s29, $0x3  }
0x33: {  	s31 =	simm.s32 $0x2030;
	s23 =	sadd.s32 $0xD800, s1;
	s10 =	sadd.s32 s2, s10  }
0x34: {  	[tilespmem:s31], [sflag:$0x1] =	stream.linear.gather [hbm4b:s10+s21], $0xF00, $0x38;
	[tilespmem:$0x1B230] =	vst v63  }
0x35: {  	s10 =	sshrl.u32 s23, $0x3  }
0x36: {  	s24 =	simm.s32 $0x2F30;
	s25 =	sadd.s32 $0x12000, s1;
	s10 =	sadd.s32 s2, s10  }
0x37: {  	[tilespmem:s24], [sflag:$0x1] =	stream.linear.gather [hbm4b:s10+s21], $0xF00, $0x38;
	[tilespmem:$0x1B230] =	vst v63  }
0x38: {  	s10 =	sshrl.u32 s25, $0x3  }
0x39: {  	s26 =	simm.s32 $0x3E30;
	s29 =	sadd.s32 $0x16800, s1;
	s10 =	sadd.s32 s2, s10  }
0x3a: {  	[tilespmem:s26], [sflag:$0x1] =	stream.linear.gather [hbm4b:s10+s21], $0xF00, $0x38;
	[tilespmem:$0x1B230] =	vst v63  }
0x3b: {  	s10 =	sshrl.u32 s29, $0x3  }
0x3c: {  	s31 =	simm.s32 $0x4D30;
	s23 =	sadd.s32 $0x1B000, s1;
	s10 =	sadd.s32 s2, s10  }
0x3d: {  	[tilespmem:s31], [sflag:$0x1] =	stream.linear.gather [hbm4b:s10+s21], $0xF00, $0x38;
	[tilespmem:$0x1B230] =	vst v63  }
0x3e: {  	s10 =	sshrl.u32 s23, $0x3  }
0x3f: {  	s24 =	simm.s32 $0x5C30;
	s25 =	sadd.s32 $0x1F800, s1;
	s10 =	sadd.s32 s2, s10  }
0x40: {  	[tilespmem:s24], [sflag:$0x1] =	stream.linear.gather [hbm4b:s10+s21], $0xF00, $0x38;
	[tilespmem:$0x1B230] =	vst v63  }
0x41: {  	s10 =	sshrl.u32 s25, $0x3  }
0x42: {  	s26 =	simm.s32 $0x6B30;
	s29 =	sadd.s32 $0x24000, s1;
	s10 =	sadd.s32 s2, s10  }
0x43: {  	[tilespmem:s26], [sflag:$0x1] =	stream.linear.gather [hbm4b:s10+s21], $0xF00, $0x38;
	[tilespmem:$0x1B230] =	vst v63  }
0x44: {  	s10 =	sshrl.u32 s29, $0x3  }
0x45: {  	s31 =	simm.s32 $0x7A30;
	s23 =	sadd.s32 $0x28800, s1;
	s10 =	sadd.s32 s2, s10  }
0x46: {  	[tilespmem:s31], [sflag:$0x1] =	stream.linear.gather [hbm4b:s10+s21], $0xF00, $0x38;
	[tilespmem:$0x1B230] =	vst v63  }
0x47: {  	s10 =	sshrl.u32 s23, $0x3  }
0x48: {  	s24 =	simm.s32 $0x8930;
	s25 =	sadd.s32 $0x2D000, s1;
	s10 =	sadd.s32 s2, s10  }
0x49: {  	[tilespmem:s24], [sflag:$0x1] =	stream.linear.gather [hbm4b:s10+s21], $0xF00, $0x38;
	[tilespmem:$0x1B230] =	vst v63  }
0x4a: {  	s10 =	sshrl.u32 s25, $0x3  }
0x4b: {  	s26 =	simm.s32 $0x9830;
	s29 =	sadd.s32 $0x31800, s1;
	s10 =	sadd.s32 s2, s10  }
0x4c: {  	[tilespmem:s26], [sflag:$0x1] =	stream.linear.gather [hbm4b:s10+s21], $0xF00, $0x38;
	[tilespmem:$0x1B230] =	vst v63  }
0x4d: {  	s10 =	sshrl.u32 s29, $0x3  }
0x4e: {  	s31 =	simm.s32 $0xA730;
	s23 =	sadd.s32 $0x36000, s1;
	s10 =	sadd.s32 s2, s10  }
0x4f: {  	[tilespmem:s31], [sflag:$0x1] =	stream.linear.gather [hbm4b:s10+s21], $0xF00, $0x38;
	[tilespmem:$0x1B230] =	vst v63  }
0x50: {  	s10 =	sshrl.u32 s23, $0x3  }
0x51: {  	s24 =	simm.s32 $0xB630;
	s25 =	sadd.s32 $0x3A800, s1;
	s10 =	sadd.s32 s2, s10  }
0x52: {  	[tilespmem:s24], [sflag:$0x1] =	stream.linear.gather [hbm4b:s10+s21], $0xF00, $0x38;
	[tilespmem:$0x1B230] =	vst v63  }
0x53: {  	s10 =	sshrl.u32 s25, $0x3  }
0x54: {  	s26 =	simm.s32 $0xC530;
	s29 =	sadd.s32 $0x3F000, s1;
	s10 =	sadd.s32 s2, s10  }
0x55: {  	[tilespmem:s26], [sflag:$0x1] =	stream.linear.gather [hbm4b:s10+s21], $0xF00, $0x38;
	[tilespmem:$0x1B230] =	vst v63  }
0x56: {  	s10 =	sshrl.u32 s29, $0x3  }
0x57: {  	s31 =	simm.s32 $0xD430;
	s23 =	sadd.s32 $0x43800, s1;
	s10 =	sadd.s32 s2, s10  }
0x58: {  	[tilespmem:s31], [sflag:$0x1] =	stream.linear.gather [hbm4b:s10+s21], $0xF00, $0x38;
	[tilespmem:$0x1B230] =	vst v63  }
0x59: {  	s10 =	sshrl.u32 s23, $0x3  }
0x5a: {  	s24 =	simm.s32 $0xE330;
	s25 =	sadd.s32 $0x48000, s1;
	s10 =	sadd.s32 s2, s10  }
0x5b: {  	[tilespmem:s24], [sflag:$0x1] =	stream.linear.gather [hbm4b:s10+s21], $0xF00, $0x38;
	[tilespmem:$0x1B230] =	vst v63  }
0x5c: {  	s10 =	sshrl.u32 s25, $0x3  }
0x5d: {  	s26 =	simm.s32 $0xF230;
	s29 =	sadd.s32 $0x4C800, s1;
	s10 =	sadd.s32 s2, s10  }
0x5e: {  	[tilespmem:s26], [sflag:$0x1] =	stream.linear.gather [hbm4b:s10+s21], $0xF00, $0x38;
	[tilespmem:$0x1B230] =	vst v63  }
0x5f: {  	s10 =	sshrl.u32 s29, $0x3  }
0x60: {  	s31 =	simm.s32 $0x10130;
	s23 =	sadd.s32 $0x51000, s1;
	s10 =	sadd.s32 s2, s10  }
0x61: {  	[tilespmem:s31], [sflag:$0x1] =	stream.linear.gather [hbm4b:s10+s21], $0xF00, $0x38;
	[tilespmem:$0x1B230] =	vst v63  }
0x62: {  	s10 =	sshrl.u32 s23, $0x3  }
0x63: {  	s24 =	simm.s32 $0x11030;
	s25 =	sadd.s32 $0x55800, s1;
	s10 =	sadd.s32 s2, s10  }
0x64: {  	[tilespmem:s24], [sflag:$0x1] =	stream.linear.gather [hbm4b:s10+s21], $0xF00, $0x38;
	[tilespmem:$0x1B230] =	vst v63  }
0x65: {  	s10 =	sshrl.u32 s25, $0x3  }
0x66: {  	s26 =	simm.s32 $0x11F30;
	s29 =	sadd.s32 $0x5A000, s1;
	s10 =	sadd.s32 s2, s10  }
0x67: {  	[tilespmem:s26], [sflag:$0x1] =	stream.linear.gather [hbm4b:s10+s21], $0xF00, $0x38;
	[tilespmem:$0x1B230] =	vst v63  }
0x68: {  	s10 =	sshrl.u32 s29, $0x3  }
0x69: {  	s22 =	sadd.s32 $0x5E800, s1;
	s31 =	simm.s32 $0x12E30;
	s10 =	sadd.s32 s2, s10  }
0x6a: {  	[tilespmem:s31], [sflag:$0x1] =	stream.linear.gather [hbm4b:s10+s21], $0xF00, $0x38;
	[tilespmem:$0x1B230] =	vst v63  }
0x6b: {  	s10 =	sshrl.u32 s22, $0x3  }
0x6c: {  	s23 =	simm.s32 $0x13D30;
	s24 =	sadd.s32 $0x63000, s1;
	s10 =	sadd.s32 s2, s10  }
0x6d: {  	[tilespmem:s23], [sflag:$0x1] =	stream.linear.gather [hbm4b:s10+s21], $0xF00, $0x38;
	[tilespmem:$0x1B230] =	vst v63  }
0x6e: {  	s10 =	sshrl.u32 s24, $0x3  }
0x6f: {  	s25 =	sadd.s32 $0x67800, s1;
	s10 =	sadd.s32 s2, s10  }
0x70: {  	[tilespmem:s3], [sflag:$0x1] =	stream.linear.gather [hbm4b:s10+s21], $0xF00, $0x38;
	[tilespmem:$0x1B230] =	vst v63  }
0x71: {  	s10 =	sshrl.u32 s25, $0x3  }
0x72: {  	s26 =	sadd.s32 $0x6C000, s1;
	s10 =	sadd.s32 s2, s10  }
0x73: {  	[tilespmem:s5], [sflag:$0x1] =	stream.linear.gather [hbm4b:s10+s21], $0xF00, $0x38;
	[tilespmem:$0x1B230] =	vst v63  }
0x74: {  	s10 =	sshrl.u32 s26, $0x3  }
0x75: {  	s29 =	sadd.s32 $0x70800, s1;
	s10 =	sadd.s32 s2, s10  }
0x76: {  	[tilespmem:s7], [sflag:$0x1] =	stream.linear.gather [hbm4b:s10+s21], $0xF00, $0x38;
	[tilespmem:$0x1B230] =	vst v63  }
0x77: {  	s10 =	sshrl.u32 s29, $0x3  }
0x78: {  	s31 =	sadd.s32 $0x75000, s1;
	s10 =	sadd.s32 s2, s10  }
0x79: {  	[tilespmem:s8], [sflag:$0x1] =	stream.linear.gather [hbm4b:s10+s21], $0xF00, $0x38;
	[tilespmem:$0x1B230] =	vst v63  }
0x7a: {  	s1 =	sadd.s32 $0x79800, s1;
	s10 =	sshrl.u32 s31, $0x3  }
0x7b: {  	s1 =	sshrl.u32 s1, $0x3;
	s10 =	sadd.s32 s2, s10  }
0x7c: {  	[tilespmem:s11], [sflag:$0x1] =	stream.linear.gather [hbm4b:s10+s21], $0xF00, $0x38;
	[tilespmem:$0x1B230] =	vst v63  }
0x7d: {  	s1 =	sadd.s32 s2, s1  }
0x7e: {  	[tilespmem:s13], [sflag:$0x1] =	stream.linear.gather [hbm4b:s1+s21], $0xF00, $0x38;
	[tilespmem:$0x1B230] =	vst v63  }
0x7f: {  	v15 =	vld [tilespmem:$0x90];
	_ =	sdelay $0x1  }
0x80: {  	v13 =	vld [tilespmem:$0x1C0];
	_ =	sdelay $0x2  }
0x81: {  	v16 =	vld [tilespmem:$0x1D0];
	v14 =	vbroadcast v15, $0x0  }
0x82: {  	(v2sf) =	vpush v15, $0x1;
	v18 =	vbroadcast v15, $0x4  }
0x83: {  	v20 =	vbroadcast v15, $0x8;
	(v2sf) =	vpush v15, $0x2;
	v19 =	vmul.f32 v14, v13  }
0x84: {  	v22 =	vld [tilespmem:$0x1E0];
	(v2sf) =	vpush v15, $0x5;
	v21 =	vmul.f32 v18, v13  }
0x85: {  	v13 =	vmul.f32 v20, v13;
	(v2sf) =	vpush v15, $0x6;
	[tilespmem:$0xA0] =	vst v19  }
0x86: {  	(v2sf) =	vpush v15, $0x9;
	[tilespmem:$0xB0] =	vst v21;
	v19 =	vmul.f32 v16, v14  }
0x87: {  	v62 =	vld [tilespmem:$0x1F0];
	[tilespmem:$0xC0] =	vst v13;
	v13 =	vmul.f32 v16, v18;
	(v2sf) =	vpush v15, $0xA  }
0x88: {  	v16 =	vmul.f32 v16, v20;
	[tilespmem:$0xD0] =	vst v19  }
0x89: {  	[tilespmem:$0xE0] =	vst v13;
	v13 =	vmul.f32 v22, v14  }
0x8a: {  	[tilespmem:$0xF0] =	vst v16;
	v16 =	vmul.f32 v22, v18;
	v19 =	vld [tilespmem:$0x200]  }
0x8b: {  	[tilespmem:$0x100] =	vst v13;
	v13 =	vmul.f32 v22, v20  }
0x8c: {  	v63 =	vld [tilespmem:$0x210];
	[tilespmem:$0x110] =	vst v16;
	v16 =	vmul.f32 v62, v14  }
0x8d: {  	[tilespmem:$0x120] =	vst v13;
	v13 =	vmul.f32 v62, v18  }
0x8e: {  	[tilespmem:$0x130] =	vst v16;
	v16 =	vmul.f32 v62, v20  }
0x8f: {  	[tilespmem:$0x140] =	vst v13;
	v13 =	vmul.f32 v19, v14  }
0x90: {  	[tilespmem:$0x150] =	vst v16;
	v16 =	vmul.f32 v19, v18  }
0x91: {  	v14 =	vmul.f32 v63, v14;
	[tilespmem:$0x160] =	vst v13;
	s22 =	spop (v2sf)  }
0x92: {  	v13 =	vmul.f32 v19, v20;
	[tilespmem:$0x170] =	vst v16;
	s23 =	spop (v2sf)  }
0x93: {  	[tilespmem:$0x190] =	vst v14;
	v14 =	vmul.f32 v63, v20;
	s24 =	spop (v2sf)  }
0x94: {  	[tilespmem:$0x180] =	vst v13;
	v13 =	vmul.f32 v63, v18;
	s25 =	spop (v2sf)  }
0x95: {  	[tilespmem:$0x1B0] =	vst v14;
	s26 =	spop (v2sf)  }
0x96: {  	[tilespmem:$0x1A0] =	vst v13;
	s28 =	spop (v2sf)  }
0x97: {  	_ =	swait.ge [sflag:s14], $0xF00  }
0x98: {  	[sflag:s14] =	ssyncset.done $0x0  }
0x99: {  	[sflag:s14] =	ssyncadd.s32 $0xFFFFF100  }
0x9a: {  	_ =	swait.ge [sflag:s14], $0xF00  }
0x9b: {  	[sflag:s14] =	ssyncset.done $0x0  }
0x9c: {  	[sflag:s14] =	ssyncadd.s32 $0xFFFFF100  }
0x9d: {  	_ =	swait.ge [sflag:s14], $0xF00  }
0x9e: {  	[sflag:s14] =	ssyncset.done $0x0  }
0x9f: {  	[sflag:s14] =	ssyncadd.s32 $0xFFFFF100  }
0xa0: {  	_ =	swait.ge [sflag:s14], $0xF00  }
0xa1: {  	[sflag:s14] =	ssyncset.done $0x0  }
0xa2: {  	[sflag:s14] =	ssyncadd.s32 $0xFFFFF100  }
0xa3: {  	_ =	swait.ge [sflag:s14], $0xF00  }
0xa4: {  	[sflag:s14] =	ssyncset.done $0x0  }
0xa5: {  	[sflag:s14] =	ssyncadd.s32 $0xFFFFF100  }
0xa6: {  	_ =	swait.ge [sflag:s14], $0xF00  }
0xa7: {  	[sflag:s14] =	ssyncset.done $0x0  }
0xa8: {  	[sflag:s14] =	ssyncadd.s32 $0xFFFFF100  }
0xa9: {  	_ =	swait.ge [sflag:s14], $0xF00  }
0xaa: {  	[sflag:s14] =	ssyncset.done $0x0  }
0xab: {  	[sflag:s14] =	ssyncadd.s32 $0xFFFFF100  }
0xac: {  	_ =	swait.ge [sflag:s14], $0xF00  }
0xad: {  	[sflag:s14] =	ssyncset.done $0x0  }
0xae: {  	[sflag:s14] =	ssyncadd.s32 $0xFFFFF100  }
0xaf: {  	_ =	swait.ge [sflag:s14], $0xF00  }
0xb0: {  	[sflag:s14] =	ssyncset.done $0x0  }
0xb1: {  	[sflag:s14] =	ssyncadd.s32 $0xFFFFF100  }
0xb2: {  	_ =	swait.ge [sflag:s14], $0xF00  }
0xb3: {  	[sflag:s14] =	ssyncset.done $0x0  }
0xb4: {  	[sflag:s14] =	ssyncadd.s32 $0xFFFFF100  }
0xb5: {  	_ =	swait.ge [sflag:s14], $0xF00  }
0xb6: {  	[sflag:s14] =	ssyncset.done $0x0  }
0xb7: {  	[sflag:s14] =	ssyncadd.s32 $0xFFFFF100  }
0xb8: {  	_ =	swait.ge [sflag:s14], $0xF00  }
0xb9: {  	[sflag:s14] =	ssyncset.done $0x0  }
0xba: {  	[sflag:s14] =	ssyncadd.s32 $0xFFFFF100  }
0xbb: {  	_ =	swait.ge [sflag:s14], $0xF00  }
0xbc: {  	[sflag:s14] =	ssyncset.done $0x0  }
0xbd: {  	[sflag:s14] =	ssyncadd.s32 $0xFFFFF100  }
0xbe: {  	_ =	swait.ge [sflag:s14], $0xF00  }
0xbf: {  	[sflag:s14] =	ssyncset.done $0x0  }
0xc0: {  	[sflag:s14] =	ssyncadd.s32 $0xFFFFF100  }
0xc1: {  	_ =	swait.ge [sflag:s14], $0xF00  }
0xc2: {  	[sflag:s14] =	ssyncset.done $0x0  }
0xc3: {  	[sflag:s14] =	ssyncadd.s32 $0xFFFFF100  }
0xc4: {  	_ =	swait.ge [sflag:s14], $0xF00  }
0xc5: {  	[sflag:s14] =	ssyncset.done $0x0  }
0xc6: {  	[sflag:s14] =	ssyncadd.s32 $0xFFFFF100  }
0xc7: {  	_ =	swait.ge [sflag:s14], $0xF00  }
0xc8: {  	[sflag:s14] =	ssyncset.done $0x0  }
0xc9: {  	[sflag:s14] =	ssyncadd.s32 $0xFFFFF100  }
0xca: {  	_ =	swait.ge [sflag:s14], $0xF00  }
0xcb: {  	[sflag:s14] =	ssyncset.done $0x0  }
0xcc: {  	[sflag:s14] =	ssyncadd.s32 $0xFFFFF100  }
0xcd: {  	_ =	swait.ge [sflag:s14], $0xF00  }
0xce: {  	[sflag:s14] =	ssyncset.done $0x0  }
0xcf: {  	[sflag:s14] =	ssyncadd.s32 $0xFFFFF100  }
0xd0: {  	_ =	swait.ge [sflag:s14], $0xF00  }
0xd1: {  	[sflag:s14] =	ssyncset.done $0x0  }
0xd2: {  	[sflag:s14] =	ssyncadd.s32 $0xFFFFF100  }
0xd3: {  	_ =	swait.ge [sflag:s14], $0xF00  }
0xd4: {  	[sflag:s14] =	ssyncset.done $0x0  }
0xd5: {  	[sflag:s14] =	ssyncadd.s32 $0xFFFFF100  }
0xd6: {  	_ =	swait.ge [sflag:s14], $0xF00  }
0xd7: {  	[sflag:s14] =	ssyncset.done $0x0  }
0xd8: {  	[sflag:s14] =	ssyncadd.s32 $0xFFFFF100  }
0xd9: {  	_ =	swait.ge [sflag:s14], $0xF00  }
0xda: {  	[sflag:s14] =	ssyncset.done $0x0  }
0xdb: {  	[sflag:s14] =	ssyncadd.s32 $0xFFFFF100  }
0xdc: {  	_ =	swait.ge [sflag:s14], $0xF00  }
0xdd: {  	[sflag:s14] =	ssyncset.done $0x0  }
0xde: {  	[sflag:s14] =	ssyncadd.s32 $0xFFFFF100  }
0xdf: {  	_ =	swait.ge [sflag:s14], $0xF00  }
0xe0: {  	[sflag:s14] =	ssyncset.done $0x0  }
0xe1: {  	[sflag:s14] =	ssyncadd.s32 $0xFFFFF100  }
0xe2: {  	_ =	swait.ge [sflag:s14], $0xF00  }
0xe3: {  	[sflag:s14] =	ssyncset.done $0x0  }
0xe4: {  	[sflag:s14] =	ssyncadd.s32 $0xFFFFF100  }
0xe5: {  	_ =	swait.ge [sflag:s14], $0xF00  }
0xe6: {  	[sflag:s14] =	ssyncset.done $0x0  }
0xe7: {  	[sflag:s14] =	ssyncadd.s32 $0xFFFFF100  }
0xe8: {  	v16 =	vbroadcast v17, $0x3;
	_ =	swait.ge [sflag:s14], $0xF00  }
0xe9: {  	s0 =	sadd.s32 $0x1C0, s0;
	v17 =	vbroadcast v17, $0x4;
	v14 =	vbroadcast v15, $0x7;
	[sflag:s14] =	ssyncset.done $0x0  }
0xea: {  	s30 =	sadd.s32 $0x1C0, s19;
	v18 =	vmov s0;
	v13 =	vbroadcast v15, $0x3;
	v15 =	vbroadcast v15, $0xB;
	[sflag:s14] =	ssyncadd.s32 $0xFFFFF100  }
.LBB2_3:
0xeb: {  	_ =	sdelay $0x3  }
0xec: {  	v19 =	vld.idx.msk [tilespmem:v18+s21+$0x0 ss:$0x1], $0xffff;
	_ =	sdelay $0x4  }
0xed: {  	(v2sf) =	vpush v19, $0x0;
	_ =	sdelay $0xe  }
0xee: {  	s0 =	spop (v2sf)  }
0xef: {  	s1 =	smul.f32 s0, s22  }
0xf0: {  	s10 =	smul.f32 s0, s24  }
0xf1: {  	s0 =	smul.f32 s0, s26;
	_ =	sdelay $0x1  }
0xf2: {  	s29 =	smov.u32 s30;
	s31 =	simm.s32 $0x0;
	v19 =	vmov s1;
	v20 =	vmov s10;
	v21 =	vmov s0  }
.LBB2_4:
0xf3: {  	v22 =	vld [tilespmem:s29+$0x0];
	_ =	sdelay $0x4  }
0xf4: {  	(v2sf) =	vpush v22, $0x0;
	_ =	sdelay $0xa  }
0xf5: {  	v23 =	vld [tilespmem:$0xB0]  }
0xf6: {  	v22 =	vld [tilespmem:$0xA0]  }
0xf7: {  	v24 =	vld [tilespmem:$0xC0];
	_ =	sdelay $0x1  }
0xf8: {  	s10 =	spop (v2sf)  }
0xf9: {  	s0 =	smul.f32 s10, s23  }
0xfa: {  	v23 =	vadd.f32 v23, v20;
	v22 =	vadd.f32 v22, v19;
	s1 =	smul.f32 s10, s25  }
0xfb: {  	v24 =	vadd.f32 v24, v21;
	s10 =	smul.f32 s10, s28  }
0xfc: {  	v22 =	vadd.f32 s0, v22;
	v23 =	vadd.f32 s1, v23  }
0xfd: {  	v24 =	vadd.f32 s10, v24  }
0xfe: {  	v22 =	vadd.f32 v22, v13;
	v23 =	vadd.f32 v23, v14  }
0xff: {  	v24 =	vadd.f32 v24, v15  }
0x100: {  	v22 =	vadd.f32 $1.000000000e+00, v22;
	v23 =	vadd.f32 $1.000000000e+00, v23  }
0x101: {  	v24 =	vadd.f32 $1.000000000e+00, v24  }
0x102: {  	v22 =	vmul.f32 $5.000000000e-01, v22;
	v23 =	vmul.f32 $5.000000000e-01, v23  }
0x103: {  	v24 =	vmul.f32 $5.000000000e-01, v24  }
0x104: {  	v22 =	vmul.f32 $9.600000000e+01, v22;
	v23 =	vmul.f32 $9.600000000e+01, v23  }
0x105: {  	v24 =	vmul.f32 $9.600000000e+01, v24  }
0x106: {  	v25 =	vtrunc.f32 v22;
	v26 =	vtrunc.f32 v23  }
0x107: {  	v29 =	vtrunc.f32 v24;
	v27 =	vcvt.f32.s32 v25  }
0x108: {  	v28 =	vcvt.f32.s32 v26;
	vm0 =	vlt.f32 v22, v25;
	vm1 =	vlt.f32 v23, v26  }
0x109: {  	v41 =	vcvt.f32.s32 v29;
	vm12 =	vlt.f32 v24, v29;
	v42 =	vsel vm0, $0xFFFFFFFF, v1  }
0x10a: {  	v30 =	vsel vm1, $0xFFFFFFFF, v1;
	v44 =	vsel vm12, $0xFFFFFFFF, v1;
	v26 =	vadd.s32 v27, v42  }
0x10b: {  	v43 =	vadd.s32 v28, v30;
	v25 =	vadd.s32 v41, v44;
	vm13 =	vgt.s32 v26, $0x0  }
0x10c: {  	v45 =	vadd.s32 $0x1, v26;
	vm15 =	vgt.s32 v43, $0x0;
	v27 =	vadd.s32 $0x1, v43  }
0x10d: {  	vm5 =	vgt.s32 v25, $0x0;
	v26 =	vnsel vm13, $0x0, v26;
	vm14 =	vgt.s32 v45, $0x0  }
0x10e: {  	v47 =	vnsel vm15, $0x0, v43;
	vm4 =	vgt.s32 v27, $0x0;
	v48 =	vnsel vm5, $0x0, v25  }
0x10f: {  	v25 =	vadd.s32 $0x1, v25;
	v26 =	vmin.u32 v26, $0x5F;
	v46 =	vnsel vm14, $0x0, v45  }
0x110: {  	v29 =	vmin.u32 v47, $0x5F;
	v27 =	vnsel vm4, $0x0, v27;
	v30 =	vmin.u32 v48, $0x5F  }
0x111: {  	vm6 =	vgt.s32 v25, $0x0;
	v28 =	vmin.u32 v46, $0x5F;
	v27 =	vmin.u32 v27, $0x5F  }
0x112: {  	v25 =	vnsel vm6, $0x0, v25;
	v31 =	vcvt.s32.f32 v26;
	v32 =	vsub.s32 v30, v16  }
0x113: {  	v35 =	vsub.s32 v29, v17;
	v29 =	vcvt.s32.f32 v29;
	v37 =	vand.u32 $0x78, v26  }
0x114: {  	v26 =	vand.u32 $0x7, v26;
	v25 =	vmin.u32 v25, $0x5F;
	v33 =	vcvt.s32.f32 v28  }
0x115: {  	v32 =	vmul.u32 $0x14, v32;
	v34 =	vcvt.s32.f32 v27;
	v27 =	vsub.s32 v27, v17  }
0x116: {  	v42 =	vand.u32 $0x78, v28;
	v28 =	vand.u32 $0x7, v28;
	v31 =	vsub.f32 v22, v31  }
0x117: {  	v30 =	vsub.s32 v25, v30;
	v36 =	vcvt.s32.f32 v25;
	v25 =	vsub.s32 v25, v16  }
0x118: {  	v22 =	vsub.f32 v33, v22;
	v49 =	vadd.s32 v35, v32;
	v34 =	vsub.f32 v34, v23  }
0x119: {  	v32 =	vadd.s32 v27, v32;
	v23 =	vsub.f32 v23, v29;
	v25 =	vmul.u32 $0x14, v25  }
0x11a: {  	v51 =	vcvt.s32.f32 v30;
	v33 =	vmul.u32 $0xC0, v49;
	v24 =	vsub.f32 v36, v24  }
0x11b: {  	v32 =	vmul.u32 $0xC0, v32;
	v54 =	vadd.s32 v35, v25;
	v25 =	vadd.s32 v27, v25  }
0x11c: {  	v38 =	vadd.s32 v37, v33;
	v52 =	vmul.f32 v24, v34;
	v24 =	vmul.f32 v24, v23  }
0x11d: {  	v53 =	vadd.s32 v37, v32;
	v34 =	vmul.f32 v51, v34;
	v23 =	vmul.f32 v51, v23  }
0x11e: {  	v39 =	vadd.s32 $0x60, v33;
	v41 =	vadd.s32 $0x60, v32;
	v50 =	vor.u32 v26, v38  }
0x11f: {  	v33 =	vadd.s32 v42, v33;
	v38 =	vor.u32 v26, v53;
	v40 =	vadd.s32 v37, v39  }
0x120: {  	v29 =	vmul.u32 $0xC0, v54;
	v43 =	vadd.s32 v37, v41;
	v40 =	vor.u32 v26, v40  }
0x121: {  	v32 =	vadd.s32 v42, v32;
	v25 =	vmul.u32 $0xC0, v25;
	v43 =	vor.u32 v26, v43  }
0x122: {  	v33 =	vor.u32 v28, v33;
	v39 =	vadd.s32 v42, v39;
	v32 =	vor.u32 v28, v32  }
0x123: {  	v41 =	vadd.s32 v42, v41;
	v55 =	vmul.f32 v52, v22;
	v39 =	vor.u32 v28, v39;
	v36 =	vld.idx.msk [tilespmem:v50+s12+$0x0], $0xffff  }
0x124: {  	v56 =	vmul.f32 v24, v22;
	v30 =	vmul.f32 v52, v31;
	v44 =	vadd.s32 v37, v29;
	v38 =	vld.idx.msk [tilespmem:v38+s12+$0x0], $0xffff  }
0x125: {  	v41 =	vor.u32 v28, v41;
	v45 =	vadd.s32 $0x60, v29;
	v47 =	vadd.s32 v37, v25;
	v40 =	vld.idx.msk [tilespmem:v40+s12+$0x0], $0xffff  }
0x126: {  	v48 =	vadd.s32 $0x60, v25;
	v44 =	vor.u32 v26, v44;
	v46 =	vadd.s32 v37, v45;
	v43 =	vld.idx.msk [tilespmem:v43+s12+$0x0], $0xffff  }
0x127: {  	v24 =	vmul.f32 v24, v31;
	v29 =	vadd.s32 v42, v29;
	v46 =	vor.u32 v26, v46;
	v33 =	vld.idx.msk [tilespmem:v33+s12+$0x0], $0xffff  }
0x128: {  	v25 =	vadd.s32 v42, v25;
	v47 =	vor.u32 v26, v47;
	v37 =	vadd.s32 v37, v48;
	v39 =	vld.idx.msk [tilespmem:v39+s12+$0x0], $0xffff  }
0x129: {  	v26 =	vor.u32 v26, v37;
	v32 =	vld.idx.msk [tilespmem:v32+s12+$0x0], $0xffff;
	v36 =	vmul.f32 v55, v36;
	v38 =	vmul.f32 v56, v38  }
0x12a: {  	v29 =	vor.u32 v28, v29;
	v58 =	vadd.s32 v42, v45;
	v57 =	vld.idx.msk [tilespmem:v41+s12+$0x0], $0xffff;
	v27 =	vmul.f32 v55, v40  }
0x12b: {  	v59 =	vld.idx.msk [tilespmem:v44+s12+$0x0], $0xffff;
	v35 =	vmul.f32 v56, v43;
	v36 =	vadd.f32 v38, v36;
	v38 =	vor.u32 v28, v58  }
0x12c: {  	v25 =	vor.u32 v28, v25;
	v42 =	vadd.s32 v42, v48;
	v60 =	vld.idx.msk [tilespmem:v46+s12+$0x0], $0xffff;
	v33 =	vmul.f32 v30, v33  }
0x12d: {  	v61 =	vld.idx.msk [tilespmem:v47+s12+$0x0], $0xffff;
	v30 =	vmul.f32 v30, v39;
	v28 =	vor.u32 v28, v42;
	v27 =	vadd.f32 v35, v27  }
0x12e: {  	v62 =	vmul.f32 v34, v22;
	v26 =	vld.idx.msk [tilespmem:v26+s12+$0x0], $0xffff;
	v32 =	vmul.f32 v24, v32;
	v33 =	vadd.f32 v36, v33  }
0x12f: {  	v63 =	vmov s31;
	v29 =	vld.idx.msk [tilespmem:v29+s12+$0x0], $0xffff;
	v24 =	vmul.f32 v24, v57;
	v27 =	vadd.f32 v27, v30  }
0x130: {  	v22 =	vmul.f32 v23, v22;
	v39 =	vmul.f32 v62, v59;
	v37 =	vadd.f32 v33, v32;
	v41 =	vld.idx.msk [tilespmem:v38+s12+$0x0], $0xffff  }
0x131: {  	v34 =	vmul.f32 v34, v31;
	v25 =	vld.idx.msk [tilespmem:v25+s12+$0x0], $0xffff;
	v42 =	vmul.f32 v62, v60;
	v24 =	vadd.f32 v27, v24  }
0x132: {  	v44 =	vand.u32 $0xF, v63;
	v43 =	vmul.f32 v22, v61;
	v28 =	vld.idx.msk [tilespmem:v28+s12+$0x0], $0xffff;
	v30 =	vadd.f32 v37, v39  }
0x133: {  	v26 =	vmul.f32 v22, v26;
	v22 =	vbroadcast v44, $0x0;
	v24 =	vadd.f32 v24, v42  }
0x134: {  	v23 =	vmul.f32 v23, v31;
	v29 =	vmul.f32 v34, v29;
	v45 =	vadd.f32 v30, v43  }
0x135: {  	v47 =	vor.u32 v0, v22;
	v24 =	vadd.f32 v24, v26;
	v46 =	vmul.f32 v34, v41  }
0x136: {  	v25 =	vmul.f32 v23, v25;
	v48 =	vor.u32 v2, v22;
	v27 =	vadd.f32 v45, v29  }
0x137: {  	v23 =	vmul.f32 v23, v28;
	v24 =	vadd.f32 v24, v46  }
0x138: {  	v25 =	vadd.f32 v27, v25  }
0x139: {  	v23 =	vadd.f32 v24, v23  }
0x13a: {  	[tilespmem:v47+s15+$0x0] =	vst.idx.msk $0xffff, v25  }
0x13b: {  	[tilespmem:v48+s15+$0x0] =	vst.idx.msk $0xffff, v23  }
0x13c: {  	v23 =	vld [tilespmem:$0xD0]  }
0x13d: {  	v49 =	vld [tilespmem:$0xE0]  }
0x13e: {  	v25 =	vld [tilespmem:$0xF0];
	_ =	sdelay $0x3  }
0x13f: {  	v23 =	vadd.f32 v23, v19;
	v24 =	vadd.f32 v49, v20  }
0x140: {  	v25 =	vadd.f32 v25, v21  }
0x141: {  	v23 =	vadd.f32 s0, v23;
	v24 =	vadd.f32 s1, v24  }
0x142: {  	v25 =	vadd.f32 s10, v25  }
0x143: {  	v23 =	vadd.f32 v23, v13;
	v24 =	vadd.f32 v24, v14  }
0x144: {  	v25 =	vadd.f32 v25, v15  }
0x145: {  	v23 =	vadd.f32 $1.000000000e+00, v23;
	v24 =	vadd.f32 $1.000000000e+00, v24  }
0x146: {  	v25 =	vadd.f32 $1.000000000e+00, v25  }
0x147: {  	v23 =	vmul.f32 $5.000000000e-01, v23;
	v24 =	vmul.f32 $5.000000000e-01, v24  }
0x148: {  	v25 =	vmul.f32 $5.000000000e-01, v25  }
0x149: {  	v23 =	vmul.f32 $9.600000000e+01, v23;
	v24 =	vmul.f32 $9.600000000e+01, v24  }
0x14a: {  	v25 =	vmul.f32 $9.600000000e+01, v25  }
0x14b: {  	v50 =	vtrunc.f32 v23;
	v52 =	vtrunc.f32 v24  }
0x14c: {  	v53 =	vtrunc.f32 v25;
	v51 =	vcvt.f32.s32 v50  }
0x14d: {  	vm7 =	vlt.f32 v23, v50;
	v54 =	vcvt.f32.s32 v53;
	vm8 =	vlt.f32 v25, v53  }
0x14e: {  	v56 =	vcvt.f32.s32 v52;
	vm9 =	vlt.f32 v24, v52;
	v55 =	vsel vm7, $0xFFFFFFFF, v1  }
0x14f: {  	v57 =	vsel vm8, $0xFFFFFFFF, v1;
	v28 =	vsel vm9, $0xFFFFFFFF, v1;
	v27 =	vadd.s32 v51, v55  }
0x150: {  	v26 =	vadd.s32 v54, v57;
	v28 =	vadd.s32 v56, v28;
	vm10 =	vgt.s32 v27, $0x0  }
0x151: {  	vm11 =	vgt.s32 v26, $0x0;
	vm12 =	vgt.s32 v28, $0x0;
	v58 =	vnsel vm10, $0x0, v27  }
0x152: {  	v60 =	vnsel vm11, $0x0, v26;
	v27 =	vadd.s32 $0x1, v27;
	v61 =	vnsel vm12, $0x0, v28  }
0x153: {  	v28 =	vadd.s32 $0x1, v28;
	v26 =	vadd.s32 $0x1, v26;
	v59 =	vmin.u32 v58, $0x5F  }
0x154: {  	v30 =	vmin.u32 v60, $0x5F;
	vm13 =	vgt.s32 v27, $0x0;
	v31 =	vmin.u32 v61, $0x5F  }
0x155: {  	vm14 =	vgt.s32 v28, $0x0;
	vm15 =	vgt.s32 v26, $0x0;
	v62 =	vsub.s32 v30, v16  }
0x156: {  	v27 =	vnsel vm13, $0x0, v27;
	v63 =	vsub.s32 v31, v17;
	v28 =	vnsel vm14, $0x0, v28  }
0x157: {  	v26 =	vnsel vm15, $0x0, v26;
	v35 =	vand.u32 $0x78, v59;
	v37 =	vand.u32 $0x7, v59  }
0x158: {  	v29 =	vcvt.s32.f32 v59;
	v31 =	vcvt.s32.f32 v31;
	v32 =	vmul.u32 $0x14, v62  }
0x159: {  	v27 =	vmin.u32 v27, $0x5F;
	v28 =	vmin.u32 v28, $0x5F;
	v26 =	vmin.u32 v26, $0x5F  }
0x15a: {  	v44 =	vsub.s32 v28, v17;
	v28 =	vcvt.s32.f32 v28;
	v46 =	vcvt.s32.f32 v27  }
0x15b: {  	v47 =	vcvt.s32.f32 v26;
	v30 =	vsub.s32 v26, v30;
	v26 =	vsub.s32 v26, v16  }
0x15c: {  	v56 =	vand.u32 $0x78, v27;
	v27 =	vand.u32 $0x7, v27;
	v43 =	vadd.s32 v63, v32  }
0x15d: {  	v32 =	vadd.s32 v44, v32;
	v30 =	vcvt.s32.f32 v30;
	v26 =	vmul.u32 $0x14, v26  }
0x15e: {  	v34 =	vmul.u32 $0xC0, v43;
	v28 =	vsub.f32 v28, v24;
	v25 =	vsub.f32 v47, v25  }
0x15f: {  	v32 =	vmul.u32 $0xC0, v32;
	v24 =	vsub.f32 v24, v31;
	v51 =	vadd.s32 v63, v26  }
0x160: {  	v26 =	vadd.s32 v44, v26;
	v45 =	vadd.s32 v35, v34;
	v39 =	vmul.f32 v25, v28  }
0x161: {  	v48 =	vadd.s32 v35, v32;
	v25 =	vmul.f32 v25, v24;
	v28 =	vmul.f32 v30, v28  }
0x162: {  	v24 =	vmul.f32 v30, v24;
	v53 =	vadd.s32 $0x60, v34;
	v55 =	vadd.s32 $0x60, v32  }
0x163: {  	v34 =	vadd.s32 v56, v34;
	v32 =	vadd.s32 v56, v32;
	v38 =	vor.u32 v37, v45  }
0x164: {  	v26 =	vmul.u32 $0xC0, v26;
	v49 =	vor.u32 v37, v48;
	v54 =	vadd.s32 v35, v53  }
0x165: {  	v57 =	vadd.s32 v35, v55;
	v34 =	vor.u32 v27, v34;
	v41 =	vor.u32 v37, v54  }
0x166: {  	v40 =	vadd.s32 v56, v53;
	v42 =	vadd.s32 v56, v55;
	v44 =	vor.u32 v37, v57  }
0x167: {  	v32 =	vor.u32 v27, v32;
	v40 =	vor.u32 v27, v40;
	v42 =	vor.u32 v27, v42  }
0x168: {  	v50 =	vld.idx.msk [tilespmem:v38+s12+$0x0], $0xffff;
	v38 =	vsub.f32 v46, v23;
	v23 =	vsub.f32 v23, v29;
	v29 =	vmul.u32 $0xC0, v51  }
0x169: {  	v62 =	vadd.s32 v35, v26;
	v63 =	vadd.s32 $0x60, v26;
	v26 =	vadd.s32 v56, v26;
	v52 =	vld.idx.msk [tilespmem:v49+s12+$0x0], $0xffff  }
0x16a: {  	v47 =	vor.u32 v37, v62;
	v41 =	vld.idx.msk [tilespmem:v41+s12+$0x0], $0xffff;
	v58 =	vadd.s32 v35, v29;
	v59 =	vadd.s32 $0x60, v29  }
0x16b: {  	v26 =	vor.u32 v27, v26;
	v44 =	vld.idx.msk [tilespmem:v44+s12+$0x0], $0xffff;
	v60 =	vor.u32 v37, v58;
	v61 =	vadd.s32 v35, v59  }
0x16c: {  	v34 =	vld.idx.msk [tilespmem:v34+s12+$0x0], $0xffff;
	v30 =	vmul.f32 v39, v38;
	v33 =	vmul.f32 v25, v38;
	v45 =	vor.u32 v37, v61  }
0x16d: {  	v40 =	vld.idx.msk [tilespmem:v40+s12+$0x0], $0xffff;
	v39 =	vmul.f32 v39, v23;
	v29 =	vadd.s32 v56, v29;
	v35 =	vadd.s32 v35, v63  }
0x16e: {  	v32 =	vld.idx.msk [tilespmem:v32+s12+$0x0], $0xffff;
	v35 =	vor.u32 v37, v35;
	v31 =	vmul.f32 v30, v50;
	v36 =	vmul.f32 v33, v52  }
0x16f: {  	v51 =	vld.idx.msk [tilespmem:v42+s12+$0x0], $0xffff;
	v29 =	vor.u32 v27, v29;
	v52 =	vadd.s32 v56, v59;
	v30 =	vmul.f32 v30, v41  }
0x170: {  	v33 =	vmul.f32 v33, v44;
	v53 =	vor.u32 v27, v52;
	v31 =	vadd.f32 v36, v31;
	v36 =	vld.idx.msk [tilespmem:v60+s12+$0x0], $0xffff  }
0x171: {  	v43 =	vadd.s32 v56, v63;
	v25 =	vmul.f32 v25, v23;
	v34 =	vmul.f32 v39, v34;
	v54 =	vld.idx.msk [tilespmem:v45+s12+$0x0], $0xffff  }
0x172: {  	v55 =	vld.idx.msk [tilespmem:v47+s12+$0x0], $0xffff;
	v56 =	vmul.f32 v39, v40;
	v27 =	vor.u32 v27, v43;
	v30 =	vadd.f32 v33, v30  }
0x173: {  	v57 =	vmul.f32 v28, v38;
	v32 =	vmul.f32 v25, v32;
	v31 =	vadd.f32 v31, v34;
	v58 =	vld.idx.msk [tilespmem:v35+s12+$0x0], $0xffff  }
0x174: {  	v25 =	vmul.f32 v25, v51;
	v29 =	vld.idx.msk [tilespmem:v29+s12+$0x0], $0xffff;
	v30 =	vadd.f32 v30, v56  }
0x175: {  	v59 =	vmul.f32 v24, v38;
	v31 =	vadd.f32 v31, v32;
	v61 =	vld.idx.msk [tilespmem:v53+s12+$0x0], $0xffff;
	v60 =	vmul.f32 v57, v36  }
0x176: {  	v26 =	vld.idx.msk [tilespmem:v26+s12+$0x0], $0xffff;
	v25 =	vadd.f32 v30, v25;
	v62 =	vmul.f32 v57, v54  }
0x177: {  	v28 =	vmul.f32 v28, v23;
	v63 =	vmul.f32 v59, v55;
	v27 =	vld.idx.msk [tilespmem:v27+s12+$0x0], $0xffff;
	v31 =	vadd.f32 v31, v60  }
0x178: {  	v36 =	vmul.f32 v59, v58;
	v25 =	vadd.f32 v25, v62  }
0x179: {  	v23 =	vmul.f32 v24, v23;
	v29 =	vmul.f32 v28, v29;
	v37 =	vadd.f32 v31, v63  }
0x17a: {  	v38 =	vor.u32 v3, v22;
	v28 =	vmul.f32 v28, v61;
	v25 =	vadd.f32 v25, v36  }
0x17b: {  	v39 =	vor.u32 v4, v22;
	v26 =	vmul.f32 v23, v26;
	v24 =	vadd.f32 v37, v29  }
0x17c: {  	v23 =	vmul.f32 v23, v27;
	v25 =	vadd.f32 v25, v28  }
0x17d: {  	v24 =	vadd.f32 v24, v26  }
0x17e: {  	v23 =	vadd.f32 v25, v23  }
0x17f: {  	[tilespmem:v38+s15+$0x0] =	vst.idx.msk $0xffff, v24  }
0x180: {  	[tilespmem:v39+s15+$0x0] =	vst.idx.msk $0xffff, v23  }
0x181: {  	v23 =	vld [tilespmem:$0x100]  }
0x182: {  	v24 =	vld [tilespmem:$0x110]  }
0x183: {  	v40 =	vld [tilespmem:$0x120];
	_ =	sdelay $0x3  }
0x184: {  	v23 =	vadd.f32 v23, v19;
	v24 =	vadd.f32 v24, v20  }
0x185: {  	v25 =	vadd.f32 v40, v21  }
0x186: {  	v23 =	vadd.f32 s0, v23;
	v24 =	vadd.f32 s1, v24  }
0x187: {  	v25 =	vadd.f32 s10, v25  }
0x188: {  	v23 =	vadd.f32 v23, v13;
	v24 =	vadd.f32 v24, v14  }
0x189: {  	v25 =	vadd.f32 v25, v15  }
0x18a: {  	v23 =	vadd.f32 $1.000000000e+00, v23;
	v24 =	vadd.f32 $1.000000000e+00, v24  }
0x18b: {  	v25 =	vadd.f32 $1.000000000e+00, v25  }
0x18c: {  	v23 =	vmul.f32 $5.000000000e-01, v23;
	v24 =	vmul.f32 $5.000000000e-01, v24  }
0x18d: {  	v25 =	vmul.f32 $5.000000000e-01, v25  }
0x18e: {  	v23 =	vmul.f32 $9.600000000e+01, v23;
	v24 =	vmul.f32 $9.600000000e+01, v24  }
0x18f: {  	v25 =	vmul.f32 $9.600000000e+01, v25  }
0x190: {  	v41 =	vtrunc.f32 v23;
	v43 =	vtrunc.f32 v24  }
0x191: {  	v44 =	vtrunc.f32 v25;
	v42 =	vcvt.f32.s32 v41  }
0x192: {  	vm4 =	vlt.f32 v23, v41;
	v45 =	vcvt.f32.s32 v44;
	vm5 =	vlt.f32 v25, v44  }
0x193: {  	v47 =	vcvt.f32.s32 v43;
	vm6 =	vlt.f32 v24, v43;
	v46 =	vsel vm4, $0xFFFFFFFF, v1  }
0x194: {  	v48 =	vsel vm5, $0xFFFFFFFF, v1;
	v28 =	vsel vm6, $0xFFFFFFFF, v1;
	v27 =	vadd.s32 v42, v46  }
0x195: {  	v26 =	vadd.s32 v45, v48;
	v28 =	vadd.s32 v47, v28;
	vm7 =	vgt.s32 v27, $0x0  }
0x196: {  	vm8 =	vgt.s32 v26, $0x0;
	vm9 =	vgt.s32 v28, $0x0;
	v49 =	vnsel vm7, $0x0, v27  }
0x197: {  	v51 =	vnsel vm8, $0x0, v26;
	v27 =	vadd.s32 $0x1, v27;
	v52 =	vnsel vm9, $0x0, v28  }
0x198: {  	v28 =	vadd.s32 $0x1, v28;
	v26 =	vadd.s32 $0x1, v26;
	v50 =	vmin.u32 v49, $0x5F  }
0x199: {  	v30 =	vmin.u32 v51, $0x5F;
	vm10 =	vgt.s32 v27, $0x0;
	v31 =	vmin.u32 v52, $0x5F  }
0x19a: {  	vm11 =	vgt.s32 v28, $0x0;
	vm12 =	vgt.s32 v26, $0x0;
	v53 =	vsub.s32 v30, v16  }
0x19b: {  	v27 =	vnsel vm10, $0x0, v27;
	v54 =	vsub.s32 v31, v17;
	v28 =	vnsel vm11, $0x0, v28  }
0x19c: {  	v26 =	vnsel vm12, $0x0, v26;
	v35 =	vand.u32 $0x78, v50;
	v37 =	vand.u32 $0x7, v50  }
0x19d: {  	v29 =	vcvt.s32.f32 v50;
	v31 =	vcvt.s32.f32 v31;
	v32 =	vmul.u32 $0x14, v53  }
0x19e: {  	v27 =	vmin.u32 v27, $0x5F;
	v28 =	vmin.u32 v28, $0x5F;
	v26 =	vmin.u32 v26, $0x5F  }
0x19f: {  	v56 =	vsub.s32 v28, v17;
	v28 =	vcvt.s32.f32 v28;
	v58 =	vcvt.s32.f32 v27  }
0x1a0: {  	v59 =	vcvt.s32.f32 v26;
	v30 =	vsub.s32 v26, v30;
	v26 =	vsub.s32 v26, v16  }
0x1a1: {  	v55 =	vadd.s32 v54, v32;
	v32 =	vadd.s32 v56, v32;
	v30 =	vcvt.s32.f32 v30  }
0x1a2: {  	v26 =	vmul.u32 $0x14, v26;
	v34 =	vmul.u32 $0xC0, v55;
	v28 =	vsub.f32 v28, v24  }
0x1a3: {  	v32 =	vmul.u32 $0xC0, v32;
	v25 =	vsub.f32 v59, v25;
	v24 =	vsub.f32 v24, v31  }
0x1a4: {  	v55 =	vand.u32 $0x78, v27;
	v27 =	vand.u32 $0x7, v27;
	v50 =	vadd.s32 v54, v26  }
0x1a5: {  	v26 =	vadd.s32 v56, v26;
	v57 =	vadd.s32 v35, v34;
	v63 =	vmul.f32 v25, v28  }
0x1a6: {  	v60 =	vadd.s32 v35, v32;
	v25 =	vmul.f32 v25, v24;
	v28 =	vmul.f32 v30, v28  }
0x1a7: {  	v24 =	vmul.f32 v30, v24;
	v52 =	vadd.s32 $0x60, v34;
	v38 =	vor.u32 v37, v57  }
0x1a8: {  	v54 =	vadd.s32 $0x60, v32;
	v34 =	vadd.s32 v55, v34;
	v61 =	vor.u32 v37, v60  }
0x1a9: {  	v32 =	vadd.s32 v55, v32;
	v26 =	vmul.u32 $0xC0, v26;
	v53 =	vadd.s32 v35, v52  }
0x1aa: {  	v56 =	vadd.s32 v35, v54;
	v34 =	vor.u32 v27, v34;
	v41 =	vor.u32 v37, v53  }
0x1ab: {  	v40 =	vadd.s32 v55, v52;
	v32 =	vor.u32 v27, v32;
	v44 =	vor.u32 v37, v56  }
0x1ac: {  	v42 =	vadd.s32 v55, v54;
	v40 =	vor.u32 v27, v40;
	v62 =	vld.idx.msk [tilespmem:v38+s12+$0x0], $0xffff;
	v38 =	vsub.f32 v58, v23  }
0x1ad: {  	v23 =	vsub.f32 v23, v29;
	v51 =	vld.idx.msk [tilespmem:v61+s12+$0x0], $0xffff;
	v29 =	vmul.u32 $0xC0, v50;
	v61 =	vadd.s32 v35, v26  }
0x1ae: {  	v42 =	vor.u32 v27, v42;
	v47 =	vor.u32 v37, v61;
	v30 =	vmul.f32 v63, v38  }
0x1af: {  	v41 =	vld.idx.msk [tilespmem:v41+s12+$0x0], $0xffff;
	v33 =	vmul.f32 v25, v38;
	v57 =	vadd.s32 v35, v29;
	v58 =	vadd.s32 $0x60, v29  }
0x1b0: {  	v44 =	vld.idx.msk [tilespmem:v44+s12+$0x0], $0xffff;
	v39 =	vmul.f32 v63, v23;
	v59 =	vor.u32 v37, v57;
	v60 =	vadd.s32 v35, v58  }
0x1b1: {  	v34 =	vld.idx.msk [tilespmem:v34+s12+$0x0], $0xffff;
	v45 =	vor.u32 v37, v60;
	v31 =	vmul.f32 v30, v62;
	v62 =	vadd.s32 $0x60, v26  }
0x1b2: {  	v40 =	vld.idx.msk [tilespmem:v40+s12+$0x0], $0xffff;
	v25 =	vmul.f32 v25, v23;
	v29 =	vadd.s32 v55, v29;
	v35 =	vadd.s32 v35, v62  }
0x1b3: {  	v32 =	vld.idx.msk [tilespmem:v32+s12+$0x0], $0xffff;
	v46 =	vadd.s32 v55, v58;
	v36 =	vmul.f32 v33, v51;
	v35 =	vor.u32 v37, v35  }
0x1b4: {  	v63 =	vld.idx.msk [tilespmem:v42+s12+$0x0], $0xffff;
	v29 =	vor.u32 v27, v29;
	v49 =	vor.u32 v27, v46;
	v26 =	vadd.s32 v55, v26  }
0x1b5: {  	v30 =	vmul.f32 v30, v41;
	v33 =	vmul.f32 v33, v44;
	v31 =	vadd.f32 v36, v31;
	v36 =	vld.idx.msk [tilespmem:v59+s12+$0x0], $0xffff  }
0x1b6: {  	v34 =	vmul.f32 v39, v34;
	v26 =	vor.u32 v27, v26;
	v43 =	vadd.s32 v55, v62;
	v50 =	vld.idx.msk [tilespmem:v45+s12+$0x0], $0xffff  }
0x1b7: {  	v51 =	vld.idx.msk [tilespmem:v47+s12+$0x0], $0xffff;
	v52 =	vmul.f32 v39, v40;
	v27 =	vor.u32 v27, v43;
	v30 =	vadd.f32 v33, v30  }
0x1b8: {  	v53 =	vmul.f32 v28, v38;
	v32 =	vmul.f32 v25, v32;
	v31 =	vadd.f32 v31, v34;
	v54 =	vld.idx.msk [tilespmem:v35+s12+$0x0], $0xffff  }
0x1b9: {  	v25 =	vmul.f32 v25, v63;
	v29 =	vld.idx.msk [tilespmem:v29+s12+$0x0], $0xffff;
	v30 =	vadd.f32 v30, v52  }
0x1ba: {  	v55 =	vmul.f32 v24, v38;
	v57 =	vld.idx.msk [tilespmem:v49+s12+$0x0], $0xffff;
	v31 =	vadd.f32 v31, v32;
	v56 =	vmul.f32 v53, v36  }
0x1bb: {  	v26 =	vld.idx.msk [tilespmem:v26+s12+$0x0], $0xffff;
	v25 =	vadd.f32 v30, v25;
	v58 =	vmul.f32 v53, v50  }
0x1bc: {  	v28 =	vmul.f32 v28, v23;
	v59 =	vmul.f32 v55, v51;
	v27 =	vld.idx.msk [tilespmem:v27+s12+$0x0], $0xffff;
	v31 =	vadd.f32 v31, v56  }
0x1bd: {  	v25 =	vadd.f32 v25, v58;
	v60 =	vmul.f32 v55, v54  }
0x1be: {  	v23 =	vmul.f32 v24, v23;
	v29 =	vmul.f32 v28, v29;
	v61 =	vadd.f32 v31, v59  }
0x1bf: {  	v62 =	vor.u32 v5, v22;
	v28 =	vmul.f32 v28, v57;
	v25 =	vadd.f32 v25, v60  }
0x1c0: {  	v63 =	vor.u32 v6, v22;
	v26 =	vmul.f32 v23, v26;
	v24 =	vadd.f32 v61, v29  }
0x1c1: {  	v23 =	vmul.f32 v23, v27;
	v25 =	vadd.f32 v25, v28  }
0x1c2: {  	v24 =	vadd.f32 v24, v26  }
0x1c3: {  	v23 =	vadd.f32 v25, v23  }
0x1c4: {  	[tilespmem:v62+s15+$0x0] =	vst.idx.msk $0xffff, v24  }
0x1c5: {  	[tilespmem:v63+s15+$0x0] =	vst.idx.msk $0xffff, v23  }
0x1c6: {  	v23 =	vld [tilespmem:$0x130]  }
0x1c7: {  	v24 =	vld [tilespmem:$0x140]  }
0x1c8: {  	v32 =	vld [tilespmem:$0x150];
	_ =	sdelay $0x3  }
0x1c9: {  	v23 =	vadd.f32 v23, v19;
	v24 =	vadd.f32 v24, v20  }
0x1ca: {  	v25 =	vadd.f32 v32, v21  }
0x1cb: {  	v23 =	vadd.f32 s0, v23;
	v24 =	vadd.f32 s1, v24  }
0x1cc: {  	v25 =	vadd.f32 s10, v25  }
0x1cd: {  	v23 =	vadd.f32 v23, v13;
	v24 =	vadd.f32 v24, v14  }
0x1ce: {  	v25 =	vadd.f32 v25, v15  }
0x1cf: {  	v23 =	vadd.f32 $1.000000000e+00, v23;
	v24 =	vadd.f32 $1.000000000e+00, v24  }
0x1d0: {  	v25 =	vadd.f32 $1.000000000e+00, v25  }
0x1d1: {  	v23 =	vmul.f32 $5.000000000e-01, v23;
	v24 =	vmul.f32 $5.000000000e-01, v24  }
0x1d2: {  	v25 =	vmul.f32 $5.000000000e-01, v25  }
0x1d3: {  	v23 =	vmul.f32 $9.600000000e+01, v23;
	v24 =	vmul.f32 $9.600000000e+01, v24  }
0x1d4: {  	v25 =	vmul.f32 $9.600000000e+01, v25  }
0x1d5: {  	v33 =	vtrunc.f32 v23;
	v35 =	vtrunc.f32 v24  }
0x1d6: {  	v36 =	vtrunc.f32 v25;
	v34 =	vcvt.f32.s32 v33  }
0x1d7: {  	vm13 =	vlt.f32 v23, v33;
	v37 =	vcvt.f32.s32 v36;
	vm14 =	vlt.f32 v25, v36  }
0x1d8: {  	v39 =	vcvt.f32.s32 v35;
	vm15 =	vlt.f32 v24, v35;
	v38 =	vsel vm13, $0xFFFFFFFF, v1  }
0x1d9: {  	v40 =	vsel vm14, $0xFFFFFFFF, v1;
	v28 =	vsel vm15, $0xFFFFFFFF, v1;
	v27 =	vadd.s32 v34, v38  }
0x1da: {  	v26 =	vadd.s32 v37, v40;
	v28 =	vadd.s32 v39, v28;
	vm4 =	vgt.s32 v27, $0x0  }
0x1db: {  	vm5 =	vgt.s32 v26, $0x0;
	vm6 =	vgt.s32 v28, $0x0;
	v41 =	vnsel vm4, $0x0, v27  }
0x1dc: {  	v43 =	vnsel vm5, $0x0, v26;
	v27 =	vadd.s32 $0x1, v27;
	v44 =	vnsel vm6, $0x0, v28  }
0x1dd: {  	v28 =	vadd.s32 $0x1, v28;
	v26 =	vadd.s32 $0x1, v26;
	v42 =	vmin.u32 v41, $0x5F  }
0x1de: {  	v30 =	vmin.u32 v43, $0x5F;
	vm7 =	vgt.s32 v27, $0x0;
	v31 =	vmin.u32 v44, $0x5F  }
0x1df: {  	vm8 =	vgt.s32 v28, $0x0;
	vm9 =	vgt.s32 v26, $0x0;
	v45 =	vsub.s32 v30, v16  }
0x1e0: {  	v27 =	vnsel vm7, $0x0, v27;
	v46 =	vsub.s32 v31, v17;
	v28 =	vnsel vm8, $0x0, v28  }
0x1e1: {  	v26 =	vnsel vm9, $0x0, v26;
	v35 =	vand.u32 $0x78, v42;
	v37 =	vand.u32 $0x7, v42  }
0x1e2: {  	v29 =	vcvt.s32.f32 v42;
	v31 =	vcvt.s32.f32 v31;
	v32 =	vmul.u32 $0x14, v45  }
0x1e3: {  	v27 =	vmin.u32 v27, $0x5F;
	v28 =	vmin.u32 v28, $0x5F;
	v26 =	vmin.u32 v26, $0x5F  }
0x1e4: {  	v48 =	vsub.s32 v28, v17;
	v28 =	vcvt.s32.f32 v28;
	v50 =	vcvt.s32.f32 v27  }
0x1e5: {  	v51 =	vcvt.s32.f32 v26;
	v30 =	vsub.s32 v26, v30;
	v26 =	vsub.s32 v26, v16  }
0x1e6: {  	v60 =	vand.u32 $0x78, v27;
	v27 =	vand.u32 $0x7, v27;
	v47 =	vadd.s32 v46, v32  }
0x1e7: {  	v32 =	vadd.s32 v48, v32;
	v30 =	vcvt.s32.f32 v30;
	v26 =	vmul.u32 $0x14, v26  }
0x1e8: {  	v34 =	vmul.u32 $0xC0, v47;
	v28 =	vsub.f32 v28, v24;
	v25 =	vsub.f32 v51, v25  }
0x1e9: {  	v32 =	vmul.u32 $0xC0, v32;
	v24 =	vsub.f32 v24, v31;
	v55 =	vadd.s32 v46, v26  }
0x1ea: {  	v26 =	vadd.s32 v48, v26;
	v49 =	vadd.s32 v35, v34;
	v39 =	vmul.f32 v25, v28  }
0x1eb: {  	v52 =	vadd.s32 v35, v32;
	v25 =	vmul.f32 v25, v24;
	v28 =	vmul.f32 v30, v28  }
0x1ec: {  	v24 =	vmul.f32 v30, v24;
	v57 =	vadd.s32 $0x60, v34;
	v38 =	vor.u32 v37, v49  }
0x1ed: {  	v59 =	vadd.s32 $0x60, v32;
	v34 =	vadd.s32 v60, v34;
	v32 =	vadd.s32 v60, v32  }
0x1ee: {  	v26 =	vmul.u32 $0xC0, v26;
	v53 =	vor.u32 v37, v52;
	v58 =	vadd.s32 v35, v57  }
0x1ef: {  	v61 =	vadd.s32 v35, v59;
	v34 =	vor.u32 v27, v34;
	v41 =	vor.u32 v37, v58  }
0x1f0: {  	v40 =	vadd.s32 v60, v57;
	v32 =	vor.u32 v27, v32;
	v44 =	vor.u32 v37, v61  }
0x1f1: {  	v42 =	vadd.s32 v60, v59;
	v40 =	vor.u32 v27, v40;
	v54 =	vld.idx.msk [tilespmem:v38+s12+$0x0], $0xffff;
	v38 =	vsub.f32 v50, v23  }
0x1f2: {  	v23 =	vsub.f32 v23, v29;
	v29 =	vmul.u32 $0xC0, v55;
	v55 =	vadd.s32 $0x60, v26  }
0x1f3: {  	v42 =	vor.u32 v27, v42;
	v56 =	vld.idx.msk [tilespmem:v53+s12+$0x0], $0xffff;
	v43 =	vadd.s32 v60, v55;
	v30 =	vmul.f32 v39, v38  }
0x1f4: {  	v41 =	vld.idx.msk [tilespmem:v41+s12+$0x0], $0xffff;
	v33 =	vmul.f32 v25, v38;
	v62 =	vadd.s32 v35, v29;
	v63 =	vadd.s32 $0x60, v29  }
0x1f5: {  	v44 =	vld.idx.msk [tilespmem:v44+s12+$0x0], $0xffff;
	v39 =	vmul.f32 v39, v23;
	v52 =	vor.u32 v37, v62;
	v53 =	vadd.s32 v35, v63  }
0x1f6: {  	v34 =	vld.idx.msk [tilespmem:v34+s12+$0x0], $0xffff;
	v45 =	vor.u32 v37, v53;
	v31 =	vmul.f32 v30, v54;
	v54 =	vadd.s32 v35, v26  }
0x1f7: {  	v40 =	vld.idx.msk [tilespmem:v40+s12+$0x0], $0xffff;
	v29 =	vadd.s32 v60, v29;
	v35 =	vadd.s32 v35, v55;
	v47 =	vor.u32 v37, v54  }
0x1f8: {  	v32 =	vld.idx.msk [tilespmem:v32+s12+$0x0], $0xffff;
	v57 =	vadd.s32 v60, v63;
	v36 =	vmul.f32 v33, v56;
	v35 =	vor.u32 v37, v35  }
0x1f9: {  	v29 =	vor.u32 v27, v29;
	v58 =	vor.u32 v27, v57;
	v26 =	vadd.s32 v60, v26;
	v56 =	vld.idx.msk [tilespmem:v42+s12+$0x0], $0xffff  }
0x1fa: {  	v30 =	vmul.f32 v30, v41;
	v33 =	vmul.f32 v33, v44;
	v31 =	vadd.f32 v36, v31;
	v36 =	vld.idx.msk [tilespmem:v52+s12+$0x0], $0xffff  }
0x1fb: {  	v25 =	vmul.f32 v25, v23;
	v34 =	vmul.f32 v39, v34;
	v26 =	vor.u32 v27, v26;
	v59 =	vld.idx.msk [tilespmem:v45+s12+$0x0], $0xffff  }
0x1fc: {  	v61 =	vmul.f32 v39, v40;
	v27 =	vor.u32 v27, v43;
	v30 =	vadd.f32 v33, v30;
	v60 =	vld.idx.msk [tilespmem:v47+s12+$0x0], $0xffff  }
0x1fd: {  	v62 =	vmul.f32 v28, v38;
	v32 =	vmul.f32 v25, v32;
	v31 =	vadd.f32 v31, v34;
	v63 =	vld.idx.msk [tilespmem:v35+s12+$0x0], $0xffff  }
0x1fe: {  	v29 =	vld.idx.msk [tilespmem:v29+s12+$0x0], $0xffff;
	v30 =	vadd.f32 v30, v61;
	v25 =	vmul.f32 v25, v56  }
0x1ff: {  	v38 =	vmul.f32 v24, v38;
	v41 =	vld.idx.msk [tilespmem:v58+s12+$0x0], $0xffff;
	v31 =	vadd.f32 v31, v32;
	v40 =	vmul.f32 v62, v36  }
0x200: {  	v26 =	vld.idx.msk [tilespmem:v26+s12+$0x0], $0xffff;
	v25 =	vadd.f32 v30, v25;
	v43 =	vmul.f32 v62, v59  }
0x201: {  	v28 =	vmul.f32 v28, v23;
	v27 =	vld.idx.msk [tilespmem:v27+s12+$0x0], $0xffff;
	v31 =	vadd.f32 v31, v40;
	v44 =	vmul.f32 v38, v60  }
0x202: {  	v25 =	vadd.f32 v25, v43;
	v45 =	vmul.f32 v38, v63  }
0x203: {  	v23 =	vmul.f32 v24, v23;
	v29 =	vmul.f32 v28, v29;
	v46 =	vadd.f32 v31, v44  }
0x204: {  	v47 =	vor.u32 v7, v22;
	v28 =	vmul.f32 v28, v41;
	v25 =	vadd.f32 v25, v45  }
0x205: {  	v48 =	vor.u32 v8, v22;
	v26 =	vmul.f32 v23, v26;
	v24 =	vadd.f32 v46, v29  }
0x206: {  	v23 =	vmul.f32 v23, v27;
	v25 =	vadd.f32 v25, v28  }
0x207: {  	v24 =	vadd.f32 v24, v26  }
0x208: {  	v23 =	vadd.f32 v25, v23  }
0x209: {  	[tilespmem:v47+s15+$0x0] =	vst.idx.msk $0xffff, v24  }
0x20a: {  	[tilespmem:v48+s15+$0x0] =	vst.idx.msk $0xffff, v23  }
0x20b: {  	v23 =	vld [tilespmem:$0x160]  }
0x20c: {  	v24 =	vld [tilespmem:$0x170]  }
0x20d: {  	v49 =	vld [tilespmem:$0x180];
	_ =	sdelay $0x3  }
0x20e: {  	v23 =	vadd.f32 v23, v19;
	v24 =	vadd.f32 v24, v20  }
0x20f: {  	v25 =	vadd.f32 v49, v21  }
0x210: {  	v23 =	vadd.f32 s0, v23;
	v24 =	vadd.f32 s1, v24  }
0x211: {  	v25 =	vadd.f32 s10, v25  }
0x212: {  	v23 =	vadd.f32 v23, v13;
	v24 =	vadd.f32 v24, v14  }
0x213: {  	v25 =	vadd.f32 v25, v15  }
0x214: {  	v23 =	vadd.f32 $1.000000000e+00, v23;
	v24 =	vadd.f32 $1.000000000e+00, v24  }
0x215: {  	v25 =	vadd.f32 $1.000000000e+00, v25  }
0x216: {  	v23 =	vmul.f32 $5.000000000e-01, v23;
	v24 =	vmul.f32 $5.000000000e-01, v24  }
0x217: {  	v25 =	vmul.f32 $5.000000000e-01, v25  }
0x218: {  	v23 =	vmul.f32 $9.600000000e+01, v23;
	v24 =	vmul.f32 $9.600000000e+01, v24  }
0x219: {  	v25 =	vmul.f32 $9.600000000e+01, v25  }
0x21a: {  	v50 =	vtrunc.f32 v23;
	v52 =	vtrunc.f32 v24  }
0x21b: {  	v53 =	vtrunc.f32 v25;
	v51 =	vcvt.f32.s32 v50  }
0x21c: {  	vm10 =	vlt.f32 v23, v50;
	v54 =	vcvt.f32.s32 v53;
	vm11 =	vlt.f32 v25, v53  }
0x21d: {  	v56 =	vcvt.f32.s32 v52;
	vm12 =	vlt.f32 v24, v52;
	v55 =	vsel vm10, $0xFFFFFFFF, v1  }
0x21e: {  	v57 =	vsel vm11, $0xFFFFFFFF, v1;
	v28 =	vsel vm12, $0xFFFFFFFF, v1;
	v27 =	vadd.s32 v51, v55  }
0x21f: {  	v26 =	vadd.s32 v54, v57;
	v28 =	vadd.s32 v56, v28;
	vm13 =	vgt.s32 v27, $0x0  }
0x220: {  	vm14 =	vgt.s32 v26, $0x0;
	vm15 =	vgt.s32 v28, $0x0;
	v58 =	vnsel vm13, $0x0, v27  }
0x221: {  	v60 =	vnsel vm14, $0x0, v26;
	v27 =	vadd.s32 $0x1, v27;
	v61 =	vnsel vm15, $0x0, v28  }
0x222: {  	v28 =	vadd.s32 $0x1, v28;
	v26 =	vadd.s32 $0x1, v26;
	v59 =	vmin.u32 v58, $0x5F  }
0x223: {  	v30 =	vmin.u32 v60, $0x5F;
	vm4 =	vgt.s32 v27, $0x0;
	v31 =	vmin.u32 v61, $0x5F  }
0x224: {  	vm5 =	vgt.s32 v28, $0x0;
	vm6 =	vgt.s32 v26, $0x0;
	v62 =	vsub.s32 v30, v16  }
0x225: {  	v27 =	vnsel vm4, $0x0, v27;
	v63 =	vsub.s32 v31, v17;
	v28 =	vnsel vm5, $0x0, v28  }
0x226: {  	v26 =	vnsel vm6, $0x0, v26;
	v35 =	vand.u32 $0x78, v59;
	v37 =	vand.u32 $0x7, v59  }
0x227: {  	v29 =	vcvt.s32.f32 v59;
	v31 =	vcvt.s32.f32 v31;
	v32 =	vmul.u32 $0x14, v62  }
0x228: {  	v27 =	vmin.u32 v27, $0x5F;
	v28 =	vmin.u32 v28, $0x5F;
	v26 =	vmin.u32 v26, $0x5F  }
0x229: {  	v45 =	vsub.s32 v28, v17;
	v28 =	vcvt.s32.f32 v28;
	v47 =	vcvt.s32.f32 v27  }
0x22a: {  	v48 =	vcvt.s32.f32 v26;
	v30 =	vsub.s32 v26, v30;
	v26 =	vsub.s32 v26, v16  }
0x22b: {  	v57 =	vand.u32 $0x78, v27;
	v27 =	vand.u32 $0x7, v27;
	v44 =	vadd.s32 v63, v32  }
0x22c: {  	v32 =	vadd.s32 v45, v32;
	v30 =	vcvt.s32.f32 v30;
	v26 =	vmul.u32 $0x14, v26  }
0x22d: {  	v34 =	vmul.u32 $0xC0, v44;
	v28 =	vsub.f32 v28, v24;
	v25 =	vsub.f32 v48, v25  }
0x22e: {  	v32 =	vmul.u32 $0xC0, v32;
	v24 =	vsub.f32 v24, v31;
	v52 =	vadd.s32 v63, v26  }
0x22f: {  	v26 =	vadd.s32 v45, v26;
	v46 =	vadd.s32 v35, v34;
	v39 =	vmul.f32 v25, v28  }
0x230: {  	v49 =	vadd.s32 v35, v32;
	v25 =	vmul.f32 v25, v24;
	v28 =	vmul.f32 v30, v28  }
0x231: {  	v24 =	vmul.f32 v30, v24;
	v54 =	vadd.s32 $0x60, v34;
	v56 =	vadd.s32 $0x60, v32  }
0x232: {  	v34 =	vadd.s32 v57, v34;
	v32 =	vadd.s32 v57, v32;
	v38 =	vor.u32 v37, v46  }
0x233: {  	v26 =	vmul.u32 $0xC0, v26;
	v50 =	vor.u32 v37, v49;
	v55 =	vadd.s32 v35, v54  }
0x234: {  	v58 =	vadd.s32 v35, v56;
	v34 =	vor.u32 v27, v34;
	v41 =	vor.u32 v37, v55  }
0x235: {  	v40 =	vadd.s32 v57, v54;
	v32 =	vor.u32 v27, v32;
	v44 =	vor.u32 v37, v58  }
0x236: {  	v42 =	vadd.s32 v57, v56;
	v40 =	vor.u32 v27, v40;
	v63 =	vadd.s32 v35, v26  }
0x237: {  	v51 =	vld.idx.msk [tilespmem:v38+s12+$0x0], $0xffff;
	v38 =	vsub.f32 v47, v23;
	v23 =	vsub.f32 v23, v29;
	v29 =	vmul.u32 $0xC0, v52  }
0x238: {  	v42 =	vor.u32 v27, v42;
	v53 =	vld.idx.msk [tilespmem:v50+s12+$0x0], $0xffff;
	v52 =	vadd.s32 $0x60, v26;
	v47 =	vor.u32 v37, v63  }
0x239: {  	v26 =	vadd.s32 v57, v26;
	v41 =	vld.idx.msk [tilespmem:v41+s12+$0x0], $0xffff;
	v59 =	vadd.s32 v35, v29;
	v60 =	vadd.s32 $0x60, v29  }
0x23a: {  	v44 =	vld.idx.msk [tilespmem:v44+s12+$0x0], $0xffff;
	v26 =	vor.u32 v27, v26;
	v61 =	vor.u32 v37, v59;
	v62 =	vadd.s32 v35, v60  }
0x23b: {  	v34 =	vld.idx.msk [tilespmem:v34+s12+$0x0], $0xffff;
	v30 =	vmul.f32 v39, v38;
	v33 =	vmul.f32 v25, v38;
	v45 =	vor.u32 v37, v62  }
0x23c: {  	v40 =	vld.idx.msk [tilespmem:v40+s12+$0x0], $0xffff;
	v29 =	vadd.s32 v57, v29;
	v35 =	vadd.s32 v35, v52;
	v54 =	vadd.s32 v57, v60  }
0x23d: {  	v32 =	vld.idx.msk [tilespmem:v32+s12+$0x0], $0xffff;
	v35 =	vor.u32 v37, v35;
	v31 =	vmul.f32 v30, v51;
	v36 =	vmul.f32 v33, v53  }
0x23e: {  	v39 =	vmul.f32 v39, v23;
	v29 =	vor.u32 v27, v29;
	v55 =	vor.u32 v27, v54;
	v53 =	vld.idx.msk [tilespmem:v42+s12+$0x0], $0xffff  }
0x23f: {  	v30 =	vmul.f32 v30, v41;
	v33 =	vmul.f32 v33, v44;
	v31 =	vadd.f32 v36, v31;
	v36 =	vld.idx.msk [tilespmem:v61+s12+$0x0], $0xffff  }
0x240: {  	v43 =	vadd.s32 v57, v52;
	v25 =	vmul.f32 v25, v23;
	v34 =	vmul.f32 v39, v34;
	v56 =	vld.idx.msk [tilespmem:v45+s12+$0x0], $0xffff  }
0x241: {  	v27 =	vor.u32 v27, v43;
	v57 =	vld.idx.msk [tilespmem:v47+s12+$0x0], $0xffff;
	v58 =	vmul.f32 v39, v40;
	v30 =	vadd.f32 v33, v30  }
0x242: {  	v59 =	vmul.f32 v28, v38;
	v32 =	vmul.f32 v25, v32;
	v31 =	vadd.f32 v31, v34;
	v60 =	vld.idx.msk [tilespmem:v35+s12+$0x0], $0xffff  }
0x243: {  	v29 =	vld.idx.msk [tilespmem:v29+s12+$0x0], $0xffff;
	v30 =	vadd.f32 v30, v58;
	v25 =	vmul.f32 v25, v53  }
0x244: {  	v61 =	vmul.f32 v24, v38;
	v63 =	vld.idx.msk [tilespmem:v55+s12+$0x0], $0xffff;
	v31 =	vadd.f32 v31, v32;
	v62 =	vmul.f32 v59, v36  }
0x245: {  	v26 =	vld.idx.msk [tilespmem:v26+s12+$0x0], $0xffff;
	v25 =	vadd.f32 v30, v25;
	v36 =	vmul.f32 v59, v56  }
0x246: {  	v28 =	vmul.f32 v28, v23;
	v27 =	vld.idx.msk [tilespmem:v27+s12+$0x0], $0xffff;
	v37 =	vmul.f32 v61, v57;
	v31 =	vadd.f32 v31, v62  }
0x247: {  	v38 =	vmul.f32 v61, v60;
	v25 =	vadd.f32 v25, v36  }
0x248: {  	v23 =	vmul.f32 v24, v23;
	v29 =	vmul.f32 v28, v29;
	v39 =	vadd.f32 v31, v37  }
0x249: {  	v40 =	vor.u32 v9, v22;
	v28 =	vmul.f32 v28, v63;
	v25 =	vadd.f32 v25, v38  }
0x24a: {  	v41 =	vor.u32 v10, v22;
	v26 =	vmul.f32 v23, v26;
	v24 =	vadd.f32 v39, v29  }
0x24b: {  	v23 =	vmul.f32 v23, v27;
	v25 =	vadd.f32 v25, v28  }
0x24c: {  	v24 =	vadd.f32 v24, v26  }
0x24d: {  	v23 =	vadd.f32 v25, v23  }
0x24e: {  	[tilespmem:v40+s15+$0x0] =	vst.idx.msk $0xffff, v24  }
0x24f: {  	[tilespmem:v41+s15+$0x0] =	vst.idx.msk $0xffff, v23  }
0x250: {  	v23 =	vld [tilespmem:$0x190]  }
0x251: {  	v24 =	vld [tilespmem:$0x1A0]  }
0x252: {  	v42 =	vld [tilespmem:$0x1B0];
	_ =	sdelay $0x3  }
0x253: {  	v23 =	vadd.f32 v23, v19;
	v24 =	vadd.f32 v24, v20  }
0x254: {  	v25 =	vadd.f32 v42, v21  }
0x255: {  	v23 =	vadd.f32 s0, v23;
	v24 =	vadd.f32 s1, v24  }
0x256: {  	v25 =	vadd.f32 s10, v25  }
0x257: {  	v23 =	vadd.f32 v23, v13;
	v24 =	vadd.f32 v24, v14  }
0x258: {  	v25 =	vadd.f32 v25, v15  }
0x259: {  	v23 =	vadd.f32 $1.000000000e+00, v23;
	v24 =	vadd.f32 $1.000000000e+00, v24  }
0x25a: {  	v25 =	vadd.f32 $1.000000000e+00, v25  }
0x25b: {  	v23 =	vmul.f32 $5.000000000e-01, v23;
	v24 =	vmul.f32 $5.000000000e-01, v24  }
0x25c: {  	v25 =	vmul.f32 $5.000000000e-01, v25  }
0x25d: {  	v23 =	vmul.f32 $9.600000000e+01, v23;
	v24 =	vmul.f32 $9.600000000e+01, v24  }
0x25e: {  	v25 =	vmul.f32 $9.600000000e+01, v25  }
0x25f: {  	v43 =	vtrunc.f32 v23;
	v45 =	vtrunc.f32 v24  }
0x260: {  	v47 =	vtrunc.f32 v25;
	v44 =	vcvt.f32.s32 v43  }
0x261: {  	v46 =	vcvt.f32.s32 v45;
	v48 =	vcvt.f32.s32 v47;
	vm7 =	vlt.f32 v23, v43  }
0x262: {  	vm8 =	vlt.f32 v24, v45;
	vm9 =	vlt.f32 v25, v47;
	v26 =	vsel vm7, $0xFFFFFFFF, v1  }
0x263: {  	v28 =	vsel vm8, $0xFFFFFFFF, v1;
	v50 =	vsel vm9, $0xFFFFFFFF, v1;
	v26 =	vadd.s32 v44, v26  }
0x264: {  	v49 =	vadd.s32 v46, v28;
	v28 =	vadd.s32 v48, v50;
	vm10 =	vgt.s32 v26, $0x0  }
0x265: {  	v51 =	vadd.s32 $0x1, v26;
	vm12 =	vgt.s32 v49, $0x0;
	vm13 =	vgt.s32 v28, $0x0  }
0x266: {  	v27 =	vadd.s32 $0x1, v49;
	v26 =	vnsel vm10, $0x0, v26;
	vm11 =	vgt.s32 v51, $0x0  }
0x267: {  	v52 =	vnsel vm12, $0x0, v49;
	v31 =	vnsel vm13, $0x0, v28;
	vm14 =	vgt.s32 v27, $0x0  }
0x268: {  	v28 =	vadd.s32 $0x1, v28;
	v29 =	vnsel vm11, $0x0, v51;
	v26 =	vmin.u32 v26, $0x5F  }
0x269: {  	v30 =	vmin.u32 v52, $0x5F;
	v31 =	vmin.u32 v31, $0x5F;
	v27 =	vnsel vm14, $0x0, v27  }
0x26a: {  	vm15 =	vgt.s32 v28, $0x0;
	v29 =	vmin.u32 v29, $0x5F;
	v53 =	vsub.s32 v31, v16  }
0x26b: {  	v27 =	vmin.u32 v27, $0x5F;
	v28 =	vnsel vm15, $0x0, v28;
	v54 =	vsub.s32 v30, v17  }
0x26c: {  	v55 =	vcvt.s32.f32 v26;
	v30 =	vcvt.s32.f32 v30;
	v37 =	vand.u32 $0x78, v26  }
0x26d: {  	v26 =	vand.u32 $0x7, v26;
	v32 =	vmul.u32 $0x14, v53;
	v28 =	vmin.u32 v28, $0x5F  }
0x26e: {  	v57 =	vsub.s32 v27, v17;
	v27 =	vcvt.s32.f32 v27;
	v59 =	vcvt.s32.f32 v29  }
0x26f: {  	v60 =	vcvt.s32.f32 v28;
	v30 =	vsub.f32 v24, v30;
	v31 =	vsub.s32 v28, v31  }
0x270: {  	v34 =	vsub.f32 v23, v55;
	v28 =	vsub.s32 v28, v16;
	v56 =	vadd.s32 v54, v32  }
0x271: {  	v32 =	vadd.s32 v57, v32;
	v24 =	vsub.f32 v27, v24;
	v28 =	vmul.u32 $0x14, v28  }
0x272: {  	v31 =	vcvt.s32.f32 v31;
	v23 =	vsub.f32 v59, v23;
	v35 =	vmul.u32 $0xC0, v56  }
0x273: {  	v32 =	vmul.u32 $0xC0, v32;
	v25 =	vsub.f32 v60, v25;
	v33 =	vadd.s32 v54, v28  }
0x274: {  	v28 =	vadd.s32 v57, v28;
	v54 =	vand.u32 $0x78, v29;
	v29 =	vand.u32 $0x7, v29  }
0x275: {  	v58 =	vadd.s32 v37, v35;
	v61 =	vadd.s32 v37, v32;
	v62 =	vmul.f32 v25, v24  }
0x276: {  	v25 =	vmul.f32 v25, v30;
	v24 =	vmul.f32 v31, v24;
	v63 =	vadd.s32 $0x60, v35  }
0x277: {  	v49 =	vadd.s32 $0x60, v32;
	v30 =	vmul.f32 v31, v30;
	v38 =	vor.u32 v26, v58  }
0x278: {  	v35 =	vadd.s32 v54, v35;
	v27 =	vor.u32 v26, v61;
	v48 =	vadd.s32 v37, v63  }
0x279: {  	v33 =	vmul.u32 $0xC0, v33;
	v51 =	vadd.s32 v37, v49;
	v50 =	vor.u32 v26, v48  }
0x27a: {  	v32 =	vadd.s32 v54, v32;
	v28 =	vmul.u32 $0xC0, v28;
	v41 =	vor.u32 v26, v51  }
0x27b: {  	v35 =	vor.u32 v29, v35;
	v40 =	vadd.s32 v54, v63;
	v32 =	vor.u32 v29, v32  }
0x27c: {  	v42 =	vadd.s32 v54, v49;
	v52 =	vmul.f32 v62, v23;
	v40 =	vor.u32 v29, v40;
	v38 =	vld.idx.msk [tilespmem:v38+s12+$0x0], $0xffff  }
0x27d: {  	v53 =	vmul.f32 v25, v23;
	v55 =	vadd.s32 v37, v33;
	v42 =	vor.u32 v29, v42;
	v27 =	vld.idx.msk [tilespmem:v27+s12+$0x0], $0xffff  }
0x27e: {  	v56 =	vadd.s32 $0x60, v33;
	v59 =	vadd.s32 v37, v28;
	v60 =	vadd.s32 $0x60, v28;
	v31 =	vld.idx.msk [tilespmem:v50+s12+$0x0], $0xffff  }
0x27f: {  	v33 =	vadd.s32 v54, v33;
	v57 =	vor.u32 v26, v55;
	v58 =	vadd.s32 v37, v56;
	v41 =	vld.idx.msk [tilespmem:v41+s12+$0x0], $0xffff  }
0x280: {  	v62 =	vmul.f32 v62, v34;
	v28 =	vadd.s32 v54, v28;
	v45 =	vor.u32 v26, v58;
	v35 =	vld.idx.msk [tilespmem:v35+s12+$0x0], $0xffff  }
0x281: {  	v25 =	vmul.f32 v25, v34;
	v61 =	vor.u32 v26, v59;
	v37 =	vadd.s32 v37, v60;
	v40 =	vld.idx.msk [tilespmem:v40+s12+$0x0], $0xffff  }
0x282: {  	v26 =	vor.u32 v26, v37;
	v32 =	vld.idx.msk [tilespmem:v32+s12+$0x0], $0xffff;
	v38 =	vmul.f32 v52, v38;
	v27 =	vmul.f32 v53, v27  }
0x283: {  	v33 =	vor.u32 v29, v33;
	v49 =	vadd.s32 v54, v56;
	v63 =	vld.idx.msk [tilespmem:v42+s12+$0x0], $0xffff;
	v31 =	vmul.f32 v52, v31  }
0x284: {  	v36 =	vmul.f32 v53, v41;
	v41 =	vor.u32 v29, v49;
	v27 =	vadd.f32 v27, v38;
	v38 =	vld.idx.msk [tilespmem:v57+s12+$0x0], $0xffff  }
0x285: {  	v28 =	vor.u32 v29, v28;
	v50 =	vadd.s32 v54, v60;
	v51 =	vld.idx.msk [tilespmem:v45+s12+$0x0], $0xffff;
	v35 =	vmul.f32 v62, v35  }
0x286: {  	v52 =	vmul.f32 v62, v40;
	v29 =	vor.u32 v29, v50;
	v53 =	vld.idx.msk [tilespmem:v61+s12+$0x0], $0xffff;
	v31 =	vadd.f32 v36, v31  }
0x287: {  	v54 =	vmul.f32 v24, v23;
	v26 =	vld.idx.msk [tilespmem:v26+s12+$0x0], $0xffff;
	v32 =	vmul.f32 v25, v32;
	v27 =	vadd.f32 v27, v35  }
0x288: {  	v33 =	vld.idx.msk [tilespmem:v33+s12+$0x0], $0xffff;
	v25 =	vmul.f32 v25, v63;
	v31 =	vadd.f32 v31, v52  }
0x289: {  	v23 =	vmul.f32 v30, v23;
	v27 =	vadd.f32 v27, v32;
	v56 =	vld.idx.msk [tilespmem:v41+s12+$0x0], $0xffff;
	v55 =	vmul.f32 v54, v38  }
0x28a: {  	v28 =	vld.idx.msk [tilespmem:v28+s12+$0x0], $0xffff;
	v57 =	vmul.f32 v54, v51;
	v25 =	vadd.f32 v31, v25  }
0x28b: {  	v24 =	vmul.f32 v24, v34;
	v58 =	vmul.f32 v23, v53;
	v29 =	vld.idx.msk [tilespmem:v29+s12+$0x0], $0xffff;
	v27 =	vadd.f32 v27, v55  }
0x28c: {  	v23 =	vmul.f32 v23, v26;
	v25 =	vadd.f32 v25, v57  }
0x28d: {  	v59 =	vmul.f32 v30, v34;
	v60 =	vmul.f32 v24, v33;
	v27 =	vadd.f32 v27, v58  }
0x28e: {  	v61 =	vor.u32 v11, v22;
	v23 =	vadd.f32 v25, v23;
	v24 =	vmul.f32 v24, v56  }
0x28f: {  	p0 =	sne.s32 s31, $0xF;
	v22 =	vor.u32 v12, v22;
	v28 =	vmul.f32 v59, v28;
	v27 =	vadd.f32 v27, v60  }
.Ltmp0:
0x290: {  	v62 =	vmul.f32 v59, v29;
	v23 =	vadd.f32 v23, v24;
	(pc) =	sbr.rel @p0 .LBB2_4-.Ltmp0, $4  }
0x291: {  	v63 =	vadd.f32 v27, v28  }
0x292: {  	v23 =	vadd.f32 v23, v62  }
0x293: {  	[tilespmem:v61+s15+$0x0] =	vst.idx.msk $0xffff, v63  }
0x294: {  	s29 =	sadd.s32 $0x1, s29;
	s31 =	sadd.s32 $0x1, s31;
	[tilespmem:v22+s15+$0x0] =	vst.idx.msk $0xffff, v23  }
0x295: {  	s0 =	sadd.s32 s20, s21  }
0x296: {  	s0 =	smul.u32 $0x4800, s0;
	_ =	sdelay $0x1  }
0x297: {  	s21 =	sadd.s32 $0x1, s21;
	s0 =	sadd.s32 s19, s0  }
0x298: {  	p0 =	sne.s32 s21, $0x8;
	s0 =	sshrl.u32 s0, $0x3  }
.Ltmp1:
0x299: {  	s0 =	sadd.s32 s6, s0;
	(pc) =	sbr.rel @p0 .LBB2_3-.Ltmp1, $4  }
0x29a: {  	[hbm4b:s0+s16] =	stream.strided.scatter [tilespmem:s15], [sflag:$0x2], $0xC00, s17, s16, $0x38;
	[tilespmem:$0x1B230] =	vst v63  }
0x29b: {  	_ =	swait.ge [sflag:s9], $0xC00  }
0x29c: {  	[sflag:s9] =	ssyncset.done $0x0  }
0x29d: {  	[sflag:s9] =	ssyncadd.s32 $0xFFFFF400  }
0x29e: {  	s18 =	sadd.s32 $0x1, s18  }
0x29f: {  	p0 =	sne.s32 s18, $0x9  }
.Ltmp2:
0x2a0: {  	_ = 	snop;
	(pc) =	sbr.rel @p0 .LBB2_2-.Ltmp2, $1  }
0x2a1: {  	_ =	sdelay $0x3  }
0x2a2: {  	s1 =	rddreg [dreg:$0x6]  }
0x2a3: {  	s0 =	rddreg [dreg:$0x5];
	s1 =	sadd.s32 $0x1, s1  }
0x2a4: {  	p0 =	sne.s32 s1, s0  }
.Ltmp3:
0x2a5: {  	_ = 	snop;
	(pc) =	sbr.rel @p0 .LBB2_1-.Ltmp3, $1  }
0x2a6: {  	_ =	sdelay $0x3  }
0x2a7: {  	_ =	sfence.sel $0x180000  }
0x2a8: {  	[bflag:$0x0] =	sbarrier.arrive $0xFFFF  }
0x2a9: {  	_ =	strace $0x90000047  }
0x2aa: {  	s0 =	stileid.u32;
	[bflag:$0x2] =	sbarrier.arrive $0xFFFF  }
0x2ab: {  	p0 =	sne.s32 s0, $0x0;
	s0 =	rddreg [dreg:$0x2]  }
0x2ac: {  	s0 =	sadd.s32 @!p0 $0x100000, s0  }
0x2ad: {  	[sflag:s0] =	ssyncadd.tile.s32 @!p0 $0x1;
	_ =	shalt  }
.Lfunc_end2:
_tile_overlayer_lowered:
.L_overlay_start_2:
0x2ae: {  	(tag) =	ssettag $0x2  }
0x2af: {  	s0 =	rddreg [dreg:$0x0];
	s2 =	stileid.u32  }
0x2b0: {  	s1 =	rddreg [dreg:$0x1];
	p0 =	sne.s32 s2, $0x0  }
0x2b1: {  	s3 =	rddreg [dreg:$0x2];
	[bflag:$0x3] =	sbarrier.arrive $0xFFFF;
	s2 =	simm.s32 @!p0 $0x1C02  }
0x2b2: {  	[timem:s3], [sflag:s2] =	dma.local @!p0 [hbm:s0], s1  }
0x2b3: {  	s0 =	simm.s32 @!p0 $0x2  }
0x2b4: {  	_ =	swait.ge @!p0 [sflag:s0], s1  }
0x2b5: {  	s1 =	ssub.s32 @!p0 $0x0, s1;
	[sflag:s0] =	ssyncset.done @!p0 $0x0  }
0x2b6: {  	[sflag:s0] =	ssyncadd.s32 @!p0 s1  }
0x2b7: {  	[bflag:$0x3] =	sbarrier.arrive $0xFFFF  }
0x2b8: {  	_ =	shalt  }

</sc_bundles>
